<compile_context>
chip_gen: v7x
topology: tpu7x:2x2x1
jax: 0.10.2.dev20260603
libtpu: 0.0.44.dev20260713+nightly
codegen_flags: <defaults>
</compile_context>

<pallas_src>
import functools

import jax
import jax.numpy as jnp
from jax import lax
from jax.experimental import pallas as pl
from jax.experimental.pallas import tpu as pltpu
from jax.experimental.pallas import tpu_sc as plsc

B, L, H = 16, 2048, 1024
V = 50000
MAXPOS = 2048
P = 8

NC, NS = 2, 16
NW = NC * NS
LBLK = L // NW
C = 32
NSUB = LBLK // C
HV = H // 16


def _body(ids_hbm, vec_hbm, ipos_hbm, word_hbm, pemb_hbm, out_hbm,
          ids_v, ipos_v, vec_v, pos_v, out_v, gs0, gs1, ws0, ws1):
    cid = lax.axis_index("c")
    sid = lax.axis_index("s")
    wid = sid * NC + cid
    lb = wid * LBLK

    pltpu.sync_copy(ipos_hbm, ipos_v)
    pltpu.sync_copy(ids_hbm.at[pl.ds(wid * (B * LBLK), B * LBLK)], ids_v)
    pltpu.sync_copy(vec_hbm, vec_v)

    for s in range(NSUB):
        base = lb + s * C
        pltpu.sync_copy(pemb_hbm.at[pl.ds(base, C)], pos_v)

        def idx_ref(bb):
            return ids_v.at[pl.ds(bb * LBLK + s * C, C)]

        def issue_gather(bb, par):
            @pl.when(par == 0)
            def _():
                pltpu.async_copy(word_hbm.at[idx_ref(bb)], out_v.at[0], gs0)

            @pl.when(par == 1)
            def _():
                pltpu.async_copy(word_hbm.at[idx_ref(bb)], out_v.at[1], gs1)

        def wait_gather(par):
            @pl.when(par == 0)
            def _():
                pltpu.make_async_copy(
                    word_hbm.at[ids_v.at[pl.ds(0, C)]], out_v.at[0],
                    gs0).wait()

            @pl.when(par == 1)
            def _():
                pltpu.make_async_copy(
                    word_hbm.at[ids_v.at[pl.ds(0, C)]], out_v.at[1],
                    gs1).wait()

        def issue_wb(bb, par):
            @pl.when(par == 0)
            def _():
                pltpu.async_copy(out_v.at[0], out_hbm.at[bb, pl.ds(base, C)],
                                 ws0)

            @pl.when(par == 1)
            def _():
                pltpu.async_copy(out_v.at[1], out_hbm.at[bb, pl.ds(base, C)],
                                 ws1)

        def wait_wb(par):
            @pl.when(par == 0)
            def _():
                pltpu.make_async_copy(
                    out_v.at[0], out_hbm.at[0, pl.ds(base, C)], ws0).wait()

            @pl.when(par == 1)
            def _():
                pltpu.make_async_copy(
                    out_v.at[1], out_hbm.at[0, pl.ds(base, C)], ws1).wait()

        def seq_body(b, carry):
            par = b & 1
            wait_gather(par)

            @pl.when(b >= 1)
            def _():
                wait_wb(1 - par)

            @pl.when(b + 1 < B)
            def _():
                issue_gather(b + 1, 1 - par)

            def row_body(r, c2):
                for k in range(HV):
                    plsc.addupdate(out_v.at[par, r, pl.ds(k * 16, 16)],
                                   pos_v[r, pl.ds(k * 16, 16)])
                return c2
            lax.fori_loop(0, C, row_body, 0)

            rel = ipos_v[pl.ds(b * P, 16)] - base
            for j in range(P):
                pj = rel[j]

                @pl.when((pj >= 0) & (pj < C))
                def _():
                    def ins_k(k, c3):
                        out_v[par, pj, pl.ds(k * 16, 16)] = (
                            vec_v[pl.ds(b * H + k * 16, 16)]
                            + pos_v[pj, pl.ds(k * 16, 16)])
                        return c3
                    lax.fori_loop(0, HV, ins_k, 0)

            issue_wb(b, par)
            return carry

        issue_gather(0, 0)
        lax.fori_loop(0, B, seq_body, 0)
        pltpu.make_async_copy(
            out_v.at[1], out_hbm.at[0, pl.ds(base, C)], ws1).wait()


@jax.jit
def _run(ids_t, vec_flat, input_pos_flat, word_emb, pemb_shift):
    mesh = plsc.VectorSubcoreMesh(core_axis_name="c", subcore_axis_name="s",
                                  num_cores=NC, num_subcores=NS)
    f = pl.kernel(
        _body,
        out_type=jax.ShapeDtypeStruct((B, L, H), jnp.float32),
        mesh=mesh,
        scratch_types=[
            pltpu.VMEM((B * LBLK,), jnp.int32),
            pltpu.VMEM((B * P + 16,), jnp.int32),
            pltpu.VMEM((B * H,), jnp.float32),
            pltpu.VMEM((C, H), jnp.float32),
            pltpu.VMEM((2, C, H), jnp.float32),
            pltpu.SemaphoreType.DMA,
            pltpu.SemaphoreType.DMA,
            pltpu.SemaphoreType.DMA,
            pltpu.SemaphoreType.DMA,
        ],
    )
    return f(ids_t, vec_flat, input_pos_flat, word_emb, pemb_shift)


def kernel(input_ids, vectors, input_pos, word_emb, pos_emb):
    ids_t = (input_ids.astype(jnp.int32)
             .reshape(B, NW, LBLK).transpose(1, 0, 2).reshape(-1))
    ipos_flat = jnp.pad(input_pos.astype(jnp.int32).reshape(-1), (0, 16))
    pemb_shift = lax.slice(pos_emb, (1, 0), (L + 1, H))
    return _run(ids_t, vectors.reshape(-1), ipos_flat, word_emb, pemb_shift)

# --- scband reference (transcript-rebuilt; emitter-appended) ---
"""Pipeline reference for scband-vector-inside-embeddings-6339371729225 (READ-ONLY COPY).

The authoritative reference and input builder live on the scoring server;
editing this copy changes nothing except your own understanding.
"""

import jax, jax.numpy as jnp
import numpy as np

B, L, H = 16, 2048, 1024
V = 50000
MAXPOS = 2048
P = 8
PADDING_IDX = 0

def setup_inputs(seed: int = 0) -> dict:
    key = jax.random.key(seed)
    k1, k2, k3, k4, k5 = jax.random.split(key, 5)
    input_ids = jax.random.randint(k1, (B, L), 0, V)
    vectors = jax.random.normal(k2, (B, H), dtype=jnp.float32)
    input_pos = jnp.sort(jax.random.randint(k3, (B, P), 0, L), axis=-1)
    word_emb = jax.random.normal(k4, (V, H), dtype=jnp.float32) * 0.02
    pos_emb = jax.random.normal(k5, (MAXPOS + 1, H), dtype=jnp.float32) * 0.02
    return {"input_ids": input_ids, "vectors": vectors, "input_pos": input_pos,
            "word_emb": word_emb, "pos_emb": pos_emb}

def reference(input_ids, vectors, input_pos, word_emb, pos_emb):
    # All sequences are full length L, so the padding branches of the original
    # torch code are no-ops. The per-sequence python loop that splices the
    # external vector in at each position p (replacing the token at p) is
    # equivalent to: embed all tokens, then scatter-overwrite rows at input_pos
    # with the per-sequence vector.
    embeds = jnp.take(word_emb, input_ids, axis=0)  # [B, L, H] gather
    batch_idx = jnp.arange(B)[:, None]              # [B, 1]
    v = jnp.broadcast_to(vectors[:, None, :], (B, P, H))
    embeds = embeds.at[batch_idx, input_pos].set(v)  # scatter-overwrite
    # position embeddings: ids run from padding_idx+1 .. L+padding_idx (full-length seqs)
    position_ids = jnp.broadcast_to(
        jnp.arange(PADDING_IDX + 1, L + PADDING_IDX + 1)[None, :], (B, L))
    embeds = embeds + jnp.take(pos_emb, position_ids, axis=0)
    # VariationalNormalEpanechnikovDropout acts as identity in eval mode
    return embeds

if __name__ == "__main__":
    import jax
    _d = setup_inputs()
    print(jax.jit(kernel)(*tuple(_d.values())))

</pallas_src>

<mosaic_0001>
#map = affine_map<(d0, d1) -> (0)>
#map1 = affine_map<(d0, d1) -> (0, 0)>
#map2 = affine_map<(d0, d1) -> (0, 0, 0)>
module attributes {stable_mosaic.version = 14 : i64} {
  func.func @_body(%arg0: i32, %arg1: i32, %arg2: memref<32768xi32, #tpu.memory_space<hbm>>, %arg3: memref<16384xf32, #tpu.memory_space<hbm>>, %arg4: memref<144xi32, #tpu.memory_space<hbm>>, %arg5: memref<50000x1024xf32, #tpu.memory_space<hbm>>, %arg6: memref<2048x1024xf32, #tpu.memory_space<hbm>>, %arg7: memref<16x2048x1024xf32, #tpu.memory_space<hbm>>, %arg8: memref<1024xi32, #tpu.memory_space<vmem>>, %arg9: memref<144xi32, #tpu.memory_space<vmem>>, %arg10: memref<16384xf32, #tpu.memory_space<vmem>>, %arg11: memref<32x1024xf32, #tpu.memory_space<vmem>>, %arg12: memref<2x32x1024xf32, #tpu.memory_space<vmem>>, %arg13: memref<!tpu.dma_semaphore, #tpu.memory_space<semaphore_mem>>, %arg14: memref<!tpu.dma_semaphore, #tpu.memory_space<semaphore_mem>>, %arg15: memref<!tpu.dma_semaphore, #tpu.memory_space<semaphore_mem>>, %arg16: memref<!tpu.dma_semaphore, #tpu.memory_space<semaphore_mem>>) attributes {dimension_semantics = [#tpu.dimension_semantics<core_parallel>, #tpu.dimension_semantics<subcore_parallel>], iteration_bounds = array<i64: 2, 16>, scalar_prefetch = 0 : i64, scratch_operands = 9 : i64, tpu.core_type = #tpu.core_type<sc_vector_subcore>, window_params = [{transform_indices = #map}, {transform_indices = #map}, {transform_indices = #map}, {transform_indices = #map1}, {transform_indices = #map1}, {transform_indices = #map2}]} {
    %mul3A = arith.constant 2 : i32
    %mul3A_0 = arith.muli %arg1, %mul3A : i32
    %add3A = arith.addi %mul3A_0, %arg0 : i32
    %mul3A_1 = arith.constant 64 : i32
    %mul3A_2 = arith.muli %add3A, %mul3A_1 : i32
    "tpu.region"() ({
      %run_scoped3A = tpu.sem_alloc : memref<!tpu.dma_semaphore, #tpu.memory_space<semaphore_mem>>
      tpu.enqueue_dma source(%arg4 : memref<144xi32, #tpu.memory_space<hbm>>) target(%arg9 : memref<144xi32, #tpu.memory_space<vmem>>) target_semaphore(%run_scoped3A : memref<!tpu.dma_semaphore, #tpu.memory_space<semaphore_mem>>)
      tpu.wait_dma2 semaphore(%run_scoped3A : memref<!tpu.dma_semaphore, #tpu.memory_space<semaphore_mem>>) src(%arg4 : memref<144xi32, #tpu.memory_space<hbm>>) dst(%arg9 : memref<144xi32, #tpu.memory_space<vmem>>)
      tpu.yield
    }) : () -> ()
    %mul3A_3 = arith.constant 1024 : i32
    %mul3A_4 = arith.muli %add3A, %mul3A_3 : i32
    "tpu.region"() ({
      %run_scoped3A = tpu.sem_alloc : memref<!tpu.dma_semaphore, #tpu.memory_space<semaphore_mem>>
      %dma_start3A_70 = tpu.memref_slice %arg2[%mul3A_4] : memref<32768xi32, #tpu.memory_space<hbm>> -> memref<1024xi32, #tpu.memory_space<hbm>>
      %dma_start3A_71 = tpu.memref_slice %arg2[%mul3A_4] : memref<32768xi32, #tpu.memory_space<hbm>> -> memref<1024xi32, #tpu.memory_space<hbm>>
      tpu.enqueue_dma source(%dma_start3A_71 : memref<1024xi32, #tpu.memory_space<hbm>>) target(%arg8 : memref<1024xi32, #tpu.memory_space<vmem>>) target_semaphore(%run_scoped3A : memref<!tpu.dma_semaphore, #tpu.memory_space<semaphore_mem>>)
      %dma_wait3A_72 = tpu.memref_slice %arg2[%mul3A_4] : memref<32768xi32, #tpu.memory_space<hbm>> -> memref<1024xi32, #tpu.memory_space<hbm>>
      %dma_wait3A_73 = tpu.memref_slice %arg2[%mul3A_4] : memref<32768xi32, #tpu.memory_space<hbm>> -> memref<1024xi32, #tpu.memory_space<hbm>>
      tpu.wait_dma2 semaphore(%run_scoped3A : memref<!tpu.dma_semaphore, #tpu.memory_space<semaphore_mem>>) src(%dma_wait3A_73 : memref<1024xi32, #tpu.memory_space<hbm>>) dst(%arg8 : memref<1024xi32, #tpu.memory_space<vmem>>)
      tpu.yield
    }) : () -> ()
    "tpu.region"() ({
      %run_scoped3A = tpu.sem_alloc : memref<!tpu.dma_semaphore, #tpu.memory_space<semaphore_mem>>
      tpu.enqueue_dma source(%arg3 : memref<16384xf32, #tpu.memory_space<hbm>>) target(%arg10 : memref<16384xf32, #tpu.memory_space<vmem>>) target_semaphore(%run_scoped3A : memref<!tpu.dma_semaphore, #tpu.memory_space<semaphore_mem>>)
      tpu.wait_dma2 semaphore(%run_scoped3A : memref<!tpu.dma_semaphore, #tpu.memory_space<semaphore_mem>>) src(%arg3 : memref<16384xf32, #tpu.memory_space<hbm>>) dst(%arg10 : memref<16384xf32, #tpu.memory_space<vmem>>)
      tpu.yield
    }) : () -> ()
    %add3A_5 = arith.constant 0 : i32
    %add3A_6 = arith.addi %mul3A_2, %add3A_5 : i32
    "tpu.region"() ({
      %run_scoped3A = tpu.sem_alloc : memref<!tpu.dma_semaphore, #tpu.memory_space<semaphore_mem>>
      %dma_start3A_70 = arith.constant 0 : i32
      %dma_start3A_71 = tpu.memref_slice %arg6[%add3A_6, %dma_start3A_70] : memref<2048x1024xf32, #tpu.memory_space<hbm>> -> memref<32x1024xf32, #tpu.memory_space<hbm>>
      %dma_start3A_72 = arith.constant 0 : i32
      %dma_start3A_73 = tpu.memref_slice %arg6[%add3A_6, %dma_start3A_72] : memref<2048x1024xf32, #tpu.memory_space<hbm>> -> memref<32x1024xf32, #tpu.memory_space<hbm>>
      tpu.enqueue_dma source(%dma_start3A_73 : memref<32x1024xf32, #tpu.memory_space<hbm>>) target(%arg11 : memref<32x1024xf32, #tpu.memory_space<vmem>>) target_semaphore(%run_scoped3A : memref<!tpu.dma_semaphore, #tpu.memory_space<semaphore_mem>>)
      %dma_wait3A_74 = arith.constant 0 : i32
      %dma_wait3A_75 = tpu.memref_slice %arg6[%add3A_6, %dma_wait3A_74] : memref<2048x1024xf32, #tpu.memory_space<hbm>> -> memref<32x1024xf32, #tpu.memory_space<hbm>>
      %dma_wait3A_76 = arith.constant 0 : i32
      %dma_wait3A_77 = tpu.memref_slice %arg6[%add3A_6, %dma_wait3A_76] : memref<2048x1024xf32, #tpu.memory_space<hbm>> -> memref<32x1024xf32, #tpu.memory_space<hbm>>
      tpu.wait_dma2 semaphore(%run_scoped3A : memref<!tpu.dma_semaphore, #tpu.memory_space<semaphore_mem>>) src(%dma_wait3A_77 : memref<32x1024xf32, #tpu.memory_space<hbm>>) dst(%arg11 : memref<32x1024xf32, #tpu.memory_space<vmem>>)
      tpu.yield
    }) : () -> ()
    %dma_start3A = arith.constant 0 : i32
    %dma_start3A_7 = arith.constant 0 : i32
    %dma_start3A_8 = arith.constant 0 : i32
    %dma_start3A_9 = tpu.memref_slice %arg12[%dma_start3A, %dma_start3A_7, %dma_start3A_8] : memref<2x32x1024xf32, #tpu.memory_space<vmem>> -> memref<1x32x1024xf32, #tpu.memory_space<vmem>>
    %dma_start3A_10 = tpu.memref_squeeze %dma_start3A_9 : memref<1x32x1024xf32, #tpu.memory_space<vmem>> -> memref<32x1024xf32, #tpu.memory_space<vmem>>
    %dma_start3A_11 = arith.constant 0 : i32
    %dma_start3A_12 = tpu.memref_slice %arg8[%dma_start3A_11] : memref<1024xi32, #tpu.memory_space<vmem>> -> memref<32xi32, #tpu.memory_space<vmem>>
    %dma_start3A_13 = arith.constant 0 : i32
    %dma_start3A_14 = arith.constant 0 : i32
    %dma_start3A_15 = tpu.memref_slice %arg5[%dma_start3A_13, %dma_start3A_14] : memref<50000x1024xf32, #tpu.memory_space<hbm>> -> memref<50000x1024xf32, #tpu.memory_space<hbm>>
    tpu.enqueue_indirect_dma source(%dma_start3A_15 : memref<50000x1024xf32, #tpu.memory_space<hbm>>) target(%dma_start3A_10 : memref<32x1024xf32, #tpu.memory_space<vmem>>) offsets(%dma_start3A_12 : memref<32xi32, #tpu.memory_space<vmem>>) semaphore(%arg13 : memref<!tpu.dma_semaphore, #tpu.memory_space<semaphore_mem>>)
    %scan3A = arith.constant 0 : i32
    %scan3A_16 = arith.constant 0 : i32
    %scan3A_17 = arith.constant 16 : i32
    %scan3A_18 = arith.addi %scan3A_16, %scan3A_17 : i32
    %scan3A_19 = arith.constant 1 : i32
    scf.for %scan3A_70 = %scan3A_16 to %scan3A_18 step %scan3A_19  : i32 {
      %and3A = arith.constant 1 : i32
      %and3A_71 = arith.andi %scan3A_70, %and3A : i32
      %eq3A = arith.constant 0 : i32
      %eq3A_72 = arith.cmpi eq, %and3A_71, %eq3A : i32
      %convert_element_type3A = arith.extui %eq3A_72 : i1 to i32
      %cond3A = arith.constant 0 : i32
      %cond3A_73 = arith.cmpi ne, %convert_element_type3A, %cond3A : i32
      scf.if %cond3A_73 {
        %dma_wait3A_188 = arith.constant 0 : i32
        %dma_wait3A_189 = arith.constant 0 : i32
        %dma_wait3A_190 = arith.constant 0 : i32
        %dma_wait3A_191 = tpu.memref_slice %arg12[%dma_wait3A_188, %dma_wait3A_189, %dma_wait3A_190] : memref<2x32x1024xf32, #tpu.memory_space<vmem>> -> memref<1x32x1024xf32, #tpu.memory_space<vmem>>
        %dma_wait3A_192 = tpu.memref_squeeze %dma_wait3A_191 : memref<1x32x1024xf32, #tpu.memory_space<vmem>> -> memref<32x1024xf32, #tpu.memory_space<vmem>>
        %dma_wait3A_193 = arith.constant 0 : i32
        %dma_wait3A_194 = tpu.memref_slice %arg8[%dma_wait3A_193] : memref<1024xi32, #tpu.memory_space<vmem>> -> memref<32xi32, #tpu.memory_space<vmem>>
        %dma_wait3A_195 = arith.constant 0 : i32
        %dma_wait3A_196 = arith.constant 0 : i32
        %dma_wait3A_197 = tpu.memref_slice %arg5[%dma_wait3A_195, %dma_wait3A_196] : memref<50000x1024xf32, #tpu.memory_space<hbm>> -> memref<50000x1024xf32, #tpu.memory_space<hbm>>
        tpu.wait_indirect_dma semaphore(%arg13 : memref<!tpu.dma_semaphore, #tpu.memory_space<semaphore_mem>>) src(%dma_wait3A_197 : memref<50000x1024xf32, #tpu.memory_space<hbm>>) dst(%dma_wait3A_192 : memref<32x1024xf32, #tpu.memory_space<vmem>>)
      } else {
      }
      %eq3A_74 = arith.constant 1 : i32
      %eq3A_75 = arith.cmpi eq, %and3A_71, %eq3A_74 : i32
      %convert_element_type3A_76 = arith.extui %eq3A_75 : i1 to i32
      %cond3A_77 = arith.constant 0 : i32
      %cond3A_78 = arith.cmpi ne, %convert_element_type3A_76, %cond3A_77 : i32
      scf.if %cond3A_78 {
        %dma_wait3A_188 = arith.constant 1 : i32
        %dma_wait3A_189 = arith.constant 0 : i32
        %dma_wait3A_190 = arith.constant 0 : i32
        %dma_wait3A_191 = tpu.memref_slice %arg12[%dma_wait3A_188, %dma_wait3A_189, %dma_wait3A_190] : memref<2x32x1024xf32, #tpu.memory_space<vmem>> -> memref<1x32x1024xf32, #tpu.memory_space<vmem>>
        %dma_wait3A_192 = tpu.memref_squeeze %dma_wait3A_191 : memref<1x32x1024xf32, #tpu.memory_space<vmem>> -> memref<32x1024xf32, #tpu.memory_space<vmem>>
        %dma_wait3A_193 = arith.constant 0 : i32
        %dma_wait3A_194 = tpu.memref_slice %arg8[%dma_wait3A_193] : memref<1024xi32, #tpu.memory_space<vmem>> -> memref<32xi32, #tpu.memory_space<vmem>>
        %dma_wait3A_195 = arith.constant 0 : i32
        %dma_wait3A_196 = arith.constant 0 : i32
        %dma_wait3A_197 = tpu.memref_slice %arg5[%dma_wait3A_195, %dma_wait3A_196] : memref<50000x1024xf32, #tpu.memory_space<hbm>> -> memref<50000x1024xf32, #tpu.memory_space<hbm>>
        tpu.wait_indirect_dma semaphore(%arg14 : memref<!tpu.dma_semaphore, #tpu.memory_space<semaphore_mem>>) src(%dma_wait3A_197 : memref<50000x1024xf32, #tpu.memory_space<hbm>>) dst(%dma_wait3A_192 : memref<32x1024xf32, #tpu.memory_space<vmem>>)
      } else {
      }
      %ge3A = arith.constant 1 : i32
      %ge3A_79 = arith.cmpi sge, %scan3A_70, %ge3A : i32
      %convert_element_type3A_80 = arith.extui %ge3A_79 : i1 to i32
      %cond3A_81 = arith.constant 0 : i32
      %cond3A_82 = arith.cmpi ne, %convert_element_type3A_80, %cond3A_81 : i32
      scf.if %cond3A_82 {
        %sub3A_188 = arith.constant 1 : i32
        %sub3A_189 = arith.subi %sub3A_188, %and3A_71 : i32
        %eq3A_190 = arith.constant 0 : i32
        %eq3A_191 = arith.cmpi eq, %sub3A_189, %eq3A_190 : i32
        %convert_element_type3A_192 = arith.extui %eq3A_191 : i1 to i32
        %cond3A_193 = arith.constant 0 : i32
        %cond3A_194 = arith.cmpi ne, %convert_element_type3A_192, %cond3A_193 : i32
        scf.if %cond3A_194 {
          %dma_wait3A_200 = arith.constant 0 : i32
          %dma_wait3A_201 = arith.constant 0 : i32
          %dma_wait3A_202 = arith.constant 0 : i32
          %dma_wait3A_203 = arith.constant 0 : i32
          %dma_wait3A_204 = tpu.memref_slice %arg12[%dma_wait3A_200, %dma_wait3A_202, %dma_wait3A_203] : memref<2x32x1024xf32, #tpu.memory_space<vmem>> -> memref<1x32x1024xf32, #tpu.memory_space<vmem>>
          %dma_wait3A_205 = tpu.memref_squeeze %dma_wait3A_204 : memref<1x32x1024xf32, #tpu.memory_space<vmem>> -> memref<32x1024xf32, #tpu.memory_space<vmem>>
          %dma_wait3A_206 = arith.constant 0 : i32
          %dma_wait3A_207 = tpu.memref_slice %arg7[%dma_wait3A_201, %add3A_6, %dma_wait3A_206] : memref<16x2048x1024xf32, #tpu.memory_space<hbm>> -> memref<1x32x1024xf32, #tpu.memory_space<hbm>>
          %dma_wait3A_208 = tpu.memref_squeeze %dma_wait3A_207 : memref<1x32x1024xf32, #tpu.memory_space<hbm>> -> memref<32x1024xf32, #tpu.memory_space<hbm>>
          %dma_wait3A_209 = arith.constant 0 : i32
          %dma_wait3A_210 = tpu.memref_slice %arg7[%dma_wait3A_201, %add3A_6, %dma_wait3A_209] : memref<16x2048x1024xf32, #tpu.memory_space<hbm>> -> memref<1x32x1024xf32, #tpu.memory_space<hbm>>
          %dma_wait3A_211 = tpu.memref_squeeze %dma_wait3A_210 : memref<1x32x1024xf32, #tpu.memory_space<hbm>> -> memref<32x1024xf32, #tpu.memory_space<hbm>>
          %dma_wait3A_212 = arith.constant 0 : i32
          %dma_wait3A_213 = arith.constant 0 : i32
          %dma_wait3A_214 = tpu.memref_slice %arg12[%dma_wait3A_200, %dma_wait3A_212, %dma_wait3A_213] : memref<2x32x1024xf32, #tpu.memory_space<vmem>> -> memref<1x32x1024xf32, #tpu.memory_space<vmem>>
          %dma_wait3A_215 = tpu.memref_squeeze %dma_wait3A_214 : memref<1x32x1024xf32, #tpu.memory_space<vmem>> -> memref<32x1024xf32, #tpu.memory_space<vmem>>
          tpu.wait_dma2 semaphore(%arg15 : memref<!tpu.dma_semaphore, #tpu.memory_space<semaphore_mem>>) src(%dma_wait3A_215 : memref<32x1024xf32, #tpu.memory_space<vmem>>) dst(%dma_wait3A_211 : memref<32x1024xf32, #tpu.memory_space<hbm>>)
        } else {
        }
        %eq3A_195 = arith.constant 1 : i32
        %eq3A_196 = arith.cmpi eq, %sub3A_189, %eq3A_195 : i32
        %convert_element_type3A_197 = arith.extui %eq3A_196 : i1 to i32
        %cond3A_198 = arith.constant 0 : i32
        %cond3A_199 = arith.cmpi ne, %convert_element_type3A_197, %cond3A_198 : i32
        scf.if %cond3A_199 {
          %dma_wait3A_200 = arith.constant 1 : i32
          %dma_wait3A_201 = arith.constant 0 : i32
          %dma_wait3A_202 = arith.constant 0 : i32
          %dma_wait3A_203 = arith.constant 0 : i32
          %dma_wait3A_204 = tpu.memref_slice %arg12[%dma_wait3A_200, %dma_wait3A_202, %dma_wait3A_203] : memref<2x32x1024xf32, #tpu.memory_space<vmem>> -> memref<1x32x1024xf32, #tpu.memory_space<vmem>>
          %dma_wait3A_205 = tpu.memref_squeeze %dma_wait3A_204 : memref<1x32x1024xf32, #tpu.memory_space<vmem>> -> memref<32x1024xf32, #tpu.memory_space<vmem>>
          %dma_wait3A_206 = arith.constant 0 : i32
          %dma_wait3A_207 = tpu.memref_slice %arg7[%dma_wait3A_201, %add3A_6, %dma_wait3A_206] : memref<16x2048x1024xf32, #tpu.memory_space<hbm>> -> memref<1x32x1024xf32, #tpu.memory_space<hbm>>
          %dma_wait3A_208 = tpu.memref_squeeze %dma_wait3A_207 : memref<1x32x1024xf32, #tpu.memory_space<hbm>> -> memref<32x1024xf32, #tpu.memory_space<hbm>>
          %dma_wait3A_209 = arith.constant 0 : i32
          %dma_wait3A_210 = tpu.memref_slice %arg7[%dma_wait3A_201, %add3A_6, %dma_wait3A_209] : memref<16x2048x1024xf32, #tpu.memory_space<hbm>> -> memref<1x32x1024xf32, #tpu.memory_space<hbm>>
          %dma_wait3A_211 = tpu.memref_squeeze %dma_wait3A_210 : memref<1x32x1024xf32, #tpu.memory_space<hbm>> -> memref<32x1024xf32, #tpu.memory_space<hbm>>
          %dma_wait3A_212 = arith.constant 0 : i32
          %dma_wait3A_213 = arith.constant 0 : i32
          %dma_wait3A_214 = tpu.memref_slice %arg12[%dma_wait3A_200, %dma_wait3A_212, %dma_wait3A_213] : memref<2x32x1024xf32, #tpu.memory_space<vmem>> -> memref<1x32x1024xf32, #tpu.memory_space<vmem>>
          %dma_wait3A_215 = tpu.memref_squeeze %dma_wait3A_214 : memref<1x32x1024xf32, #tpu.memory_space<vmem>> -> memref<32x1024xf32, #tpu.memory_space<vmem>>
          tpu.wait_dma2 semaphore(%arg16 : memref<!tpu.dma_semaphore, #tpu.memory_space<semaphore_mem>>) src(%dma_wait3A_215 : memref<32x1024xf32, #tpu.memory_space<vmem>>) dst(%dma_wait3A_211 : memref<32x1024xf32, #tpu.memory_space<hbm>>)
        } else {
        }
      } else {
      }
      %add3A_83 = arith.constant 1 : i32
      %add3A_84 = arith.addi %scan3A_70, %add3A_83 : i32
      %lt3A = arith.constant 16 : i32
      %lt3A_85 = arith.cmpi slt, %add3A_84, %lt3A : i32
      %convert_element_type3A_86 = arith.extui %lt3A_85 : i1 to i32
      %cond3A_87 = arith.constant 0 : i32
      %cond3A_88 = arith.cmpi ne, %convert_element_type3A_86, %cond3A_87 : i32
      scf.if %cond3A_88 {
        %add3A_188 = arith.constant 1 : i32
        %add3A_189 = arith.addi %scan3A_70, %add3A_188 : i32
        %sub3A_190 = arith.constant 1 : i32
        %sub3A_191 = arith.subi %sub3A_190, %and3A_71 : i32
        %eq3A_192 = arith.constant 0 : i32
        %eq3A_193 = arith.cmpi eq, %sub3A_191, %eq3A_192 : i32
        %convert_element_type3A_194 = arith.extui %eq3A_193 : i1 to i32
        %cond3A_195 = arith.constant 0 : i32
        %cond3A_196 = arith.cmpi ne, %convert_element_type3A_194, %cond3A_195 : i32
        scf.if %cond3A_196 {
          %mul3A_202 = arith.constant 64 : i32
          %mul3A_203 = arith.muli %add3A_189, %mul3A_202 : i32
          %add3A_204 = arith.constant 0 : i32
          %add3A_205 = arith.addi %mul3A_203, %add3A_204 : i32
          %dma_start3A_206 = arith.constant 0 : i32
          %dma_start3A_207 = arith.constant 0 : i32
          %dma_start3A_208 = arith.constant 0 : i32
          %dma_start3A_209 = tpu.memref_slice %arg12[%dma_start3A_206, %dma_start3A_207, %dma_start3A_208] : memref<2x32x1024xf32, #tpu.memory_space<vmem>> -> memref<1x32x1024xf32, #tpu.memory_space<vmem>>
          %dma_start3A_210 = tpu.memref_squeeze %dma_start3A_209 : memref<1x32x1024xf32, #tpu.memory_space<vmem>> -> memref<32x1024xf32, #tpu.memory_space<vmem>>
          %dma_start3A_211 = tpu.memref_slice %arg8[%add3A_205] : memref<1024xi32, #tpu.memory_space<vmem>> -> memref<32xi32, #tpu.memory_space<vmem>>
          %dma_start3A_212 = arith.constant 0 : i32
          %dma_start3A_213 = arith.constant 0 : i32
          %dma_start3A_214 = tpu.memref_slice %arg5[%dma_start3A_212, %dma_start3A_213] : memref<50000x1024xf32, #tpu.memory_space<hbm>> -> memref<50000x1024xf32, #tpu.memory_space<hbm>>
          tpu.enqueue_indirect_dma source(%dma_start3A_214 : memref<50000x1024xf32, #tpu.memory_space<hbm>>) target(%dma_start3A_210 : memref<32x1024xf32, #tpu.memory_space<vmem>>) offsets(%dma_start3A_211 : memref<32xi32, #tpu.memory_space<vmem>>) semaphore(%arg13 : memref<!tpu.dma_semaphore, #tpu.memory_space<semaphore_mem>>)
        } else {
        }
        %eq3A_197 = arith.constant 1 : i32
        %eq3A_198 = arith.cmpi eq, %sub3A_191, %eq3A_197 : i32
        %convert_element_type3A_199 = arith.extui %eq3A_198 : i1 to i32
        %cond3A_200 = arith.constant 0 : i32
        %cond3A_201 = arith.cmpi ne, %convert_element_type3A_199, %cond3A_200 : i32
        scf.if %cond3A_201 {
          %mul3A_202 = arith.constant 64 : i32
          %mul3A_203 = arith.muli %add3A_189, %mul3A_202 : i32
          %add3A_204 = arith.constant 0 : i32
          %add3A_205 = arith.addi %mul3A_203, %add3A_204 : i32
          %dma_start3A_206 = arith.constant 1 : i32
          %dma_start3A_207 = arith.constant 0 : i32
          %dma_start3A_208 = arith.constant 0 : i32
          %dma_start3A_209 = tpu.memref_slice %arg12[%dma_start3A_206, %dma_start3A_207, %dma_start3A_208] : memref<2x32x1024xf32, #tpu.memory_space<vmem>> -> memref<1x32x1024xf32, #tpu.memory_space<vmem>>
          %dma_start3A_210 = tpu.memref_squeeze %dma_start3A_209 : memref<1x32x1024xf32, #tpu.memory_space<vmem>> -> memref<32x1024xf32, #tpu.memory_space<vmem>>
          %dma_start3A_211 = tpu.memref_slice %arg8[%add3A_205] : memref<1024xi32, #tpu.memory_space<vmem>> -> memref<32xi32, #tpu.memory_space<vmem>>
          %dma_start3A_212 = arith.constant 0 : i32
          %dma_start3A_213 = arith.constant 0 : i32
          %dma_start3A_214 = tpu.memref_slice %arg5[%dma_start3A_212, %dma_start3A_213] : memref<50000x1024xf32, #tpu.memory_space<hbm>> -> memref<50000x1024xf32, #tpu.memory_space<hbm>>
          tpu.enqueue_indirect_dma source(%dma_start3A_214 : memref<50000x1024xf32, #tpu.memory_space<hbm>>) target(%dma_start3A_210 : memref<32x1024xf32, #tpu.memory_space<vmem>>) offsets(%dma_start3A_211 : memref<32xi32, #tpu.memory_space<vmem>>) semaphore(%arg14 : memref<!tpu.dma_semaphore, #tpu.memory_space<semaphore_mem>>)
        } else {
        }
      } else {
      }
      %scan3A_89 = arith.constant 0 : i32
      %scan3A_90 = arith.constant 0 : i32
      %scan3A_91 = arith.constant 32 : i32
      %scan3A_92 = arith.addi %scan3A_90, %scan3A_91 : i32
      %scan3A_93 = arith.constant 1 : i32
      scf.for %scan3A_188 = %scan3A_90 to %scan3A_92 step %scan3A_93  : i32 {
        %get3A_189 = arith.index_cast %scan3A_188 : i32 to index
        %get3A_190 = arith.constant 0 : index
        %get3A_191 = tpu.vector_load %arg11[%get3A_189, %get3A_190] {strides = array<i32>} : memref<32x1024xf32, #tpu.memory_space<vmem>>, vector<1x16xf32>,
        %get3A_192 = vector.shape_cast %get3A_191 : vector<1x16xf32> to vector<16xf32>
        %swap3A = arith.index_cast %and3A_71 : i32 to index
        %swap3A_193 = arith.index_cast %scan3A_188 : i32 to index
        %swap3A_194 = arith.constant 0 : index
        %swap3A_195 = tpu.vector_load %arg12[%swap3A, %swap3A_193, %swap3A_194] {strides = array<i32>} : memref<2x32x1024xf32, #tpu.memory_space<vmem>>, vector<1x1x16xf32>,
        %swap3A_196 = vector.shape_cast %swap3A_195 : vector<1x1x16xf32> to vector<16xf32>
        %swap3A_197 = vector.shape_cast %get3A_192 : vector<16xf32> to vector<1x1x16xf32>
        tpu.vector_store %arg12[%swap3A, %swap3A_193, %swap3A_194], %swap3A_197 {add = true, strides = array<i32>} : memref<2x32x1024xf32, #tpu.memory_space<vmem>>, vector<1x1x16xf32>,
        %get3A_198 = arith.index_cast %scan3A_188 : i32 to index
        %get3A_199 = arith.constant 16 : index
        %get3A_200 = tpu.vector_load %arg11[%get3A_198, %get3A_199] {strides = array<i32>} : memref<32x1024xf32, #tpu.memory_space<vmem>>, vector<1x16xf32>,
        %get3A_201 = vector.shape_cast %get3A_200 : vector<1x16xf32> to vector<16xf32>
        %swap3A_202 = arith.index_cast %and3A_71 : i32 to index
        %swap3A_203 = arith.index_cast %scan3A_188 : i32 to index
        %swap3A_204 = arith.constant 16 : index
        %swap3A_205 = tpu.vector_load %arg12[%swap3A_202, %swap3A_203, %swap3A_204] {strides = array<i32>} : memref<2x32x1024xf32, #tpu.memory_space<vmem>>, vector<1x1x16xf32>,
        %swap3A_206 = vector.shape_cast %swap3A_205 : vector<1x1x16xf32> to vector<16xf32>
        %swap3A_207 = vector.shape_cast %get3A_201 : vector<16xf32> to vector<1x1x16xf32>
        tpu.vector_store %arg12[%swap3A_202, %swap3A_203, %swap3A_204], %swap3A_207 {add = true, strides = array<i32>} : memref<2x32x1024xf32, #tpu.memory_space<vmem>>, vector<1x1x16xf32>,
        %get3A_208 = arith.index_cast %scan3A_188 : i32 to index
        %get3A_209 = arith.constant 32 : index
        %get3A_210 = tpu.vector_load %arg11[%get3A_208, %get3A_209] {strides = array<i32>} : memref<32x1024xf32, #tpu.memory_space<vmem>>, vector<1x16xf32>,
        %get3A_211 = vector.shape_cast %get3A_210 : vector<1x16xf32> to vector<16xf32>
        %swap3A_212 = arith.index_cast %and3A_71 : i32 to index
        %swap3A_213 = arith.index_cast %scan3A_188 : i32 to index
        %swap3A_214 = arith.constant 32 : index
        %swap3A_215 = tpu.vector_load %arg12[%swap3A_212, %swap3A_213, %swap3A_214] {strides = array<i32>} : memref<2x32x1024xf32, #tpu.memory_space<vmem>>, vector<1x1x16xf32>,
        %swap3A_216 = vector.shape_cast %swap3A_215 : vector<1x1x16xf32> to vector<16xf32>
        %swap3A_217 = vector.shape_cast %get3A_211 : vector<16xf32> to vector<1x1x16xf32>
        tpu.vector_store %arg12[%swap3A_212, %swap3A_213, %swap3A_214], %swap3A_217 {add = true, strides = array<i32>} : memref<2x32x1024xf32, #tpu.memory_space<vmem>>, vector<1x1x16xf32>,
        %get3A_218 = arith.index_cast %scan3A_188 : i32 to index
        %get3A_219 = arith.constant 48 : index
        %get3A_220 = tpu.vector_load %arg11[%get3A_218, %get3A_219] {strides = array<i32>} : memref<32x1024xf32, #tpu.memory_space<vmem>>, vector<1x16xf32>,
        %get3A_221 = vector.shape_cast %get3A_220 : vector<1x16xf32> to vector<16xf32>
        %swap3A_222 = arith.index_cast %and3A_71 : i32 to index
        %swap3A_223 = arith.index_cast %scan3A_188 : i32 to index
        %swap3A_224 = arith.constant 48 : index
        %swap3A_225 = tpu.vector_load %arg12[%swap3A_222, %swap3A_223, %swap3A_224] {strides = array<i32>} : memref<2x32x1024xf32, #tpu.memory_space<vmem>>, vector<1x1x16xf32>,
        %swap3A_226 = vector.shape_cast %swap3A_225 : vector<1x1x16xf32> to vector<16xf32>
        %swap3A_227 = vector.shape_cast %get3A_221 : vector<16xf32> to vector<1x1x16xf32>
        tpu.vector_store %arg12[%swap3A_222, %swap3A_223, %swap3A_224], %swap3A_227 {add = true, strides = array<i32>} : memref<2x32x1024xf32, #tpu.memory_space<vmem>>, vector<1x1x16xf32>,
        %get3A_228 = arith.index_cast %scan3A_188 : i32 to index
        %get3A_229 = arith.constant 64 : index
        %get3A_230 = tpu.vector_load %arg11[%get3A_228, %get3A_229] {strides = array<i32>} : memref<32x1024xf32, #tpu.memory_space<vmem>>, vector<1x16xf32>,
        %get3A_231 = vector.shape_cast %get3A_230 : vector<1x16xf32> to vector<16xf32>
        %swap3A_232 = arith.index_cast %and3A_71 : i32 to index
        %swap3A_233 = arith.index_cast %scan3A_188 : i32 to index
        %swap3A_234 = arith.constant 64 : index
        %swap3A_235 = tpu.vector_load %arg12[%swap3A_232, %swap3A_233, %swap3A_234] {strides = array<i32>} : memref<2x32x1024xf32, #tpu.memory_space<vmem>>, vector<1x1x16xf32>,
        %swap3A_236 = vector.shape_cast %swap3A_235 : vector<1x1x16xf32> to vector<16xf32>
        %swap3A_237 = vector.shape_cast %get3A_231 : vector<16xf32> to vector<1x1x16xf32>
        tpu.vector_store %arg12[%swap3A_232, %swap3A_233, %swap3A_234], %swap3A_237 {add = true, strides = array<i32>} : memref<2x32x1024xf32, #tpu.memory_space<vmem>>, vector<1x1x16xf32>,
        %get3A_238 = arith.index_cast %scan3A_188 : i32 to index
        %get3A_239 = arith.constant 80 : index
        %get3A_240 = tpu.vector_load %arg11[%get3A_238, %get3A_239] {strides = array<i32>} : memref<32x1024xf32, #tpu.memory_space<vmem>>, vector<1x16xf32>,
        %get3A_241 = vector.shape_cast %get3A_240 : vector<1x16xf32> to vector<16xf32>
        %swap3A_242 = arith.index_cast %and3A_71 : i32 to index
        %swap3A_243 = arith.index_cast %scan3A_188 : i32 to index
        %swap3A_244 = arith.constant 80 : index
        %swap3A_245 = tpu.vector_load %arg12[%swap3A_242, %swap3A_243, %swap3A_244] {strides = array<i32>} : memref<2x32x1024xf32, #tpu.memory_space<vmem>>, vector<1x1x16xf32>,
        %swap3A_246 = vector.shape_cast %swap3A_245 : vector<1x1x16xf32> to vector<16xf32>
        %swap3A_247 = vector.shape_cast %get3A_241 : vector<16xf32> to vector<1x1x16xf32>
        tpu.vector_store %arg12[%swap3A_242, %swap3A_243, %swap3A_244], %swap3A_247 {add = true, strides = array<i32>} : memref<2x32x1024xf32, #tpu.memory_space<vmem>>, vector<1x1x16xf32>,
        %get3A_248 = arith.index_cast %scan3A_188 : i32 to index
        %get3A_249 = arith.constant 96 : index
        %get3A_250 = tpu.vector_load %arg11[%get3A_248, %get3A_249] {strides = array<i32>} : memref<32x1024xf32, #tpu.memory_space<vmem>>, vector<1x16xf32>,
        %get3A_251 = vector.shape_cast %get3A_250 : vector<1x16xf32> to vector<16xf32>
        %swap3A_252 = arith.index_cast %and3A_71 : i32 to index
        %swap3A_253 = arith.index_cast %scan3A_188 : i32 to index
        %swap3A_254 = arith.constant 96 : index
        %swap3A_255 = tpu.vector_load %arg12[%swap3A_252, %swap3A_253, %swap3A_254] {strides = array<i32>} : memref<2x32x1024xf32, #tpu.memory_space<vmem>>, vector<1x1x16xf32>,
        %swap3A_256 = vector.shape_cast %swap3A_255 : vector<1x1x16xf32> to vector<16xf32>
        %swap3A_257 = vector.shape_cast %get3A_251 : vector<16xf32> to vector<1x1x16xf32>
        tpu.vector_store %arg12[%swap3A_252, %swap3A_253, %swap3A_254], %swap3A_257 {add = true, strides = array<i32>} : memref<2x32x1024xf32, #tpu.memory_space<vmem>>, vector<1x1x16xf32>,
        %get3A_258 = arith.index_cast %scan3A_188 : i32 to index
        %get3A_259 = arith.constant 112 : index
        %get3A_260 = tpu.vector_load %arg11[%get3A_258, %get3A_259] {strides = array<i32>} : memref<32x1024xf32, #tpu.memory_space<vmem>>, vector<1x16xf32>,
        %get3A_261 = vector.shape_cast %get3A_260 : vector<1x16xf32> to vector<16xf32>
        %swap3A_262 = arith.index_cast %and3A_71 : i32 to index
        %swap3A_263 = arith.index_cast %scan3A_188 : i32 to index
        %swap3A_264 = arith.constant 112 : index
        %swap3A_265 = tpu.vector_load %arg12[%swap3A_262, %swap3A_263, %swap3A_264] {strides = array<i32>} : memref<2x32x1024xf32, #tpu.memory_space<vmem>>, vector<1x1x16xf32>,
        %swap3A_266 = vector.shape_cast %swap3A_265 : vector<1x1x16xf32> to vector<16xf32>
        %swap3A_267 = vector.shape_cast %get3A_261 : vector<16xf32> to vector<1x1x16xf32>
        tpu.vector_store %arg12[%swap3A_262, %swap3A_263, %swap3A_264], %swap3A_267 {add = true, strides = array<i32>} : memref<2x32x1024xf32, #tpu.memory_space<vmem>>, vector<1x1x16xf32>,
        %get3A_268 = arith.index_cast %scan3A_188 : i32 to index
        %get3A_269 = arith.constant 128 : index
        %get3A_270 = tpu.vector_load %arg11[%get3A_268, %get3A_269] {strides = array<i32>} : memref<32x1024xf32, #tpu.memory_space<vmem>>, vector<1x16xf32>,
        %get3A_271 = vector.shape_cast %get3A_270 : vector<1x16xf32> to vector<16xf32>
        %swap3A_272 = arith.index_cast %and3A_71 : i32 to index
        %swap3A_273 = arith.index_cast %scan3A_188 : i32 to index
        %swap3A_274 = arith.constant 128 : index
        %swap3A_275 = tpu.vector_load %arg12[%swap3A_272, %swap3A_273, %swap3A_274] {strides = array<i32>} : memref<2x32x1024xf32, #tpu.memory_space<vmem>>, vector<1x1x16xf32>,
        %swap3A_276 = vector.shape_cast %swap3A_275 : vector<1x1x16xf32> to vector<16xf32>
        %swap3A_277 = vector.shape_cast %get3A_271 : vector<16xf32> to vector<1x1x16xf32>
        tpu.vector_store %arg12[%swap3A_272, %swap3A_273, %swap3A_274], %swap3A_277 {add = true, strides = array<i32>} : memref<2x32x1024xf32, #tpu.memory_space<vmem>>, vector<1x1x16xf32>,
        %get3A_278 = arith.index_cast %scan3A_188 : i32 to index
        %get3A_279 = arith.constant 144 : index
        %get3A_280 = tpu.vector_load %arg11[%get3A_278, %get3A_279] {strides = array<i32>} : memref<32x1024xf32, #tpu.memory_space<vmem>>, vector<1x16xf32>,
        %get3A_281 = vector.shape_cast %get3A_280 : vector<1x16xf32> to vector<16xf32>
        %swap3A_282 = arith.index_cast %and3A_71 : i32 to index
        %swap3A_283 = arith.index_cast %scan3A_188 : i32 to index
        %swap3A_284 = arith.constant 144 : index
        %swap3A_285 = tpu.vector_load %arg12[%swap3A_282, %swap3A_283, %swap3A_284] {strides = array<i32>} : memref<2x32x1024xf32, #tpu.memory_space<vmem>>, vector<1x1x16xf32>,
        %swap3A_286 = vector.shape_cast %swap3A_285 : vector<1x1x16xf32> to vector<16xf32>
        %swap3A_287 = vector.shape_cast %get3A_281 : vector<16xf32> to vector<1x1x16xf32>
        tpu.vector_store %arg12[%swap3A_282, %swap3A_283, %swap3A_284], %swap3A_287 {add = true, strides = array<i32>} : memref<2x32x1024xf32, #tpu.memory_space<vmem>>, vector<1x1x16xf32>,
        %get3A_288 = arith.index_cast %scan3A_188 : i32 to index
        %get3A_289 = arith.constant 160 : index
        %get3A_290 = tpu.vector_load %arg11[%get3A_288, %get3A_289] {strides = array<i32>} : memref<32x1024xf32, #tpu.memory_space<vmem>>, vector<1x16xf32>,
        %get3A_291 = vector.shape_cast %get3A_290 : vector<1x16xf32> to vector<16xf32>
        %swap3A_292 = arith.index_cast %and3A_71 : i32 to index
        %swap3A_293 = arith.index_cast %scan3A_188 : i32 to index
        %swap3A_294 = arith.constant 160 : index
        %swap3A_295 = tpu.vector_load %arg12[%swap3A_292, %swap3A_293, %swap3A_294] {strides = array<i32>} : memref<2x32x1024xf32, #tpu.memory_space<vmem>>, vector<1x1x16xf32>,
        %swap3A_296 = vector.shape_cast %swap3A_295 : vector<1x1x16xf32> to vector<16xf32>
        %swap3A_297 = vector.shape_cast %get3A_291 : vector<16xf32> to vector<1x1x16xf32>
        tpu.vector_store %arg12[%swap3A_292, %swap3A_293, %swap3A_294], %swap3A_297 {add = true, strides = array<i32>} : memref<2x32x1024xf32, #tpu.memory_space<vmem>>, vector<1x1x16xf32>,
        %get3A_298 = arith.index_cast %scan3A_188 : i32 to index
        %get3A_299 = arith.constant 176 : index
        %get3A_300 = tpu.vector_load %arg11[%get3A_298, %get3A_299] {strides = array<i32>} : memref<32x1024xf32, #tpu.memory_space<vmem>>, vector<1x16xf32>,
        %get3A_301 = vector.shape_cast %get3A_300 : vector<1x16xf32> to vector<16xf32>
        %swap3A_302 = arith.index_cast %and3A_71 : i32 to index
        %swap3A_303 = arith.index_cast %scan3A_188 : i32 to index
        %swap3A_304 = arith.constant 176 : index
        %swap3A_305 = tpu.vector_load %arg12[%swap3A_302, %swap3A_303, %swap3A_304] {strides = array<i32>} : memref<2x32x1024xf32, #tpu.memory_space<vmem>>, vector<1x1x16xf32>,
        %swap3A_306 = vector.shape_cast %swap3A_305 : vector<1x1x16xf32> to vector<16xf32>
        %swap3A_307 = vector.shape_cast %get3A_301 : vector<16xf32> to vector<1x1x16xf32>
        tpu.vector_store %arg12[%swap3A_302, %swap3A_303, %swap3A_304], %swap3A_307 {add = true, strides = array<i32>} : memref<2x32x1024xf32, #tpu.memory_space<vmem>>, vector<1x1x16xf32>,
        %get3A_308 = arith.index_cast %scan3A_188 : i32 to index
        %get3A_309 = arith.constant 192 : index
        %get3A_310 = tpu.vector_load %arg11[%get3A_308, %get3A_309] {strides = array<i32>} : memref<32x1024xf32, #tpu.memory_space<vmem>>, vector<1x16xf32>,
        %get3A_311 = vector.shape_cast %get3A_310 : vector<1x16xf32> to vector<16xf32>
        %swap3A_312 = arith.index_cast %and3A_71 : i32 to index
        %swap3A_313 = arith.index_cast %scan3A_188 : i32 to index
        %swap3A_314 = arith.constant 192 : index
        %swap3A_315 = tpu.vector_load %arg12[%swap3A_312, %swap3A_313, %swap3A_314] {strides = array<i32>} : memref<2x32x1024xf32, #tpu.memory_space<vmem>>, vector<1x1x16xf32>,
        %swap3A_316 = vector.shape_cast %swap3A_315 : vector<1x1x16xf32> to vector<16xf32>
        %swap3A_317 = vector.shape_cast %get3A_311 : vector<16xf32> to vector<1x1x16xf32>
        tpu.vector_store %arg12[%swap3A_312, %swap3A_313, %swap3A_314], %swap3A_317 {add = true, strides = array<i32>} : memref<2x32x1024xf32, #tpu.memory_space<vmem>>, vector<1x1x16xf32>,
        %get3A_318 = arith.index_cast %scan3A_188 : i32 to index
        %get3A_319 = arith.constant 208 : index
        %get3A_320 = tpu.vector_load %arg11[%get3A_318, %get3A_319] {strides = array<i32>} : memref<32x1024xf32, #tpu.memory_space<vmem>>, vector<1x16xf32>,
        %get3A_321 = vector.shape_cast %get3A_320 : vector<1x16xf32> to vector<16xf32>
        %swap3A_322 = arith.index_cast %and3A_71 : i32 to index
        %swap3A_323 = arith.index_cast %scan3A_188 : i32 to index
        %swap3A_324 = arith.constant 208 : index
        %swap3A_325 = tpu.vector_load %arg12[%swap3A_322, %swap3A_323, %swap3A_324] {strides = array<i32>} : memref<2x32x1024xf32, #tpu.memory_space<vmem>>, vector<1x1x16xf32>,
        %swap3A_326 = vector.shape_cast %swap3A_325 : vector<1x1x16xf32> to vector<16xf32>
        %swap3A_327 = vector.shape_cast %get3A_321 : vector<16xf32> to vector<1x1x16xf32>
        tpu.vector_store %arg12[%swap3A_322, %swap3A_323, %swap3A_324], %swap3A_327 {add = true, strides = array<i32>} : memref<2x32x1024xf32, #tpu.memory_space<vmem>>, vector<1x1x16xf32>,
        %get3A_328 = arith.index_cast %scan3A_188 : i32 to index
        %get3A_329 = arith.constant 224 : index
        %get3A_330 = tpu.vector_load %arg11[%get3A_328, %get3A_329] {strides = array<i32>} : memref<32x1024xf32, #tpu.memory_space<vmem>>, vector<1x16xf32>,
        %get3A_331 = vector.shape_cast %get3A_330 : vector<1x16xf32> to vector<16xf32>
        %swap3A_332 = arith.index_cast %and3A_71 : i32 to index
        %swap3A_333 = arith.index_cast %scan3A_188 : i32 to index
        %swap3A_334 = arith.constant 224 : index
        %swap3A_335 = tpu.vector_load %arg12[%swap3A_332, %swap3A_333, %swap3A_334] {strides = array<i32>} : memref<2x32x1024xf32, #tpu.memory_space<vmem>>, vector<1x1x16xf32>,
        %swap3A_336 = vector.shape_cast %swap3A_335 : vector<1x1x16xf32> to vector<16xf32>
        %swap3A_337 = vector.shape_cast %get3A_331 : vector<16xf32> to vector<1x1x16xf32>
        tpu.vector_store %arg12[%swap3A_332, %swap3A_333, %swap3A_334], %swap3A_337 {add = true, strides = array<i32>} : memref<2x32x1024xf32, #tpu.memory_space<vmem>>, vector<1x1x16xf32>,
        %get3A_338 = arith.index_cast %scan3A_188 : i32 to index
        %get3A_339 = arith.constant 240 : index
        %get3A_340 = tpu.vector_load %arg11[%get3A_338, %get3A_339] {strides = array<i32>} : memref<32x1024xf32, #tpu.memory_space<vmem>>, vector<1x16xf32>,
        %get3A_341 = vector.shape_cast %get3A_340 : vector<1x16xf32> to vector<16xf32>
        %swap3A_342 = arith.index_cast %and3A_71 : i32 to index
        %swap3A_343 = arith.index_cast %scan3A_188 : i32 to index
        %swap3A_344 = arith.constant 240 : index
        %swap3A_345 = tpu.vector_load %arg12[%swap3A_342, %swap3A_343, %swap3A_344] {strides = array<i32>} : memref<2x32x1024xf32, #tpu.memory_space<vmem>>, vector<1x1x16xf32>,
        %swap3A_346 = vector.shape_cast %swap3A_345 : vector<1x1x16xf32> to vector<16xf32>
        %swap3A_347 = vector.shape_cast %get3A_341 : vector<16xf32> to vector<1x1x16xf32>
        tpu.vector_store %arg12[%swap3A_342, %swap3A_343, %swap3A_344], %swap3A_347 {add = true, strides = array<i32>} : memref<2x32x1024xf32, #tpu.memory_space<vmem>>, vector<1x1x16xf32>,
        %get3A_348 = arith.index_cast %scan3A_188 : i32 to index
        %get3A_349 = arith.constant 256 : index
        %get3A_350 = tpu.vector_load %arg11[%get3A_348, %get3A_349] {strides = array<i32>} : memref<32x1024xf32, #tpu.memory_space<vmem>>, vector<1x16xf32>,
        %get3A_351 = vector.shape_cast %get3A_350 : vector<1x16xf32> to vector<16xf32>
        %swap3A_352 = arith.index_cast %and3A_71 : i32 to index
        %swap3A_353 = arith.index_cast %scan3A_188 : i32 to index
        %swap3A_354 = arith.constant 256 : index
        %swap3A_355 = tpu.vector_load %arg12[%swap3A_352, %swap3A_353, %swap3A_354] {strides = array<i32>} : memref<2x32x1024xf32, #tpu.memory_space<vmem>>, vector<1x1x16xf32>,
        %swap3A_356 = vector.shape_cast %swap3A_355 : vector<1x1x16xf32> to vector<16xf32>
        %swap3A_357 = vector.shape_cast %get3A_351 : vector<16xf32> to vector<1x1x16xf32>
        tpu.vector_store %arg12[%swap3A_352, %swap3A_353, %swap3A_354], %swap3A_357 {add = true, strides = array<i32>} : memref<2x32x1024xf32, #tpu.memory_space<vmem>>, vector<1x1x16xf32>,
        %get3A_358 = arith.index_cast %scan3A_188 : i32 to index
        %get3A_359 = arith.constant 272 : index
        %get3A_360 = tpu.vector_load %arg11[%get3A_358, %get3A_359] {strides = array<i32>} : memref<32x1024xf32, #tpu.memory_space<vmem>>, vector<1x16xf32>,
        %get3A_361 = vector.shape_cast %get3A_360 : vector<1x16xf32> to vector<16xf32>
        %swap3A_362 = arith.index_cast %and3A_71 : i32 to index
        %swap3A_363 = arith.index_cast %scan3A_188 : i32 to index
        %swap3A_364 = arith.constant 272 : index
        %swap3A_365 = tpu.vector_load %arg12[%swap3A_362, %swap3A_363, %swap3A_364] {strides = array<i32>} : memref<2x32x1024xf32, #tpu.memory_space<vmem>>, vector<1x1x16xf32>,
        %swap3A_366 = vector.shape_cast %swap3A_365 : vector<1x1x16xf32> to vector<16xf32>
        %swap3A_367 = vector.shape_cast %get3A_361 : vector<16xf32> to vector<1x1x16xf32>
        tpu.vector_store %arg12[%swap3A_362, %swap3A_363, %swap3A_364], %swap3A_367 {add = true, strides = array<i32>} : memref<2x32x1024xf32, #tpu.memory_space<vmem>>, vector<1x1x16xf32>,
        %get3A_368 = arith.index_cast %scan3A_188 : i32 to index
        %get3A_369 = arith.constant 288 : index
        %get3A_370 = tpu.vector_load %arg11[%get3A_368, %get3A_369] {strides = array<i32>} : memref<32x1024xf32, #tpu.memory_space<vmem>>, vector<1x16xf32>,
        %get3A_371 = vector.shape_cast %get3A_370 : vector<1x16xf32> to vector<16xf32>
        %swap3A_372 = arith.index_cast %and3A_71 : i32 to index
        %swap3A_373 = arith.index_cast %scan3A_188 : i32 to index
        %swap3A_374 = arith.constant 288 : index
        %swap3A_375 = tpu.vector_load %arg12[%swap3A_372, %swap3A_373, %swap3A_374] {strides = array<i32>} : memref<2x32x1024xf32, #tpu.memory_space<vmem>>, vector<1x1x16xf32>,
        %swap3A_376 = vector.shape_cast %swap3A_375 : vector<1x1x16xf32> to vector<16xf32>
        %swap3A_377 = vector.shape_cast %get3A_371 : vector<16xf32> to vector<1x1x16xf32>
        tpu.vector_store %arg12[%swap3A_372, %swap3A_373, %swap3A_374], %swap3A_377 {add = true, strides = array<i32>} : memref<2x32x1024xf32, #tpu.memory_space<vmem>>, vector<1x1x16xf32>,
        %get3A_378 = arith.index_cast %scan3A_188 : i32 to index
        %get3A_379 = arith.constant 304 : index
        %get3A_380 = tpu.vector_load %arg11[%get3A_378, %get3A_379] {strides = array<i32>} : memref<32x1024xf32, #tpu.memory_space<vmem>>, vector<1x16xf32>,
        %get3A_381 = vector.shape_cast %get3A_380 : vector<1x16xf32> to vector<16xf32>
        %swap3A_382 = arith.index_cast %and3A_71 : i32 to index
        %swap3A_383 = arith.index_cast %scan3A_188 : i32 to index
        %swap3A_384 = arith.constant 304 : index
        %swap3A_385 = tpu.vector_load %arg12[%swap3A_382, %swap3A_383, %swap3A_384] {strides = array<i32>} : memref<2x32x1024xf32, #tpu.memory_space<vmem>>, vector<1x1x16xf32>,
        %swap3A_386 = vector.shape_cast %swap3A_385 : vector<1x1x16xf32> to vector<16xf32>
        %swap3A_387 = vector.shape_cast %get3A_381 : vector<16xf32> to vector<1x1x16xf32>
        tpu.vector_store %arg12[%swap3A_382, %swap3A_383, %swap3A_384], %swap3A_387 {add = true, strides = array<i32>} : memref<2x32x1024xf32, #tpu.memory_space<vmem>>, vector<1x1x16xf32>,
        %get3A_388 = arith.index_cast %scan3A_188 : i32 to index
        %get3A_389 = arith.constant 320 : index
        %get3A_390 = tpu.vector_load %arg11[%get3A_388, %get3A_389] {strides = array<i32>} : memref<32x1024xf32, #tpu.memory_space<vmem>>, vector<1x16xf32>,
        %get3A_391 = vector.shape_cast %get3A_390 : vector<1x16xf32> to vector<16xf32>
        %swap3A_392 = arith.index_cast %and3A_71 : i32 to index
        %swap3A_393 = arith.index_cast %scan3A_188 : i32 to index
        %swap3A_394 = arith.constant 320 : index
        %swap3A_395 = tpu.vector_load %arg12[%swap3A_392, %swap3A_393, %swap3A_394] {strides = array<i32>} : memref<2x32x1024xf32, #tpu.memory_space<vmem>>, vector<1x1x16xf32>,
        %swap3A_396 = vector.shape_cast %swap3A_395 : vector<1x1x16xf32> to vector<16xf32>
        %swap3A_397 = vector.shape_cast %get3A_391 : vector<16xf32> to vector<1x1x16xf32>
        tpu.vector_store %arg12[%swap3A_392, %swap3A_393, %swap3A_394], %swap3A_397 {add = true, strides = array<i32>} : memref<2x32x1024xf32, #tpu.memory_space<vmem>>, vector<1x1x16xf32>,
        %get3A_398 = arith.index_cast %scan3A_188 : i32 to index
        %get3A_399 = arith.constant 336 : index
        %get3A_400 = tpu.vector_load %arg11[%get3A_398, %get3A_399] {strides = array<i32>} : memref<32x1024xf32, #tpu.memory_space<vmem>>, vector<1x16xf32>,
        %get3A_401 = vector.shape_cast %get3A_400 : vector<1x16xf32> to vector<16xf32>
        %swap3A_402 = arith.index_cast %and3A_71 : i32 to index
        %swap3A_403 = arith.index_cast %scan3A_188 : i32 to index
        %swap3A_404 = arith.constant 336 : index
        %swap3A_405 = tpu.vector_load %arg12[%swap3A_402, %swap3A_403, %swap3A_404] {strides = array<i32>} : memref<2x32x1024xf32, #tpu.memory_space<vmem>>, vector<1x1x16xf32>,
        %swap3A_406 = vector.shape_cast %swap3A_405 : vector<1x1x16xf32> to vector<16xf32>
        %swap3A_407 = vector.shape_cast %get3A_401 : vector<16xf32> to vector<1x1x16xf32>
        tpu.vector_store %arg12[%swap3A_402, %swap3A_403, %swap3A_404], %swap3A_407 {add = true, strides = array<i32>} : memref<2x32x1024xf32, #tpu.memory_space<vmem>>, vector<1x1x16xf32>,
        %get3A_408 = arith.index_cast %scan3A_188 : i32 to index
        %get3A_409 = arith.constant 352 : index
        %get3A_410 = tpu.vector_load %arg11[%get3A_408, %get3A_409] {strides = array<i32>} : memref<32x1024xf32, #tpu.memory_space<vmem>>, vector<1x16xf32>,
        %get3A_411 = vector.shape_cast %get3A_410 : vector<1x16xf32> to vector<16xf32>
        %swap3A_412 = arith.index_cast %and3A_71 : i32 to index
        %swap3A_413 = arith.index_cast %scan3A_188 : i32 to index
        %swap3A_414 = arith.constant 352 : index
        %swap3A_415 = tpu.vector_load %arg12[%swap3A_412, %swap3A_413, %swap3A_414] {strides = array<i32>} : memref<2x32x1024xf32, #tpu.memory_space<vmem>>, vector<1x1x16xf32>,
        %swap3A_416 = vector.shape_cast %swap3A_415 : vector<1x1x16xf32> to vector<16xf32>
        %swap3A_417 = vector.shape_cast %get3A_411 : vector<16xf32> to vector<1x1x16xf32>
        tpu.vector_store %arg12[%swap3A_412, %swap3A_413, %swap3A_414], %swap3A_417 {add = true, strides = array<i32>} : memref<2x32x1024xf32, #tpu.memory_space<vmem>>, vector<1x1x16xf32>,
        %get3A_418 = arith.index_cast %scan3A_188 : i32 to index
        %get3A_419 = arith.constant 368 : index
        %get3A_420 = tpu.vector_load %arg11[%get3A_418, %get3A_419] {strides = array<i32>} : memref<32x1024xf32, #tpu.memory_space<vmem>>, vector<1x16xf32>,
        %get3A_421 = vector.shape_cast %get3A_420 : vector<1x16xf32> to vector<16xf32>
        %swap3A_422 = arith.index_cast %and3A_71 : i32 to index
        %swap3A_423 = arith.index_cast %scan3A_188 : i32 to index
        %swap3A_424 = arith.constant 368 : index
        %swap3A_425 = tpu.vector_load %arg12[%swap3A_422, %swap3A_423, %swap3A_424] {strides = array<i32>} : memref<2x32x1024xf32, #tpu.memory_space<vmem>>, vector<1x1x16xf32>,
        %swap3A_426 = vector.shape_cast %swap3A_425 : vector<1x1x16xf32> to vector<16xf32>
        %swap3A_427 = vector.shape_cast %get3A_421 : vector<16xf32> to vector<1x1x16xf32>
        tpu.vector_store %arg12[%swap3A_422, %swap3A_423, %swap3A_424], %swap3A_427 {add = true, strides = array<i32>} : memref<2x32x1024xf32, #tpu.memory_space<vmem>>, vector<1x1x16xf32>,
        %get3A_428 = arith.index_cast %scan3A_188 : i32 to index
        %get3A_429 = arith.constant 384 : index
        %get3A_430 = tpu.vector_load %arg11[%get3A_428, %get3A_429] {strides = array<i32>} : memref<32x1024xf32, #tpu.memory_space<vmem>>, vector<1x16xf32>,
        %get3A_431 = vector.shape_cast %get3A_430 : vector<1x16xf32> to vector<16xf32>
        %swap3A_432 = arith.index_cast %and3A_71 : i32 to index
        %swap3A_433 = arith.index_cast %scan3A_188 : i32 to index
        %swap3A_434 = arith.constant 384 : index
        %swap3A_435 = tpu.vector_load %arg12[%swap3A_432, %swap3A_433, %swap3A_434] {strides = array<i32>} : memref<2x32x1024xf32, #tpu.memory_space<vmem>>, vector<1x1x16xf32>,
        %swap3A_436 = vector.shape_cast %swap3A_435 : vector<1x1x16xf32> to vector<16xf32>
        %swap3A_437 = vector.shape_cast %get3A_431 : vector<16xf32> to vector<1x1x16xf32>
        tpu.vector_store %arg12[%swap3A_432, %swap3A_433, %swap3A_434], %swap3A_437 {add = true, strides = array<i32>} : memref<2x32x1024xf32, #tpu.memory_space<vmem>>, vector<1x1x16xf32>,
        %get3A_438 = arith.index_cast %scan3A_188 : i32 to index
        %get3A_439 = arith.constant 400 : index
        %get3A_440 = tpu.vector_load %arg11[%get3A_438, %get3A_439] {strides = array<i32>} : memref<32x1024xf32, #tpu.memory_space<vmem>>, vector<1x16xf32>,
        %get3A_441 = vector.shape_cast %get3A_440 : vector<1x16xf32> to vector<16xf32>
        %swap3A_442 = arith.index_cast %and3A_71 : i32 to index
        %swap3A_443 = arith.index_cast %scan3A_188 : i32 to index
        %swap3A_444 = arith.constant 400 : index
        %swap3A_445 = tpu.vector_load %arg12[%swap3A_442, %swap3A_443, %swap3A_444] {strides = array<i32>} : memref<2x32x1024xf32, #tpu.memory_space<vmem>>, vector<1x1x16xf32>,
        %swap3A_446 = vector.shape_cast %swap3A_445 : vector<1x1x16xf32> to vector<16xf32>
        %swap3A_447 = vector.shape_cast %get3A_441 : vector<16xf32> to vector<1x1x16xf32>
        tpu.vector_store %arg12[%swap3A_442, %swap3A_443, %swap3A_444], %swap3A_447 {add = true, strides = array<i32>} : memref<2x32x1024xf32, #tpu.memory_space<vmem>>, vector<1x1x16xf32>,
        %get3A_448 = arith.index_cast %scan3A_188 : i32 to index
        %get3A_449 = arith.constant 416 : index
        %get3A_450 = tpu.vector_load %arg11[%get3A_448, %get3A_449] {strides = array<i32>} : memref<32x1024xf32, #tpu.memory_space<vmem>>, vector<1x16xf32>,
        %get3A_451 = vector.shape_cast %get3A_450 : vector<1x16xf32> to vector<16xf32>
        %swap3A_452 = arith.index_cast %and3A_71 : i32 to index
        %swap3A_453 = arith.index_cast %scan3A_188 : i32 to index
        %swap3A_454 = arith.constant 416 : index
        %swap3A_455 = tpu.vector_load %arg12[%swap3A_452, %swap3A_453, %swap3A_454] {strides = array<i32>} : memref<2x32x1024xf32, #tpu.memory_space<vmem>>, vector<1x1x16xf32>,
        %swap3A_456 = vector.shape_cast %swap3A_455 : vector<1x1x16xf32> to vector<16xf32>
        %swap3A_457 = vector.shape_cast %get3A_451 : vector<16xf32> to vector<1x1x16xf32>
        tpu.vector_store %arg12[%swap3A_452, %swap3A_453, %swap3A_454], %swap3A_457 {add = true, strides = array<i32>} : memref<2x32x1024xf32, #tpu.memory_space<vmem>>, vector<1x1x16xf32>,
        %get3A_458 = arith.index_cast %scan3A_188 : i32 to index
        %get3A_459 = arith.constant 432 : index
        %get3A_460 = tpu.vector_load %arg11[%get3A_458, %get3A_459] {strides = array<i32>} : memref<32x1024xf32, #tpu.memory_space<vmem>>, vector<1x16xf32>,
        %get3A_461 = vector.shape_cast %get3A_460 : vector<1x16xf32> to vector<16xf32>
        %swap3A_462 = arith.index_cast %and3A_71 : i32 to index
        %swap3A_463 = arith.index_cast %scan3A_188 : i32 to index
        %swap3A_464 = arith.constant 432 : index
        %swap3A_465 = tpu.vector_load %arg12[%swap3A_462, %swap3A_463, %swap3A_464] {strides = array<i32>} : memref<2x32x1024xf32, #tpu.memory_space<vmem>>, vector<1x1x16xf32>,
        %swap3A_466 = vector.shape_cast %swap3A_465 : vector<1x1x16xf32> to vector<16xf32>
        %swap3A_467 = vector.shape_cast %get3A_461 : vector<16xf32> to vector<1x1x16xf32>
        tpu.vector_store %arg12[%swap3A_462, %swap3A_463, %swap3A_464], %swap3A_467 {add = true, strides = array<i32>} : memref<2x32x1024xf32, #tpu.memory_space<vmem>>, vector<1x1x16xf32>,
        %get3A_468 = arith.index_cast %scan3A_188 : i32 to index
        %get3A_469 = arith.constant 448 : index
        %get3A_470 = tpu.vector_load %arg11[%get3A_468, %get3A_469] {strides = array<i32>} : memref<32x1024xf32, #tpu.memory_space<vmem>>, vector<1x16xf32>,
        %get3A_471 = vector.shape_cast %get3A_470 : vector<1x16xf32> to vector<16xf32>
        %swap3A_472 = arith.index_cast %and3A_71 : i32 to index
        %swap3A_473 = arith.index_cast %scan3A_188 : i32 to index
        %swap3A_474 = arith.constant 448 : index
        %swap3A_475 = tpu.vector_load %arg12[%swap3A_472, %swap3A_473, %swap3A_474] {strides = array<i32>} : memref<2x32x1024xf32, #tpu.memory_space<vmem>>, vector<1x1x16xf32>,
        %swap3A_476 = vector.shape_cast %swap3A_475 : vector<1x1x16xf32> to vector<16xf32>
        %swap3A_477 = vector.shape_cast %get3A_471 : vector<16xf32> to vector<1x1x16xf32>
        tpu.vector_store %arg12[%swap3A_472, %swap3A_473, %swap3A_474], %swap3A_477 {add = true, strides = array<i32>} : memref<2x32x1024xf32, #tpu.memory_space<vmem>>, vector<1x1x16xf32>,
        %get3A_478 = arith.index_cast %scan3A_188 : i32 to index
        %get3A_479 = arith.constant 464 : index
        %get3A_480 = tpu.vector_load %arg11[%get3A_478, %get3A_479] {strides = array<i32>} : memref<32x1024xf32, #tpu.memory_space<vmem>>, vector<1x16xf32>,
        %get3A_481 = vector.shape_cast %get3A_480 : vector<1x16xf32> to vector<16xf32>
        %swap3A_482 = arith.index_cast %and3A_71 : i32 to index
        %swap3A_483 = arith.index_cast %scan3A_188 : i32 to index
        %swap3A_484 = arith.constant 464 : index
        %swap3A_485 = tpu.vector_load %arg12[%swap3A_482, %swap3A_483, %swap3A_484] {strides = array<i32>} : memref<2x32x1024xf32, #tpu.memory_space<vmem>>, vector<1x1x16xf32>,
        %swap3A_486 = vector.shape_cast %swap3A_485 : vector<1x1x16xf32> to vector<16xf32>
        %swap3A_487 = vector.shape_cast %get3A_481 : vector<16xf32> to vector<1x1x16xf32>
        tpu.vector_store %arg12[%swap3A_482, %swap3A_483, %swap3A_484], %swap3A_487 {add = true, strides = array<i32>} : memref<2x32x1024xf32, #tpu.memory_space<vmem>>, vector<1x1x16xf32>,
        %get3A_488 = arith.index_cast %scan3A_188 : i32 to index
        %get3A_489 = arith.constant 480 : index
        %get3A_490 = tpu.vector_load %arg11[%get3A_488, %get3A_489] {strides = array<i32>} : memref<32x1024xf32, #tpu.memory_space<vmem>>, vector<1x16xf32>,
        %get3A_491 = vector.shape_cast %get3A_490 : vector<1x16xf32> to vector<16xf32>
        %swap3A_492 = arith.index_cast %and3A_71 : i32 to index
        %swap3A_493 = arith.index_cast %scan3A_188 : i32 to index
        %swap3A_494 = arith.constant 480 : index
        %swap3A_495 = tpu.vector_load %arg12[%swap3A_492, %swap3A_493, %swap3A_494] {strides = array<i32>} : memref<2x32x1024xf32, #tpu.memory_space<vmem>>, vector<1x1x16xf32>,
        %swap3A_496 = vector.shape_cast %swap3A_495 : vector<1x1x16xf32> to vector<16xf32>
        %swap3A_497 = vector.shape_cast %get3A_491 : vector<16xf32> to vector<1x1x16xf32>
        tpu.vector_store %arg12[%swap3A_492, %swap3A_493, %swap3A_494], %swap3A_497 {add = true, strides = array<i32>} : memref<2x32x1024xf32, #tpu.memory_space<vmem>>, vector<1x1x16xf32>,
        %get3A_498 = arith.index_cast %scan3A_188 : i32 to index
        %get3A_499 = arith.constant 496 : index
        %get3A_500 = tpu.vector_load %arg11[%get3A_498, %get3A_499] {strides = array<i32>} : memref<32x1024xf32, #tpu.memory_space<vmem>>, vector<1x16xf32>,
        %get3A_501 = vector.shape_cast %get3A_500 : vector<1x16xf32> to vector<16xf32>
        %swap3A_502 = arith.index_cast %and3A_71 : i32 to index
        %swap3A_503 = arith.index_cast %scan3A_188 : i32 to index
        %swap3A_504 = arith.constant 496 : index
        %swap3A_505 = tpu.vector_load %arg12[%swap3A_502, %swap3A_503, %swap3A_504] {strides = array<i32>} : memref<2x32x1024xf32, #tpu.memory_space<vmem>>, vector<1x1x16xf32>,
        %swap3A_506 = vector.shape_cast %swap3A_505 : vector<1x1x16xf32> to vector<16xf32>
        %swap3A_507 = vector.shape_cast %get3A_501 : vector<16xf32> to vector<1x1x16xf32>
        tpu.vector_store %arg12[%swap3A_502, %swap3A_503, %swap3A_504], %swap3A_507 {add = true, strides = array<i32>} : memref<2x32x1024xf32, #tpu.memory_space<vmem>>, vector<1x1x16xf32>,
        %get3A_508 = arith.index_cast %scan3A_188 : i32 to index
        %get3A_509 = arith.constant 512 : index
        %get3A_510 = tpu.vector_load %arg11[%get3A_508, %get3A_509] {strides = array<i32>} : memref<32x1024xf32, #tpu.memory_space<vmem>>, vector<1x16xf32>,
        %get3A_511 = vector.shape_cast %get3A_510 : vector<1x16xf32> to vector<16xf32>
        %swap3A_512 = arith.index_cast %and3A_71 : i32 to index
        %swap3A_513 = arith.index_cast %scan3A_188 : i32 to index
        %swap3A_514 = arith.constant 512 : index
        %swap3A_515 = tpu.vector_load %arg12[%swap3A_512, %swap3A_513, %swap3A_514] {strides = array<i32>} : memref<2x32x1024xf32, #tpu.memory_space<vmem>>, vector<1x1x16xf32>,
        %swap3A_516 = vector.shape_cast %swap3A_515 : vector<1x1x16xf32> to vector<16xf32>
        %swap3A_517 = vector.shape_cast %get3A_511 : vector<16xf32> to vector<1x1x16xf32>
        tpu.vector_store %arg12[%swap3A_512, %swap3A_513, %swap3A_514], %swap3A_517 {add = true, strides = array<i32>} : memref<2x32x1024xf32, #tpu.memory_space<vmem>>, vector<1x1x16xf32>,
        %get3A_518 = arith.index_cast %scan3A_188 : i32 to index
        %get3A_519 = arith.constant 528 : index
        %get3A_520 = tpu.vector_load %arg11[%get3A_518, %get3A_519] {strides = array<i32>} : memref<32x1024xf32, #tpu.memory_space<vmem>>, vector<1x16xf32>,
        %get3A_521 = vector.shape_cast %get3A_520 : vector<1x16xf32> to vector<16xf32>
        %swap3A_522 = arith.index_cast %and3A_71 : i32 to index
        %swap3A_523 = arith.index_cast %scan3A_188 : i32 to index
        %swap3A_524 = arith.constant 528 : index
        %swap3A_525 = tpu.vector_load %arg12[%swap3A_522, %swap3A_523, %swap3A_524] {strides = array<i32>} : memref<2x32x1024xf32, #tpu.memory_space<vmem>>, vector<1x1x16xf32>,
        %swap3A_526 = vector.shape_cast %swap3A_525 : vector<1x1x16xf32> to vector<16xf32>
        %swap3A_527 = vector.shape_cast %get3A_521 : vector<16xf32> to vector<1x1x16xf32>
        tpu.vector_store %arg12[%swap3A_522, %swap3A_523, %swap3A_524], %swap3A_527 {add = true, strides = array<i32>} : memref<2x32x1024xf32, #tpu.memory_space<vmem>>, vector<1x1x16xf32>,
        %get3A_528 = arith.index_cast %scan3A_188 : i32 to index
        %get3A_529 = arith.constant 544 : index
        %get3A_530 = tpu.vector_load %arg11[%get3A_528, %get3A_529] {strides = array<i32>} : memref<32x1024xf32, #tpu.memory_space<vmem>>, vector<1x16xf32>,
        %get3A_531 = vector.shape_cast %get3A_530 : vector<1x16xf32> to vector<16xf32>
        %swap3A_532 = arith.index_cast %and3A_71 : i32 to index
        %swap3A_533 = arith.index_cast %scan3A_188 : i32 to index
        %swap3A_534 = arith.constant 544 : index
        %swap3A_535 = tpu.vector_load %arg12[%swap3A_532, %swap3A_533, %swap3A_534] {strides = array<i32>} : memref<2x32x1024xf32, #tpu.memory_space<vmem>>, vector<1x1x16xf32>,
        %swap3A_536 = vector.shape_cast %swap3A_535 : vector<1x1x16xf32> to vector<16xf32>
        %swap3A_537 = vector.shape_cast %get3A_531 : vector<16xf32> to vector<1x1x16xf32>
        tpu.vector_store %arg12[%swap3A_532, %swap3A_533, %swap3A_534], %swap3A_537 {add = true, strides = array<i32>} : memref<2x32x1024xf32, #tpu.memory_space<vmem>>, vector<1x1x16xf32>,
        %get3A_538 = arith.index_cast %scan3A_188 : i32 to index
        %get3A_539 = arith.constant 560 : index
        %get3A_540 = tpu.vector_load %arg11[%get3A_538, %get3A_539] {strides = array<i32>} : memref<32x1024xf32, #tpu.memory_space<vmem>>, vector<1x16xf32>,
        %get3A_541 = vector.shape_cast %get3A_540 : vector<1x16xf32> to vector<16xf32>
        %swap3A_542 = arith.index_cast %and3A_71 : i32 to index
        %swap3A_543 = arith.index_cast %scan3A_188 : i32 to index
        %swap3A_544 = arith.constant 560 : index
        %swap3A_545 = tpu.vector_load %arg12[%swap3A_542, %swap3A_543, %swap3A_544] {strides = array<i32>} : memref<2x32x1024xf32, #tpu.memory_space<vmem>>, vector<1x1x16xf32>,
        %swap3A_546 = vector.shape_cast %swap3A_545 : vector<1x1x16xf32> to vector<16xf32>
        %swap3A_547 = vector.shape_cast %get3A_541 : vector<16xf32> to vector<1x1x16xf32>
        tpu.vector_store %arg12[%swap3A_542, %swap3A_543, %swap3A_544], %swap3A_547 {add = true, strides = array<i32>} : memref<2x32x1024xf32, #tpu.memory_space<vmem>>, vector<1x1x16xf32>,
        %get3A_548 = arith.index_cast %scan3A_188 : i32 to index
        %get3A_549 = arith.constant 576 : index
        %get3A_550 = tpu.vector_load %arg11[%get3A_548, %get3A_549] {strides = array<i32>} : memref<32x1024xf32, #tpu.memory_space<vmem>>, vector<1x16xf32>,
        %get3A_551 = vector.shape_cast %get3A_550 : vector<1x16xf32> to vector<16xf32>
        %swap3A_552 = arith.index_cast %and3A_71 : i32 to index
        %swap3A_553 = arith.index_cast %scan3A_188 : i32 to index
        %swap3A_554 = arith.constant 576 : index
        %swap3A_555 = tpu.vector_load %arg12[%swap3A_552, %swap3A_553, %swap3A_554] {strides = array<i32>} : memref<2x32x1024xf32, #tpu.memory_space<vmem>>, vector<1x1x16xf32>,
        %swap3A_556 = vector.shape_cast %swap3A_555 : vector<1x1x16xf32> to vector<16xf32>
        %swap3A_557 = vector.shape_cast %get3A_551 : vector<16xf32> to vector<1x1x16xf32>
        tpu.vector_store %arg12[%swap3A_552, %swap3A_553, %swap3A_554], %swap3A_557 {add = true, strides = array<i32>} : memref<2x32x1024xf32, #tpu.memory_space<vmem>>, vector<1x1x16xf32>,
        %get3A_558 = arith.index_cast %scan3A_188 : i32 to index
        %get3A_559 = arith.constant 592 : index
        %get3A_560 = tpu.vector_load %arg11[%get3A_558, %get3A_559] {strides = array<i32>} : memref<32x1024xf32, #tpu.memory_space<vmem>>, vector<1x16xf32>,
        %get3A_561 = vector.shape_cast %get3A_560 : vector<1x16xf32> to vector<16xf32>
        %swap3A_562 = arith.index_cast %and3A_71 : i32 to index
        %swap3A_563 = arith.index_cast %scan3A_188 : i32 to index
        %swap3A_564 = arith.constant 592 : index
        %swap3A_565 = tpu.vector_load %arg12[%swap3A_562, %swap3A_563, %swap3A_564] {strides = array<i32>} : memref<2x32x1024xf32, #tpu.memory_space<vmem>>, vector<1x1x16xf32>,
        %swap3A_566 = vector.shape_cast %swap3A_565 : vector<1x1x16xf32> to vector<16xf32>
        %swap3A_567 = vector.shape_cast %get3A_561 : vector<16xf32> to vector<1x1x16xf32>
        tpu.vector_store %arg12[%swap3A_562, %swap3A_563, %swap3A_564], %swap3A_567 {add = true, strides = array<i32>} : memref<2x32x1024xf32, #tpu.memory_space<vmem>>, vector<1x1x16xf32>,
        %get3A_568 = arith.index_cast %scan3A_188 : i32 to index
        %get3A_569 = arith.constant 608 : index
        %get3A_570 = tpu.vector_load %arg11[%get3A_568, %get3A_569] {strides = array<i32>} : memref<32x1024xf32, #tpu.memory_space<vmem>>, vector<1x16xf32>,
        %get3A_571 = vector.shape_cast %get3A_570 : vector<1x16xf32> to vector<16xf32>
        %swap3A_572 = arith.index_cast %and3A_71 : i32 to index
        %swap3A_573 = arith.index_cast %scan3A_188 : i32 to index
        %swap3A_574 = arith.constant 608 : index
        %swap3A_575 = tpu.vector_load %arg12[%swap3A_572, %swap3A_573, %swap3A_574] {strides = array<i32>} : memref<2x32x1024xf32, #tpu.memory_space<vmem>>, vector<1x1x16xf32>,
        %swap3A_576 = vector.shape_cast %swap3A_575 : vector<1x1x16xf32> to vector<16xf32>
        %swap3A_577 = vector.shape_cast %get3A_571 : vector<16xf32> to vector<1x1x16xf32>
        tpu.vector_store %arg12[%swap3A_572, %swap3A_573, %swap3A_574], %swap3A_577 {add = true, strides = array<i32>} : memref<2x32x1024xf32, #tpu.memory_space<vmem>>, vector<1x1x16xf32>,
        %get3A_578 = arith.index_cast %scan3A_188 : i32 to index
        %get3A_579 = arith.constant 624 : index
        %get3A_580 = tpu.vector_load %arg11[%get3A_578, %get3A_579] {strides = array<i32>} : memref<32x1024xf32, #tpu.memory_space<vmem>>, vector<1x16xf32>,
        %get3A_581 = vector.shape_cast %get3A_580 : vector<1x16xf32> to vector<16xf32>
        %swap3A_582 = arith.index_cast %and3A_71 : i32 to index
        %swap3A_583 = arith.index_cast %scan3A_188 : i32 to index
        %swap3A_584 = arith.constant 624 : index
        %swap3A_585 = tpu.vector_load %arg12[%swap3A_582, %swap3A_583, %swap3A_584] {strides = array<i32>} : memref<2x32x1024xf32, #tpu.memory_space<vmem>>, vector<1x1x16xf32>,
        %swap3A_586 = vector.shape_cast %swap3A_585 : vector<1x1x16xf32> to vector<16xf32>
        %swap3A_587 = vector.shape_cast %get3A_581 : vector<16xf32> to vector<1x1x16xf32>
        tpu.vector_store %arg12[%swap3A_582, %swap3A_583, %swap3A_584], %swap3A_587 {add = true, strides = array<i32>} : memref<2x32x1024xf32, #tpu.memory_space<vmem>>, vector<1x1x16xf32>,
        %get3A_588 = arith.index_cast %scan3A_188 : i32 to index
        %get3A_589 = arith.constant 640 : index
        %get3A_590 = tpu.vector_load %arg11[%get3A_588, %get3A_589] {strides = array<i32>} : memref<32x1024xf32, #tpu.memory_space<vmem>>, vector<1x16xf32>,
        %get3A_591 = vector.shape_cast %get3A_590 : vector<1x16xf32> to vector<16xf32>
        %swap3A_592 = arith.index_cast %and3A_71 : i32 to index
        %swap3A_593 = arith.index_cast %scan3A_188 : i32 to index
        %swap3A_594 = arith.constant 640 : index
        %swap3A_595 = tpu.vector_load %arg12[%swap3A_592, %swap3A_593, %swap3A_594] {strides = array<i32>} : memref<2x32x1024xf32, #tpu.memory_space<vmem>>, vector<1x1x16xf32>,
        %swap3A_596 = vector.shape_cast %swap3A_595 : vector<1x1x16xf32> to vector<16xf32>
        %swap3A_597 = vector.shape_cast %get3A_591 : vector<16xf32> to vector<1x1x16xf32>
        tpu.vector_store %arg12[%swap3A_592, %swap3A_593, %swap3A_594], %swap3A_597 {add = true, strides = array<i32>} : memref<2x32x1024xf32, #tpu.memory_space<vmem>>, vector<1x1x16xf32>,
        %get3A_598 = arith.index_cast %scan3A_188 : i32 to index
        %get3A_599 = arith.constant 656 : index
        %get3A_600 = tpu.vector_load %arg11[%get3A_598, %get3A_599] {strides = array<i32>} : memref<32x1024xf32, #tpu.memory_space<vmem>>, vector<1x16xf32>,
        %get3A_601 = vector.shape_cast %get3A_600 : vector<1x16xf32> to vector<16xf32>
        %swap3A_602 = arith.index_cast %and3A_71 : i32 to index
        %swap3A_603 = arith.index_cast %scan3A_188 : i32 to index
        %swap3A_604 = arith.constant 656 : index
        %swap3A_605 = tpu.vector_load %arg12[%swap3A_602, %swap3A_603, %swap3A_604] {strides = array<i32>} : memref<2x32x1024xf32, #tpu.memory_space<vmem>>, vector<1x1x16xf32>,
        %swap3A_606 = vector.shape_cast %swap3A_605 : vector<1x1x16xf32> to vector<16xf32>
        %swap3A_607 = vector.shape_cast %get3A_601 : vector<16xf32> to vector<1x1x16xf32>
        tpu.vector_store %arg12[%swap3A_602, %swap3A_603, %swap3A_604], %swap3A_607 {add = true, strides = array<i32>} : memref<2x32x1024xf32, #tpu.memory_space<vmem>>, vector<1x1x16xf32>,
        %get3A_608 = arith.index_cast %scan3A_188 : i32 to index
        %get3A_609 = arith.constant 672 : index
        %get3A_610 = tpu.vector_load %arg11[%get3A_608, %get3A_609] {strides = array<i32>} : memref<32x1024xf32, #tpu.memory_space<vmem>>, vector<1x16xf32>,
        %get3A_611 = vector.shape_cast %get3A_610 : vector<1x16xf32> to vector<16xf32>
        %swap3A_612 = arith.index_cast %and3A_71 : i32 to index
        %swap3A_613 = arith.index_cast %scan3A_188 : i32 to index
        %swap3A_614 = arith.constant 672 : index
        %swap3A_615 = tpu.vector_load %arg12[%swap3A_612, %swap3A_613, %swap3A_614] {strides = array<i32>} : memref<2x32x1024xf32, #tpu.memory_space<vmem>>, vector<1x1x16xf32>,
        %swap3A_616 = vector.shape_cast %swap3A_615 : vector<1x1x16xf32> to vector<16xf32>
        %swap3A_617 = vector.shape_cast %get3A_611 : vector<16xf32> to vector<1x1x16xf32>
        tpu.vector_store %arg12[%swap3A_612, %swap3A_613, %swap3A_614], %swap3A_617 {add = true, strides = array<i32>} : memref<2x32x1024xf32, #tpu.memory_space<vmem>>, vector<1x1x16xf32>,
        %get3A_618 = arith.index_cast %scan3A_188 : i32 to index
        %get3A_619 = arith.constant 688 : index
        %get3A_620 = tpu.vector_load %arg11[%get3A_618, %get3A_619] {strides = array<i32>} : memref<32x1024xf32, #tpu.memory_space<vmem>>, vector<1x16xf32>,
        %get3A_621 = vector.shape_cast %get3A_620 : vector<1x16xf32> to vector<16xf32>
        %swap3A_622 = arith.index_cast %and3A_71 : i32 to index
        %swap3A_623 = arith.index_cast %scan3A_188 : i32 to index
        %swap3A_624 = arith.constant 688 : index
        %swap3A_625 = tpu.vector_load %arg12[%swap3A_622, %swap3A_623, %swap3A_624] {strides = array<i32>} : memref<2x32x1024xf32, #tpu.memory_space<vmem>>, vector<1x1x16xf32>,
        %swap3A_626 = vector.shape_cast %swap3A_625 : vector<1x1x16xf32> to vector<16xf32>
        %swap3A_627 = vector.shape_cast %get3A_621 : vector<16xf32> to vector<1x1x16xf32>
        tpu.vector_store %arg12[%swap3A_622, %swap3A_623, %swap3A_624], %swap3A_627 {add = true, strides = array<i32>} : memref<2x32x1024xf32, #tpu.memory_space<vmem>>, vector<1x1x16xf32>,
        %get3A_628 = arith.index_cast %scan3A_188 : i32 to index
        %get3A_629 = arith.constant 704 : index
        %get3A_630 = tpu.vector_load %arg11[%get3A_628, %get3A_629] {strides = array<i32>} : memref<32x1024xf32, #tpu.memory_space<vmem>>, vector<1x16xf32>,
        %get3A_631 = vector.shape_cast %get3A_630 : vector<1x16xf32> to vector<16xf32>
        %swap3A_632 = arith.index_cast %and3A_71 : i32 to index
        %swap3A_633 = arith.index_cast %scan3A_188 : i32 to index
        %swap3A_634 = arith.constant 704 : index
        %swap3A_635 = tpu.vector_load %arg12[%swap3A_632, %swap3A_633, %swap3A_634] {strides = array<i32>} : memref<2x32x1024xf32, #tpu.memory_space<vmem>>, vector<1x1x16xf32>,
        %swap3A_636 = vector.shape_cast %swap3A_635 : vector<1x1x16xf32> to vector<16xf32>
        %swap3A_637 = vector.shape_cast %get3A_631 : vector<16xf32> to vector<1x1x16xf32>
        tpu.vector_store %arg12[%swap3A_632, %swap3A_633, %swap3A_634], %swap3A_637 {add = true, strides = array<i32>} : memref<2x32x1024xf32, #tpu.memory_space<vmem>>, vector<1x1x16xf32>,
        %get3A_638 = arith.index_cast %scan3A_188 : i32 to index
        %get3A_639 = arith.constant 720 : index
        %get3A_640 = tpu.vector_load %arg11[%get3A_638, %get3A_639] {strides = array<i32>} : memref<32x1024xf32, #tpu.memory_space<vmem>>, vector<1x16xf32>,
        %get3A_641 = vector.shape_cast %get3A_640 : vector<1x16xf32> to vector<16xf32>
        %swap3A_642 = arith.index_cast %and3A_71 : i32 to index
        %swap3A_643 = arith.index_cast %scan3A_188 : i32 to index
        %swap3A_644 = arith.constant 720 : index
        %swap3A_645 = tpu.vector_load %arg12[%swap3A_642, %swap3A_643, %swap3A_644] {strides = array<i32>} : memref<2x32x1024xf32, #tpu.memory_space<vmem>>, vector<1x1x16xf32>,
        %swap3A_646 = vector.shape_cast %swap3A_645 : vector<1x1x16xf32> to vector<16xf32>
        %swap3A_647 = vector.shape_cast %get3A_641 : vector<16xf32> to vector<1x1x16xf32>
        tpu.vector_store %arg12[%swap3A_642, %swap3A_643, %swap3A_644], %swap3A_647 {add = true, strides = array<i32>} : memref<2x32x1024xf32, #tpu.memory_space<vmem>>, vector<1x1x16xf32>,
        %get3A_648 = arith.index_cast %scan3A_188 : i32 to index
        %get3A_649 = arith.constant 736 : index
        %get3A_650 = tpu.vector_load %arg11[%get3A_648, %get3A_649] {strides = array<i32>} : memref<32x1024xf32, #tpu.memory_space<vmem>>, vector<1x16xf32>,
        %get3A_651 = vector.shape_cast %get3A_650 : vector<1x16xf32> to vector<16xf32>
        %swap3A_652 = arith.index_cast %and3A_71 : i32 to index
        %swap3A_653 = arith.index_cast %scan3A_188 : i32 to index
        %swap3A_654 = arith.constant 736 : index
        %swap3A_655 = tpu.vector_load %arg12[%swap3A_652, %swap3A_653, %swap3A_654] {strides = array<i32>} : memref<2x32x1024xf32, #tpu.memory_space<vmem>>, vector<1x1x16xf32>,
        %swap3A_656 = vector.shape_cast %swap3A_655 : vector<1x1x16xf32> to vector<16xf32>
        %swap3A_657 = vector.shape_cast %get3A_651 : vector<16xf32> to vector<1x1x16xf32>
        tpu.vector_store %arg12[%swap3A_652, %swap3A_653, %swap3A_654], %swap3A_657 {add = true, strides = array<i32>} : memref<2x32x1024xf32, #tpu.memory_space<vmem>>, vector<1x1x16xf32>,
        %get3A_658 = arith.index_cast %scan3A_188 : i32 to index
        %get3A_659 = arith.constant 752 : index
        %get3A_660 = tpu.vector_load %arg11[%get3A_658, %get3A_659] {strides = array<i32>} : memref<32x1024xf32, #tpu.memory_space<vmem>>, vector<1x16xf32>,
        %get3A_661 = vector.shape_cast %get3A_660 : vector<1x16xf32> to vector<16xf32>
        %swap3A_662 = arith.index_cast %and3A_71 : i32 to index
        %swap3A_663 = arith.index_cast %scan3A_188 : i32 to index
        %swap3A_664 = arith.constant 752 : index
        %swap3A_665 = tpu.vector_load %arg12[%swap3A_662, %swap3A_663, %swap3A_664] {strides = array<i32>} : memref<2x32x1024xf32, #tpu.memory_space<vmem>>, vector<1x1x16xf32>,
        %swap3A_666 = vector.shape_cast %swap3A_665 : vector<1x1x16xf32> to vector<16xf32>
        %swap3A_667 = vector.shape_cast %get3A_661 : vector<16xf32> to vector<1x1x16xf32>
        tpu.vector_store %arg12[%swap3A_662, %swap3A_663, %swap3A_664], %swap3A_667 {add = true, strides = array<i32>} : memref<2x32x1024xf32, #tpu.memory_space<vmem>>, vector<1x1x16xf32>,
        %get3A_668 = arith.index_cast %scan3A_188 : i32 to index
        %get3A_669 = arith.constant 768 : index
        %get3A_670 = tpu.vector_load %arg11[%get3A_668, %get3A_669] {strides = array<i32>} : memref<32x1024xf32, #tpu.memory_space<vmem>>, vector<1x16xf32>,
        %get3A_671 = vector.shape_cast %get3A_670 : vector<1x16xf32> to vector<16xf32>
        %swap3A_672 = arith.index_cast %and3A_71 : i32 to index
        %swap3A_673 = arith.index_cast %scan3A_188 : i32 to index
        %swap3A_674 = arith.constant 768 : index
        %swap3A_675 = tpu.vector_load %arg12[%swap3A_672, %swap3A_673, %swap3A_674] {strides = array<i32>} : memref<2x32x1024xf32, #tpu.memory_space<vmem>>, vector<1x1x16xf32>,
        %swap3A_676 = vector.shape_cast %swap3A_675 : vector<1x1x16xf32> to vector<16xf32>
        %swap3A_677 = vector.shape_cast %get3A_671 : vector<16xf32> to vector<1x1x16xf32>
        tpu.vector_store %arg12[%swap3A_672, %swap3A_673, %swap3A_674], %swap3A_677 {add = true, strides = array<i32>} : memref<2x32x1024xf32, #tpu.memory_space<vmem>>, vector<1x1x16xf32>,
        %get3A_678 = arith.index_cast %scan3A_188 : i32 to index
        %get3A_679 = arith.constant 784 : index
        %get3A_680 = tpu.vector_load %arg11[%get3A_678, %get3A_679] {strides = array<i32>} : memref<32x1024xf32, #tpu.memory_space<vmem>>, vector<1x16xf32>,
        %get3A_681 = vector.shape_cast %get3A_680 : vector<1x16xf32> to vector<16xf32>
        %swap3A_682 = arith.index_cast %and3A_71 : i32 to index
        %swap3A_683 = arith.index_cast %scan3A_188 : i32 to index
        %swap3A_684 = arith.constant 784 : index
        %swap3A_685 = tpu.vector_load %arg12[%swap3A_682, %swap3A_683, %swap3A_684] {strides = array<i32>} : memref<2x32x1024xf32, #tpu.memory_space<vmem>>, vector<1x1x16xf32>,
        %swap3A_686 = vector.shape_cast %swap3A_685 : vector<1x1x16xf32> to vector<16xf32>
        %swap3A_687 = vector.shape_cast %get3A_681 : vector<16xf32> to vector<1x1x16xf32>
        tpu.vector_store %arg12[%swap3A_682, %swap3A_683, %swap3A_684], %swap3A_687 {add = true, strides = array<i32>} : memref<2x32x1024xf32, #tpu.memory_space<vmem>>, vector<1x1x16xf32>,
        %get3A_688 = arith.index_cast %scan3A_188 : i32 to index
        %get3A_689 = arith.constant 800 : index
        %get3A_690 = tpu.vector_load %arg11[%get3A_688, %get3A_689] {strides = array<i32>} : memref<32x1024xf32, #tpu.memory_space<vmem>>, vector<1x16xf32>,
        %get3A_691 = vector.shape_cast %get3A_690 : vector<1x16xf32> to vector<16xf32>
        %swap3A_692 = arith.index_cast %and3A_71 : i32 to index
        %swap3A_693 = arith.index_cast %scan3A_188 : i32 to index
        %swap3A_694 = arith.constant 800 : index
        %swap3A_695 = tpu.vector_load %arg12[%swap3A_692, %swap3A_693, %swap3A_694] {strides = array<i32>} : memref<2x32x1024xf32, #tpu.memory_space<vmem>>, vector<1x1x16xf32>,
        %swap3A_696 = vector.shape_cast %swap3A_695 : vector<1x1x16xf32> to vector<16xf32>
        %swap3A_697 = vector.shape_cast %get3A_691 : vector<16xf32> to vector<1x1x16xf32>
        tpu.vector_store %arg12[%swap3A_692, %swap3A_693, %swap3A_694], %swap3A_697 {add = true, strides = array<i32>} : memref<2x32x1024xf32, #tpu.memory_space<vmem>>, vector<1x1x16xf32>,
        %get3A_698 = arith.index_cast %scan3A_188 : i32 to index
        %get3A_699 = arith.constant 816 : index
        %get3A_700 = tpu.vector_load %arg11[%get3A_698, %get3A_699] {strides = array<i32>} : memref<32x1024xf32, #tpu.memory_space<vmem>>, vector<1x16xf32>,
        %get3A_701 = vector.shape_cast %get3A_700 : vector<1x16xf32> to vector<16xf32>
        %swap3A_702 = arith.index_cast %and3A_71 : i32 to index
        %swap3A_703 = arith.index_cast %scan3A_188 : i32 to index
        %swap3A_704 = arith.constant 816 : index
        %swap3A_705 = tpu.vector_load %arg12[%swap3A_702, %swap3A_703, %swap3A_704] {strides = array<i32>} : memref<2x32x1024xf32, #tpu.memory_space<vmem>>, vector<1x1x16xf32>,
        %swap3A_706 = vector.shape_cast %swap3A_705 : vector<1x1x16xf32> to vector<16xf32>
        %swap3A_707 = vector.shape_cast %get3A_701 : vector<16xf32> to vector<1x1x16xf32>
        tpu.vector_store %arg12[%swap3A_702, %swap3A_703, %swap3A_704], %swap3A_707 {add = true, strides = array<i32>} : memref<2x32x1024xf32, #tpu.memory_space<vmem>>, vector<1x1x16xf32>,
        %get3A_708 = arith.index_cast %scan3A_188 : i32 to index
        %get3A_709 = arith.constant 832 : index
        %get3A_710 = tpu.vector_load %arg11[%get3A_708, %get3A_709] {strides = array<i32>} : memref<32x1024xf32, #tpu.memory_space<vmem>>, vector<1x16xf32>,
        %get3A_711 = vector.shape_cast %get3A_710 : vector<1x16xf32> to vector<16xf32>
        %swap3A_712 = arith.index_cast %and3A_71 : i32 to index
        %swap3A_713 = arith.index_cast %scan3A_188 : i32 to index
        %swap3A_714 = arith.constant 832 : index
        %swap3A_715 = tpu.vector_load %arg12[%swap3A_712, %swap3A_713, %swap3A_714] {strides = array<i32>} : memref<2x32x1024xf32, #tpu.memory_space<vmem>>, vector<1x1x16xf32>,
        %swap3A_716 = vector.shape_cast %swap3A_715 : vector<1x1x16xf32> to vector<16xf32>
        %swap3A_717 = vector.shape_cast %get3A_711 : vector<16xf32> to vector<1x1x16xf32>
        tpu.vector_store %arg12[%swap3A_712, %swap3A_713, %swap3A_714], %swap3A_717 {add = true, strides = array<i32>} : memref<2x32x1024xf32, #tpu.memory_space<vmem>>, vector<1x1x16xf32>,
        %get3A_718 = arith.index_cast %scan3A_188 : i32 to index
        %get3A_719 = arith.constant 848 : index
        %get3A_720 = tpu.vector_load %arg11[%get3A_718, %get3A_719] {strides = array<i32>} : memref<32x1024xf32, #tpu.memory_space<vmem>>, vector<1x16xf32>,
        %get3A_721 = vector.shape_cast %get3A_720 : vector<1x16xf32> to vector<16xf32>
        %swap3A_722 = arith.index_cast %and3A_71 : i32 to index
        %swap3A_723 = arith.index_cast %scan3A_188 : i32 to index
        %swap3A_724 = arith.constant 848 : index
        %swap3A_725 = tpu.vector_load %arg12[%swap3A_722, %swap3A_723, %swap3A_724] {strides = array<i32>} : memref<2x32x1024xf32, #tpu.memory_space<vmem>>, vector<1x1x16xf32>,
        %swap3A_726 = vector.shape_cast %swap3A_725 : vector<1x1x16xf32> to vector<16xf32>
        %swap3A_727 = vector.shape_cast %get3A_721 : vector<16xf32> to vector<1x1x16xf32>
        tpu.vector_store %arg12[%swap3A_722, %swap3A_723, %swap3A_724], %swap3A_727 {add = true, strides = array<i32>} : memref<2x32x1024xf32, #tpu.memory_space<vmem>>, vector<1x1x16xf32>,
        %get3A_728 = arith.index_cast %scan3A_188 : i32 to index
        %get3A_729 = arith.constant 864 : index
        %get3A_730 = tpu.vector_load %arg11[%get3A_728, %get3A_729] {strides = array<i32>} : memref<32x1024xf32, #tpu.memory_space<vmem>>, vector<1x16xf32>,
        %get3A_731 = vector.shape_cast %get3A_730 : vector<1x16xf32> to vector<16xf32>
        %swap3A_732 = arith.index_cast %and3A_71 : i32 to index
        %swap3A_733 = arith.index_cast %scan3A_188 : i32 to index
        %swap3A_734 = arith.constant 864 : index
        %swap3A_735 = tpu.vector_load %arg12[%swap3A_732, %swap3A_733, %swap3A_734] {strides = array<i32>} : memref<2x32x1024xf32, #tpu.memory_space<vmem>>, vector<1x1x16xf32>,
        %swap3A_736 = vector.shape_cast %swap3A_735 : vector<1x1x16xf32> to vector<16xf32>
        %swap3A_737 = vector.shape_cast %get3A_731 : vector<16xf32> to vector<1x1x16xf32>
        tpu.vector_store %arg12[%swap3A_732, %swap3A_733, %swap3A_734], %swap3A_737 {add = true, strides = array<i32>} : memref<2x32x1024xf32, #tpu.memory_space<vmem>>, vector<1x1x16xf32>,
        %get3A_738 = arith.index_cast %scan3A_188 : i32 to index
        %get3A_739 = arith.constant 880 : index
        %get3A_740 = tpu.vector_load %arg11[%get3A_738, %get3A_739] {strides = array<i32>} : memref<32x1024xf32, #tpu.memory_space<vmem>>, vector<1x16xf32>,
        %get3A_741 = vector.shape_cast %get3A_740 : vector<1x16xf32> to vector<16xf32>
        %swap3A_742 = arith.index_cast %and3A_71 : i32 to index
        %swap3A_743 = arith.index_cast %scan3A_188 : i32 to index
        %swap3A_744 = arith.constant 880 : index
        %swap3A_745 = tpu.vector_load %arg12[%swap3A_742, %swap3A_743, %swap3A_744] {strides = array<i32>} : memref<2x32x1024xf32, #tpu.memory_space<vmem>>, vector<1x1x16xf32>,
        %swap3A_746 = vector.shape_cast %swap3A_745 : vector<1x1x16xf32> to vector<16xf32>
        %swap3A_747 = vector.shape_cast %get3A_741 : vector<16xf32> to vector<1x1x16xf32>
        tpu.vector_store %arg12[%swap3A_742, %swap3A_743, %swap3A_744], %swap3A_747 {add = true, strides = array<i32>} : memref<2x32x1024xf32, #tpu.memory_space<vmem>>, vector<1x1x16xf32>,
        %get3A_748 = arith.index_cast %scan3A_188 : i32 to index
        %get3A_749 = arith.constant 896 : index
        %get3A_750 = tpu.vector_load %arg11[%get3A_748, %get3A_749] {strides = array<i32>} : memref<32x1024xf32, #tpu.memory_space<vmem>>, vector<1x16xf32>,
        %get3A_751 = vector.shape_cast %get3A_750 : vector<1x16xf32> to vector<16xf32>
        %swap3A_752 = arith.index_cast %and3A_71 : i32 to index
        %swap3A_753 = arith.index_cast %scan3A_188 : i32 to index
        %swap3A_754 = arith.constant 896 : index
        %swap3A_755 = tpu.vector_load %arg12[%swap3A_752, %swap3A_753, %swap3A_754] {strides = array<i32>} : memref<2x32x1024xf32, #tpu.memory_space<vmem>>, vector<1x1x16xf32>,
        %swap3A_756 = vector.shape_cast %swap3A_755 : vector<1x1x16xf32> to vector<16xf32>
        %swap3A_757 = vector.shape_cast %get3A_751 : vector<16xf32> to vector<1x1x16xf32>
        tpu.vector_store %arg12[%swap3A_752, %swap3A_753, %swap3A_754], %swap3A_757 {add = true, strides = array<i32>} : memref<2x32x1024xf32, #tpu.memory_space<vmem>>, vector<1x1x16xf32>,
        %get3A_758 = arith.index_cast %scan3A_188 : i32 to index
        %get3A_759 = arith.constant 912 : index
        %get3A_760 = tpu.vector_load %arg11[%get3A_758, %get3A_759] {strides = array<i32>} : memref<32x1024xf32, #tpu.memory_space<vmem>>, vector<1x16xf32>,
        %get3A_761 = vector.shape_cast %get3A_760 : vector<1x16xf32> to vector<16xf32>
        %swap3A_762 = arith.index_cast %and3A_71 : i32 to index
        %swap3A_763 = arith.index_cast %scan3A_188 : i32 to index
        %swap3A_764 = arith.constant 912 : index
        %swap3A_765 = tpu.vector_load %arg12[%swap3A_762, %swap3A_763, %swap3A_764] {strides = array<i32>} : memref<2x32x1024xf32, #tpu.memory_space<vmem>>, vector<1x1x16xf32>,
        %swap3A_766 = vector.shape_cast %swap3A_765 : vector<1x1x16xf32> to vector<16xf32>
        %swap3A_767 = vector.shape_cast %get3A_761 : vector<16xf32> to vector<1x1x16xf32>
        tpu.vector_store %arg12[%swap3A_762, %swap3A_763, %swap3A_764], %swap3A_767 {add = true, strides = array<i32>} : memref<2x32x1024xf32, #tpu.memory_space<vmem>>, vector<1x1x16xf32>,
        %get3A_768 = arith.index_cast %scan3A_188 : i32 to index
        %get3A_769 = arith.constant 928 : index
        %get3A_770 = tpu.vector_load %arg11[%get3A_768, %get3A_769] {strides = array<i32>} : memref<32x1024xf32, #tpu.memory_space<vmem>>, vector<1x16xf32>,
        %get3A_771 = vector.shape_cast %get3A_770 : vector<1x16xf32> to vector<16xf32>
        %swap3A_772 = arith.index_cast %and3A_71 : i32 to index
        %swap3A_773 = arith.index_cast %scan3A_188 : i32 to index
        %swap3A_774 = arith.constant 928 : index
        %swap3A_775 = tpu.vector_load %arg12[%swap3A_772, %swap3A_773, %swap3A_774] {strides = array<i32>} : memref<2x32x1024xf32, #tpu.memory_space<vmem>>, vector<1x1x16xf32>,
        %swap3A_776 = vector.shape_cast %swap3A_775 : vector<1x1x16xf32> to vector<16xf32>
        %swap3A_777 = vector.shape_cast %get3A_771 : vector<16xf32> to vector<1x1x16xf32>
        tpu.vector_store %arg12[%swap3A_772, %swap3A_773, %swap3A_774], %swap3A_777 {add = true, strides = array<i32>} : memref<2x32x1024xf32, #tpu.memory_space<vmem>>, vector<1x1x16xf32>,
        %get3A_778 = arith.index_cast %scan3A_188 : i32 to index
        %get3A_779 = arith.constant 944 : index
        %get3A_780 = tpu.vector_load %arg11[%get3A_778, %get3A_779] {strides = array<i32>} : memref<32x1024xf32, #tpu.memory_space<vmem>>, vector<1x16xf32>,
        %get3A_781 = vector.shape_cast %get3A_780 : vector<1x16xf32> to vector<16xf32>
        %swap3A_782 = arith.index_cast %and3A_71 : i32 to index
        %swap3A_783 = arith.index_cast %scan3A_188 : i32 to index
        %swap3A_784 = arith.constant 944 : index
        %swap3A_785 = tpu.vector_load %arg12[%swap3A_782, %swap3A_783, %swap3A_784] {strides = array<i32>} : memref<2x32x1024xf32, #tpu.memory_space<vmem>>, vector<1x1x16xf32>,
        %swap3A_786 = vector.shape_cast %swap3A_785 : vector<1x1x16xf32> to vector<16xf32>
        %swap3A_787 = vector.shape_cast %get3A_781 : vector<16xf32> to vector<1x1x16xf32>
        tpu.vector_store %arg12[%swap3A_782, %swap3A_783, %swap3A_784], %swap3A_787 {add = true, strides = array<i32>} : memref<2x32x1024xf32, #tpu.memory_space<vmem>>, vector<1x1x16xf32>,
        %get3A_788 = arith.index_cast %scan3A_188 : i32 to index
        %get3A_789 = arith.constant 960 : index
        %get3A_790 = tpu.vector_load %arg11[%get3A_788, %get3A_789] {strides = array<i32>} : memref<32x1024xf32, #tpu.memory_space<vmem>>, vector<1x16xf32>,
        %get3A_791 = vector.shape_cast %get3A_790 : vector<1x16xf32> to vector<16xf32>
        %swap3A_792 = arith.index_cast %and3A_71 : i32 to index
        %swap3A_793 = arith.index_cast %scan3A_188 : i32 to index
        %swap3A_794 = arith.constant 960 : index
        %swap3A_795 = tpu.vector_load %arg12[%swap3A_792, %swap3A_793, %swap3A_794] {strides = array<i32>} : memref<2x32x1024xf32, #tpu.memory_space<vmem>>, vector<1x1x16xf32>,
        %swap3A_796 = vector.shape_cast %swap3A_795 : vector<1x1x16xf32> to vector<16xf32>
        %swap3A_797 = vector.shape_cast %get3A_791 : vector<16xf32> to vector<1x1x16xf32>
        tpu.vector_store %arg12[%swap3A_792, %swap3A_793, %swap3A_794], %swap3A_797 {add = true, strides = array<i32>} : memref<2x32x1024xf32, #tpu.memory_space<vmem>>, vector<1x1x16xf32>,
        %get3A_798 = arith.index_cast %scan3A_188 : i32 to index
        %get3A_799 = arith.constant 976 : index
        %get3A_800 = tpu.vector_load %arg11[%get3A_798, %get3A_799] {strides = array<i32>} : memref<32x1024xf32, #tpu.memory_space<vmem>>, vector<1x16xf32>,
        %get3A_801 = vector.shape_cast %get3A_800 : vector<1x16xf32> to vector<16xf32>
        %swap3A_802 = arith.index_cast %and3A_71 : i32 to index
        %swap3A_803 = arith.index_cast %scan3A_188 : i32 to index
        %swap3A_804 = arith.constant 976 : index
        %swap3A_805 = tpu.vector_load %arg12[%swap3A_802, %swap3A_803, %swap3A_804] {strides = array<i32>} : memref<2x32x1024xf32, #tpu.memory_space<vmem>>, vector<1x1x16xf32>,
        %swap3A_806 = vector.shape_cast %swap3A_805 : vector<1x1x16xf32> to vector<16xf32>
        %swap3A_807 = vector.shape_cast %get3A_801 : vector<16xf32> to vector<1x1x16xf32>
        tpu.vector_store %arg12[%swap3A_802, %swap3A_803, %swap3A_804], %swap3A_807 {add = true, strides = array<i32>} : memref<2x32x1024xf32, #tpu.memory_space<vmem>>, vector<1x1x16xf32>,
        %get3A_808 = arith.index_cast %scan3A_188 : i32 to index
        %get3A_809 = arith.constant 992 : index
        %get3A_810 = tpu.vector_load %arg11[%get3A_808, %get3A_809] {strides = array<i32>} : memref<32x1024xf32, #tpu.memory_space<vmem>>, vector<1x16xf32>,
        %get3A_811 = vector.shape_cast %get3A_810 : vector<1x16xf32> to vector<16xf32>
        %swap3A_812 = arith.index_cast %and3A_71 : i32 to index
        %swap3A_813 = arith.index_cast %scan3A_188 : i32 to index
        %swap3A_814 = arith.constant 992 : index
        %swap3A_815 = tpu.vector_load %arg12[%swap3A_812, %swap3A_813, %swap3A_814] {strides = array<i32>} : memref<2x32x1024xf32, #tpu.memory_space<vmem>>, vector<1x1x16xf32>,
        %swap3A_816 = vector.shape_cast %swap3A_815 : vector<1x1x16xf32> to vector<16xf32>
        %swap3A_817 = vector.shape_cast %get3A_811 : vector<16xf32> to vector<1x1x16xf32>
        tpu.vector_store %arg12[%swap3A_812, %swap3A_813, %swap3A_814], %swap3A_817 {add = true, strides = array<i32>} : memref<2x32x1024xf32, #tpu.memory_space<vmem>>, vector<1x1x16xf32>,
        %get3A_818 = arith.index_cast %scan3A_188 : i32 to index
        %get3A_819 = arith.constant 1008 : index
        %get3A_820 = tpu.vector_load %arg11[%get3A_818, %get3A_819] {strides = array<i32>} : memref<32x1024xf32, #tpu.memory_space<vmem>>, vector<1x16xf32>,
        %get3A_821 = vector.shape_cast %get3A_820 : vector<1x16xf32> to vector<16xf32>
        %swap3A_822 = arith.index_cast %and3A_71 : i32 to index
        %swap3A_823 = arith.index_cast %scan3A_188 : i32 to index
        %swap3A_824 = arith.constant 1008 : index
        %swap3A_825 = tpu.vector_load %arg12[%swap3A_822, %swap3A_823, %swap3A_824] {strides = array<i32>} : memref<2x32x1024xf32, #tpu.memory_space<vmem>>, vector<1x1x16xf32>,
        %swap3A_826 = vector.shape_cast %swap3A_825 : vector<1x1x16xf32> to vector<16xf32>
        %swap3A_827 = vector.shape_cast %get3A_821 : vector<16xf32> to vector<1x1x16xf32>
        tpu.vector_store %arg12[%swap3A_822, %swap3A_823, %swap3A_824], %swap3A_827 {add = true, strides = array<i32>} : memref<2x32x1024xf32, #tpu.memory_space<vmem>>, vector<1x1x16xf32>,
      }
      %scan3A_94 = arith.constant 32 : i32
      %mul3A_95 = arith.constant 8 : i32
      %mul3A_96 = arith.muli %scan3A_70, %mul3A_95 : i32
      %get3A = arith.index_cast %mul3A_96 : i32 to index
      %get3A_97 = tpu.vector_load %arg9[%get3A] {strides = array<i32>} : memref<144xi32, #tpu.memory_space<vmem>>, vector<16xi32>,
      %get3A_98 = vector.shape_cast %get3A_97 : vector<16xi32> to vector<16xi32>
      %sub3A = vector.broadcast %add3A_6 : i32 to vector<16xi32>
      %sub3A_99 = arith.subi %get3A_98, %sub3A : vector<16xi32>
      %slice3A = vector.extract_strided_slice %sub3A_99 {offsets = [0], sizes = [1], strides = [1]} : vector<16xi32> to vector<1xi32>
      %squeeze3A = vector.extract %slice3A[0] : i32 from vector<1xi32>
      %ge3A_100 = arith.constant 0 : i32
      %ge3A_101 = arith.cmpi sge, %squeeze3A, %ge3A_100 : i32
      %lt3A_102 = arith.constant 32 : i32
      %lt3A_103 = arith.cmpi slt, %squeeze3A, %lt3A_102 : i32
      %and3A_104 = arith.andi %ge3A_101, %lt3A_103 : i1
      %convert_element_type3A_105 = arith.extui %and3A_104 : i1 to i32
      %cond3A_106 = arith.constant 0 : i32
      %cond3A_107 = arith.cmpi ne, %convert_element_type3A_105, %cond3A_106 : i32
      scf.if %cond3A_107 {
        %scan3A_188 = arith.constant 0 : i32
        %scan3A_189 = arith.constant 0 : i32
        %scan3A_190 = arith.constant 64 : i32
        %scan3A_191 = arith.addi %scan3A_189, %scan3A_190 : i32
        %scan3A_192 = arith.constant 1 : i32
        scf.for %scan3A_194 = %scan3A_189 to %scan3A_191 step %scan3A_192  : i32 {
          %mul3A_195 = arith.constant 1024 : i32
          %mul3A_196 = arith.muli %scan3A_70, %mul3A_195 : i32
          %mul3A_197 = arith.constant 16 : i32
          %mul3A_198 = arith.muli %scan3A_194, %mul3A_197 : i32
          %add3A_199 = arith.addi %mul3A_196, %mul3A_198 : i32
          %get3A_200 = arith.index_cast %add3A_199 : i32 to index
          %get3A_201 = tpu.vector_load %arg10[%get3A_200] {strides = array<i32>} : memref<16384xf32, #tpu.memory_space<vmem>>, vector<16xf32>,
          %get3A_202 = vector.shape_cast %get3A_201 : vector<16xf32> to vector<16xf32>
          %mul3A_203 = arith.constant 16 : i32
          %mul3A_204 = arith.muli %scan3A_194, %mul3A_203 : i32
          %get3A_205 = arith.index_cast %squeeze3A : i32 to index
          %get3A_206 = arith.index_cast %mul3A_204 : i32 to index
          %get3A_207 = tpu.vector_load %arg11[%get3A_205, %get3A_206] {strides = array<i32>} : memref<32x1024xf32, #tpu.memory_space<vmem>>, vector<1x16xf32>,
          %get3A_208 = vector.shape_cast %get3A_207 : vector<1x16xf32> to vector<16xf32>
          %add3A_209 = arith.addf %get3A_202, %get3A_208 : vector<16xf32>
          %mul3A_210 = arith.constant 16 : i32
          %mul3A_211 = arith.muli %scan3A_194, %mul3A_210 : i32
          %swap3A = arith.index_cast %and3A_71 : i32 to index
          %swap3A_212 = arith.index_cast %squeeze3A : i32 to index
          %swap3A_213 = arith.index_cast %mul3A_211 : i32 to index
          %swap3A_214 = tpu.vector_load %arg12[%swap3A, %swap3A_212, %swap3A_213] {strides = array<i32>} : memref<2x32x1024xf32, #tpu.memory_space<vmem>>, vector<1x1x16xf32>,
          %swap3A_215 = vector.shape_cast %swap3A_214 : vector<1x1x16xf32> to vector<16xf32>
          %swap3A_216 = vector.shape_cast %add3A_209 : vector<16xf32> to vector<1x1x16xf32>
          tpu.vector_store %arg12[%swap3A, %swap3A_212, %swap3A_213], %swap3A_216 {strides = array<i32>} : memref<2x32x1024xf32, #tpu.memory_space<vmem>>, vector<1x1x16xf32>,
        }
        %scan3A_193 = arith.constant 64 : i32
      } else {
      }
      %slice3A_108 = vector.extract_strided_slice %sub3A_99 {offsets = [1], sizes = [1], strides = [1]} : vector<16xi32> to vector<1xi32>
      %squeeze3A_109 = vector.extract %slice3A_108[0] : i32 from vector<1xi32>
      %ge3A_110 = arith.constant 0 : i32
      %ge3A_111 = arith.cmpi sge, %squeeze3A_109, %ge3A_110 : i32
      %lt3A_112 = arith.constant 32 : i32
      %lt3A_113 = arith.cmpi slt, %squeeze3A_109, %lt3A_112 : i32
      %and3A_114 = arith.andi %ge3A_111, %lt3A_113 : i1
      %convert_element_type3A_115 = arith.extui %and3A_114 : i1 to i32
      %cond3A_116 = arith.constant 0 : i32
      %cond3A_117 = arith.cmpi ne, %convert_element_type3A_115, %cond3A_116 : i32
      scf.if %cond3A_117 {
        %scan3A_188 = arith.constant 0 : i32
        %scan3A_189 = arith.constant 0 : i32
        %scan3A_190 = arith.constant 64 : i32
        %scan3A_191 = arith.addi %scan3A_189, %scan3A_190 : i32
        %scan3A_192 = arith.constant 1 : i32
        scf.for %scan3A_194 = %scan3A_189 to %scan3A_191 step %scan3A_192  : i32 {
          %mul3A_195 = arith.constant 1024 : i32
          %mul3A_196 = arith.muli %scan3A_70, %mul3A_195 : i32
          %mul3A_197 = arith.constant 16 : i32
          %mul3A_198 = arith.muli %scan3A_194, %mul3A_197 : i32
          %add3A_199 = arith.addi %mul3A_196, %mul3A_198 : i32
          %get3A_200 = arith.index_cast %add3A_199 : i32 to index
          %get3A_201 = tpu.vector_load %arg10[%get3A_200] {strides = array<i32>} : memref<16384xf32, #tpu.memory_space<vmem>>, vector<16xf32>,
          %get3A_202 = vector.shape_cast %get3A_201 : vector<16xf32> to vector<16xf32>
          %mul3A_203 = arith.constant 16 : i32
          %mul3A_204 = arith.muli %scan3A_194, %mul3A_203 : i32
          %get3A_205 = arith.index_cast %squeeze3A_109 : i32 to index
          %get3A_206 = arith.index_cast %mul3A_204 : i32 to index
          %get3A_207 = tpu.vector_load %arg11[%get3A_205, %get3A_206] {strides = array<i32>} : memref<32x1024xf32, #tpu.memory_space<vmem>>, vector<1x16xf32>,
          %get3A_208 = vector.shape_cast %get3A_207 : vector<1x16xf32> to vector<16xf32>
          %add3A_209 = arith.addf %get3A_202, %get3A_208 : vector<16xf32>
          %mul3A_210 = arith.constant 16 : i32
          %mul3A_211 = arith.muli %scan3A_194, %mul3A_210 : i32
          %swap3A = arith.index_cast %and3A_71 : i32 to index
          %swap3A_212 = arith.index_cast %squeeze3A_109 : i32 to index
          %swap3A_213 = arith.index_cast %mul3A_211 : i32 to index
          %swap3A_214 = tpu.vector_load %arg12[%swap3A, %swap3A_212, %swap3A_213] {strides = array<i32>} : memref<2x32x1024xf32, #tpu.memory_space<vmem>>, vector<1x1x16xf32>,
          %swap3A_215 = vector.shape_cast %swap3A_214 : vector<1x1x16xf32> to vector<16xf32>
          %swap3A_216 = vector.shape_cast %add3A_209 : vector<16xf32> to vector<1x1x16xf32>
          tpu.vector_store %arg12[%swap3A, %swap3A_212, %swap3A_213], %swap3A_216 {strides = array<i32>} : memref<2x32x1024xf32, #tpu.memory_space<vmem>>, vector<1x1x16xf32>,
        }
        %scan3A_193 = arith.constant 64 : i32
      } else {
      }
      %slice3A_118 = vector.extract_strided_slice %sub3A_99 {offsets = [2], sizes = [1], strides = [1]} : vector<16xi32> to vector<1xi32>
      %squeeze3A_119 = vector.extract %slice3A_118[0] : i32 from vector<1xi32>
      %ge3A_120 = arith.constant 0 : i32
      %ge3A_121 = arith.cmpi sge, %squeeze3A_119, %ge3A_120 : i32
      %lt3A_122 = arith.constant 32 : i32
      %lt3A_123 = arith.cmpi slt, %squeeze3A_119, %lt3A_122 : i32
      %and3A_124 = arith.andi %ge3A_121, %lt3A_123 : i1
      %convert_element_type3A_125 = arith.extui %and3A_124 : i1 to i32
      %cond3A_126 = arith.constant 0 : i32
      %cond3A_127 = arith.cmpi ne, %convert_element_type3A_125, %cond3A_126 : i32
      scf.if %cond3A_127 {
        %scan3A_188 = arith.constant 0 : i32
        %scan3A_189 = arith.constant 0 : i32
        %scan3A_190 = arith.constant 64 : i32
        %scan3A_191 = arith.addi %scan3A_189, %scan3A_190 : i32
        %scan3A_192 = arith.constant 1 : i32
        scf.for %scan3A_194 = %scan3A_189 to %scan3A_191 step %scan3A_192  : i32 {
          %mul3A_195 = arith.constant 1024 : i32
          %mul3A_196 = arith.muli %scan3A_70, %mul3A_195 : i32
          %mul3A_197 = arith.constant 16 : i32
          %mul3A_198 = arith.muli %scan3A_194, %mul3A_197 : i32
          %add3A_199 = arith.addi %mul3A_196, %mul3A_198 : i32
          %get3A_200 = arith.index_cast %add3A_199 : i32 to index
          %get3A_201 = tpu.vector_load %arg10[%get3A_200] {strides = array<i32>} : memref<16384xf32, #tpu.memory_space<vmem>>, vector<16xf32>,
          %get3A_202 = vector.shape_cast %get3A_201 : vector<16xf32> to vector<16xf32>
          %mul3A_203 = arith.constant 16 : i32
          %mul3A_204 = arith.muli %scan3A_194, %mul3A_203 : i32
          %get3A_205 = arith.index_cast %squeeze3A_119 : i32 to index
          %get3A_206 = arith.index_cast %mul3A_204 : i32 to index
          %get3A_207 = tpu.vector_load %arg11[%get3A_205, %get3A_206] {strides = array<i32>} : memref<32x1024xf32, #tpu.memory_space<vmem>>, vector<1x16xf32>,
          %get3A_208 = vector.shape_cast %get3A_207 : vector<1x16xf32> to vector<16xf32>
          %add3A_209 = arith.addf %get3A_202, %get3A_208 : vector<16xf32>
          %mul3A_210 = arith.constant 16 : i32
          %mul3A_211 = arith.muli %scan3A_194, %mul3A_210 : i32
          %swap3A = arith.index_cast %and3A_71 : i32 to index
          %swap3A_212 = arith.index_cast %squeeze3A_119 : i32 to index
          %swap3A_213 = arith.index_cast %mul3A_211 : i32 to index
          %swap3A_214 = tpu.vector_load %arg12[%swap3A, %swap3A_212, %swap3A_213] {strides = array<i32>} : memref<2x32x1024xf32, #tpu.memory_space<vmem>>, vector<1x1x16xf32>,
          %swap3A_215 = vector.shape_cast %swap3A_214 : vector<1x1x16xf32> to vector<16xf32>
          %swap3A_216 = vector.shape_cast %add3A_209 : vector<16xf32> to vector<1x1x16xf32>
          tpu.vector_store %arg12[%swap3A, %swap3A_212, %swap3A_213], %swap3A_216 {strides = array<i32>} : memref<2x32x1024xf32, #tpu.memory_space<vmem>>, vector<1x1x16xf32>,
        }
        %scan3A_193 = arith.constant 64 : i32
      } else {
      }
      %slice3A_128 = vector.extract_strided_slice %sub3A_99 {offsets = [3], sizes = [1], strides = [1]} : vector<16xi32> to vector<1xi32>
      %squeeze3A_129 = vector.extract %slice3A_128[0] : i32 from vector<1xi32>
      %ge3A_130 = arith.constant 0 : i32
      %ge3A_131 = arith.cmpi sge, %squeeze3A_129, %ge3A_130 : i32
      %lt3A_132 = arith.constant 32 : i32
      %lt3A_133 = arith.cmpi slt, %squeeze3A_129, %lt3A_132 : i32
      %and3A_134 = arith.andi %ge3A_131, %lt3A_133 : i1
      %convert_element_type3A_135 = arith.extui %and3A_134 : i1 to i32
      %cond3A_136 = arith.constant 0 : i32
      %cond3A_137 = arith.cmpi ne, %convert_element_type3A_135, %cond3A_136 : i32
      scf.if %cond3A_137 {
        %scan3A_188 = arith.constant 0 : i32
        %scan3A_189 = arith.constant 0 : i32
        %scan3A_190 = arith.constant 64 : i32
        %scan3A_191 = arith.addi %scan3A_189, %scan3A_190 : i32
        %scan3A_192 = arith.constant 1 : i32
        scf.for %scan3A_194 = %scan3A_189 to %scan3A_191 step %scan3A_192  : i32 {
          %mul3A_195 = arith.constant 1024 : i32
          %mul3A_196 = arith.muli %scan3A_70, %mul3A_195 : i32
          %mul3A_197 = arith.constant 16 : i32
          %mul3A_198 = arith.muli %scan3A_194, %mul3A_197 : i32
          %add3A_199 = arith.addi %mul3A_196, %mul3A_198 : i32
          %get3A_200 = arith.index_cast %add3A_199 : i32 to index
          %get3A_201 = tpu.vector_load %arg10[%get3A_200] {strides = array<i32>} : memref<16384xf32, #tpu.memory_space<vmem>>, vector<16xf32>,
          %get3A_202 = vector.shape_cast %get3A_201 : vector<16xf32> to vector<16xf32>
          %mul3A_203 = arith.constant 16 : i32
          %mul3A_204 = arith.muli %scan3A_194, %mul3A_203 : i32
          %get3A_205 = arith.index_cast %squeeze3A_129 : i32 to index
          %get3A_206 = arith.index_cast %mul3A_204 : i32 to index
          %get3A_207 = tpu.vector_load %arg11[%get3A_205, %get3A_206] {strides = array<i32>} : memref<32x1024xf32, #tpu.memory_space<vmem>>, vector<1x16xf32>,
          %get3A_208 = vector.shape_cast %get3A_207 : vector<1x16xf32> to vector<16xf32>
          %add3A_209 = arith.addf %get3A_202, %get3A_208 : vector<16xf32>
          %mul3A_210 = arith.constant 16 : i32
          %mul3A_211 = arith.muli %scan3A_194, %mul3A_210 : i32
          %swap3A = arith.index_cast %and3A_71 : i32 to index
          %swap3A_212 = arith.index_cast %squeeze3A_129 : i32 to index
          %swap3A_213 = arith.index_cast %mul3A_211 : i32 to index
          %swap3A_214 = tpu.vector_load %arg12[%swap3A, %swap3A_212, %swap3A_213] {strides = array<i32>} : memref<2x32x1024xf32, #tpu.memory_space<vmem>>, vector<1x1x16xf32>,
          %swap3A_215 = vector.shape_cast %swap3A_214 : vector<1x1x16xf32> to vector<16xf32>
          %swap3A_216 = vector.shape_cast %add3A_209 : vector<16xf32> to vector<1x1x16xf32>
          tpu.vector_store %arg12[%swap3A, %swap3A_212, %swap3A_213], %swap3A_216 {strides = array<i32>} : memref<2x32x1024xf32, #tpu.memory_space<vmem>>, vector<1x1x16xf32>,
        }
        %scan3A_193 = arith.constant 64 : i32
      } else {
      }
      %slice3A_138 = vector.extract_strided_slice %sub3A_99 {offsets = [4], sizes = [1], strides = [1]} : vector<16xi32> to vector<1xi32>
      %squeeze3A_139 = vector.extract %slice3A_138[0] : i32 from vector<1xi32>
      %ge3A_140 = arith.constant 0 : i32
      %ge3A_141 = arith.cmpi sge, %squeeze3A_139, %ge3A_140 : i32
      %lt3A_142 = arith.constant 32 : i32
      %lt3A_143 = arith.cmpi slt, %squeeze3A_139, %lt3A_142 : i32
      %and3A_144 = arith.andi %ge3A_141, %lt3A_143 : i1
      %convert_element_type3A_145 = arith.extui %and3A_144 : i1 to i32
      %cond3A_146 = arith.constant 0 : i32
      %cond3A_147 = arith.cmpi ne, %convert_element_type3A_145, %cond3A_146 : i32
      scf.if %cond3A_147 {
        %scan3A_188 = arith.constant 0 : i32
        %scan3A_189 = arith.constant 0 : i32
        %scan3A_190 = arith.constant 64 : i32
        %scan3A_191 = arith.addi %scan3A_189, %scan3A_190 : i32
        %scan3A_192 = arith.constant 1 : i32
        scf.for %scan3A_194 = %scan3A_189 to %scan3A_191 step %scan3A_192  : i32 {
          %mul3A_195 = arith.constant 1024 : i32
          %mul3A_196 = arith.muli %scan3A_70, %mul3A_195 : i32
          %mul3A_197 = arith.constant 16 : i32
          %mul3A_198 = arith.muli %scan3A_194, %mul3A_197 : i32
          %add3A_199 = arith.addi %mul3A_196, %mul3A_198 : i32
          %get3A_200 = arith.index_cast %add3A_199 : i32 to index
          %get3A_201 = tpu.vector_load %arg10[%get3A_200] {strides = array<i32>} : memref<16384xf32, #tpu.memory_space<vmem>>, vector<16xf32>,
          %get3A_202 = vector.shape_cast %get3A_201 : vector<16xf32> to vector<16xf32>
          %mul3A_203 = arith.constant 16 : i32
          %mul3A_204 = arith.muli %scan3A_194, %mul3A_203 : i32
          %get3A_205 = arith.index_cast %squeeze3A_139 : i32 to index
          %get3A_206 = arith.index_cast %mul3A_204 : i32 to index
          %get3A_207 = tpu.vector_load %arg11[%get3A_205, %get3A_206] {strides = array<i32>} : memref<32x1024xf32, #tpu.memory_space<vmem>>, vector<1x16xf32>,
          %get3A_208 = vector.shape_cast %get3A_207 : vector<1x16xf32> to vector<16xf32>
          %add3A_209 = arith.addf %get3A_202, %get3A_208 : vector<16xf32>
          %mul3A_210 = arith.constant 16 : i32
          %mul3A_211 = arith.muli %scan3A_194, %mul3A_210 : i32
          %swap3A = arith.index_cast %and3A_71 : i32 to index
          %swap3A_212 = arith.index_cast %squeeze3A_139 : i32 to index
          %swap3A_213 = arith.index_cast %mul3A_211 : i32 to index
          %swap3A_214 = tpu.vector_load %arg12[%swap3A, %swap3A_212, %swap3A_213] {strides = array<i32>} : memref<2x32x1024xf32, #tpu.memory_space<vmem>>, vector<1x1x16xf32>,
          %swap3A_215 = vector.shape_cast %swap3A_214 : vector<1x1x16xf32> to vector<16xf32>
          %swap3A_216 = vector.shape_cast %add3A_209 : vector<16xf32> to vector<1x1x16xf32>
          tpu.vector_store %arg12[%swap3A, %swap3A_212, %swap3A_213], %swap3A_216 {strides = array<i32>} : memref<2x32x1024xf32, #tpu.memory_space<vmem>>, vector<1x1x16xf32>,
        }
        %scan3A_193 = arith.constant 64 : i32
      } else {
      }
      %slice3A_148 = vector.extract_strided_slice %sub3A_99 {offsets = [5], sizes = [1], strides = [1]} : vector<16xi32> to vector<1xi32>
      %squeeze3A_149 = vector.extract %slice3A_148[0] : i32 from vector<1xi32>
      %ge3A_150 = arith.constant 0 : i32
      %ge3A_151 = arith.cmpi sge, %squeeze3A_149, %ge3A_150 : i32
      %lt3A_152 = arith.constant 32 : i32
      %lt3A_153 = arith.cmpi slt, %squeeze3A_149, %lt3A_152 : i32
      %and3A_154 = arith.andi %ge3A_151, %lt3A_153 : i1
      %convert_element_type3A_155 = arith.extui %and3A_154 : i1 to i32
      %cond3A_156 = arith.constant 0 : i32
      %cond3A_157 = arith.cmpi ne, %convert_element_type3A_155, %cond3A_156 : i32
      scf.if %cond3A_157 {
        %scan3A_188 = arith.constant 0 : i32
        %scan3A_189 = arith.constant 0 : i32
        %scan3A_190 = arith.constant 64 : i32
        %scan3A_191 = arith.addi %scan3A_189, %scan3A_190 : i32
        %scan3A_192 = arith.constant 1 : i32
        scf.for %scan3A_194 = %scan3A_189 to %scan3A_191 step %scan3A_192  : i32 {
          %mul3A_195 = arith.constant 1024 : i32
          %mul3A_196 = arith.muli %scan3A_70, %mul3A_195 : i32
          %mul3A_197 = arith.constant 16 : i32
          %mul3A_198 = arith.muli %scan3A_194, %mul3A_197 : i32
          %add3A_199 = arith.addi %mul3A_196, %mul3A_198 : i32
          %get3A_200 = arith.index_cast %add3A_199 : i32 to index
          %get3A_201 = tpu.vector_load %arg10[%get3A_200] {strides = array<i32>} : memref<16384xf32, #tpu.memory_space<vmem>>, vector<16xf32>,
          %get3A_202 = vector.shape_cast %get3A_201 : vector<16xf32> to vector<16xf32>
          %mul3A_203 = arith.constant 16 : i32
          %mul3A_204 = arith.muli %scan3A_194, %mul3A_203 : i32
          %get3A_205 = arith.index_cast %squeeze3A_149 : i32 to index
          %get3A_206 = arith.index_cast %mul3A_204 : i32 to index
          %get3A_207 = tpu.vector_load %arg11[%get3A_205, %get3A_206] {strides = array<i32>} : memref<32x1024xf32, #tpu.memory_space<vmem>>, vector<1x16xf32>,
          %get3A_208 = vector.shape_cast %get3A_207 : vector<1x16xf32> to vector<16xf32>
          %add3A_209 = arith.addf %get3A_202, %get3A_208 : vector<16xf32>
          %mul3A_210 = arith.constant 16 : i32
          %mul3A_211 = arith.muli %scan3A_194, %mul3A_210 : i32
          %swap3A = arith.index_cast %and3A_71 : i32 to index
          %swap3A_212 = arith.index_cast %squeeze3A_149 : i32 to index
          %swap3A_213 = arith.index_cast %mul3A_211 : i32 to index
          %swap3A_214 = tpu.vector_load %arg12[%swap3A, %swap3A_212, %swap3A_213] {strides = array<i32>} : memref<2x32x1024xf32, #tpu.memory_space<vmem>>, vector<1x1x16xf32>,
          %swap3A_215 = vector.shape_cast %swap3A_214 : vector<1x1x16xf32> to vector<16xf32>
          %swap3A_216 = vector.shape_cast %add3A_209 : vector<16xf32> to vector<1x1x16xf32>
          tpu.vector_store %arg12[%swap3A, %swap3A_212, %swap3A_213], %swap3A_216 {strides = array<i32>} : memref<2x32x1024xf32, #tpu.memory_space<vmem>>, vector<1x1x16xf32>,
        }
        %scan3A_193 = arith.constant 64 : i32
      } else {
      }
      %slice3A_158 = vector.extract_strided_slice %sub3A_99 {offsets = [6], sizes = [1], strides = [1]} : vector<16xi32> to vector<1xi32>
      %squeeze3A_159 = vector.extract %slice3A_158[0] : i32 from vector<1xi32>
      %ge3A_160 = arith.constant 0 : i32
      %ge3A_161 = arith.cmpi sge, %squeeze3A_159, %ge3A_160 : i32
      %lt3A_162 = arith.constant 32 : i32
      %lt3A_163 = arith.cmpi slt, %squeeze3A_159, %lt3A_162 : i32
      %and3A_164 = arith.andi %ge3A_161, %lt3A_163 : i1
      %convert_element_type3A_165 = arith.extui %and3A_164 : i1 to i32
      %cond3A_166 = arith.constant 0 : i32
      %cond3A_167 = arith.cmpi ne, %convert_element_type3A_165, %cond3A_166 : i32
      scf.if %cond3A_167 {
        %scan3A_188 = arith.constant 0 : i32
        %scan3A_189 = arith.constant 0 : i32
        %scan3A_190 = arith.constant 64 : i32
        %scan3A_191 = arith.addi %scan3A_189, %scan3A_190 : i32
        %scan3A_192 = arith.constant 1 : i32
        scf.for %scan3A_194 = %scan3A_189 to %scan3A_191 step %scan3A_192  : i32 {
          %mul3A_195 = arith.constant 1024 : i32
          %mul3A_196 = arith.muli %scan3A_70, %mul3A_195 : i32
          %mul3A_197 = arith.constant 16 : i32
          %mul3A_198 = arith.muli %scan3A_194, %mul3A_197 : i32
          %add3A_199 = arith.addi %mul3A_196, %mul3A_198 : i32
          %get3A_200 = arith.index_cast %add3A_199 : i32 to index
          %get3A_201 = tpu.vector_load %arg10[%get3A_200] {strides = array<i32>} : memref<16384xf32, #tpu.memory_space<vmem>>, vector<16xf32>,
          %get3A_202 = vector.shape_cast %get3A_201 : vector<16xf32> to vector<16xf32>
          %mul3A_203 = arith.constant 16 : i32
          %mul3A_204 = arith.muli %scan3A_194, %mul3A_203 : i32
          %get3A_205 = arith.index_cast %squeeze3A_159 : i32 to index
          %get3A_206 = arith.index_cast %mul3A_204 : i32 to index
          %get3A_207 = tpu.vector_load %arg11[%get3A_205, %get3A_206] {strides = array<i32>} : memref<32x1024xf32, #tpu.memory_space<vmem>>, vector<1x16xf32>,
          %get3A_208 = vector.shape_cast %get3A_207 : vector<1x16xf32> to vector<16xf32>
          %add3A_209 = arith.addf %get3A_202, %get3A_208 : vector<16xf32>
          %mul3A_210 = arith.constant 16 : i32
          %mul3A_211 = arith.muli %scan3A_194, %mul3A_210 : i32
          %swap3A = arith.index_cast %and3A_71 : i32 to index
          %swap3A_212 = arith.index_cast %squeeze3A_159 : i32 to index
          %swap3A_213 = arith.index_cast %mul3A_211 : i32 to index
          %swap3A_214 = tpu.vector_load %arg12[%swap3A, %swap3A_212, %swap3A_213] {strides = array<i32>} : memref<2x32x1024xf32, #tpu.memory_space<vmem>>, vector<1x1x16xf32>,
          %swap3A_215 = vector.shape_cast %swap3A_214 : vector<1x1x16xf32> to vector<16xf32>
          %swap3A_216 = vector.shape_cast %add3A_209 : vector<16xf32> to vector<1x1x16xf32>
          tpu.vector_store %arg12[%swap3A, %swap3A_212, %swap3A_213], %swap3A_216 {strides = array<i32>} : memref<2x32x1024xf32, #tpu.memory_space<vmem>>, vector<1x1x16xf32>,
        }
        %scan3A_193 = arith.constant 64 : i32
      } else {
      }
      %slice3A_168 = vector.extract_strided_slice %sub3A_99 {offsets = [7], sizes = [1], strides = [1]} : vector<16xi32> to vector<1xi32>
      %squeeze3A_169 = vector.extract %slice3A_168[0] : i32 from vector<1xi32>
      %ge3A_170 = arith.constant 0 : i32
      %ge3A_171 = arith.cmpi sge, %squeeze3A_169, %ge3A_170 : i32
      %lt3A_172 = arith.constant 32 : i32
      %lt3A_173 = arith.cmpi slt, %squeeze3A_169, %lt3A_172 : i32
      %and3A_174 = arith.andi %ge3A_171, %lt3A_173 : i1
      %convert_element_type3A_175 = arith.extui %and3A_174 : i1 to i32
      %cond3A_176 = arith.constant 0 : i32
      %cond3A_177 = arith.cmpi ne, %convert_element_type3A_175, %cond3A_176 : i32
      scf.if %cond3A_177 {
        %scan3A_188 = arith.constant 0 : i32
        %scan3A_189 = arith.constant 0 : i32
        %scan3A_190 = arith.constant 64 : i32
        %scan3A_191 = arith.addi %scan3A_189, %scan3A_190 : i32
        %scan3A_192 = arith.constant 1 : i32
        scf.for %scan3A_194 = %scan3A_189 to %scan3A_191 step %scan3A_192  : i32 {
          %mul3A_195 = arith.constant 1024 : i32
          %mul3A_196 = arith.muli %scan3A_70, %mul3A_195 : i32
          %mul3A_197 = arith.constant 16 : i32
          %mul3A_198 = arith.muli %scan3A_194, %mul3A_197 : i32
          %add3A_199 = arith.addi %mul3A_196, %mul3A_198 : i32
          %get3A_200 = arith.index_cast %add3A_199 : i32 to index
          %get3A_201 = tpu.vector_load %arg10[%get3A_200] {strides = array<i32>} : memref<16384xf32, #tpu.memory_space<vmem>>, vector<16xf32>,
          %get3A_202 = vector.shape_cast %get3A_201 : vector<16xf32> to vector<16xf32>
          %mul3A_203 = arith.constant 16 : i32
          %mul3A_204 = arith.muli %scan3A_194, %mul3A_203 : i32
          %get3A_205 = arith.index_cast %squeeze3A_169 : i32 to index
          %get3A_206 = arith.index_cast %mul3A_204 : i32 to index
          %get3A_207 = tpu.vector_load %arg11[%get3A_205, %get3A_206] {strides = array<i32>} : memref<32x1024xf32, #tpu.memory_space<vmem>>, vector<1x16xf32>,
          %get3A_208 = vector.shape_cast %get3A_207 : vector<1x16xf32> to vector<16xf32>
          %add3A_209 = arith.addf %get3A_202, %get3A_208 : vector<16xf32>
          %mul3A_210 = arith.constant 16 : i32
          %mul3A_211 = arith.muli %scan3A_194, %mul3A_210 : i32
          %swap3A = arith.index_cast %and3A_71 : i32 to index
          %swap3A_212 = arith.index_cast %squeeze3A_169 : i32 to index
          %swap3A_213 = arith.index_cast %mul3A_211 : i32 to index
          %swap3A_214 = tpu.vector_load %arg12[%swap3A, %swap3A_212, %swap3A_213] {strides = array<i32>} : memref<2x32x1024xf32, #tpu.memory_space<vmem>>, vector<1x1x16xf32>,
          %swap3A_215 = vector.shape_cast %swap3A_214 : vector<1x1x16xf32> to vector<16xf32>
          %swap3A_216 = vector.shape_cast %add3A_209 : vector<16xf32> to vector<1x1x16xf32>
          tpu.vector_store %arg12[%swap3A, %swap3A_212, %swap3A_213], %swap3A_216 {strides = array<i32>} : memref<2x32x1024xf32, #tpu.memory_space<vmem>>, vector<1x1x16xf32>,
        }
        %scan3A_193 = arith.constant 64 : i32
      } else {
      }
      %eq3A_178 = arith.constant 0 : i32
      %eq3A_179 = arith.cmpi eq, %and3A_71, %eq3A_178 : i32
      %convert_element_type3A_180 = arith.extui %eq3A_179 : i1 to i32
      %cond3A_181 = arith.constant 0 : i32
      %cond3A_182 = arith.cmpi ne, %convert_element_type3A_180, %cond3A_181 : i32
      scf.if %cond3A_182 {
        %dma_start3A_188 = arith.constant 0 : i32
        %dma_start3A_189 = arith.constant 0 : i32
        %dma_start3A_190 = arith.constant 0 : i32
        %dma_start3A_191 = tpu.memref_slice %arg12[%dma_start3A_188, %dma_start3A_189, %dma_start3A_190] : memref<2x32x1024xf32, #tpu.memory_space<vmem>> -> memref<1x32x1024xf32, #tpu.memory_space<vmem>>
        %dma_start3A_192 = tpu.memref_squeeze %dma_start3A_191 : memref<1x32x1024xf32, #tpu.memory_space<vmem>> -> memref<32x1024xf32, #tpu.memory_space<vmem>>
        %dma_start3A_193 = arith.constant 0 : i32
        %dma_start3A_194 = tpu.memref_slice %arg7[%scan3A_70, %add3A_6, %dma_start3A_193] : memref<16x2048x1024xf32, #tpu.memory_space<hbm>> -> memref<1x32x1024xf32, #tpu.memory_space<hbm>>
        %dma_start3A_195 = tpu.memref_squeeze %dma_start3A_194 : memref<1x32x1024xf32, #tpu.memory_space<hbm>> -> memref<32x1024xf32, #tpu.memory_space<hbm>>
        %dma_start3A_196 = arith.constant 0 : i32
        %dma_start3A_197 = tpu.memref_slice %arg7[%scan3A_70, %add3A_6, %dma_start3A_196] : memref<16x2048x1024xf32, #tpu.memory_space<hbm>> -> memref<1x32x1024xf32, #tpu.memory_space<hbm>>
        %dma_start3A_198 = tpu.memref_squeeze %dma_start3A_197 : memref<1x32x1024xf32, #tpu.memory_space<hbm>> -> memref<32x1024xf32, #tpu.memory_space<hbm>>
        %dma_start3A_199 = arith.constant 0 : i32
        %dma_start3A_200 = arith.constant 0 : i32
        %dma_start3A_201 = tpu.memref_slice %arg12[%dma_start3A_188, %dma_start3A_199, %dma_start3A_200] : memref<2x32x1024xf32, #tpu.memory_space<vmem>> -> memref<1x32x1024xf32, #tpu.memory_space<vmem>>
        %dma_start3A_202 = tpu.memref_squeeze %dma_start3A_201 : memref<1x32x1024xf32, #tpu.memory_space<vmem>> -> memref<32x1024xf32, #tpu.memory_space<vmem>>
        tpu.enqueue_dma source(%dma_start3A_202 : memref<32x1024xf32, #tpu.memory_space<vmem>>) target(%dma_start3A_198 : memref<32x1024xf32, #tpu.memory_space<hbm>>) target_semaphore(%arg15 : memref<!tpu.dma_semaphore, #tpu.memory_space<semaphore_mem>>)
      } else {
      }
      %eq3A_183 = arith.constant 1 : i32
      %eq3A_184 = arith.cmpi eq, %and3A_71, %eq3A_183 : i32
      %convert_element_type3A_185 = arith.extui %eq3A_184 : i1 to i32
      %cond3A_186 = arith.constant 0 : i32
      %cond3A_187 = arith.cmpi ne, %convert_element_type3A_185, %cond3A_186 : i32
      scf.if %cond3A_187 {
        %dma_start3A_188 = arith.constant 1 : i32
        %dma_start3A_189 = arith.constant 0 : i32
        %dma_start3A_190 = arith.constant 0 : i32
        %dma_start3A_191 = tpu.memref_slice %arg12[%dma_start3A_188, %dma_start3A_189, %dma_start3A_190] : memref<2x32x1024xf32, #tpu.memory_space<vmem>> -> memref<1x32x1024xf32, #tpu.memory_space<vmem>>
        %dma_start3A_192 = tpu.memref_squeeze %dma_start3A_191 : memref<1x32x1024xf32, #tpu.memory_space<vmem>> -> memref<32x1024xf32, #tpu.memory_space<vmem>>
        %dma_start3A_193 = arith.constant 0 : i32
        %dma_start3A_194 = tpu.memref_slice %arg7[%scan3A_70, %add3A_6, %dma_start3A_193] : memref<16x2048x1024xf32, #tpu.memory_space<hbm>> -> memref<1x32x1024xf32, #tpu.memory_space<hbm>>
        %dma_start3A_195 = tpu.memref_squeeze %dma_start3A_194 : memref<1x32x1024xf32, #tpu.memory_space<hbm>> -> memref<32x1024xf32, #tpu.memory_space<hbm>>
        %dma_start3A_196 = arith.constant 0 : i32
        %dma_start3A_197 = tpu.memref_slice %arg7[%scan3A_70, %add3A_6, %dma_start3A_196] : memref<16x2048x1024xf32, #tpu.memory_space<hbm>> -> memref<1x32x1024xf32, #tpu.memory_space<hbm>>
        %dma_start3A_198 = tpu.memref_squeeze %dma_start3A_197 : memref<1x32x1024xf32, #tpu.memory_space<hbm>> -> memref<32x1024xf32, #tpu.memory_space<hbm>>
        %dma_start3A_199 = arith.constant 0 : i32
        %dma_start3A_200 = arith.constant 0 : i32
        %dma_start3A_201 = tpu.memref_slice %arg12[%dma_start3A_188, %dma_start3A_199, %dma_start3A_200] : memref<2x32x1024xf32, #tpu.memory_space<vmem>> -> memref<1x32x1024xf32, #tpu.memory_space<vmem>>
        %dma_start3A_202 = tpu.memref_squeeze %dma_start3A_201 : memref<1x32x1024xf32, #tpu.memory_space<vmem>> -> memref<32x1024xf32, #tpu.memory_space<vmem>>
        tpu.enqueue_dma source(%dma_start3A_202 : memref<32x1024xf32, #tpu.memory_space<vmem>>) target(%dma_start3A_198 : memref<32x1024xf32, #tpu.memory_space<hbm>>) target_semaphore(%arg16 : memref<!tpu.dma_semaphore, #tpu.memory_space<semaphore_mem>>)
      } else {
      }
    }
    %scan3A_20 = arith.constant 16 : i32
    %dma_wait3A = arith.constant 1 : i32
    %dma_wait3A_21 = arith.constant 0 : i32
    %dma_wait3A_22 = arith.constant 0 : i32
    %dma_wait3A_23 = arith.constant 0 : i32
    %dma_wait3A_24 = tpu.memref_slice %arg12[%dma_wait3A, %dma_wait3A_22, %dma_wait3A_23] : memref<2x32x1024xf32, #tpu.memory_space<vmem>> -> memref<1x32x1024xf32, #tpu.memory_space<vmem>>
    %dma_wait3A_25 = tpu.memref_squeeze %dma_wait3A_24 : memref<1x32x1024xf32, #tpu.memory_space<vmem>> -> memref<32x1024xf32, #tpu.memory_space<vmem>>
    %dma_wait3A_26 = arith.constant 0 : i32
    %dma_wait3A_27 = tpu.memref_slice %arg7[%dma_wait3A_21, %add3A_6, %dma_wait3A_26] : memref<16x2048x1024xf32, #tpu.memory_space<hbm>> -> memref<1x32x1024xf32, #tpu.memory_space<hbm>>
    %dma_wait3A_28 = tpu.memref_squeeze %dma_wait3A_27 : memref<1x32x1024xf32, #tpu.memory_space<hbm>> -> memref<32x1024xf32, #tpu.memory_space<hbm>>
    %dma_wait3A_29 = arith.constant 0 : i32
    %dma_wait3A_30 = tpu.memref_slice %arg7[%dma_wait3A_21, %add3A_6, %dma_wait3A_29] : memref<16x2048x1024xf32, #tpu.memory_space<hbm>> -> memref<1x32x1024xf32, #tpu.memory_space<hbm>>
    %dma_wait3A_31 = tpu.memref_squeeze %dma_wait3A_30 : memref<1x32x1024xf32, #tpu.memory_space<hbm>> -> memref<32x1024xf32, #tpu.memory_space<hbm>>
    %dma_wait3A_32 = arith.constant 0 : i32
    %dma_wait3A_33 = arith.constant 0 : i32
    %dma_wait3A_34 = tpu.memref_slice %arg12[%dma_wait3A, %dma_wait3A_32, %dma_wait3A_33] : memref<2x32x1024xf32, #tpu.memory_space<vmem>> -> memref<1x32x1024xf32, #tpu.memory_space<vmem>>
    %dma_wait3A_35 = tpu.memref_squeeze %dma_wait3A_34 : memref<1x32x1024xf32, #tpu.memory_space<vmem>> -> memref<32x1024xf32, #tpu.memory_space<vmem>>
    tpu.wait_dma2 semaphore(%arg16 : memref<!tpu.dma_semaphore, #tpu.memory_space<semaphore_mem>>) src(%dma_wait3A_35 : memref<32x1024xf32, #tpu.memory_space<vmem>>) dst(%dma_wait3A_31 : memref<32x1024xf32, #tpu.memory_space<hbm>>)
    %add3A_36 = arith.constant 32 : i32
    %add3A_37 = arith.addi %mul3A_2, %add3A_36 : i32
    "tpu.region"() ({
      %run_scoped3A = tpu.sem_alloc : memref<!tpu.dma_semaphore, #tpu.memory_space<semaphore_mem>>
      %dma_start3A_70 = arith.constant 0 : i32
      %dma_start3A_71 = tpu.memref_slice %arg6[%add3A_37, %dma_start3A_70] : memref<2048x1024xf32, #tpu.memory_space<hbm>> -> memref<32x1024xf32, #tpu.memory_space<hbm>>
      %dma_start3A_72 = arith.constant 0 : i32
      %dma_start3A_73 = tpu.memref_slice %arg6[%add3A_37, %dma_start3A_72] : memref<2048x1024xf32, #tpu.memory_space<hbm>> -> memref<32x1024xf32, #tpu.memory_space<hbm>>
      tpu.enqueue_dma source(%dma_start3A_73 : memref<32x1024xf32, #tpu.memory_space<hbm>>) target(%arg11 : memref<32x1024xf32, #tpu.memory_space<vmem>>) target_semaphore(%run_scoped3A : memref<!tpu.dma_semaphore, #tpu.memory_space<semaphore_mem>>)
      %dma_wait3A_74 = arith.constant 0 : i32
      %dma_wait3A_75 = tpu.memref_slice %arg6[%add3A_37, %dma_wait3A_74] : memref<2048x1024xf32, #tpu.memory_space<hbm>> -> memref<32x1024xf32, #tpu.memory_space<hbm>>
      %dma_wait3A_76 = arith.constant 0 : i32
      %dma_wait3A_77 = tpu.memref_slice %arg6[%add3A_37, %dma_wait3A_76] : memref<2048x1024xf32, #tpu.memory_space<hbm>> -> memref<32x1024xf32, #tpu.memory_space<hbm>>
      tpu.wait_dma2 semaphore(%run_scoped3A : memref<!tpu.dma_semaphore, #tpu.memory_space<semaphore_mem>>) src(%dma_wait3A_77 : memref<32x1024xf32, #tpu.memory_space<hbm>>) dst(%arg11 : memref<32x1024xf32, #tpu.memory_space<vmem>>)
      tpu.yield
    }) : () -> ()
    %dma_start3A_38 = arith.constant 0 : i32
    %dma_start3A_39 = arith.constant 0 : i32
    %dma_start3A_40 = arith.constant 0 : i32
    %dma_start3A_41 = tpu.memref_slice %arg12[%dma_start3A_38, %dma_start3A_39, %dma_start3A_40] : memref<2x32x1024xf32, #tpu.memory_space<vmem>> -> memref<1x32x1024xf32, #tpu.memory_space<vmem>>
    %dma_start3A_42 = tpu.memref_squeeze %dma_start3A_41 : memref<1x32x1024xf32, #tpu.memory_space<vmem>> -> memref<32x1024xf32, #tpu.memory_space<vmem>>
    %dma_start3A_43 = arith.constant 32 : i32
    %dma_start3A_44 = tpu.memref_slice %arg8[%dma_start3A_43] : memref<1024xi32, #tpu.memory_space<vmem>> -> memref<32xi32, #tpu.memory_space<vmem>>
    %dma_start3A_45 = arith.constant 0 : i32
    %dma_start3A_46 = arith.constant 0 : i32
    %dma_start3A_47 = tpu.memref_slice %arg5[%dma_start3A_45, %dma_start3A_46] : memref<50000x1024xf32, #tpu.memory_space<hbm>> -> memref<50000x1024xf32, #tpu.memory_space<hbm>>
    tpu.enqueue_indirect_dma source(%dma_start3A_47 : memref<50000x1024xf32, #tpu.memory_space<hbm>>) target(%dma_start3A_42 : memref<32x1024xf32, #tpu.memory_space<vmem>>) offsets(%dma_start3A_44 : memref<32xi32, #tpu.memory_space<vmem>>) semaphore(%arg13 : memref<!tpu.dma_semaphore, #tpu.memory_space<semaphore_mem>>)
    %scan3A_48 = arith.constant 0 : i32
    %scan3A_49 = arith.constant 0 : i32
    %scan3A_50 = arith.constant 16 : i32
    %scan3A_51 = arith.addi %scan3A_49, %scan3A_50 : i32
    %scan3A_52 = arith.constant 1 : i32
    scf.for %scan3A_70 = %scan3A_49 to %scan3A_51 step %scan3A_52  : i32 {
      %and3A = arith.constant 1 : i32
      %and3A_71 = arith.andi %scan3A_70, %and3A : i32
      %eq3A = arith.constant 0 : i32
      %eq3A_72 = arith.cmpi eq, %and3A_71, %eq3A : i32
      %convert_element_type3A = arith.extui %eq3A_72 : i1 to i32
      %cond3A = arith.constant 0 : i32
      %cond3A_73 = arith.cmpi ne, %convert_element_type3A, %cond3A : i32
      scf.if %cond3A_73 {
        %dma_wait3A_188 = arith.constant 0 : i32
        %dma_wait3A_189 = arith.constant 0 : i32
        %dma_wait3A_190 = arith.constant 0 : i32
        %dma_wait3A_191 = tpu.memref_slice %arg12[%dma_wait3A_188, %dma_wait3A_189, %dma_wait3A_190] : memref<2x32x1024xf32, #tpu.memory_space<vmem>> -> memref<1x32x1024xf32, #tpu.memory_space<vmem>>
        %dma_wait3A_192 = tpu.memref_squeeze %dma_wait3A_191 : memref<1x32x1024xf32, #tpu.memory_space<vmem>> -> memref<32x1024xf32, #tpu.memory_space<vmem>>
        %dma_wait3A_193 = arith.constant 0 : i32
        %dma_wait3A_194 = tpu.memref_slice %arg8[%dma_wait3A_193] : memref<1024xi32, #tpu.memory_space<vmem>> -> memref<32xi32, #tpu.memory_space<vmem>>
        %dma_wait3A_195 = arith.constant 0 : i32
        %dma_wait3A_196 = arith.constant 0 : i32
        %dma_wait3A_197 = tpu.memref_slice %arg5[%dma_wait3A_195, %dma_wait3A_196] : memref<50000x1024xf32, #tpu.memory_space<hbm>> -> memref<50000x1024xf32, #tpu.memory_space<hbm>>
        tpu.wait_indirect_dma semaphore(%arg13 : memref<!tpu.dma_semaphore, #tpu.memory_space<semaphore_mem>>) src(%dma_wait3A_197 : memref<50000x1024xf32, #tpu.memory_space<hbm>>) dst(%dma_wait3A_192 : memref<32x1024xf32, #tpu.memory_space<vmem>>)
      } else {
      }
      %eq3A_74 = arith.constant 1 : i32
      %eq3A_75 = arith.cmpi eq, %and3A_71, %eq3A_74 : i32
      %convert_element_type3A_76 = arith.extui %eq3A_75 : i1 to i32
      %cond3A_77 = arith.constant 0 : i32
      %cond3A_78 = arith.cmpi ne, %convert_element_type3A_76, %cond3A_77 : i32
      scf.if %cond3A_78 {
        %dma_wait3A_188 = arith.constant 1 : i32
        %dma_wait3A_189 = arith.constant 0 : i32
        %dma_wait3A_190 = arith.constant 0 : i32
        %dma_wait3A_191 = tpu.memref_slice %arg12[%dma_wait3A_188, %dma_wait3A_189, %dma_wait3A_190] : memref<2x32x1024xf32, #tpu.memory_space<vmem>> -> memref<1x32x1024xf32, #tpu.memory_space<vmem>>
        %dma_wait3A_192 = tpu.memref_squeeze %dma_wait3A_191 : memref<1x32x1024xf32, #tpu.memory_space<vmem>> -> memref<32x1024xf32, #tpu.memory_space<vmem>>
        %dma_wait3A_193 = arith.constant 0 : i32
        %dma_wait3A_194 = tpu.memref_slice %arg8[%dma_wait3A_193] : memref<1024xi32, #tpu.memory_space<vmem>> -> memref<32xi32, #tpu.memory_space<vmem>>
        %dma_wait3A_195 = arith.constant 0 : i32
        %dma_wait3A_196 = arith.constant 0 : i32
        %dma_wait3A_197 = tpu.memref_slice %arg5[%dma_wait3A_195, %dma_wait3A_196] : memref<50000x1024xf32, #tpu.memory_space<hbm>> -> memref<50000x1024xf32, #tpu.memory_space<hbm>>
        tpu.wait_indirect_dma semaphore(%arg14 : memref<!tpu.dma_semaphore, #tpu.memory_space<semaphore_mem>>) src(%dma_wait3A_197 : memref<50000x1024xf32, #tpu.memory_space<hbm>>) dst(%dma_wait3A_192 : memref<32x1024xf32, #tpu.memory_space<vmem>>)
      } else {
      }
      %ge3A = arith.constant 1 : i32
      %ge3A_79 = arith.cmpi sge, %scan3A_70, %ge3A : i32
      %convert_element_type3A_80 = arith.extui %ge3A_79 : i1 to i32
      %cond3A_81 = arith.constant 0 : i32
      %cond3A_82 = arith.cmpi ne, %convert_element_type3A_80, %cond3A_81 : i32
      scf.if %cond3A_82 {
        %sub3A_188 = arith.constant 1 : i32
        %sub3A_189 = arith.subi %sub3A_188, %and3A_71 : i32
        %eq3A_190 = arith.constant 0 : i32
        %eq3A_191 = arith.cmpi eq, %sub3A_189, %eq3A_190 : i32
        %convert_element_type3A_192 = arith.extui %eq3A_191 : i1 to i32
        %cond3A_193 = arith.constant 0 : i32
        %cond3A_194 = arith.cmpi ne, %convert_element_type3A_192, %cond3A_193 : i32
        scf.if %cond3A_194 {
          %dma_wait3A_200 = arith.constant 0 : i32
          %dma_wait3A_201 = arith.constant 0 : i32
          %dma_wait3A_202 = arith.constant 0 : i32
          %dma_wait3A_203 = arith.constant 0 : i32
          %dma_wait3A_204 = tpu.memref_slice %arg12[%dma_wait3A_200, %dma_wait3A_202, %dma_wait3A_203] : memref<2x32x1024xf32, #tpu.memory_space<vmem>> -> memref<1x32x1024xf32, #tpu.memory_space<vmem>>
          %dma_wait3A_205 = tpu.memref_squeeze %dma_wait3A_204 : memref<1x32x1024xf32, #tpu.memory_space<vmem>> -> memref<32x1024xf32, #tpu.memory_space<vmem>>
          %dma_wait3A_206 = arith.constant 0 : i32
          %dma_wait3A_207 = tpu.memref_slice %arg7[%dma_wait3A_201, %add3A_37, %dma_wait3A_206] : memref<16x2048x1024xf32, #tpu.memory_space<hbm>> -> memref<1x32x1024xf32, #tpu.memory_space<hbm>>
          %dma_wait3A_208 = tpu.memref_squeeze %dma_wait3A_207 : memref<1x32x1024xf32, #tpu.memory_space<hbm>> -> memref<32x1024xf32, #tpu.memory_space<hbm>>
          %dma_wait3A_209 = arith.constant 0 : i32
          %dma_wait3A_210 = tpu.memref_slice %arg7[%dma_wait3A_201, %add3A_37, %dma_wait3A_209] : memref<16x2048x1024xf32, #tpu.memory_space<hbm>> -> memref<1x32x1024xf32, #tpu.memory_space<hbm>>
          %dma_wait3A_211 = tpu.memref_squeeze %dma_wait3A_210 : memref<1x32x1024xf32, #tpu.memory_space<hbm>> -> memref<32x1024xf32, #tpu.memory_space<hbm>>
          %dma_wait3A_212 = arith.constant 0 : i32
          %dma_wait3A_213 = arith.constant 0 : i32
          %dma_wait3A_214 = tpu.memref_slice %arg12[%dma_wait3A_200, %dma_wait3A_212, %dma_wait3A_213] : memref<2x32x1024xf32, #tpu.memory_space<vmem>> -> memref<1x32x1024xf32, #tpu.memory_space<vmem>>
          %dma_wait3A_215 = tpu.memref_squeeze %dma_wait3A_214 : memref<1x32x1024xf32, #tpu.memory_space<vmem>> -> memref<32x1024xf32, #tpu.memory_space<vmem>>
          tpu.wait_dma2 semaphore(%arg15 : memref<!tpu.dma_semaphore, #tpu.memory_space<semaphore_mem>>) src(%dma_wait3A_215 : memref<32x1024xf32, #tpu.memory_space<vmem>>) dst(%dma_wait3A_211 : memref<32x1024xf32, #tpu.memory_space<hbm>>)
        } else {
        }
        %eq3A_195 = arith.constant 1 : i32
        %eq3A_196 = arith.cmpi eq, %sub3A_189, %eq3A_195 : i32
        %convert_element_type3A_197 = arith.extui %eq3A_196 : i1 to i32
        %cond3A_198 = arith.constant 0 : i32
        %cond3A_199 = arith.cmpi ne, %convert_element_type3A_197, %cond3A_198 : i32
        scf.if %cond3A_199 {
          %dma_wait3A_200 = arith.constant 1 : i32
          %dma_wait3A_201 = arith.constant 0 : i32
          %dma_wait3A_202 = arith.constant 0 : i32
          %dma_wait3A_203 = arith.constant 0 : i32
          %dma_wait3A_204 = tpu.memref_slice %arg12[%dma_wait3A_200, %dma_wait3A_202, %dma_wait3A_203] : memref<2x32x1024xf32, #tpu.memory_space<vmem>> -> memref<1x32x1024xf32, #tpu.memory_space<vmem>>
          %dma_wait3A_205 = tpu.memref_squeeze %dma_wait3A_204 : memref<1x32x1024xf32, #tpu.memory_space<vmem>> -> memref<32x1024xf32, #tpu.memory_space<vmem>>
          %dma_wait3A_206 = arith.constant 0 : i32
          %dma_wait3A_207 = tpu.memref_slice %arg7[%dma_wait3A_201, %add3A_37, %dma_wait3A_206] : memref<16x2048x1024xf32, #tpu.memory_space<hbm>> -> memref<1x32x1024xf32, #tpu.memory_space<hbm>>
          %dma_wait3A_208 = tpu.memref_squeeze %dma_wait3A_207 : memref<1x32x1024xf32, #tpu.memory_space<hbm>> -> memref<32x1024xf32, #tpu.memory_space<hbm>>
          %dma_wait3A_209 = arith.constant 0 : i32
          %dma_wait3A_210 = tpu.memref_slice %arg7[%dma_wait3A_201, %add3A_37, %dma_wait3A_209] : memref<16x2048x1024xf32, #tpu.memory_space<hbm>> -> memref<1x32x1024xf32, #tpu.memory_space<hbm>>
          %dma_wait3A_211 = tpu.memref_squeeze %dma_wait3A_210 : memref<1x32x1024xf32, #tpu.memory_space<hbm>> -> memref<32x1024xf32, #tpu.memory_space<hbm>>
          %dma_wait3A_212 = arith.constant 0 : i32
          %dma_wait3A_213 = arith.constant 0 : i32
          %dma_wait3A_214 = tpu.memref_slice %arg12[%dma_wait3A_200, %dma_wait3A_212, %dma_wait3A_213] : memref<2x32x1024xf32, #tpu.memory_space<vmem>> -> memref<1x32x1024xf32, #tpu.memory_space<vmem>>
          %dma_wait3A_215 = tpu.memref_squeeze %dma_wait3A_214 : memref<1x32x1024xf32, #tpu.memory_space<vmem>> -> memref<32x1024xf32, #tpu.memory_space<vmem>>
          tpu.wait_dma2 semaphore(%arg16 : memref<!tpu.dma_semaphore, #tpu.memory_space<semaphore_mem>>) src(%dma_wait3A_215 : memref<32x1024xf32, #tpu.memory_space<vmem>>) dst(%dma_wait3A_211 : memref<32x1024xf32, #tpu.memory_space<hbm>>)
        } else {
        }
      } else {
      }
      %add3A_83 = arith.constant 1 : i32
      %add3A_84 = arith.addi %scan3A_70, %add3A_83 : i32
      %lt3A = arith.constant 16 : i32
      %lt3A_85 = arith.cmpi slt, %add3A_84, %lt3A : i32
      %convert_element_type3A_86 = arith.extui %lt3A_85 : i1 to i32
      %cond3A_87 = arith.constant 0 : i32
      %cond3A_88 = arith.cmpi ne, %convert_element_type3A_86, %cond3A_87 : i32
      scf.if %cond3A_88 {
        %add3A_188 = arith.constant 1 : i32
        %add3A_189 = arith.addi %scan3A_70, %add3A_188 : i32
        %sub3A_190 = arith.constant 1 : i32
        %sub3A_191 = arith.subi %sub3A_190, %and3A_71 : i32
        %eq3A_192 = arith.constant 0 : i32
        %eq3A_193 = arith.cmpi eq, %sub3A_191, %eq3A_192 : i32
        %convert_element_type3A_194 = arith.extui %eq3A_193 : i1 to i32
        %cond3A_195 = arith.constant 0 : i32
        %cond3A_196 = arith.cmpi ne, %convert_element_type3A_194, %cond3A_195 : i32
        scf.if %cond3A_196 {
          %mul3A_202 = arith.constant 64 : i32
          %mul3A_203 = arith.muli %add3A_189, %mul3A_202 : i32
          %add3A_204 = arith.constant 32 : i32
          %add3A_205 = arith.addi %mul3A_203, %add3A_204 : i32
          %dma_start3A_206 = arith.constant 0 : i32
          %dma_start3A_207 = arith.constant 0 : i32
          %dma_start3A_208 = arith.constant 0 : i32
          %dma_start3A_209 = tpu.memref_slice %arg12[%dma_start3A_206, %dma_start3A_207, %dma_start3A_208] : memref<2x32x1024xf32, #tpu.memory_space<vmem>> -> memref<1x32x1024xf32, #tpu.memory_space<vmem>>
          %dma_start3A_210 = tpu.memref_squeeze %dma_start3A_209 : memref<1x32x1024xf32, #tpu.memory_space<vmem>> -> memref<32x1024xf32, #tpu.memory_space<vmem>>
          %dma_start3A_211 = tpu.memref_slice %arg8[%add3A_205] : memref<1024xi32, #tpu.memory_space<vmem>> -> memref<32xi32, #tpu.memory_space<vmem>>
          %dma_start3A_212 = arith.constant 0 : i32
          %dma_start3A_213 = arith.constant 0 : i32
          %dma_start3A_214 = tpu.memref_slice %arg5[%dma_start3A_212, %dma_start3A_213] : memref<50000x1024xf32, #tpu.memory_space<hbm>> -> memref<50000x1024xf32, #tpu.memory_space<hbm>>
          tpu.enqueue_indirect_dma source(%dma_start3A_214 : memref<50000x1024xf32, #tpu.memory_space<hbm>>) target(%dma_start3A_210 : memref<32x1024xf32, #tpu.memory_space<vmem>>) offsets(%dma_start3A_211 : memref<32xi32, #tpu.memory_space<vmem>>) semaphore(%arg13 : memref<!tpu.dma_semaphore, #tpu.memory_space<semaphore_mem>>)
        } else {
        }
        %eq3A_197 = arith.constant 1 : i32
        %eq3A_198 = arith.cmpi eq, %sub3A_191, %eq3A_197 : i32
        %convert_element_type3A_199 = arith.extui %eq3A_198 : i1 to i32
        %cond3A_200 = arith.constant 0 : i32
        %cond3A_201 = arith.cmpi ne, %convert_element_type3A_199, %cond3A_200 : i32
        scf.if %cond3A_201 {
          %mul3A_202 = arith.constant 64 : i32
          %mul3A_203 = arith.muli %add3A_189, %mul3A_202 : i32
          %add3A_204 = arith.constant 32 : i32
          %add3A_205 = arith.addi %mul3A_203, %add3A_204 : i32
          %dma_start3A_206 = arith.constant 1 : i32
          %dma_start3A_207 = arith.constant 0 : i32
          %dma_start3A_208 = arith.constant 0 : i32
          %dma_start3A_209 = tpu.memref_slice %arg12[%dma_start3A_206, %dma_start3A_207, %dma_start3A_208] : memref<2x32x1024xf32, #tpu.memory_space<vmem>> -> memref<1x32x1024xf32, #tpu.memory_space<vmem>>
          %dma_start3A_210 = tpu.memref_squeeze %dma_start3A_209 : memref<1x32x1024xf32, #tpu.memory_space<vmem>> -> memref<32x1024xf32, #tpu.memory_space<vmem>>
          %dma_start3A_211 = tpu.memref_slice %arg8[%add3A_205] : memref<1024xi32, #tpu.memory_space<vmem>> -> memref<32xi32, #tpu.memory_space<vmem>>
          %dma_start3A_212 = arith.constant 0 : i32
          %dma_start3A_213 = arith.constant 0 : i32
          %dma_start3A_214 = tpu.memref_slice %arg5[%dma_start3A_212, %dma_start3A_213] : memref<50000x1024xf32, #tpu.memory_space<hbm>> -> memref<50000x1024xf32, #tpu.memory_space<hbm>>
          tpu.enqueue_indirect_dma source(%dma_start3A_214 : memref<50000x1024xf32, #tpu.memory_space<hbm>>) target(%dma_start3A_210 : memref<32x1024xf32, #tpu.memory_space<vmem>>) offsets(%dma_start3A_211 : memref<32xi32, #tpu.memory_space<vmem>>) semaphore(%arg14 : memref<!tpu.dma_semaphore, #tpu.memory_space<semaphore_mem>>)
        } else {
        }
      } else {
      }
      %scan3A_89 = arith.constant 0 : i32
      %scan3A_90 = arith.constant 0 : i32
      %scan3A_91 = arith.constant 32 : i32
      %scan3A_92 = arith.addi %scan3A_90, %scan3A_91 : i32
      %scan3A_93 = arith.constant 1 : i32
      scf.for %scan3A_188 = %scan3A_90 to %scan3A_92 step %scan3A_93  : i32 {
        %get3A_189 = arith.index_cast %scan3A_188 : i32 to index
        %get3A_190 = arith.constant 0 : index
        %get3A_191 = tpu.vector_load %arg11[%get3A_189, %get3A_190] {strides = array<i32>} : memref<32x1024xf32, #tpu.memory_space<vmem>>, vector<1x16xf32>,
        %get3A_192 = vector.shape_cast %get3A_191 : vector<1x16xf32> to vector<16xf32>
        %swap3A = arith.index_cast %and3A_71 : i32 to index
        %swap3A_193 = arith.index_cast %scan3A_188 : i32 to index
        %swap3A_194 = arith.constant 0 : index
        %swap3A_195 = tpu.vector_load %arg12[%swap3A, %swap3A_193, %swap3A_194] {strides = array<i32>} : memref<2x32x1024xf32, #tpu.memory_space<vmem>>, vector<1x1x16xf32>,
        %swap3A_196 = vector.shape_cast %swap3A_195 : vector<1x1x16xf32> to vector<16xf32>
        %swap3A_197 = vector.shape_cast %get3A_192 : vector<16xf32> to vector<1x1x16xf32>
        tpu.vector_store %arg12[%swap3A, %swap3A_193, %swap3A_194], %swap3A_197 {add = true, strides = array<i32>} : memref<2x32x1024xf32, #tpu.memory_space<vmem>>, vector<1x1x16xf32>,
        %get3A_198 = arith.index_cast %scan3A_188 : i32 to index
        %get3A_199 = arith.constant 16 : index
        %get3A_200 = tpu.vector_load %arg11[%get3A_198, %get3A_199] {strides = array<i32>} : memref<32x1024xf32, #tpu.memory_space<vmem>>, vector<1x16xf32>,
        %get3A_201 = vector.shape_cast %get3A_200 : vector<1x16xf32> to vector<16xf32>
        %swap3A_202 = arith.index_cast %and3A_71 : i32 to index
        %swap3A_203 = arith.index_cast %scan3A_188 : i32 to index
        %swap3A_204 = arith.constant 16 : index
        %swap3A_205 = tpu.vector_load %arg12[%swap3A_202, %swap3A_203, %swap3A_204] {strides = array<i32>} : memref<2x32x1024xf32, #tpu.memory_space<vmem>>, vector<1x1x16xf32>,
        %swap3A_206 = vector.shape_cast %swap3A_205 : vector<1x1x16xf32> to vector<16xf32>
        %swap3A_207 = vector.shape_cast %get3A_201 : vector<16xf32> to vector<1x1x16xf32>
        tpu.vector_store %arg12[%swap3A_202, %swap3A_203, %swap3A_204], %swap3A_207 {add = true, strides = array<i32>} : memref<2x32x1024xf32, #tpu.memory_space<vmem>>, vector<1x1x16xf32>,
        %get3A_208 = arith.index_cast %scan3A_188 : i32 to index
        %get3A_209 = arith.constant 32 : index
        %get3A_210 = tpu.vector_load %arg11[%get3A_208, %get3A_209] {strides = array<i32>} : memref<32x1024xf32, #tpu.memory_space<vmem>>, vector<1x16xf32>,
        %get3A_211 = vector.shape_cast %get3A_210 : vector<1x16xf32> to vector<16xf32>
        %swap3A_212 = arith.index_cast %and3A_71 : i32 to index
        %swap3A_213 = arith.index_cast %scan3A_188 : i32 to index
        %swap3A_214 = arith.constant 32 : index
        %swap3A_215 = tpu.vector_load %arg12[%swap3A_212, %swap3A_213, %swap3A_214] {strides = array<i32>} : memref<2x32x1024xf32, #tpu.memory_space<vmem>>, vector<1x1x16xf32>,
        %swap3A_216 = vector.shape_cast %swap3A_215 : vector<1x1x16xf32> to vector<16xf32>
        %swap3A_217 = vector.shape_cast %get3A_211 : vector<16xf32> to vector<1x1x16xf32>
        tpu.vector_store %arg12[%swap3A_212, %swap3A_213, %swap3A_214], %swap3A_217 {add = true, strides = array<i32>} : memref<2x32x1024xf32, #tpu.memory_space<vmem>>, vector<1x1x16xf32>,
        %get3A_218 = arith.index_cast %scan3A_188 : i32 to index
        %get3A_219 = arith.constant 48 : index
        %get3A_220 = tpu.vector_load %arg11[%get3A_218, %get3A_219] {strides = array<i32>} : memref<32x1024xf32, #tpu.memory_space<vmem>>, vector<1x16xf32>,
        %get3A_221 = vector.shape_cast %get3A_220 : vector<1x16xf32> to vector<16xf32>
        %swap3A_222 = arith.index_cast %and3A_71 : i32 to index
        %swap3A_223 = arith.index_cast %scan3A_188 : i32 to index
        %swap3A_224 = arith.constant 48 : index
        %swap3A_225 = tpu.vector_load %arg12[%swap3A_222, %swap3A_223, %swap3A_224] {strides = array<i32>} : memref<2x32x1024xf32, #tpu.memory_space<vmem>>, vector<1x1x16xf32>,
        %swap3A_226 = vector.shape_cast %swap3A_225 : vector<1x1x16xf32> to vector<16xf32>
        %swap3A_227 = vector.shape_cast %get3A_221 : vector<16xf32> to vector<1x1x16xf32>
        tpu.vector_store %arg12[%swap3A_222, %swap3A_223, %swap3A_224], %swap3A_227 {add = true, strides = array<i32>} : memref<2x32x1024xf32, #tpu.memory_space<vmem>>, vector<1x1x16xf32>,
        %get3A_228 = arith.index_cast %scan3A_188 : i32 to index
        %get3A_229 = arith.constant 64 : index
        %get3A_230 = tpu.vector_load %arg11[%get3A_228, %get3A_229] {strides = array<i32>} : memref<32x1024xf32, #tpu.memory_space<vmem>>, vector<1x16xf32>,
        %get3A_231 = vector.shape_cast %get3A_230 : vector<1x16xf32> to vector<16xf32>
        %swap3A_232 = arith.index_cast %and3A_71 : i32 to index
        %swap3A_233 = arith.index_cast %scan3A_188 : i32 to index
        %swap3A_234 = arith.constant 64 : index
        %swap3A_235 = tpu.vector_load %arg12[%swap3A_232, %swap3A_233, %swap3A_234] {strides = array<i32>} : memref<2x32x1024xf32, #tpu.memory_space<vmem>>, vector<1x1x16xf32>,
        %swap3A_236 = vector.shape_cast %swap3A_235 : vector<1x1x16xf32> to vector<16xf32>
        %swap3A_237 = vector.shape_cast %get3A_231 : vector<16xf32> to vector<1x1x16xf32>
        tpu.vector_store %arg12[%swap3A_232, %swap3A_233, %swap3A_234], %swap3A_237 {add = true, strides = array<i32>} : memref<2x32x1024xf32, #tpu.memory_space<vmem>>, vector<1x1x16xf32>,
        %get3A_238 = arith.index_cast %scan3A_188 : i32 to index
        %get3A_239 = arith.constant 80 : index
        %get3A_240 = tpu.vector_load %arg11[%get3A_238, %get3A_239] {strides = array<i32>} : memref<32x1024xf32, #tpu.memory_space<vmem>>, vector<1x16xf32>,
        %get3A_241 = vector.shape_cast %get3A_240 : vector<1x16xf32> to vector<16xf32>
        %swap3A_242 = arith.index_cast %and3A_71 : i32 to index
        %swap3A_243 = arith.index_cast %scan3A_188 : i32 to index
        %swap3A_244 = arith.constant 80 : index
        %swap3A_245 = tpu.vector_load %arg12[%swap3A_242, %swap3A_243, %swap3A_244] {strides = array<i32>} : memref<2x32x1024xf32, #tpu.memory_space<vmem>>, vector<1x1x16xf32>,
        %swap3A_246 = vector.shape_cast %swap3A_245 : vector<1x1x16xf32> to vector<16xf32>
        %swap3A_247 = vector.shape_cast %get3A_241 : vector<16xf32> to vector<1x1x16xf32>
        tpu.vector_store %arg12[%swap3A_242, %swap3A_243, %swap3A_244], %swap3A_247 {add = true, strides = array<i32>} : memref<2x32x1024xf32, #tpu.memory_space<vmem>>, vector<1x1x16xf32>,
        %get3A_248 = arith.index_cast %scan3A_188 : i32 to index
        %get3A_249 = arith.constant 96 : index
        %get3A_250 = tpu.vector_load %arg11[%get3A_248, %get3A_249] {strides = array<i32>} : memref<32x1024xf32, #tpu.memory_space<vmem>>, vector<1x16xf32>,
        %get3A_251 = vector.shape_cast %get3A_250 : vector<1x16xf32> to vector<16xf32>
        %swap3A_252 = arith.index_cast %and3A_71 : i32 to index
        %swap3A_253 = arith.index_cast %scan3A_188 : i32 to index
        %swap3A_254 = arith.constant 96 : index
        %swap3A_255 = tpu.vector_load %arg12[%swap3A_252, %swap3A_253, %swap3A_254] {strides = array<i32>} : memref<2x32x1024xf32, #tpu.memory_space<vmem>>, vector<1x1x16xf32>,
        %swap3A_256 = vector.shape_cast %swap3A_255 : vector<1x1x16xf32> to vector<16xf32>
        %swap3A_257 = vector.shape_cast %get3A_251 : vector<16xf32> to vector<1x1x16xf32>
        tpu.vector_store %arg12[%swap3A_252, %swap3A_253, %swap3A_254], %swap3A_257 {add = true, strides = array<i32>} : memref<2x32x1024xf32, #tpu.memory_space<vmem>>, vector<1x1x16xf32>,
        %get3A_258 = arith.index_cast %scan3A_188 : i32 to index
        %get3A_259 = arith.constant 112 : index
        %get3A_260 = tpu.vector_load %arg11[%get3A_258, %get3A_259] {strides = array<i32>} : memref<32x1024xf32, #tpu.memory_space<vmem>>, vector<1x16xf32>,
        %get3A_261 = vector.shape_cast %get3A_260 : vector<1x16xf32> to vector<16xf32>
        %swap3A_262 = arith.index_cast %and3A_71 : i32 to index
        %swap3A_263 = arith.index_cast %scan3A_188 : i32 to index
        %swap3A_264 = arith.constant 112 : index
        %swap3A_265 = tpu.vector_load %arg12[%swap3A_262, %swap3A_263, %swap3A_264] {strides = array<i32>} : memref<2x32x1024xf32, #tpu.memory_space<vmem>>, vector<1x1x16xf32>,
        %swap3A_266 = vector.shape_cast %swap3A_265 : vector<1x1x16xf32> to vector<16xf32>
        %swap3A_267 = vector.shape_cast %get3A_261 : vector<16xf32> to vector<1x1x16xf32>
        tpu.vector_store %arg12[%swap3A_262, %swap3A_263, %swap3A_264], %swap3A_267 {add = true, strides = array<i32>} : memref<2x32x1024xf32, #tpu.memory_space<vmem>>, vector<1x1x16xf32>,
        %get3A_268 = arith.index_cast %scan3A_188 : i32 to index
        %get3A_269 = arith.constant 128 : index
        %get3A_270 = tpu.vector_load %arg11[%get3A_268, %get3A_269] {strides = array<i32>} : memref<32x1024xf32, #tpu.memory_space<vmem>>, vector<1x16xf32>,
        %get3A_271 = vector.shape_cast %get3A_270 : vector<1x16xf32> to vector<16xf32>
        %swap3A_272 = arith.index_cast %and3A_71 : i32 to index
        %swap3A_273 = arith.index_cast %scan3A_188 : i32 to index
        %swap3A_274 = arith.constant 128 : index
        %swap3A_275 = tpu.vector_load %arg12[%swap3A_272, %swap3A_273, %swap3A_274] {strides = array<i32>} : memref<2x32x1024xf32, #tpu.memory_space<vmem>>, vector<1x1x16xf32>,
        %swap3A_276 = vector.shape_cast %swap3A_275 : vector<1x1x16xf32> to vector<16xf32>
        %swap3A_277 = vector.shape_cast %get3A_271 : vector<16xf32> to vector<1x1x16xf32>
        tpu.vector_store %arg12[%swap3A_272, %swap3A_273, %swap3A_274], %swap3A_277 {add = true, strides = array<i32>} : memref<2x32x1024xf32, #tpu.memory_space<vmem>>, vector<1x1x16xf32>,
        %get3A_278 = arith.index_cast %scan3A_188 : i32 to index
        %get3A_279 = arith.constant 144 : index
        %get3A_280 = tpu.vector_load %arg11[%get3A_278, %get3A_279] {strides = array<i32>} : memref<32x1024xf32, #tpu.memory_space<vmem>>, vector<1x16xf32>,
        %get3A_281 = vector.shape_cast %get3A_280 : vector<1x16xf32> to vector<16xf32>
        %swap3A_282 = arith.index_cast %and3A_71 : i32 to index
        %swap3A_283 = arith.index_cast %scan3A_188 : i32 to index
        %swap3A_284 = arith.constant 144 : index
        %swap3A_285 = tpu.vector_load %arg12[%swap3A_282, %swap3A_283, %swap3A_284] {strides = array<i32>} : memref<2x32x1024xf32, #tpu.memory_space<vmem>>, vector<1x1x16xf32>,
        %swap3A_286 = vector.shape_cast %swap3A_285 : vector<1x1x16xf32> to vector<16xf32>
        %swap3A_287 = vector.shape_cast %get3A_281 : vector<16xf32> to vector<1x1x16xf32>
        tpu.vector_store %arg12[%swap3A_282, %swap3A_283, %swap3A_284], %swap3A_287 {add = true, strides = array<i32>} : memref<2x32x1024xf32, #tpu.memory_space<vmem>>, vector<1x1x16xf32>,
        %get3A_288 = arith.index_cast %scan3A_188 : i32 to index
        %get3A_289 = arith.constant 160 : index
        %get3A_290 = tpu.vector_load %arg11[%get3A_288, %get3A_289] {strides = array<i32>} : memref<32x1024xf32, #tpu.memory_space<vmem>>, vector<1x16xf32>,
        %get3A_291 = vector.shape_cast %get3A_290 : vector<1x16xf32> to vector<16xf32>
        %swap3A_292 = arith.index_cast %and3A_71 : i32 to index
        %swap3A_293 = arith.index_cast %scan3A_188 : i32 to index
        %swap3A_294 = arith.constant 160 : index
        %swap3A_295 = tpu.vector_load %arg12[%swap3A_292, %swap3A_293, %swap3A_294] {strides = array<i32>} : memref<2x32x1024xf32, #tpu.memory_space<vmem>>, vector<1x1x16xf32>,
        %swap3A_296 = vector.shape_cast %swap3A_295 : vector<1x1x16xf32> to vector<16xf32>
        %swap3A_297 = vector.shape_cast %get3A_291 : vector<16xf32> to vector<1x1x16xf32>
        tpu.vector_store %arg12[%swap3A_292, %swap3A_293, %swap3A_294], %swap3A_297 {add = true, strides = array<i32>} : memref<2x32x1024xf32, #tpu.memory_space<vmem>>, vector<1x1x16xf32>,
        %get3A_298 = arith.index_cast %scan3A_188 : i32 to index
        %get3A_299 = arith.constant 176 : index
        %get3A_300 = tpu.vector_load %arg11[%get3A_298, %get3A_299] {strides = array<i32>} : memref<32x1024xf32, #tpu.memory_space<vmem>>, vector<1x16xf32>,
        %get3A_301 = vector.shape_cast %get3A_300 : vector<1x16xf32> to vector<16xf32>
        %swap3A_302 = arith.index_cast %and3A_71 : i32 to index
        %swap3A_303 = arith.index_cast %scan3A_188 : i32 to index
        %swap3A_304 = arith.constant 176 : index
        %swap3A_305 = tpu.vector_load %arg12[%swap3A_302, %swap3A_303, %swap3A_304] {strides = array<i32>} : memref<2x32x1024xf32, #tpu.memory_space<vmem>>, vector<1x1x16xf32>,
        %swap3A_306 = vector.shape_cast %swap3A_305 : vector<1x1x16xf32> to vector<16xf32>
        %swap3A_307 = vector.shape_cast %get3A_301 : vector<16xf32> to vector<1x1x16xf32>
        tpu.vector_store %arg12[%swap3A_302, %swap3A_303, %swap3A_304], %swap3A_307 {add = true, strides = array<i32>} : memref<2x32x1024xf32, #tpu.memory_space<vmem>>, vector<1x1x16xf32>,
        %get3A_308 = arith.index_cast %scan3A_188 : i32 to index
        %get3A_309 = arith.constant 192 : index
        %get3A_310 = tpu.vector_load %arg11[%get3A_308, %get3A_309] {strides = array<i32>} : memref<32x1024xf32, #tpu.memory_space<vmem>>, vector<1x16xf32>,
        %get3A_311 = vector.shape_cast %get3A_310 : vector<1x16xf32> to vector<16xf32>
        %swap3A_312 = arith.index_cast %and3A_71 : i32 to index
        %swap3A_313 = arith.index_cast %scan3A_188 : i32 to index
        %swap3A_314 = arith.constant 192 : index
        %swap3A_315 = tpu.vector_load %arg12[%swap3A_312, %swap3A_313, %swap3A_314] {strides = array<i32>} : memref<2x32x1024xf32, #tpu.memory_space<vmem>>, vector<1x1x16xf32>,
        %swap3A_316 = vector.shape_cast %swap3A_315 : vector<1x1x16xf32> to vector<16xf32>
        %swap3A_317 = vector.shape_cast %get3A_311 : vector<16xf32> to vector<1x1x16xf32>
        tpu.vector_store %arg12[%swap3A_312, %swap3A_313, %swap3A_314], %swap3A_317 {add = true, strides = array<i32>} : memref<2x32x1024xf32, #tpu.memory_space<vmem>>, vector<1x1x16xf32>,
        %get3A_318 = arith.index_cast %scan3A_188 : i32 to index
        %get3A_319 = arith.constant 208 : index
        %get3A_320 = tpu.vector_load %arg11[%get3A_318, %get3A_319] {strides = array<i32>} : memref<32x1024xf32, #tpu.memory_space<vmem>>, vector<1x16xf32>,
        %get3A_321 = vector.shape_cast %get3A_320 : vector<1x16xf32> to vector<16xf32>
        %swap3A_322 = arith.index_cast %and3A_71 : i32 to index
        %swap3A_323 = arith.index_cast %scan3A_188 : i32 to index
        %swap3A_324 = arith.constant 208 : index
        %swap3A_325 = tpu.vector_load %arg12[%swap3A_322, %swap3A_323, %swap3A_324] {strides = array<i32>} : memref<2x32x1024xf32, #tpu.memory_space<vmem>>, vector<1x1x16xf32>,
        %swap3A_326 = vector.shape_cast %swap3A_325 : vector<1x1x16xf32> to vector<16xf32>
        %swap3A_327 = vector.shape_cast %get3A_321 : vector<16xf32> to vector<1x1x16xf32>
        tpu.vector_store %arg12[%swap3A_322, %swap3A_323, %swap3A_324], %swap3A_327 {add = true, strides = array<i32>} : memref<2x32x1024xf32, #tpu.memory_space<vmem>>, vector<1x1x16xf32>,
        %get3A_328 = arith.index_cast %scan3A_188 : i32 to index
        %get3A_329 = arith.constant 224 : index
        %get3A_330 = tpu.vector_load %arg11[%get3A_328, %get3A_329] {strides = array<i32>} : memref<32x1024xf32, #tpu.memory_space<vmem>>, vector<1x16xf32>,
        %get3A_331 = vector.shape_cast %get3A_330 : vector<1x16xf32> to vector<16xf32>
        %swap3A_332 = arith.index_cast %and3A_71 : i32 to index
        %swap3A_333 = arith.index_cast %scan3A_188 : i32 to index
        %swap3A_334 = arith.constant 224 : index
        %swap3A_335 = tpu.vector_load %arg12[%swap3A_332, %swap3A_333, %swap3A_334] {strides = array<i32>} : memref<2x32x1024xf32, #tpu.memory_space<vmem>>, vector<1x1x16xf32>,
        %swap3A_336 = vector.shape_cast %swap3A_335 : vector<1x1x16xf32> to vector<16xf32>
        %swap3A_337 = vector.shape_cast %get3A_331 : vector<16xf32> to vector<1x1x16xf32>
        tpu.vector_store %arg12[%swap3A_332, %swap3A_333, %swap3A_334], %swap3A_337 {add = true, strides = array<i32>} : memref<2x32x1024xf32, #tpu.memory_space<vmem>>, vector<1x1x16xf32>,
        %get3A_338 = arith.index_cast %scan3A_188 : i32 to index
        %get3A_339 = arith.constant 240 : index
        %get3A_340 = tpu.vector_load %arg11[%get3A_338, %get3A_339] {strides = array<i32>} : memref<32x1024xf32, #tpu.memory_space<vmem>>, vector<1x16xf32>,
        %get3A_341 = vector.shape_cast %get3A_340 : vector<1x16xf32> to vector<16xf32>
        %swap3A_342 = arith.index_cast %and3A_71 : i32 to index
        %swap3A_343 = arith.index_cast %scan3A_188 : i32 to index
        %swap3A_344 = arith.constant 240 : index
        %swap3A_345 = tpu.vector_load %arg12[%swap3A_342, %swap3A_343, %swap3A_344] {strides = array<i32>} : memref<2x32x1024xf32, #tpu.memory_space<vmem>>, vector<1x1x16xf32>,
        %swap3A_346 = vector.shape_cast %swap3A_345 : vector<1x1x16xf32> to vector<16xf32>
        %swap3A_347 = vector.shape_cast %get3A_341 : vector<16xf32> to vector<1x1x16xf32>
        tpu.vector_store %arg12[%swap3A_342, %swap3A_343, %swap3A_344], %swap3A_347 {add = true, strides = array<i32>} : memref<2x32x1024xf32, #tpu.memory_space<vmem>>, vector<1x1x16xf32>,
        %get3A_348 = arith.index_cast %scan3A_188 : i32 to index
        %get3A_349 = arith.constant 256 : index
        %get3A_350 = tpu.vector_load %arg11[%get3A_348, %get3A_349] {strides = array<i32>} : memref<32x1024xf32, #tpu.memory_space<vmem>>, vector<1x16xf32>,
        %get3A_351 = vector.shape_cast %get3A_350 : vector<1x16xf32> to vector<16xf32>
        %swap3A_352 = arith.index_cast %and3A_71 : i32 to index
        %swap3A_353 = arith.index_cast %scan3A_188 : i32 to index
        %swap3A_354 = arith.constant 256 : index
        %swap3A_355 = tpu.vector_load %arg12[%swap3A_352, %swap3A_353, %swap3A_354] {strides = array<i32>} : memref<2x32x1024xf32, #tpu.memory_space<vmem>>, vector<1x1x16xf32>,
        %swap3A_356 = vector.shape_cast %swap3A_355 : vector<1x1x16xf32> to vector<16xf32>
        %swap3A_357 = vector.shape_cast %get3A_351 : vector<16xf32> to vector<1x1x16xf32>
        tpu.vector_store %arg12[%swap3A_352, %swap3A_353, %swap3A_354], %swap3A_357 {add = true, strides = array<i32>} : memref<2x32x1024xf32, #tpu.memory_space<vmem>>, vector<1x1x16xf32>,
        %get3A_358 = arith.index_cast %scan3A_188 : i32 to index
        %get3A_359 = arith.constant 272 : index
        %get3A_360 = tpu.vector_load %arg11[%get3A_358, %get3A_359] {strides = array<i32>} : memref<32x1024xf32, #tpu.memory_space<vmem>>, vector<1x16xf32>,
        %get3A_361 = vector.shape_cast %get3A_360 : vector<1x16xf32> to vector<16xf32>
        %swap3A_362 = arith.index_cast %and3A_71 : i32 to index
        %swap3A_363 = arith.index_cast %scan3A_188 : i32 to index
        %swap3A_364 = arith.constant 272 : index
        %swap3A_365 = tpu.vector_load %arg12[%swap3A_362, %swap3A_363, %swap3A_364] {strides = array<i32>} : memref<2x32x1024xf32, #tpu.memory_space<vmem>>, vector<1x1x16xf32>,
        %swap3A_366 = vector.shape_cast %swap3A_365 : vector<1x1x16xf32> to vector<16xf32>
        %swap3A_367 = vector.shape_cast %get3A_361 : vector<16xf32> to vector<1x1x16xf32>
        tpu.vector_store %arg12[%swap3A_362, %swap3A_363, %swap3A_364], %swap3A_367 {add = true, strides = array<i32>} : memref<2x32x1024xf32, #tpu.memory_space<vmem>>, vector<1x1x16xf32>,
        %get3A_368 = arith.index_cast %scan3A_188 : i32 to index
        %get3A_369 = arith.constant 288 : index
        %get3A_370 = tpu.vector_load %arg11[%get3A_368, %get3A_369] {strides = array<i32>} : memref<32x1024xf32, #tpu.memory_space<vmem>>, vector<1x16xf32>,
        %get3A_371 = vector.shape_cast %get3A_370 : vector<1x16xf32> to vector<16xf32>
        %swap3A_372 = arith.index_cast %and3A_71 : i32 to index
        %swap3A_373 = arith.index_cast %scan3A_188 : i32 to index
        %swap3A_374 = arith.constant 288 : index
        %swap3A_375 = tpu.vector_load %arg12[%swap3A_372, %swap3A_373, %swap3A_374] {strides = array<i32>} : memref<2x32x1024xf32, #tpu.memory_space<vmem>>, vector<1x1x16xf32>,
        %swap3A_376 = vector.shape_cast %swap3A_375 : vector<1x1x16xf32> to vector<16xf32>
        %swap3A_377 = vector.shape_cast %get3A_371 : vector<16xf32> to vector<1x1x16xf32>
        tpu.vector_store %arg12[%swap3A_372, %swap3A_373, %swap3A_374], %swap3A_377 {add = true, strides = array<i32>} : memref<2x32x1024xf32, #tpu.memory_space<vmem>>, vector<1x1x16xf32>,
        %get3A_378 = arith.index_cast %scan3A_188 : i32 to index
        %get3A_379 = arith.constant 304 : index
        %get3A_380 = tpu.vector_load %arg11[%get3A_378, %get3A_379] {strides = array<i32>} : memref<32x1024xf32, #tpu.memory_space<vmem>>, vector<1x16xf32>,
        %get3A_381 = vector.shape_cast %get3A_380 : vector<1x16xf32> to vector<16xf32>
        %swap3A_382 = arith.index_cast %and3A_71 : i32 to index
        %swap3A_383 = arith.index_cast %scan3A_188 : i32 to index
        %swap3A_384 = arith.constant 304 : index
        %swap3A_385 = tpu.vector_load %arg12[%swap3A_382, %swap3A_383, %swap3A_384] {strides = array<i32>} : memref<2x32x1024xf32, #tpu.memory_space<vmem>>, vector<1x1x16xf32>,
        %swap3A_386 = vector.shape_cast %swap3A_385 : vector<1x1x16xf32> to vector<16xf32>
        %swap3A_387 = vector.shape_cast %get3A_381 : vector<16xf32> to vector<1x1x16xf32>
        tpu.vector_store %arg12[%swap3A_382, %swap3A_383, %swap3A_384], %swap3A_387 {add = true, strides = array<i32>} : memref<2x32x1024xf32, #tpu.memory_space<vmem>>, vector<1x1x16xf32>,
        %get3A_388 = arith.index_cast %scan3A_188 : i32 to index
        %get3A_389 = arith.constant 320 : index
        %get3A_390 = tpu.vector_load %arg11[%get3A_388, %get3A_389] {strides = array<i32>} : memref<32x1024xf32, #tpu.memory_space<vmem>>, vector<1x16xf32>,
        %get3A_391 = vector.shape_cast %get3A_390 : vector<1x16xf32> to vector<16xf32>
        %swap3A_392 = arith.index_cast %and3A_71 : i32 to index
        %swap3A_393 = arith.index_cast %scan3A_188 : i32 to index
        %swap3A_394 = arith.constant 320 : index
        %swap3A_395 = tpu.vector_load %arg12[%swap3A_392, %swap3A_393, %swap3A_394] {strides = array<i32>} : memref<2x32x1024xf32, #tpu.memory_space<vmem>>, vector<1x1x16xf32>,
        %swap3A_396 = vector.shape_cast %swap3A_395 : vector<1x1x16xf32> to vector<16xf32>
        %swap3A_397 = vector.shape_cast %get3A_391 : vector<16xf32> to vector<1x1x16xf32>
        tpu.vector_store %arg12[%swap3A_392, %swap3A_393, %swap3A_394], %swap3A_397 {add = true, strides = array<i32>} : memref<2x32x1024xf32, #tpu.memory_space<vmem>>, vector<1x1x16xf32>,
        %get3A_398 = arith.index_cast %scan3A_188 : i32 to index
        %get3A_399 = arith.constant 336 : index
        %get3A_400 = tpu.vector_load %arg11[%get3A_398, %get3A_399] {strides = array<i32>} : memref<32x1024xf32, #tpu.memory_space<vmem>>, vector<1x16xf32>,
        %get3A_401 = vector.shape_cast %get3A_400 : vector<1x16xf32> to vector<16xf32>
        %swap3A_402 = arith.index_cast %and3A_71 : i32 to index
        %swap3A_403 = arith.index_cast %scan3A_188 : i32 to index
        %swap3A_404 = arith.constant 336 : index
        %swap3A_405 = tpu.vector_load %arg12[%swap3A_402, %swap3A_403, %swap3A_404] {strides = array<i32>} : memref<2x32x1024xf32, #tpu.memory_space<vmem>>, vector<1x1x16xf32>,
        %swap3A_406 = vector.shape_cast %swap3A_405 : vector<1x1x16xf32> to vector<16xf32>
        %swap3A_407 = vector.shape_cast %get3A_401 : vector<16xf32> to vector<1x1x16xf32>
        tpu.vector_store %arg12[%swap3A_402, %swap3A_403, %swap3A_404], %swap3A_407 {add = true, strides = array<i32>} : memref<2x32x1024xf32, #tpu.memory_space<vmem>>, vector<1x1x16xf32>,
        %get3A_408 = arith.index_cast %scan3A_188 : i32 to index
        %get3A_409 = arith.constant 352 : index
        %get3A_410 = tpu.vector_load %arg11[%get3A_408, %get3A_409] {strides = array<i32>} : memref<32x1024xf32, #tpu.memory_space<vmem>>, vector<1x16xf32>,
        %get3A_411 = vector.shape_cast %get3A_410 : vector<1x16xf32> to vector<16xf32>
        %swap3A_412 = arith.index_cast %and3A_71 : i32 to index
        %swap3A_413 = arith.index_cast %scan3A_188 : i32 to index
        %swap3A_414 = arith.constant 352 : index
        %swap3A_415 = tpu.vector_load %arg12[%swap3A_412, %swap3A_413, %swap3A_414] {strides = array<i32>} : memref<2x32x1024xf32, #tpu.memory_space<vmem>>, vector<1x1x16xf32>,
        %swap3A_416 = vector.shape_cast %swap3A_415 : vector<1x1x16xf32> to vector<16xf32>
        %swap3A_417 = vector.shape_cast %get3A_411 : vector<16xf32> to vector<1x1x16xf32>
        tpu.vector_store %arg12[%swap3A_412, %swap3A_413, %swap3A_414], %swap3A_417 {add = true, strides = array<i32>} : memref<2x32x1024xf32, #tpu.memory_space<vmem>>, vector<1x1x16xf32>,
        %get3A_418 = arith.index_cast %scan3A_188 : i32 to index
        %get3A_419 = arith.constant 368 : index
        %get3A_420 = tpu.vector_load %arg11[%get3A_418, %get3A_419] {strides = array<i32>} : memref<32x1024xf32, #tpu.memory_space<vmem>>, vector<1x16xf32>,
        %get3A_421 = vector.shape_cast %get3A_420 : vector<1x16xf32> to vector<16xf32>
        %swap3A_422 = arith.index_cast %and3A_71 : i32 to index
        %swap3A_423 = arith.index_cast %scan3A_188 : i32 to index
        %swap3A_424 = arith.constant 368 : index
        %swap3A_425 = tpu.vector_load %arg12[%swap3A_422, %swap3A_423, %swap3A_424] {strides = array<i32>} : memref<2x32x1024xf32, #tpu.memory_space<vmem>>, vector<1x1x16xf32>,
        %swap3A_426 = vector.shape_cast %swap3A_425 : vector<1x1x16xf32> to vector<16xf32>
        %swap3A_427 = vector.shape_cast %get3A_421 : vector<16xf32> to vector<1x1x16xf32>
        tpu.vector_store %arg12[%swap3A_422, %swap3A_423, %swap3A_424], %swap3A_427 {add = true, strides = array<i32>} : memref<2x32x1024xf32, #tpu.memory_space<vmem>>, vector<1x1x16xf32>,
        %get3A_428 = arith.index_cast %scan3A_188 : i32 to index
        %get3A_429 = arith.constant 384 : index
        %get3A_430 = tpu.vector_load %arg11[%get3A_428, %get3A_429] {strides = array<i32>} : memref<32x1024xf32, #tpu.memory_space<vmem>>, vector<1x16xf32>,
        %get3A_431 = vector.shape_cast %get3A_430 : vector<1x16xf32> to vector<16xf32>
        %swap3A_432 = arith.index_cast %and3A_71 : i32 to index
        %swap3A_433 = arith.index_cast %scan3A_188 : i32 to index
        %swap3A_434 = arith.constant 384 : index
        %swap3A_435 = tpu.vector_load %arg12[%swap3A_432, %swap3A_433, %swap3A_434] {strides = array<i32>} : memref<2x32x1024xf32, #tpu.memory_space<vmem>>, vector<1x1x16xf32>,
        %swap3A_436 = vector.shape_cast %swap3A_435 : vector<1x1x16xf32> to vector<16xf32>
        %swap3A_437 = vector.shape_cast %get3A_431 : vector<16xf32> to vector<1x1x16xf32>
        tpu.vector_store %arg12[%swap3A_432, %swap3A_433, %swap3A_434], %swap3A_437 {add = true, strides = array<i32>} : memref<2x32x1024xf32, #tpu.memory_space<vmem>>, vector<1x1x16xf32>,
        %get3A_438 = arith.index_cast %scan3A_188 : i32 to index
        %get3A_439 = arith.constant 400 : index
        %get3A_440 = tpu.vector_load %arg11[%get3A_438, %get3A_439] {strides = array<i32>} : memref<32x1024xf32, #tpu.memory_space<vmem>>, vector<1x16xf32>,
        %get3A_441 = vector.shape_cast %get3A_440 : vector<1x16xf32> to vector<16xf32>
        %swap3A_442 = arith.index_cast %and3A_71 : i32 to index
        %swap3A_443 = arith.index_cast %scan3A_188 : i32 to index
        %swap3A_444 = arith.constant 400 : index
        %swap3A_445 = tpu.vector_load %arg12[%swap3A_442, %swap3A_443, %swap3A_444] {strides = array<i32>} : memref<2x32x1024xf32, #tpu.memory_space<vmem>>, vector<1x1x16xf32>,
        %swap3A_446 = vector.shape_cast %swap3A_445 : vector<1x1x16xf32> to vector<16xf32>
        %swap3A_447 = vector.shape_cast %get3A_441 : vector<16xf32> to vector<1x1x16xf32>
        tpu.vector_store %arg12[%swap3A_442, %swap3A_443, %swap3A_444], %swap3A_447 {add = true, strides = array<i32>} : memref<2x32x1024xf32, #tpu.memory_space<vmem>>, vector<1x1x16xf32>,
        %get3A_448 = arith.index_cast %scan3A_188 : i32 to index
        %get3A_449 = arith.constant 416 : index
        %get3A_450 = tpu.vector_load %arg11[%get3A_448, %get3A_449] {strides = array<i32>} : memref<32x1024xf32, #tpu.memory_space<vmem>>, vector<1x16xf32>,
        %get3A_451 = vector.shape_cast %get3A_450 : vector<1x16xf32> to vector<16xf32>
        %swap3A_452 = arith.index_cast %and3A_71 : i32 to index
        %swap3A_453 = arith.index_cast %scan3A_188 : i32 to index
        %swap3A_454 = arith.constant 416 : index
        %swap3A_455 = tpu.vector_load %arg12[%swap3A_452, %swap3A_453, %swap3A_454] {strides = array<i32>} : memref<2x32x1024xf32, #tpu.memory_space<vmem>>, vector<1x1x16xf32>,
        %swap3A_456 = vector.shape_cast %swap3A_455 : vector<1x1x16xf32> to vector<16xf32>
        %swap3A_457 = vector.shape_cast %get3A_451 : vector<16xf32> to vector<1x1x16xf32>
        tpu.vector_store %arg12[%swap3A_452, %swap3A_453, %swap3A_454], %swap3A_457 {add = true, strides = array<i32>} : memref<2x32x1024xf32, #tpu.memory_space<vmem>>, vector<1x1x16xf32>,
        %get3A_458 = arith.index_cast %scan3A_188 : i32 to index
        %get3A_459 = arith.constant 432 : index
        %get3A_460 = tpu.vector_load %arg11[%get3A_458, %get3A_459] {strides = array<i32>} : memref<32x1024xf32, #tpu.memory_space<vmem>>, vector<1x16xf32>,
        %get3A_461 = vector.shape_cast %get3A_460 : vector<1x16xf32> to vector<16xf32>
        %swap3A_462 = arith.index_cast %and3A_71 : i32 to index
        %swap3A_463 = arith.index_cast %scan3A_188 : i32 to index
        %swap3A_464 = arith.constant 432 : index
        %swap3A_465 = tpu.vector_load %arg12[%swap3A_462, %swap3A_463, %swap3A_464] {strides = array<i32>} : memref<2x32x1024xf32, #tpu.memory_space<vmem>>, vector<1x1x16xf32>,
        %swap3A_466 = vector.shape_cast %swap3A_465 : vector<1x1x16xf32> to vector<16xf32>
        %swap3A_467 = vector.shape_cast %get3A_461 : vector<16xf32> to vector<1x1x16xf32>
        tpu.vector_store %arg12[%swap3A_462, %swap3A_463, %swap3A_464], %swap3A_467 {add = true, strides = array<i32>} : memref<2x32x1024xf32, #tpu.memory_space<vmem>>, vector<1x1x16xf32>,
        %get3A_468 = arith.index_cast %scan3A_188 : i32 to index
        %get3A_469 = arith.constant 448 : index
        %get3A_470 = tpu.vector_load %arg11[%get3A_468, %get3A_469] {strides = array<i32>} : memref<32x1024xf32, #tpu.memory_space<vmem>>, vector<1x16xf32>,
        %get3A_471 = vector.shape_cast %get3A_470 : vector<1x16xf32> to vector<16xf32>
        %swap3A_472 = arith.index_cast %and3A_71 : i32 to index
        %swap3A_473 = arith.index_cast %scan3A_188 : i32 to index
        %swap3A_474 = arith.constant 448 : index
        %swap3A_475 = tpu.vector_load %arg12[%swap3A_472, %swap3A_473, %swap3A_474] {strides = array<i32>} : memref<2x32x1024xf32, #tpu.memory_space<vmem>>, vector<1x1x16xf32>,
        %swap3A_476 = vector.shape_cast %swap3A_475 : vector<1x1x16xf32> to vector<16xf32>
        %swap3A_477 = vector.shape_cast %get3A_471 : vector<16xf32> to vector<1x1x16xf32>
        tpu.vector_store %arg12[%swap3A_472, %swap3A_473, %swap3A_474], %swap3A_477 {add = true, strides = array<i32>} : memref<2x32x1024xf32, #tpu.memory_space<vmem>>, vector<1x1x16xf32>,
        %get3A_478 = arith.index_cast %scan3A_188 : i32 to index
        %get3A_479 = arith.constant 464 : index
        %get3A_480 = tpu.vector_load %arg11[%get3A_478, %get3A_479] {strides = array<i32>} : memref<32x1024xf32, #tpu.memory_space<vmem>>, vector<1x16xf32>,
        %get3A_481 = vector.shape_cast %get3A_480 : vector<1x16xf32> to vector<16xf32>
        %swap3A_482 = arith.index_cast %and3A_71 : i32 to index
        %swap3A_483 = arith.index_cast %scan3A_188 : i32 to index
        %swap3A_484 = arith.constant 464 : index
        %swap3A_485 = tpu.vector_load %arg12[%swap3A_482, %swap3A_483, %swap3A_484] {strides = array<i32>} : memref<2x32x1024xf32, #tpu.memory_space<vmem>>, vector<1x1x16xf32>,
        %swap3A_486 = vector.shape_cast %swap3A_485 : vector<1x1x16xf32> to vector<16xf32>
        %swap3A_487 = vector.shape_cast %get3A_481 : vector<16xf32> to vector<1x1x16xf32>
        tpu.vector_store %arg12[%swap3A_482, %swap3A_483, %swap3A_484], %swap3A_487 {add = true, strides = array<i32>} : memref<2x32x1024xf32, #tpu.memory_space<vmem>>, vector<1x1x16xf32>,
        %get3A_488 = arith.index_cast %scan3A_188 : i32 to index
        %get3A_489 = arith.constant 480 : index
        %get3A_490 = tpu.vector_load %arg11[%get3A_488, %get3A_489] {strides = array<i32>} : memref<32x1024xf32, #tpu.memory_space<vmem>>, vector<1x16xf32>,
        %get3A_491 = vector.shape_cast %get3A_490 : vector<1x16xf32> to vector<16xf32>
        %swap3A_492 = arith.index_cast %and3A_71 : i32 to index
        %swap3A_493 = arith.index_cast %scan3A_188 : i32 to index
        %swap3A_494 = arith.constant 480 : index
        %swap3A_495 = tpu.vector_load %arg12[%swap3A_492, %swap3A_493, %swap3A_494] {strides = array<i32>} : memref<2x32x1024xf32, #tpu.memory_space<vmem>>, vector<1x1x16xf32>,
        %swap3A_496 = vector.shape_cast %swap3A_495 : vector<1x1x16xf32> to vector<16xf32>
        %swap3A_497 = vector.shape_cast %get3A_491 : vector<16xf32> to vector<1x1x16xf32>
        tpu.vector_store %arg12[%swap3A_492, %swap3A_493, %swap3A_494], %swap3A_497 {add = true, strides = array<i32>} : memref<2x32x1024xf32, #tpu.memory_space<vmem>>, vector<1x1x16xf32>,
        %get3A_498 = arith.index_cast %scan3A_188 : i32 to index
        %get3A_499 = arith.constant 496 : index
        %get3A_500 = tpu.vector_load %arg11[%get3A_498, %get3A_499] {strides = array<i32>} : memref<32x1024xf32, #tpu.memory_space<vmem>>, vector<1x16xf32>,
        %get3A_501 = vector.shape_cast %get3A_500 : vector<1x16xf32> to vector<16xf32>
        %swap3A_502 = arith.index_cast %and3A_71 : i32 to index
        %swap3A_503 = arith.index_cast %scan3A_188 : i32 to index
        %swap3A_504 = arith.constant 496 : index
        %swap3A_505 = tpu.vector_load %arg12[%swap3A_502, %swap3A_503, %swap3A_504] {strides = array<i32>} : memref<2x32x1024xf32, #tpu.memory_space<vmem>>, vector<1x1x16xf32>,
        %swap3A_506 = vector.shape_cast %swap3A_505 : vector<1x1x16xf32> to vector<16xf32>
        %swap3A_507 = vector.shape_cast %get3A_501 : vector<16xf32> to vector<1x1x16xf32>
        tpu.vector_store %arg12[%swap3A_502, %swap3A_503, %swap3A_504], %swap3A_507 {add = true, strides = array<i32>} : memref<2x32x1024xf32, #tpu.memory_space<vmem>>, vector<1x1x16xf32>,
        %get3A_508 = arith.index_cast %scan3A_188 : i32 to index
        %get3A_509 = arith.constant 512 : index
        %get3A_510 = tpu.vector_load %arg11[%get3A_508, %get3A_509] {strides = array<i32>} : memref<32x1024xf32, #tpu.memory_space<vmem>>, vector<1x16xf32>,
        %get3A_511 = vector.shape_cast %get3A_510 : vector<1x16xf32> to vector<16xf32>
        %swap3A_512 = arith.index_cast %and3A_71 : i32 to index
        %swap3A_513 = arith.index_cast %scan3A_188 : i32 to index
        %swap3A_514 = arith.constant 512 : index
        %swap3A_515 = tpu.vector_load %arg12[%swap3A_512, %swap3A_513, %swap3A_514] {strides = array<i32>} : memref<2x32x1024xf32, #tpu.memory_space<vmem>>, vector<1x1x16xf32>,
        %swap3A_516 = vector.shape_cast %swap3A_515 : vector<1x1x16xf32> to vector<16xf32>
        %swap3A_517 = vector.shape_cast %get3A_511 : vector<16xf32> to vector<1x1x16xf32>
        tpu.vector_store %arg12[%swap3A_512, %swap3A_513, %swap3A_514], %swap3A_517 {add = true, strides = array<i32>} : memref<2x32x1024xf32, #tpu.memory_space<vmem>>, vector<1x1x16xf32>,
        %get3A_518 = arith.index_cast %scan3A_188 : i32 to index
        %get3A_519 = arith.constant 528 : index
        %get3A_520 = tpu.vector_load %arg11[%get3A_518, %get3A_519] {strides = array<i32>} : memref<32x1024xf32, #tpu.memory_space<vmem>>, vector<1x16xf32>,
        %get3A_521 = vector.shape_cast %get3A_520 : vector<1x16xf32> to vector<16xf32>
        %swap3A_522 = arith.index_cast %and3A_71 : i32 to index
        %swap3A_523 = arith.index_cast %scan3A_188 : i32 to index
        %swap3A_524 = arith.constant 528 : index
        %swap3A_525 = tpu.vector_load %arg12[%swap3A_522, %swap3A_523, %swap3A_524] {strides = array<i32>} : memref<2x32x1024xf32, #tpu.memory_space<vmem>>, vector<1x1x16xf32>,
        %swap3A_526 = vector.shape_cast %swap3A_525 : vector<1x1x16xf32> to vector<16xf32>
        %swap3A_527 = vector.shape_cast %get3A_521 : vector<16xf32> to vector<1x1x16xf32>
        tpu.vector_store %arg12[%swap3A_522, %swap3A_523, %swap3A_524], %swap3A_527 {add = true, strides = array<i32>} : memref<2x32x1024xf32, #tpu.memory_space<vmem>>, vector<1x1x16xf32>,
        %get3A_528 = arith.index_cast %scan3A_188 : i32 to index
        %get3A_529 = arith.constant 544 : index
        %get3A_530 = tpu.vector_load %arg11[%get3A_528, %get3A_529] {strides = array<i32>} : memref<32x1024xf32, #tpu.memory_space<vmem>>, vector<1x16xf32>,
        %get3A_531 = vector.shape_cast %get3A_530 : vector<1x16xf32> to vector<16xf32>
        %swap3A_532 = arith.index_cast %and3A_71 : i32 to index
        %swap3A_533 = arith.index_cast %scan3A_188 : i32 to index
        %swap3A_534 = arith.constant 544 : index
        %swap3A_535 = tpu.vector_load %arg12[%swap3A_532, %swap3A_533, %swap3A_534] {strides = array<i32>} : memref<2x32x1024xf32, #tpu.memory_space<vmem>>, vector<1x1x16xf32>,
        %swap3A_536 = vector.shape_cast %swap3A_535 : vector<1x1x16xf32> to vector<16xf32>
        %swap3A_537 = vector.shape_cast %get3A_531 : vector<16xf32> to vector<1x1x16xf32>
        tpu.vector_store %arg12[%swap3A_532, %swap3A_533, %swap3A_534], %swap3A_537 {add = true, strides = array<i32>} : memref<2x32x1024xf32, #tpu.memory_space<vmem>>, vector<1x1x16xf32>,
        %get3A_538 = arith.index_cast %scan3A_188 : i32 to index
        %get3A_539 = arith.constant 560 : index
        %get3A_540 = tpu.vector_load %arg11[%get3A_538, %get3A_539] {strides = array<i32>} : memref<32x1024xf32, #tpu.memory_space<vmem>>, vector<1x16xf32>,
        %get3A_541 = vector.shape_cast %get3A_540 : vector<1x16xf32> to vector<16xf32>
        %swap3A_542 = arith.index_cast %and3A_71 : i32 to index
        %swap3A_543 = arith.index_cast %scan3A_188 : i32 to index
        %swap3A_544 = arith.constant 560 : index
        %swap3A_545 = tpu.vector_load %arg12[%swap3A_542, %swap3A_543, %swap3A_544] {strides = array<i32>} : memref<2x32x1024xf32, #tpu.memory_space<vmem>>, vector<1x1x16xf32>,
        %swap3A_546 = vector.shape_cast %swap3A_545 : vector<1x1x16xf32> to vector<16xf32>
        %swap3A_547 = vector.shape_cast %get3A_541 : vector<16xf32> to vector<1x1x16xf32>
        tpu.vector_store %arg12[%swap3A_542, %swap3A_543, %swap3A_544], %swap3A_547 {add = true, strides = array<i32>} : memref<2x32x1024xf32, #tpu.memory_space<vmem>>, vector<1x1x16xf32>,
        %get3A_548 = arith.index_cast %scan3A_188 : i32 to index
        %get3A_549 = arith.constant 576 : index
        %get3A_550 = tpu.vector_load %arg11[%get3A_548, %get3A_549] {strides = array<i32>} : memref<32x1024xf32, #tpu.memory_space<vmem>>, vector<1x16xf32>,
        %get3A_551 = vector.shape_cast %get3A_550 : vector<1x16xf32> to vector<16xf32>
        %swap3A_552 = arith.index_cast %and3A_71 : i32 to index
        %swap3A_553 = arith.index_cast %scan3A_188 : i32 to index
        %swap3A_554 = arith.constant 576 : index
        %swap3A_555 = tpu.vector_load %arg12[%swap3A_552, %swap3A_553, %swap3A_554] {strides = array<i32>} : memref<2x32x1024xf32, #tpu.memory_space<vmem>>, vector<1x1x16xf32>,
        %swap3A_556 = vector.shape_cast %swap3A_555 : vector<1x1x16xf32> to vector<16xf32>
        %swap3A_557 = vector.shape_cast %get3A_551 : vector<16xf32> to vector<1x1x16xf32>
        tpu.vector_store %arg12[%swap3A_552, %swap3A_553, %swap3A_554], %swap3A_557 {add = true, strides = array<i32>} : memref<2x32x1024xf32, #tpu.memory_space<vmem>>, vector<1x1x16xf32>,
        %get3A_558 = arith.index_cast %scan3A_188 : i32 to index
        %get3A_559 = arith.constant 592 : index
        %get3A_560 = tpu.vector_load %arg11[%get3A_558, %get3A_559] {strides = array<i32>} : memref<32x1024xf32, #tpu.memory_space<vmem>>, vector<1x16xf32>,
        %get3A_561 = vector.shape_cast %get3A_560 : vector<1x16xf32> to vector<16xf32>
        %swap3A_562 = arith.index_cast %and3A_71 : i32 to index
        %swap3A_563 = arith.index_cast %scan3A_188 : i32 to index
        %swap3A_564 = arith.constant 592 : index
        %swap3A_565 = tpu.vector_load %arg12[%swap3A_562, %swap3A_563, %swap3A_564] {strides = array<i32>} : memref<2x32x1024xf32, #tpu.memory_space<vmem>>, vector<1x1x16xf32>,
        %swap3A_566 = vector.shape_cast %swap3A_565 : vector<1x1x16xf32> to vector<16xf32>
        %swap3A_567 = vector.shape_cast %get3A_561 : vector<16xf32> to vector<1x1x16xf32>
        tpu.vector_store %arg12[%swap3A_562, %swap3A_563, %swap3A_564], %swap3A_567 {add = true, strides = array<i32>} : memref<2x32x1024xf32, #tpu.memory_space<vmem>>, vector<1x1x16xf32>,
        %get3A_568 = arith.index_cast %scan3A_188 : i32 to index
        %get3A_569 = arith.constant 608 : index
        %get3A_570 = tpu.vector_load %arg11[%get3A_568, %get3A_569] {strides = array<i32>} : memref<32x1024xf32, #tpu.memory_space<vmem>>, vector<1x16xf32>,
        %get3A_571 = vector.shape_cast %get3A_570 : vector<1x16xf32> to vector<16xf32>
        %swap3A_572 = arith.index_cast %and3A_71 : i32 to index
        %swap3A_573 = arith.index_cast %scan3A_188 : i32 to index
        %swap3A_574 = arith.constant 608 : index
        %swap3A_575 = tpu.vector_load %arg12[%swap3A_572, %swap3A_573, %swap3A_574] {strides = array<i32>} : memref<2x32x1024xf32, #tpu.memory_space<vmem>>, vector<1x1x16xf32>,
        %swap3A_576 = vector.shape_cast %swap3A_575 : vector<1x1x16xf32> to vector<16xf32>
        %swap3A_577 = vector.shape_cast %get3A_571 : vector<16xf32> to vector<1x1x16xf32>
        tpu.vector_store %arg12[%swap3A_572, %swap3A_573, %swap3A_574], %swap3A_577 {add = true, strides = array<i32>} : memref<2x32x1024xf32, #tpu.memory_space<vmem>>, vector<1x1x16xf32>,
        %get3A_578 = arith.index_cast %scan3A_188 : i32 to index
        %get3A_579 = arith.constant 624 : index
        %get3A_580 = tpu.vector_load %arg11[%get3A_578, %get3A_579] {strides = array<i32>} : memref<32x1024xf32, #tpu.memory_space<vmem>>, vector<1x16xf32>,
        %get3A_581 = vector.shape_cast %get3A_580 : vector<1x16xf32> to vector<16xf32>
        %swap3A_582 = arith.index_cast %and3A_71 : i32 to index
        %swap3A_583 = arith.index_cast %scan3A_188 : i32 to index
        %swap3A_584 = arith.constant 624 : index
        %swap3A_585 = tpu.vector_load %arg12[%swap3A_582, %swap3A_583, %swap3A_584] {strides = array<i32>} : memref<2x32x1024xf32, #tpu.memory_space<vmem>>, vector<1x1x16xf32>,
        %swap3A_586 = vector.shape_cast %swap3A_585 : vector<1x1x16xf32> to vector<16xf32>
        %swap3A_587 = vector.shape_cast %get3A_581 : vector<16xf32> to vector<1x1x16xf32>
        tpu.vector_store %arg12[%swap3A_582, %swap3A_583, %swap3A_584], %swap3A_587 {add = true, strides = array<i32>} : memref<2x32x1024xf32, #tpu.memory_space<vmem>>, vector<1x1x16xf32>,
        %get3A_588 = arith.index_cast %scan3A_188 : i32 to index
        %get3A_589 = arith.constant 640 : index
        %get3A_590 = tpu.vector_load %arg11[%get3A_588, %get3A_589] {strides = array<i32>} : memref<32x1024xf32, #tpu.memory_space<vmem>>, vector<1x16xf32>,
        %get3A_591 = vector.shape_cast %get3A_590 : vector<1x16xf32> to vector<16xf32>
        %swap3A_592 = arith.index_cast %and3A_71 : i32 to index
        %swap3A_593 = arith.index_cast %scan3A_188 : i32 to index
        %swap3A_594 = arith.constant 640 : index
        %swap3A_595 = tpu.vector_load %arg12[%swap3A_592, %swap3A_593, %swap3A_594] {strides = array<i32>} : memref<2x32x1024xf32, #tpu.memory_space<vmem>>, vector<1x1x16xf32>,
        %swap3A_596 = vector.shape_cast %swap3A_595 : vector<1x1x16xf32> to vector<16xf32>
        %swap3A_597 = vector.shape_cast %get3A_591 : vector<16xf32> to vector<1x1x16xf32>
        tpu.vector_store %arg12[%swap3A_592, %swap3A_593, %swap3A_594], %swap3A_597 {add = true, strides = array<i32>} : memref<2x32x1024xf32, #tpu.memory_space<vmem>>, vector<1x1x16xf32>,
        %get3A_598 = arith.index_cast %scan3A_188 : i32 to index
        %get3A_599 = arith.constant 656 : index
        %get3A_600 = tpu.vector_load %arg11[%get3A_598, %get3A_599] {strides = array<i32>} : memref<32x1024xf32, #tpu.memory_space<vmem>>, vector<1x16xf32>,
        %get3A_601 = vector.shape_cast %get3A_600 : vector<1x16xf32> to vector<16xf32>
        %swap3A_602 = arith.index_cast %and3A_71 : i32 to index
        %swap3A_603 = arith.index_cast %scan3A_188 : i32 to index
        %swap3A_604 = arith.constant 656 : index
        %swap3A_605 = tpu.vector_load %arg12[%swap3A_602, %swap3A_603, %swap3A_604] {strides = array<i32>} : memref<2x32x1024xf32, #tpu.memory_space<vmem>>, vector<1x1x16xf32>,
        %swap3A_606 = vector.shape_cast %swap3A_605 : vector<1x1x16xf32> to vector<16xf32>
        %swap3A_607 = vector.shape_cast %get3A_601 : vector<16xf32> to vector<1x1x16xf32>
        tpu.vector_store %arg12[%swap3A_602, %swap3A_603, %swap3A_604], %swap3A_607 {add = true, strides = array<i32>} : memref<2x32x1024xf32, #tpu.memory_space<vmem>>, vector<1x1x16xf32>,
        %get3A_608 = arith.index_cast %scan3A_188 : i32 to index
        %get3A_609 = arith.constant 672 : index
        %get3A_610 = tpu.vector_load %arg11[%get3A_608, %get3A_609] {strides = array<i32>} : memref<32x1024xf32, #tpu.memory_space<vmem>>, vector<1x16xf32>,
        %get3A_611 = vector.shape_cast %get3A_610 : vector<1x16xf32> to vector<16xf32>
        %swap3A_612 = arith.index_cast %and3A_71 : i32 to index
        %swap3A_613 = arith.index_cast %scan3A_188 : i32 to index
        %swap3A_614 = arith.constant 672 : index
        %swap3A_615 = tpu.vector_load %arg12[%swap3A_612, %swap3A_613, %swap3A_614] {strides = array<i32>} : memref<2x32x1024xf32, #tpu.memory_space<vmem>>, vector<1x1x16xf32>,
        %swap3A_616 = vector.shape_cast %swap3A_615 : vector<1x1x16xf32> to vector<16xf32>
        %swap3A_617 = vector.shape_cast %get3A_611 : vector<16xf32> to vector<1x1x16xf32>
        tpu.vector_store %arg12[%swap3A_612, %swap3A_613, %swap3A_614], %swap3A_617 {add = true, strides = array<i32>} : memref<2x32x1024xf32, #tpu.memory_space<vmem>>, vector<1x1x16xf32>,
        %get3A_618 = arith.index_cast %scan3A_188 : i32 to index
        %get3A_619 = arith.constant 688 : index
        %get3A_620 = tpu.vector_load %arg11[%get3A_618, %get3A_619] {strides = array<i32>} : memref<32x1024xf32, #tpu.memory_space<vmem>>, vector<1x16xf32>,
        %get3A_621 = vector.shape_cast %get3A_620 : vector<1x16xf32> to vector<16xf32>
        %swap3A_622 = arith.index_cast %and3A_71 : i32 to index
        %swap3A_623 = arith.index_cast %scan3A_188 : i32 to index
        %swap3A_624 = arith.constant 688 : index
        %swap3A_625 = tpu.vector_load %arg12[%swap3A_622, %swap3A_623, %swap3A_624] {strides = array<i32>} : memref<2x32x1024xf32, #tpu.memory_space<vmem>>, vector<1x1x16xf32>,
        %swap3A_626 = vector.shape_cast %swap3A_625 : vector<1x1x16xf32> to vector<16xf32>
        %swap3A_627 = vector.shape_cast %get3A_621 : vector<16xf32> to vector<1x1x16xf32>
        tpu.vector_store %arg12[%swap3A_622, %swap3A_623, %swap3A_624], %swap3A_627 {add = true, strides = array<i32>} : memref<2x32x1024xf32, #tpu.memory_space<vmem>>, vector<1x1x16xf32>,
        %get3A_628 = arith.index_cast %scan3A_188 : i32 to index
        %get3A_629 = arith.constant 704 : index
        %get3A_630 = tpu.vector_load %arg11[%get3A_628, %get3A_629] {strides = array<i32>} : memref<32x1024xf32, #tpu.memory_space<vmem>>, vector<1x16xf32>,
        %get3A_631 = vector.shape_cast %get3A_630 : vector<1x16xf32> to vector<16xf32>
        %swap3A_632 = arith.index_cast %and3A_71 : i32 to index
        %swap3A_633 = arith.index_cast %scan3A_188 : i32 to index
        %swap3A_634 = arith.constant 704 : index
        %swap3A_635 = tpu.vector_load %arg12[%swap3A_632, %swap3A_633, %swap3A_634] {strides = array<i32>} : memref<2x32x1024xf32, #tpu.memory_space<vmem>>, vector<1x1x16xf32>,
        %swap3A_636 = vector.shape_cast %swap3A_635 : vector<1x1x16xf32> to vector<16xf32>
        %swap3A_637 = vector.shape_cast %get3A_631 : vector<16xf32> to vector<1x1x16xf32>
        tpu.vector_store %arg12[%swap3A_632, %swap3A_633, %swap3A_634], %swap3A_637 {add = true, strides = array<i32>} : memref<2x32x1024xf32, #tpu.memory_space<vmem>>, vector<1x1x16xf32>,
        %get3A_638 = arith.index_cast %scan3A_188 : i32 to index
        %get3A_639 = arith.constant 720 : index
        %get3A_640 = tpu.vector_load %arg11[%get3A_638, %get3A_639] {strides = array<i32>} : memref<32x1024xf32, #tpu.memory_space<vmem>>, vector<1x16xf32>,
        %get3A_641 = vector.shape_cast %get3A_640 : vector<1x16xf32> to vector<16xf32>
        %swap3A_642 = arith.index_cast %and3A_71 : i32 to index
        %swap3A_643 = arith.index_cast %scan3A_188 : i32 to index
        %swap3A_644 = arith.constant 720 : index
        %swap3A_645 = tpu.vector_load %arg12[%swap3A_642, %swap3A_643, %swap3A_644] {strides = array<i32>} : memref<2x32x1024xf32, #tpu.memory_space<vmem>>, vector<1x1x16xf32>,
        %swap3A_646 = vector.shape_cast %swap3A_645 : vector<1x1x16xf32> to vector<16xf32>
        %swap3A_647 = vector.shape_cast %get3A_641 : vector<16xf32> to vector<1x1x16xf32>
        tpu.vector_store %arg12[%swap3A_642, %swap3A_643, %swap3A_644], %swap3A_647 {add = true, strides = array<i32>} : memref<2x32x1024xf32, #tpu.memory_space<vmem>>, vector<1x1x16xf32>,
        %get3A_648 = arith.index_cast %scan3A_188 : i32 to index
        %get3A_649 = arith.constant 736 : index
        %get3A_650 = tpu.vector_load %arg11[%get3A_648, %get3A_649] {strides = array<i32>} : memref<32x1024xf32, #tpu.memory_space<vmem>>, vector<1x16xf32>,
        %get3A_651 = vector.shape_cast %get3A_650 : vector<1x16xf32> to vector<16xf32>
        %swap3A_652 = arith.index_cast %and3A_71 : i32 to index
        %swap3A_653 = arith.index_cast %scan3A_188 : i32 to index
        %swap3A_654 = arith.constant 736 : index
        %swap3A_655 = tpu.vector_load %arg12[%swap3A_652, %swap3A_653, %swap3A_654] {strides = array<i32>} : memref<2x32x1024xf32, #tpu.memory_space<vmem>>, vector<1x1x16xf32>,
        %swap3A_656 = vector.shape_cast %swap3A_655 : vector<1x1x16xf32> to vector<16xf32>
        %swap3A_657 = vector.shape_cast %get3A_651 : vector<16xf32> to vector<1x1x16xf32>
        tpu.vector_store %arg12[%swap3A_652, %swap3A_653, %swap3A_654], %swap3A_657 {add = true, strides = array<i32>} : memref<2x32x1024xf32, #tpu.memory_space<vmem>>, vector<1x1x16xf32>,
        %get3A_658 = arith.index_cast %scan3A_188 : i32 to index
        %get3A_659 = arith.constant 752 : index
        %get3A_660 = tpu.vector_load %arg11[%get3A_658, %get3A_659] {strides = array<i32>} : memref<32x1024xf32, #tpu.memory_space<vmem>>, vector<1x16xf32>,
        %get3A_661 = vector.shape_cast %get3A_660 : vector<1x16xf32> to vector<16xf32>
        %swap3A_662 = arith.index_cast %and3A_71 : i32 to index
        %swap3A_663 = arith.index_cast %scan3A_188 : i32 to index
        %swap3A_664 = arith.constant 752 : index
        %swap3A_665 = tpu.vector_load %arg12[%swap3A_662, %swap3A_663, %swap3A_664] {strides = array<i32>} : memref<2x32x1024xf32, #tpu.memory_space<vmem>>, vector<1x1x16xf32>,
        %swap3A_666 = vector.shape_cast %swap3A_665 : vector<1x1x16xf32> to vector<16xf32>
        %swap3A_667 = vector.shape_cast %get3A_661 : vector<16xf32> to vector<1x1x16xf32>
        tpu.vector_store %arg12[%swap3A_662, %swap3A_663, %swap3A_664], %swap3A_667 {add = true, strides = array<i32>} : memref<2x32x1024xf32, #tpu.memory_space<vmem>>, vector<1x1x16xf32>,
        %get3A_668 = arith.index_cast %scan3A_188 : i32 to index
        %get3A_669 = arith.constant 768 : index
        %get3A_670 = tpu.vector_load %arg11[%get3A_668, %get3A_669] {strides = array<i32>} : memref<32x1024xf32, #tpu.memory_space<vmem>>, vector<1x16xf32>,
        %get3A_671 = vector.shape_cast %get3A_670 : vector<1x16xf32> to vector<16xf32>
        %swap3A_672 = arith.index_cast %and3A_71 : i32 to index
        %swap3A_673 = arith.index_cast %scan3A_188 : i32 to index
        %swap3A_674 = arith.constant 768 : index
        %swap3A_675 = tpu.vector_load %arg12[%swap3A_672, %swap3A_673, %swap3A_674] {strides = array<i32>} : memref<2x32x1024xf32, #tpu.memory_space<vmem>>, vector<1x1x16xf32>,
        %swap3A_676 = vector.shape_cast %swap3A_675 : vector<1x1x16xf32> to vector<16xf32>
        %swap3A_677 = vector.shape_cast %get3A_671 : vector<16xf32> to vector<1x1x16xf32>
        tpu.vector_store %arg12[%swap3A_672, %swap3A_673, %swap3A_674], %swap3A_677 {add = true, strides = array<i32>} : memref<2x32x1024xf32, #tpu.memory_space<vmem>>, vector<1x1x16xf32>,
        %get3A_678 = arith.index_cast %scan3A_188 : i32 to index
        %get3A_679 = arith.constant 784 : index
        %get3A_680 = tpu.vector_load %arg11[%get3A_678, %get3A_679] {strides = array<i32>} : memref<32x1024xf32, #tpu.memory_space<vmem>>, vector<1x16xf32>,
        %get3A_681 = vector.shape_cast %get3A_680 : vector<1x16xf32> to vector<16xf32>
        %swap3A_682 = arith.index_cast %and3A_71 : i32 to index
        %swap3A_683 = arith.index_cast %scan3A_188 : i32 to index
        %swap3A_684 = arith.constant 784 : index
        %swap3A_685 = tpu.vector_load %arg12[%swap3A_682, %swap3A_683, %swap3A_684] {strides = array<i32>} : memref<2x32x1024xf32, #tpu.memory_space<vmem>>, vector<1x1x16xf32>,
        %swap3A_686 = vector.shape_cast %swap3A_685 : vector<1x1x16xf32> to vector<16xf32>
        %swap3A_687 = vector.shape_cast %get3A_681 : vector<16xf32> to vector<1x1x16xf32>
        tpu.vector_store %arg12[%swap3A_682, %swap3A_683, %swap3A_684], %swap3A_687 {add = true, strides = array<i32>} : memref<2x32x1024xf32, #tpu.memory_space<vmem>>, vector<1x1x16xf32>,
        %get3A_688 = arith.index_cast %scan3A_188 : i32 to index
        %get3A_689 = arith.constant 800 : index
        %get3A_690 = tpu.vector_load %arg11[%get3A_688, %get3A_689] {strides = array<i32>} : memref<32x1024xf32, #tpu.memory_space<vmem>>, vector<1x16xf32>,
        %get3A_691 = vector.shape_cast %get3A_690 : vector<1x16xf32> to vector<16xf32>
        %swap3A_692 = arith.index_cast %and3A_71 : i32 to index
        %swap3A_693 = arith.index_cast %scan3A_188 : i32 to index
        %swap3A_694 = arith.constant 800 : index
        %swap3A_695 = tpu.vector_load %arg12[%swap3A_692, %swap3A_693, %swap3A_694] {strides = array<i32>} : memref<2x32x1024xf32, #tpu.memory_space<vmem>>, vector<1x1x16xf32>,
        %swap3A_696 = vector.shape_cast %swap3A_695 : vector<1x1x16xf32> to vector<16xf32>
        %swap3A_697 = vector.shape_cast %get3A_691 : vector<16xf32> to vector<1x1x16xf32>
        tpu.vector_store %arg12[%swap3A_692, %swap3A_693, %swap3A_694], %swap3A_697 {add = true, strides = array<i32>} : memref<2x32x1024xf32, #tpu.memory_space<vmem>>, vector<1x1x16xf32>,
        %get3A_698 = arith.index_cast %scan3A_188 : i32 to index
        %get3A_699 = arith.constant 816 : index
        %get3A_700 = tpu.vector_load %arg11[%get3A_698, %get3A_699] {strides = array<i32>} : memref<32x1024xf32, #tpu.memory_space<vmem>>, vector<1x16xf32>,
        %get3A_701 = vector.shape_cast %get3A_700 : vector<1x16xf32> to vector<16xf32>
        %swap3A_702 = arith.index_cast %and3A_71 : i32 to index
        %swap3A_703 = arith.index_cast %scan3A_188 : i32 to index
        %swap3A_704 = arith.constant 816 : index
        %swap3A_705 = tpu.vector_load %arg12[%swap3A_702, %swap3A_703, %swap3A_704] {strides = array<i32>} : memref<2x32x1024xf32, #tpu.memory_space<vmem>>, vector<1x1x16xf32>,
        %swap3A_706 = vector.shape_cast %swap3A_705 : vector<1x1x16xf32> to vector<16xf32>
        %swap3A_707 = vector.shape_cast %get3A_701 : vector<16xf32> to vector<1x1x16xf32>
        tpu.vector_store %arg12[%swap3A_702, %swap3A_703, %swap3A_704], %swap3A_707 {add = true, strides = array<i32>} : memref<2x32x1024xf32, #tpu.memory_space<vmem>>, vector<1x1x16xf32>,
        %get3A_708 = arith.index_cast %scan3A_188 : i32 to index
        %get3A_709 = arith.constant 832 : index
        %get3A_710 = tpu.vector_load %arg11[%get3A_708, %get3A_709] {strides = array<i32>} : memref<32x1024xf32, #tpu.memory_space<vmem>>, vector<1x16xf32>,
        %get3A_711 = vector.shape_cast %get3A_710 : vector<1x16xf32> to vector<16xf32>
        %swap3A_712 = arith.index_cast %and3A_71 : i32 to index
        %swap3A_713 = arith.index_cast %scan3A_188 : i32 to index
        %swap3A_714 = arith.constant 832 : index
        %swap3A_715 = tpu.vector_load %arg12[%swap3A_712, %swap3A_713, %swap3A_714] {strides = array<i32>} : memref<2x32x1024xf32, #tpu.memory_space<vmem>>, vector<1x1x16xf32>,
        %swap3A_716 = vector.shape_cast %swap3A_715 : vector<1x1x16xf32> to vector<16xf32>
        %swap3A_717 = vector.shape_cast %get3A_711 : vector<16xf32> to vector<1x1x16xf32>
        tpu.vector_store %arg12[%swap3A_712, %swap3A_713, %swap3A_714], %swap3A_717 {add = true, strides = array<i32>} : memref<2x32x1024xf32, #tpu.memory_space<vmem>>, vector<1x1x16xf32>,
        %get3A_718 = arith.index_cast %scan3A_188 : i32 to index
        %get3A_719 = arith.constant 848 : index
        %get3A_720 = tpu.vector_load %arg11[%get3A_718, %get3A_719] {strides = array<i32>} : memref<32x1024xf32, #tpu.memory_space<vmem>>, vector<1x16xf32>,
        %get3A_721 = vector.shape_cast %get3A_720 : vector<1x16xf32> to vector<16xf32>
        %swap3A_722 = arith.index_cast %and3A_71 : i32 to index
        %swap3A_723 = arith.index_cast %scan3A_188 : i32 to index
        %swap3A_724 = arith.constant 848 : index
        %swap3A_725 = tpu.vector_load %arg12[%swap3A_722, %swap3A_723, %swap3A_724] {strides = array<i32>} : memref<2x32x1024xf32, #tpu.memory_space<vmem>>, vector<1x1x16xf32>,
        %swap3A_726 = vector.shape_cast %swap3A_725 : vector<1x1x16xf32> to vector<16xf32>
        %swap3A_727 = vector.shape_cast %get3A_721 : vector<16xf32> to vector<1x1x16xf32>
        tpu.vector_store %arg12[%swap3A_722, %swap3A_723, %swap3A_724], %swap3A_727 {add = true, strides = array<i32>} : memref<2x32x1024xf32, #tpu.memory_space<vmem>>, vector<1x1x16xf32>,
        %get3A_728 = arith.index_cast %scan3A_188 : i32 to index
        %get3A_729 = arith.constant 864 : index
        %get3A_730 = tpu.vector_load %arg11[%get3A_728, %get3A_729] {strides = array<i32>} : memref<32x1024xf32, #tpu.memory_space<vmem>>, vector<1x16xf32>,
        %get3A_731 = vector.shape_cast %get3A_730 : vector<1x16xf32> to vector<16xf32>
        %swap3A_732 = arith.index_cast %and3A_71 : i32 to index
        %swap3A_733 = arith.index_cast %scan3A_188 : i32 to index
        %swap3A_734 = arith.constant 864 : index
        %swap3A_735 = tpu.vector_load %arg12[%swap3A_732, %swap3A_733, %swap3A_734] {strides = array<i32>} : memref<2x32x1024xf32, #tpu.memory_space<vmem>>, vector<1x1x16xf32>,
        %swap3A_736 = vector.shape_cast %swap3A_735 : vector<1x1x16xf32> to vector<16xf32>
        %swap3A_737 = vector.shape_cast %get3A_731 : vector<16xf32> to vector<1x1x16xf32>
        tpu.vector_store %arg12[%swap3A_732, %swap3A_733, %swap3A_734], %swap3A_737 {add = true, strides = array<i32>} : memref<2x32x1024xf32, #tpu.memory_space<vmem>>, vector<1x1x16xf32>,
        %get3A_738 = arith.index_cast %scan3A_188 : i32 to index
        %get3A_739 = arith.constant 880 : index
        %get3A_740 = tpu.vector_load %arg11[%get3A_738, %get3A_739] {strides = array<i32>} : memref<32x1024xf32, #tpu.memory_space<vmem>>, vector<1x16xf32>,
        %get3A_741 = vector.shape_cast %get3A_740 : vector<1x16xf32> to vector<16xf32>
        %swap3A_742 = arith.index_cast %and3A_71 : i32 to index
        %swap3A_743 = arith.index_cast %scan3A_188 : i32 to index
        %swap3A_744 = arith.constant 880 : index
        %swap3A_745 = tpu.vector_load %arg12[%swap3A_742, %swap3A_743, %swap3A_744] {strides = array<i32>} : memref<2x32x1024xf32, #tpu.memory_space<vmem>>, vector<1x1x16xf32>,
        %swap3A_746 = vector.shape_cast %swap3A_745 : vector<1x1x16xf32> to vector<16xf32>
        %swap3A_747 = vector.shape_cast %get3A_741 : vector<16xf32> to vector<1x1x16xf32>
        tpu.vector_store %arg12[%swap3A_742, %swap3A_743, %swap3A_744], %swap3A_747 {add = true, strides = array<i32>} : memref<2x32x1024xf32, #tpu.memory_space<vmem>>, vector<1x1x16xf32>,
        %get3A_748 = arith.index_cast %scan3A_188 : i32 to index
        %get3A_749 = arith.constant 896 : index
        %get3A_750 = tpu.vector_load %arg11[%get3A_748, %get3A_749] {strides = array<i32>} : memref<32x1024xf32, #tpu.memory_space<vmem>>, vector<1x16xf32>,
        %get3A_751 = vector.shape_cast %get3A_750 : vector<1x16xf32> to vector<16xf32>
        %swap3A_752 = arith.index_cast %and3A_71 : i32 to index
        %swap3A_753 = arith.index_cast %scan3A_188 : i32 to index
        %swap3A_754 = arith.constant 896 : index
        %swap3A_755 = tpu.vector_load %arg12[%swap3A_752, %swap3A_753, %swap3A_754] {strides = array<i32>} : memref<2x32x1024xf32, #tpu.memory_space<vmem>>, vector<1x1x16xf32>,
        %swap3A_756 = vector.shape_cast %swap3A_755 : vector<1x1x16xf32> to vector<16xf32>
        %swap3A_757 = vector.shape_cast %get3A_751 : vector<16xf32> to vector<1x1x16xf32>
        tpu.vector_store %arg12[%swap3A_752, %swap3A_753, %swap3A_754], %swap3A_757 {add = true, strides = array<i32>} : memref<2x32x1024xf32, #tpu.memory_space<vmem>>, vector<1x1x16xf32>,
        %get3A_758 = arith.index_cast %scan3A_188 : i32 to index
        %get3A_759 = arith.constant 912 : index
        %get3A_760 = tpu.vector_load %arg11[%get3A_758, %get3A_759] {strides = array<i32>} : memref<32x1024xf32, #tpu.memory_space<vmem>>, vector<1x16xf32>,
        %get3A_761 = vector.shape_cast %get3A_760 : vector<1x16xf32> to vector<16xf32>
        %swap3A_762 = arith.index_cast %and3A_71 : i32 to index
        %swap3A_763 = arith.index_cast %scan3A_188 : i32 to index
        %swap3A_764 = arith.constant 912 : index
        %swap3A_765 = tpu.vector_load %arg12[%swap3A_762, %swap3A_763, %swap3A_764] {strides = array<i32>} : memref<2x32x1024xf32, #tpu.memory_space<vmem>>, vector<1x1x16xf32>,
        %swap3A_766 = vector.shape_cast %swap3A_765 : vector<1x1x16xf32> to vector<16xf32>
        %swap3A_767 = vector.shape_cast %get3A_761 : vector<16xf32> to vector<1x1x16xf32>
        tpu.vector_store %arg12[%swap3A_762, %swap3A_763, %swap3A_764], %swap3A_767 {add = true, strides = array<i32>} : memref<2x32x1024xf32, #tpu.memory_space<vmem>>, vector<1x1x16xf32>,
        %get3A_768 = arith.index_cast %scan3A_188 : i32 to index
        %get3A_769 = arith.constant 928 : index
        %get3A_770 = tpu.vector_load %arg11[%get3A_768, %get3A_769] {strides = array<i32>} : memref<32x1024xf32, #tpu.memory_space<vmem>>, vector<1x16xf32>,
        %get3A_771 = vector.shape_cast %get3A_770 : vector<1x16xf32> to vector<16xf32>
        %swap3A_772 = arith.index_cast %and3A_71 : i32 to index
        %swap3A_773 = arith.index_cast %scan3A_188 : i32 to index
        %swap3A_774 = arith.constant 928 : index
        %swap3A_775 = tpu.vector_load %arg12[%swap3A_772, %swap3A_773, %swap3A_774] {strides = array<i32>} : memref<2x32x1024xf32, #tpu.memory_space<vmem>>, vector<1x1x16xf32>,
        %swap3A_776 = vector.shape_cast %swap3A_775 : vector<1x1x16xf32> to vector<16xf32>
        %swap3A_777 = vector.shape_cast %get3A_771 : vector<16xf32> to vector<1x1x16xf32>
        tpu.vector_store %arg12[%swap3A_772, %swap3A_773, %swap3A_774], %swap3A_777 {add = true, strides = array<i32>} : memref<2x32x1024xf32, #tpu.memory_space<vmem>>, vector<1x1x16xf32>,
        %get3A_778 = arith.index_cast %scan3A_188 : i32 to index
        %get3A_779 = arith.constant 944 : index
        %get3A_780 = tpu.vector_load %arg11[%get3A_778, %get3A_779] {strides = array<i32>} : memref<32x1024xf32, #tpu.memory_space<vmem>>, vector<1x16xf32>,
        %get3A_781 = vector.shape_cast %get3A_780 : vector<1x16xf32> to vector<16xf32>
        %swap3A_782 = arith.index_cast %and3A_71 : i32 to index
        %swap3A_783 = arith.index_cast %scan3A_188 : i32 to index
        %swap3A_784 = arith.constant 944 : index
        %swap3A_785 = tpu.vector_load %arg12[%swap3A_782, %swap3A_783, %swap3A_784] {strides = array<i32>} : memref<2x32x1024xf32, #tpu.memory_space<vmem>>, vector<1x1x16xf32>,
        %swap3A_786 = vector.shape_cast %swap3A_785 : vector<1x1x16xf32> to vector<16xf32>
        %swap3A_787 = vector.shape_cast %get3A_781 : vector<16xf32> to vector<1x1x16xf32>
        tpu.vector_store %arg12[%swap3A_782, %swap3A_783, %swap3A_784], %swap3A_787 {add = true, strides = array<i32>} : memref<2x32x1024xf32, #tpu.memory_space<vmem>>, vector<1x1x16xf32>,
        %get3A_788 = arith.index_cast %scan3A_188 : i32 to index
        %get3A_789 = arith.constant 960 : index
        %get3A_790 = tpu.vector_load %arg11[%get3A_788, %get3A_789] {strides = array<i32>} : memref<32x1024xf32, #tpu.memory_space<vmem>>, vector<1x16xf32>,
        %get3A_791 = vector.shape_cast %get3A_790 : vector<1x16xf32> to vector<16xf32>
        %swap3A_792 = arith.index_cast %and3A_71 : i32 to index
        %swap3A_793 = arith.index_cast %scan3A_188 : i32 to index
        %swap3A_794 = arith.constant 960 : index
        %swap3A_795 = tpu.vector_load %arg12[%swap3A_792, %swap3A_793, %swap3A_794] {strides = array<i32>} : memref<2x32x1024xf32, #tpu.memory_space<vmem>>, vector<1x1x16xf32>,
        %swap3A_796 = vector.shape_cast %swap3A_795 : vector<1x1x16xf32> to vector<16xf32>
        %swap3A_797 = vector.shape_cast %get3A_791 : vector<16xf32> to vector<1x1x16xf32>
        tpu.vector_store %arg12[%swap3A_792, %swap3A_793, %swap3A_794], %swap3A_797 {add = true, strides = array<i32>} : memref<2x32x1024xf32, #tpu.memory_space<vmem>>, vector<1x1x16xf32>,
        %get3A_798 = arith.index_cast %scan3A_188 : i32 to index
        %get3A_799 = arith.constant 976 : index
        %get3A_800 = tpu.vector_load %arg11[%get3A_798, %get3A_799] {strides = array<i32>} : memref<32x1024xf32, #tpu.memory_space<vmem>>, vector<1x16xf32>,
        %get3A_801 = vector.shape_cast %get3A_800 : vector<1x16xf32> to vector<16xf32>
        %swap3A_802 = arith.index_cast %and3A_71 : i32 to index
        %swap3A_803 = arith.index_cast %scan3A_188 : i32 to index
        %swap3A_804 = arith.constant 976 : index
        %swap3A_805 = tpu.vector_load %arg12[%swap3A_802, %swap3A_803, %swap3A_804] {strides = array<i32>} : memref<2x32x1024xf32, #tpu.memory_space<vmem>>, vector<1x1x16xf32>,
        %swap3A_806 = vector.shape_cast %swap3A_805 : vector<1x1x16xf32> to vector<16xf32>
        %swap3A_807 = vector.shape_cast %get3A_801 : vector<16xf32> to vector<1x1x16xf32>
        tpu.vector_store %arg12[%swap3A_802, %swap3A_803, %swap3A_804], %swap3A_807 {add = true, strides = array<i32>} : memref<2x32x1024xf32, #tpu.memory_space<vmem>>, vector<1x1x16xf32>,
        %get3A_808 = arith.index_cast %scan3A_188 : i32 to index
        %get3A_809 = arith.constant 992 : index
        %get3A_810 = tpu.vector_load %arg11[%get3A_808, %get3A_809] {strides = array<i32>} : memref<32x1024xf32, #tpu.memory_space<vmem>>, vector<1x16xf32>,
        %get3A_811 = vector.shape_cast %get3A_810 : vector<1x16xf32> to vector<16xf32>
        %swap3A_812 = arith.index_cast %and3A_71 : i32 to index
        %swap3A_813 = arith.index_cast %scan3A_188 : i32 to index
        %swap3A_814 = arith.constant 992 : index
        %swap3A_815 = tpu.vector_load %arg12[%swap3A_812, %swap3A_813, %swap3A_814] {strides = array<i32>} : memref<2x32x1024xf32, #tpu.memory_space<vmem>>, vector<1x1x16xf32>,
        %swap3A_816 = vector.shape_cast %swap3A_815 : vector<1x1x16xf32> to vector<16xf32>
        %swap3A_817 = vector.shape_cast %get3A_811 : vector<16xf32> to vector<1x1x16xf32>
        tpu.vector_store %arg12[%swap3A_812, %swap3A_813, %swap3A_814], %swap3A_817 {add = true, strides = array<i32>} : memref<2x32x1024xf32, #tpu.memory_space<vmem>>, vector<1x1x16xf32>,
        %get3A_818 = arith.index_cast %scan3A_188 : i32 to index
        %get3A_819 = arith.constant 1008 : index
        %get3A_820 = tpu.vector_load %arg11[%get3A_818, %get3A_819] {strides = array<i32>} : memref<32x1024xf32, #tpu.memory_space<vmem>>, vector<1x16xf32>,
        %get3A_821 = vector.shape_cast %get3A_820 : vector<1x16xf32> to vector<16xf32>
        %swap3A_822 = arith.index_cast %and3A_71 : i32 to index
        %swap3A_823 = arith.index_cast %scan3A_188 : i32 to index
        %swap3A_824 = arith.constant 1008 : index
        %swap3A_825 = tpu.vector_load %arg12[%swap3A_822, %swap3A_823, %swap3A_824] {strides = array<i32>} : memref<2x32x1024xf32, #tpu.memory_space<vmem>>, vector<1x1x16xf32>,
        %swap3A_826 = vector.shape_cast %swap3A_825 : vector<1x1x16xf32> to vector<16xf32>
        %swap3A_827 = vector.shape_cast %get3A_821 : vector<16xf32> to vector<1x1x16xf32>
        tpu.vector_store %arg12[%swap3A_822, %swap3A_823, %swap3A_824], %swap3A_827 {add = true, strides = array<i32>} : memref<2x32x1024xf32, #tpu.memory_space<vmem>>, vector<1x1x16xf32>,
      }
      %scan3A_94 = arith.constant 32 : i32
      %mul3A_95 = arith.constant 8 : i32
      %mul3A_96 = arith.muli %scan3A_70, %mul3A_95 : i32
      %get3A = arith.index_cast %mul3A_96 : i32 to index
      %get3A_97 = tpu.vector_load %arg9[%get3A] {strides = array<i32>} : memref<144xi32, #tpu.memory_space<vmem>>, vector<16xi32>,
      %get3A_98 = vector.shape_cast %get3A_97 : vector<16xi32> to vector<16xi32>
      %sub3A = vector.broadcast %add3A_37 : i32 to vector<16xi32>
      %sub3A_99 = arith.subi %get3A_98, %sub3A : vector<16xi32>
      %slice3A = vector.extract_strided_slice %sub3A_99 {offsets = [0], sizes = [1], strides = [1]} : vector<16xi32> to vector<1xi32>
      %squeeze3A = vector.extract %slice3A[0] : i32 from vector<1xi32>
      %ge3A_100 = arith.constant 0 : i32
      %ge3A_101 = arith.cmpi sge, %squeeze3A, %ge3A_100 : i32
      %lt3A_102 = arith.constant 32 : i32
      %lt3A_103 = arith.cmpi slt, %squeeze3A, %lt3A_102 : i32
      %and3A_104 = arith.andi %ge3A_101, %lt3A_103 : i1
      %convert_element_type3A_105 = arith.extui %and3A_104 : i1 to i32
      %cond3A_106 = arith.constant 0 : i32
      %cond3A_107 = arith.cmpi ne, %convert_element_type3A_105, %cond3A_106 : i32
      scf.if %cond3A_107 {
        %scan3A_188 = arith.constant 0 : i32
        %scan3A_189 = arith.constant 0 : i32
        %scan3A_190 = arith.constant 64 : i32
        %scan3A_191 = arith.addi %scan3A_189, %scan3A_190 : i32
        %scan3A_192 = arith.constant 1 : i32
        scf.for %scan3A_194 = %scan3A_189 to %scan3A_191 step %scan3A_192  : i32 {
          %mul3A_195 = arith.constant 1024 : i32
          %mul3A_196 = arith.muli %scan3A_70, %mul3A_195 : i32
          %mul3A_197 = arith.constant 16 : i32
          %mul3A_198 = arith.muli %scan3A_194, %mul3A_197 : i32
          %add3A_199 = arith.addi %mul3A_196, %mul3A_198 : i32
          %get3A_200 = arith.index_cast %add3A_199 : i32 to index
          %get3A_201 = tpu.vector_load %arg10[%get3A_200] {strides = array<i32>} : memref<16384xf32, #tpu.memory_space<vmem>>, vector<16xf32>,
          %get3A_202 = vector.shape_cast %get3A_201 : vector<16xf32> to vector<16xf32>
          %mul3A_203 = arith.constant 16 : i32
          %mul3A_204 = arith.muli %scan3A_194, %mul3A_203 : i32
          %get3A_205 = arith.index_cast %squeeze3A : i32 to index
          %get3A_206 = arith.index_cast %mul3A_204 : i32 to index
          %get3A_207 = tpu.vector_load %arg11[%get3A_205, %get3A_206] {strides = array<i32>} : memref<32x1024xf32, #tpu.memory_space<vmem>>, vector<1x16xf32>,
          %get3A_208 = vector.shape_cast %get3A_207 : vector<1x16xf32> to vector<16xf32>
          %add3A_209 = arith.addf %get3A_202, %get3A_208 : vector<16xf32>
          %mul3A_210 = arith.constant 16 : i32
          %mul3A_211 = arith.muli %scan3A_194, %mul3A_210 : i32
          %swap3A = arith.index_cast %and3A_71 : i32 to index
          %swap3A_212 = arith.index_cast %squeeze3A : i32 to index
          %swap3A_213 = arith.index_cast %mul3A_211 : i32 to index
          %swap3A_214 = tpu.vector_load %arg12[%swap3A, %swap3A_212, %swap3A_213] {strides = array<i32>} : memref<2x32x1024xf32, #tpu.memory_space<vmem>>, vector<1x1x16xf32>,
          %swap3A_215 = vector.shape_cast %swap3A_214 : vector<1x1x16xf32> to vector<16xf32>
          %swap3A_216 = vector.shape_cast %add3A_209 : vector<16xf32> to vector<1x1x16xf32>
          tpu.vector_store %arg12[%swap3A, %swap3A_212, %swap3A_213], %swap3A_216 {strides = array<i32>} : memref<2x32x1024xf32, #tpu.memory_space<vmem>>, vector<1x1x16xf32>,
        }
        %scan3A_193 = arith.constant 64 : i32
      } else {
      }
      %slice3A_108 = vector.extract_strided_slice %sub3A_99 {offsets = [1], sizes = [1], strides = [1]} : vector<16xi32> to vector<1xi32>
      %squeeze3A_109 = vector.extract %slice3A_108[0] : i32 from vector<1xi32>
      %ge3A_110 = arith.constant 0 : i32
      %ge3A_111 = arith.cmpi sge, %squeeze3A_109, %ge3A_110 : i32
      %lt3A_112 = arith.constant 32 : i32
      %lt3A_113 = arith.cmpi slt, %squeeze3A_109, %lt3A_112 : i32
      %and3A_114 = arith.andi %ge3A_111, %lt3A_113 : i1
      %convert_element_type3A_115 = arith.extui %and3A_114 : i1 to i32
      %cond3A_116 = arith.constant 0 : i32
      %cond3A_117 = arith.cmpi ne, %convert_element_type3A_115, %cond3A_116 : i32
      scf.if %cond3A_117 {
        %scan3A_188 = arith.constant 0 : i32
        %scan3A_189 = arith.constant 0 : i32
        %scan3A_190 = arith.constant 64 : i32
        %scan3A_191 = arith.addi %scan3A_189, %scan3A_190 : i32
        %scan3A_192 = arith.constant 1 : i32
        scf.for %scan3A_194 = %scan3A_189 to %scan3A_191 step %scan3A_192  : i32 {
          %mul3A_195 = arith.constant 1024 : i32
          %mul3A_196 = arith.muli %scan3A_70, %mul3A_195 : i32
          %mul3A_197 = arith.constant 16 : i32
          %mul3A_198 = arith.muli %scan3A_194, %mul3A_197 : i32
          %add3A_199 = arith.addi %mul3A_196, %mul3A_198 : i32
          %get3A_200 = arith.index_cast %add3A_199 : i32 to index
          %get3A_201 = tpu.vector_load %arg10[%get3A_200] {strides = array<i32>} : memref<16384xf32, #tpu.memory_space<vmem>>, vector<16xf32>,
          %get3A_202 = vector.shape_cast %get3A_201 : vector<16xf32> to vector<16xf32>
          %mul3A_203 = arith.constant 16 : i32
          %mul3A_204 = arith.muli %scan3A_194, %mul3A_203 : i32
          %get3A_205 = arith.index_cast %squeeze3A_109 : i32 to index
          %get3A_206 = arith.index_cast %mul3A_204 : i32 to index
          %get3A_207 = tpu.vector_load %arg11[%get3A_205, %get3A_206] {strides = array<i32>} : memref<32x1024xf32, #tpu.memory_space<vmem>>, vector<1x16xf32>,
          %get3A_208 = vector.shape_cast %get3A_207 : vector<1x16xf32> to vector<16xf32>
          %add3A_209 = arith.addf %get3A_202, %get3A_208 : vector<16xf32>
          %mul3A_210 = arith.constant 16 : i32
          %mul3A_211 = arith.muli %scan3A_194, %mul3A_210 : i32
          %swap3A = arith.index_cast %and3A_71 : i32 to index
          %swap3A_212 = arith.index_cast %squeeze3A_109 : i32 to index
          %swap3A_213 = arith.index_cast %mul3A_211 : i32 to index
          %swap3A_214 = tpu.vector_load %arg12[%swap3A, %swap3A_212, %swap3A_213] {strides = array<i32>} : memref<2x32x1024xf32, #tpu.memory_space<vmem>>, vector<1x1x16xf32>,
          %swap3A_215 = vector.shape_cast %swap3A_214 : vector<1x1x16xf32> to vector<16xf32>
          %swap3A_216 = vector.shape_cast %add3A_209 : vector<16xf32> to vector<1x1x16xf32>
          tpu.vector_store %arg12[%swap3A, %swap3A_212, %swap3A_213], %swap3A_216 {strides = array<i32>} : memref<2x32x1024xf32, #tpu.memory_space<vmem>>, vector<1x1x16xf32>,
        }
        %scan3A_193 = arith.constant 64 : i32
      } else {
      }
      %slice3A_118 = vector.extract_strided_slice %sub3A_99 {offsets = [2], sizes = [1], strides = [1]} : vector<16xi32> to vector<1xi32>
      %squeeze3A_119 = vector.extract %slice3A_118[0] : i32 from vector<1xi32>
      %ge3A_120 = arith.constant 0 : i32
      %ge3A_121 = arith.cmpi sge, %squeeze3A_119, %ge3A_120 : i32
      %lt3A_122 = arith.constant 32 : i32
      %lt3A_123 = arith.cmpi slt, %squeeze3A_119, %lt3A_122 : i32
      %and3A_124 = arith.andi %ge3A_121, %lt3A_123 : i1
      %convert_element_type3A_125 = arith.extui %and3A_124 : i1 to i32
      %cond3A_126 = arith.constant 0 : i32
      %cond3A_127 = arith.cmpi ne, %convert_element_type3A_125, %cond3A_126 : i32
      scf.if %cond3A_127 {
        %scan3A_188 = arith.constant 0 : i32
        %scan3A_189 = arith.constant 0 : i32
        %scan3A_190 = arith.constant 64 : i32
        %scan3A_191 = arith.addi %scan3A_189, %scan3A_190 : i32
        %scan3A_192 = arith.constant 1 : i32
        scf.for %scan3A_194 = %scan3A_189 to %scan3A_191 step %scan3A_192  : i32 {
          %mul3A_195 = arith.constant 1024 : i32
          %mul3A_196 = arith.muli %scan3A_70, %mul3A_195 : i32
          %mul3A_197 = arith.constant 16 : i32
          %mul3A_198 = arith.muli %scan3A_194, %mul3A_197 : i32
          %add3A_199 = arith.addi %mul3A_196, %mul3A_198 : i32
          %get3A_200 = arith.index_cast %add3A_199 : i32 to index
          %get3A_201 = tpu.vector_load %arg10[%get3A_200] {strides = array<i32>} : memref<16384xf32, #tpu.memory_space<vmem>>, vector<16xf32>,
          %get3A_202 = vector.shape_cast %get3A_201 : vector<16xf32> to vector<16xf32>
          %mul3A_203 = arith.constant 16 : i32
          %mul3A_204 = arith.muli %scan3A_194, %mul3A_203 : i32
          %get3A_205 = arith.index_cast %squeeze3A_119 : i32 to index
          %get3A_206 = arith.index_cast %mul3A_204 : i32 to index
          %get3A_207 = tpu.vector_load %arg11[%get3A_205, %get3A_206] {strides = array<i32>} : memref<32x1024xf32, #tpu.memory_space<vmem>>, vector<1x16xf32>,
          %get3A_208 = vector.shape_cast %get3A_207 : vector<1x16xf32> to vector<16xf32>
          %add3A_209 = arith.addf %get3A_202, %get3A_208 : vector<16xf32>
          %mul3A_210 = arith.constant 16 : i32
          %mul3A_211 = arith.muli %scan3A_194, %mul3A_210 : i32
          %swap3A = arith.index_cast %and3A_71 : i32 to index
          %swap3A_212 = arith.index_cast %squeeze3A_119 : i32 to index
          %swap3A_213 = arith.index_cast %mul3A_211 : i32 to index
          %swap3A_214 = tpu.vector_load %arg12[%swap3A, %swap3A_212, %swap3A_213] {strides = array<i32>} : memref<2x32x1024xf32, #tpu.memory_space<vmem>>, vector<1x1x16xf32>,
          %swap3A_215 = vector.shape_cast %swap3A_214 : vector<1x1x16xf32> to vector<16xf32>
          %swap3A_216 = vector.shape_cast %add3A_209 : vector<16xf32> to vector<1x1x16xf32>
          tpu.vector_store %arg12[%swap3A, %swap3A_212, %swap3A_213], %swap3A_216 {strides = array<i32>} : memref<2x32x1024xf32, #tpu.memory_space<vmem>>, vector<1x1x16xf32>,
        }
        %scan3A_193 = arith.constant 64 : i32
      } else {
      }
      %slice3A_128 = vector.extract_strided_slice %sub3A_99 {offsets = [3], sizes = [1], strides = [1]} : vector<16xi32> to vector<1xi32>
      %squeeze3A_129 = vector.extract %slice3A_128[0] : i32 from vector<1xi32>
      %ge3A_130 = arith.constant 0 : i32
      %ge3A_131 = arith.cmpi sge, %squeeze3A_129, %ge3A_130 : i32
      %lt3A_132 = arith.constant 32 : i32
      %lt3A_133 = arith.cmpi slt, %squeeze3A_129, %lt3A_132 : i32
      %and3A_134 = arith.andi %ge3A_131, %lt3A_133 : i1
      %convert_element_type3A_135 = arith.extui %and3A_134 : i1 to i32
      %cond3A_136 = arith.constant 0 : i32
      %cond3A_137 = arith.cmpi ne, %convert_element_type3A_135, %cond3A_136 : i32
      scf.if %cond3A_137 {
        %scan3A_188 = arith.constant 0 : i32
        %scan3A_189 = arith.constant 0 : i32
        %scan3A_190 = arith.constant 64 : i32
        %scan3A_191 = arith.addi %scan3A_189, %scan3A_190 : i32
        %scan3A_192 = arith.constant 1 : i32
        scf.for %scan3A_194 = %scan3A_189 to %scan3A_191 step %scan3A_192  : i32 {
          %mul3A_195 = arith.constant 1024 : i32
          %mul3A_196 = arith.muli %scan3A_70, %mul3A_195 : i32
          %mul3A_197 = arith.constant 16 : i32
          %mul3A_198 = arith.muli %scan3A_194, %mul3A_197 : i32
          %add3A_199 = arith.addi %mul3A_196, %mul3A_198 : i32
          %get3A_200 = arith.index_cast %add3A_199 : i32 to index
          %get3A_201 = tpu.vector_load %arg10[%get3A_200] {strides = array<i32>} : memref<16384xf32, #tpu.memory_space<vmem>>, vector<16xf32>,
          %get3A_202 = vector.shape_cast %get3A_201 : vector<16xf32> to vector<16xf32>
          %mul3A_203 = arith.constant 16 : i32
          %mul3A_204 = arith.muli %scan3A_194, %mul3A_203 : i32
          %get3A_205 = arith.index_cast %squeeze3A_129 : i32 to index
          %get3A_206 = arith.index_cast %mul3A_204 : i32 to index
          %get3A_207 = tpu.vector_load %arg11[%get3A_205, %get3A_206] {strides = array<i32>} : memref<32x1024xf32, #tpu.memory_space<vmem>>, vector<1x16xf32>,
          %get3A_208 = vector.shape_cast %get3A_207 : vector<1x16xf32> to vector<16xf32>
          %add3A_209 = arith.addf %get3A_202, %get3A_208 : vector<16xf32>
          %mul3A_210 = arith.constant 16 : i32
          %mul3A_211 = arith.muli %scan3A_194, %mul3A_210 : i32
          %swap3A = arith.index_cast %and3A_71 : i32 to index
          %swap3A_212 = arith.index_cast %squeeze3A_129 : i32 to index
          %swap3A_213 = arith.index_cast %mul3A_211 : i32 to index
          %swap3A_214 = tpu.vector_load %arg12[%swap3A, %swap3A_212, %swap3A_213] {strides = array<i32>} : memref<2x32x1024xf32, #tpu.memory_space<vmem>>, vector<1x1x16xf32>,
          %swap3A_215 = vector.shape_cast %swap3A_214 : vector<1x1x16xf32> to vector<16xf32>
          %swap3A_216 = vector.shape_cast %add3A_209 : vector<16xf32> to vector<1x1x16xf32>
          tpu.vector_store %arg12[%swap3A, %swap3A_212, %swap3A_213], %swap3A_216 {strides = array<i32>} : memref<2x32x1024xf32, #tpu.memory_space<vmem>>, vector<1x1x16xf32>,
        }
        %scan3A_193 = arith.constant 64 : i32
      } else {
      }
      %slice3A_138 = vector.extract_strided_slice %sub3A_99 {offsets = [4], sizes = [1], strides = [1]} : vector<16xi32> to vector<1xi32>
      %squeeze3A_139 = vector.extract %slice3A_138[0] : i32 from vector<1xi32>
      %ge3A_140 = arith.constant 0 : i32
      %ge3A_141 = arith.cmpi sge, %squeeze3A_139, %ge3A_140 : i32
      %lt3A_142 = arith.constant 32 : i32
      %lt3A_143 = arith.cmpi slt, %squeeze3A_139, %lt3A_142 : i32
      %and3A_144 = arith.andi %ge3A_141, %lt3A_143 : i1
      %convert_element_type3A_145 = arith.extui %and3A_144 : i1 to i32
      %cond3A_146 = arith.constant 0 : i32
      %cond3A_147 = arith.cmpi ne, %convert_element_type3A_145, %cond3A_146 : i32
      scf.if %cond3A_147 {
        %scan3A_188 = arith.constant 0 : i32
        %scan3A_189 = arith.constant 0 : i32
        %scan3A_190 = arith.constant 64 : i32
        %scan3A_191 = arith.addi %scan3A_189, %scan3A_190 : i32
        %scan3A_192 = arith.constant 1 : i32
        scf.for %scan3A_194 = %scan3A_189 to %scan3A_191 step %scan3A_192  : i32 {
          %mul3A_195 = arith.constant 1024 : i32
          %mul3A_196 = arith.muli %scan3A_70, %mul3A_195 : i32
          %mul3A_197 = arith.constant 16 : i32
          %mul3A_198 = arith.muli %scan3A_194, %mul3A_197 : i32
          %add3A_199 = arith.addi %mul3A_196, %mul3A_198 : i32
          %get3A_200 = arith.index_cast %add3A_199 : i32 to index
          %get3A_201 = tpu.vector_load %arg10[%get3A_200] {strides = array<i32>} : memref<16384xf32, #tpu.memory_space<vmem>>, vector<16xf32>,
          %get3A_202 = vector.shape_cast %get3A_201 : vector<16xf32> to vector<16xf32>
          %mul3A_203 = arith.constant 16 : i32
          %mul3A_204 = arith.muli %scan3A_194, %mul3A_203 : i32
          %get3A_205 = arith.index_cast %squeeze3A_139 : i32 to index
          %get3A_206 = arith.index_cast %mul3A_204 : i32 to index
          %get3A_207 = tpu.vector_load %arg11[%get3A_205, %get3A_206] {strides = array<i32>} : memref<32x1024xf32, #tpu.memory_space<vmem>>, vector<1x16xf32>,
          %get3A_208 = vector.shape_cast %get3A_207 : vector<1x16xf32> to vector<16xf32>
          %add3A_209 = arith.addf %get3A_202, %get3A_208 : vector<16xf32>
          %mul3A_210 = arith.constant 16 : i32
          %mul3A_211 = arith.muli %scan3A_194, %mul3A_210 : i32
          %swap3A = arith.index_cast %and3A_71 : i32 to index
          %swap3A_212 = arith.index_cast %squeeze3A_139 : i32 to index
          %swap3A_213 = arith.index_cast %mul3A_211 : i32 to index
          %swap3A_214 = tpu.vector_load %arg12[%swap3A, %swap3A_212, %swap3A_213] {strides = array<i32>} : memref<2x32x1024xf32, #tpu.memory_space<vmem>>, vector<1x1x16xf32>,
          %swap3A_215 = vector.shape_cast %swap3A_214 : vector<1x1x16xf32> to vector<16xf32>
          %swap3A_216 = vector.shape_cast %add3A_209 : vector<16xf32> to vector<1x1x16xf32>
          tpu.vector_store %arg12[%swap3A, %swap3A_212, %swap3A_213], %swap3A_216 {strides = array<i32>} : memref<2x32x1024xf32, #tpu.memory_space<vmem>>, vector<1x1x16xf32>,
        }
        %scan3A_193 = arith.constant 64 : i32
      } else {
      }
      %slice3A_148 = vector.extract_strided_slice %sub3A_99 {offsets = [5], sizes = [1], strides = [1]} : vector<16xi32> to vector<1xi32>
      %squeeze3A_149 = vector.extract %slice3A_148[0] : i32 from vector<1xi32>
      %ge3A_150 = arith.constant 0 : i32
      %ge3A_151 = arith.cmpi sge, %squeeze3A_149, %ge3A_150 : i32
      %lt3A_152 = arith.constant 32 : i32
      %lt3A_153 = arith.cmpi slt, %squeeze3A_149, %lt3A_152 : i32
      %and3A_154 = arith.andi %ge3A_151, %lt3A_153 : i1
      %convert_element_type3A_155 = arith.extui %and3A_154 : i1 to i32
      %cond3A_156 = arith.constant 0 : i32
      %cond3A_157 = arith.cmpi ne, %convert_element_type3A_155, %cond3A_156 : i32
      scf.if %cond3A_157 {
        %scan3A_188 = arith.constant 0 : i32
        %scan3A_189 = arith.constant 0 : i32
        %scan3A_190 = arith.constant 64 : i32
        %scan3A_191 = arith.addi %scan3A_189, %scan3A_190 : i32
        %scan3A_192 = arith.constant 1 : i32
        scf.for %scan3A_194 = %scan3A_189 to %scan3A_191 step %scan3A_192  : i32 {
          %mul3A_195 = arith.constant 1024 : i32
          %mul3A_196 = arith.muli %scan3A_70, %mul3A_195 : i32
          %mul3A_197 = arith.constant 16 : i32
          %mul3A_198 = arith.muli %scan3A_194, %mul3A_197 : i32
          %add3A_199 = arith.addi %mul3A_196, %mul3A_198 : i32
          %get3A_200 = arith.index_cast %add3A_199 : i32 to index
          %get3A_201 = tpu.vector_load %arg10[%get3A_200] {strides = array<i32>} : memref<16384xf32, #tpu.memory_space<vmem>>, vector<16xf32>,
          %get3A_202 = vector.shape_cast %get3A_201 : vector<16xf32> to vector<16xf32>
          %mul3A_203 = arith.constant 16 : i32
          %mul3A_204 = arith.muli %scan3A_194, %mul3A_203 : i32
          %get3A_205 = arith.index_cast %squeeze3A_149 : i32 to index
          %get3A_206 = arith.index_cast %mul3A_204 : i32 to index
          %get3A_207 = tpu.vector_load %arg11[%get3A_205, %get3A_206] {strides = array<i32>} : memref<32x1024xf32, #tpu.memory_space<vmem>>, vector<1x16xf32>,
          %get3A_208 = vector.shape_cast %get3A_207 : vector<1x16xf32> to vector<16xf32>
          %add3A_209 = arith.addf %get3A_202, %get3A_208 : vector<16xf32>
          %mul3A_210 = arith.constant 16 : i32
          %mul3A_211 = arith.muli %scan3A_194, %mul3A_210 : i32
          %swap3A = arith.index_cast %and3A_71 : i32 to index
          %swap3A_212 = arith.index_cast %squeeze3A_149 : i32 to index
          %swap3A_213 = arith.index_cast %mul3A_211 : i32 to index
          %swap3A_214 = tpu.vector_load %arg12[%swap3A, %swap3A_212, %swap3A_213] {strides = array<i32>} : memref<2x32x1024xf32, #tpu.memory_space<vmem>>, vector<1x1x16xf32>,
          %swap3A_215 = vector.shape_cast %swap3A_214 : vector<1x1x16xf32> to vector<16xf32>
          %swap3A_216 = vector.shape_cast %add3A_209 : vector<16xf32> to vector<1x1x16xf32>
          tpu.vector_store %arg12[%swap3A, %swap3A_212, %swap3A_213], %swap3A_216 {strides = array<i32>} : memref<2x32x1024xf32, #tpu.memory_space<vmem>>, vector<1x1x16xf32>,
        }
        %scan3A_193 = arith.constant 64 : i32
      } else {
      }
      %slice3A_158 = vector.extract_strided_slice %sub3A_99 {offsets = [6], sizes = [1], strides = [1]} : vector<16xi32> to vector<1xi32>
      %squeeze3A_159 = vector.extract %slice3A_158[0] : i32 from vector<1xi32>
      %ge3A_160 = arith.constant 0 : i32
      %ge3A_161 = arith.cmpi sge, %squeeze3A_159, %ge3A_160 : i32
      %lt3A_162 = arith.constant 32 : i32
      %lt3A_163 = arith.cmpi slt, %squeeze3A_159, %lt3A_162 : i32
      %and3A_164 = arith.andi %ge3A_161, %lt3A_163 : i1
      %convert_element_type3A_165 = arith.extui %and3A_164 : i1 to i32
      %cond3A_166 = arith.constant 0 : i32
      %cond3A_167 = arith.cmpi ne, %convert_element_type3A_165, %cond3A_166 : i32
      scf.if %cond3A_167 {
        %scan3A_188 = arith.constant 0 : i32
        %scan3A_189 = arith.constant 0 : i32
        %scan3A_190 = arith.constant 64 : i32
        %scan3A_191 = arith.addi %scan3A_189, %scan3A_190 : i32
        %scan3A_192 = arith.constant 1 : i32
        scf.for %scan3A_194 = %scan3A_189 to %scan3A_191 step %scan3A_192  : i32 {
          %mul3A_195 = arith.constant 1024 : i32
          %mul3A_196 = arith.muli %scan3A_70, %mul3A_195 : i32
          %mul3A_197 = arith.constant 16 : i32
          %mul3A_198 = arith.muli %scan3A_194, %mul3A_197 : i32
          %add3A_199 = arith.addi %mul3A_196, %mul3A_198 : i32
          %get3A_200 = arith.index_cast %add3A_199 : i32 to index
          %get3A_201 = tpu.vector_load %arg10[%get3A_200] {strides = array<i32>} : memref<16384xf32, #tpu.memory_space<vmem>>, vector<16xf32>,
          %get3A_202 = vector.shape_cast %get3A_201 : vector<16xf32> to vector<16xf32>
          %mul3A_203 = arith.constant 16 : i32
          %mul3A_204 = arith.muli %scan3A_194, %mul3A_203 : i32
          %get3A_205 = arith.index_cast %squeeze3A_159 : i32 to index
          %get3A_206 = arith.index_cast %mul3A_204 : i32 to index
          %get3A_207 = tpu.vector_load %arg11[%get3A_205, %get3A_206] {strides = array<i32>} : memref<32x1024xf32, #tpu.memory_space<vmem>>, vector<1x16xf32>,
          %get3A_208 = vector.shape_cast %get3A_207 : vector<1x16xf32> to vector<16xf32>
          %add3A_209 = arith.addf %get3A_202, %get3A_208 : vector<16xf32>
          %mul3A_210 = arith.constant 16 : i32
          %mul3A_211 = arith.muli %scan3A_194, %mul3A_210 : i32
          %swap3A = arith.index_cast %and3A_71 : i32 to index
          %swap3A_212 = arith.index_cast %squeeze3A_159 : i32 to index
          %swap3A_213 = arith.index_cast %mul3A_211 : i32 to index
          %swap3A_214 = tpu.vector_load %arg12[%swap3A, %swap3A_212, %swap3A_213] {strides = array<i32>} : memref<2x32x1024xf32, #tpu.memory_space<vmem>>, vector<1x1x16xf32>,
          %swap3A_215 = vector.shape_cast %swap3A_214 : vector<1x1x16xf32> to vector<16xf32>
          %swap3A_216 = vector.shape_cast %add3A_209 : vector<16xf32> to vector<1x1x16xf32>
          tpu.vector_store %arg12[%swap3A, %swap3A_212, %swap3A_213], %swap3A_216 {strides = array<i32>} : memref<2x32x1024xf32, #tpu.memory_space<vmem>>, vector<1x1x16xf32>,
        }
        %scan3A_193 = arith.constant 64 : i32
      } else {
      }
      %slice3A_168 = vector.extract_strided_slice %sub3A_99 {offsets = [7], sizes = [1], strides = [1]} : vector<16xi32> to vector<1xi32>
      %squeeze3A_169 = vector.extract %slice3A_168[0] : i32 from vector<1xi32>
      %ge3A_170 = arith.constant 0 : i32
      %ge3A_171 = arith.cmpi sge, %squeeze3A_169, %ge3A_170 : i32
      %lt3A_172 = arith.constant 32 : i32
      %lt3A_173 = arith.cmpi slt, %squeeze3A_169, %lt3A_172 : i32
      %and3A_174 = arith.andi %ge3A_171, %lt3A_173 : i1
      %convert_element_type3A_175 = arith.extui %and3A_174 : i1 to i32
      %cond3A_176 = arith.constant 0 : i32
      %cond3A_177 = arith.cmpi ne, %convert_element_type3A_175, %cond3A_176 : i32
      scf.if %cond3A_177 {
        %scan3A_188 = arith.constant 0 : i32
        %scan3A_189 = arith.constant 0 : i32
        %scan3A_190 = arith.constant 64 : i32
        %scan3A_191 = arith.addi %scan3A_189, %scan3A_190 : i32
        %scan3A_192 = arith.constant 1 : i32
        scf.for %scan3A_194 = %scan3A_189 to %scan3A_191 step %scan3A_192  : i32 {
          %mul3A_195 = arith.constant 1024 : i32
          %mul3A_196 = arith.muli %scan3A_70, %mul3A_195 : i32
          %mul3A_197 = arith.constant 16 : i32
          %mul3A_198 = arith.muli %scan3A_194, %mul3A_197 : i32
          %add3A_199 = arith.addi %mul3A_196, %mul3A_198 : i32
          %get3A_200 = arith.index_cast %add3A_199 : i32 to index
          %get3A_201 = tpu.vector_load %arg10[%get3A_200] {strides = array<i32>} : memref<16384xf32, #tpu.memory_space<vmem>>, vector<16xf32>,
          %get3A_202 = vector.shape_cast %get3A_201 : vector<16xf32> to vector<16xf32>
          %mul3A_203 = arith.constant 16 : i32
          %mul3A_204 = arith.muli %scan3A_194, %mul3A_203 : i32
          %get3A_205 = arith.index_cast %squeeze3A_169 : i32 to index
          %get3A_206 = arith.index_cast %mul3A_204 : i32 to index
          %get3A_207 = tpu.vector_load %arg11[%get3A_205, %get3A_206] {strides = array<i32>} : memref<32x1024xf32, #tpu.memory_space<vmem>>, vector<1x16xf32>,
          %get3A_208 = vector.shape_cast %get3A_207 : vector<1x16xf32> to vector<16xf32>
          %add3A_209 = arith.addf %get3A_202, %get3A_208 : vector<16xf32>
          %mul3A_210 = arith.constant 16 : i32
          %mul3A_211 = arith.muli %scan3A_194, %mul3A_210 : i32
          %swap3A = arith.index_cast %and3A_71 : i32 to index
          %swap3A_212 = arith.index_cast %squeeze3A_169 : i32 to index
          %swap3A_213 = arith.index_cast %mul3A_211 : i32 to index
          %swap3A_214 = tpu.vector_load %arg12[%swap3A, %swap3A_212, %swap3A_213] {strides = array<i32>} : memref<2x32x1024xf32, #tpu.memory_space<vmem>>, vector<1x1x16xf32>,
          %swap3A_215 = vector.shape_cast %swap3A_214 : vector<1x1x16xf32> to vector<16xf32>
          %swap3A_216 = vector.shape_cast %add3A_209 : vector<16xf32> to vector<1x1x16xf32>
          tpu.vector_store %arg12[%swap3A, %swap3A_212, %swap3A_213], %swap3A_216 {strides = array<i32>} : memref<2x32x1024xf32, #tpu.memory_space<vmem>>, vector<1x1x16xf32>,
        }
        %scan3A_193 = arith.constant 64 : i32
      } else {
      }
      %eq3A_178 = arith.constant 0 : i32
      %eq3A_179 = arith.cmpi eq, %and3A_71, %eq3A_178 : i32
      %convert_element_type3A_180 = arith.extui %eq3A_179 : i1 to i32
      %cond3A_181 = arith.constant 0 : i32
      %cond3A_182 = arith.cmpi ne, %convert_element_type3A_180, %cond3A_181 : i32
      scf.if %cond3A_182 {
        %dma_start3A_188 = arith.constant 0 : i32
        %dma_start3A_189 = arith.constant 0 : i32
        %dma_start3A_190 = arith.constant 0 : i32
        %dma_start3A_191 = tpu.memref_slice %arg12[%dma_start3A_188, %dma_start3A_189, %dma_start3A_190] : memref<2x32x1024xf32, #tpu.memory_space<vmem>> -> memref<1x32x1024xf32, #tpu.memory_space<vmem>>
        %dma_start3A_192 = tpu.memref_squeeze %dma_start3A_191 : memref<1x32x1024xf32, #tpu.memory_space<vmem>> -> memref<32x1024xf32, #tpu.memory_space<vmem>>
        %dma_start3A_193 = arith.constant 0 : i32
        %dma_start3A_194 = tpu.memref_slice %arg7[%scan3A_70, %add3A_37, %dma_start3A_193] : memref<16x2048x1024xf32, #tpu.memory_space<hbm>> -> memref<1x32x1024xf32, #tpu.memory_space<hbm>>
        %dma_start3A_195 = tpu.memref_squeeze %dma_start3A_194 : memref<1x32x1024xf32, #tpu.memory_space<hbm>> -> memref<32x1024xf32, #tpu.memory_space<hbm>>
        %dma_start3A_196 = arith.constant 0 : i32
        %dma_start3A_197 = tpu.memref_slice %arg7[%scan3A_70, %add3A_37, %dma_start3A_196] : memref<16x2048x1024xf32, #tpu.memory_space<hbm>> -> memref<1x32x1024xf32, #tpu.memory_space<hbm>>
        %dma_start3A_198 = tpu.memref_squeeze %dma_start3A_197 : memref<1x32x1024xf32, #tpu.memory_space<hbm>> -> memref<32x1024xf32, #tpu.memory_space<hbm>>
        %dma_start3A_199 = arith.constant 0 : i32
        %dma_start3A_200 = arith.constant 0 : i32
        %dma_start3A_201 = tpu.memref_slice %arg12[%dma_start3A_188, %dma_start3A_199, %dma_start3A_200] : memref<2x32x1024xf32, #tpu.memory_space<vmem>> -> memref<1x32x1024xf32, #tpu.memory_space<vmem>>
        %dma_start3A_202 = tpu.memref_squeeze %dma_start3A_201 : memref<1x32x1024xf32, #tpu.memory_space<vmem>> -> memref<32x1024xf32, #tpu.memory_space<vmem>>
        tpu.enqueue_dma source(%dma_start3A_202 : memref<32x1024xf32, #tpu.memory_space<vmem>>) target(%dma_start3A_198 : memref<32x1024xf32, #tpu.memory_space<hbm>>) target_semaphore(%arg15 : memref<!tpu.dma_semaphore, #tpu.memory_space<semaphore_mem>>)
      } else {
      }
      %eq3A_183 = arith.constant 1 : i32
      %eq3A_184 = arith.cmpi eq, %and3A_71, %eq3A_183 : i32
      %convert_element_type3A_185 = arith.extui %eq3A_184 : i1 to i32
      %cond3A_186 = arith.constant 0 : i32
      %cond3A_187 = arith.cmpi ne, %convert_element_type3A_185, %cond3A_186 : i32
      scf.if %cond3A_187 {
        %dma_start3A_188 = arith.constant 1 : i32
        %dma_start3A_189 = arith.constant 0 : i32
        %dma_start3A_190 = arith.constant 0 : i32
        %dma_start3A_191 = tpu.memref_slice %arg12[%dma_start3A_188, %dma_start3A_189, %dma_start3A_190] : memref<2x32x1024xf32, #tpu.memory_space<vmem>> -> memref<1x32x1024xf32, #tpu.memory_space<vmem>>
        %dma_start3A_192 = tpu.memref_squeeze %dma_start3A_191 : memref<1x32x1024xf32, #tpu.memory_space<vmem>> -> memref<32x1024xf32, #tpu.memory_space<vmem>>
        %dma_start3A_193 = arith.constant 0 : i32
        %dma_start3A_194 = tpu.memref_slice %arg7[%scan3A_70, %add3A_37, %dma_start3A_193] : memref<16x2048x1024xf32, #tpu.memory_space<hbm>> -> memref<1x32x1024xf32, #tpu.memory_space<hbm>>
        %dma_start3A_195 = tpu.memref_squeeze %dma_start3A_194 : memref<1x32x1024xf32, #tpu.memory_space<hbm>> -> memref<32x1024xf32, #tpu.memory_space<hbm>>
        %dma_start3A_196 = arith.constant 0 : i32
        %dma_start3A_197 = tpu.memref_slice %arg7[%scan3A_70, %add3A_37, %dma_start3A_196] : memref<16x2048x1024xf32, #tpu.memory_space<hbm>> -> memref<1x32x1024xf32, #tpu.memory_space<hbm>>
        %dma_start3A_198 = tpu.memref_squeeze %dma_start3A_197 : memref<1x32x1024xf32, #tpu.memory_space<hbm>> -> memref<32x1024xf32, #tpu.memory_space<hbm>>
        %dma_start3A_199 = arith.constant 0 : i32
        %dma_start3A_200 = arith.constant 0 : i32
        %dma_start3A_201 = tpu.memref_slice %arg12[%dma_start3A_188, %dma_start3A_199, %dma_start3A_200] : memref<2x32x1024xf32, #tpu.memory_space<vmem>> -> memref<1x32x1024xf32, #tpu.memory_space<vmem>>
        %dma_start3A_202 = tpu.memref_squeeze %dma_start3A_201 : memref<1x32x1024xf32, #tpu.memory_space<vmem>> -> memref<32x1024xf32, #tpu.memory_space<vmem>>
        tpu.enqueue_dma source(%dma_start3A_202 : memref<32x1024xf32, #tpu.memory_space<vmem>>) target(%dma_start3A_198 : memref<32x1024xf32, #tpu.memory_space<hbm>>) target_semaphore(%arg16 : memref<!tpu.dma_semaphore, #tpu.memory_space<semaphore_mem>>)
      } else {
      }
    }
    %scan3A_53 = arith.constant 16 : i32
    %dma_wait3A_54 = arith.constant 1 : i32
    %dma_wait3A_55 = arith.constant 0 : i32
    %dma_wait3A_56 = arith.constant 0 : i32
    %dma_wait3A_57 = arith.constant 0 : i32
    %dma_wait3A_58 = tpu.memref_slice %arg12[%dma_wait3A_54, %dma_wait3A_56, %dma_wait3A_57] : memref<2x32x1024xf32, #tpu.memory_space<vmem>> -> memref<1x32x1024xf32, #tpu.memory_space<vmem>>
    %dma_wait3A_59 = tpu.memref_squeeze %dma_wait3A_58 : memref<1x32x1024xf32, #tpu.memory_space<vmem>> -> memref<32x1024xf32, #tpu.memory_space<vmem>>
    %dma_wait3A_60 = arith.constant 0 : i32
    %dma_wait3A_61 = tpu.memref_slice %arg7[%dma_wait3A_55, %add3A_37, %dma_wait3A_60] : memref<16x2048x1024xf32, #tpu.memory_space<hbm>> -> memref<1x32x1024xf32, #tpu.memory_space<hbm>>
    %dma_wait3A_62 = tpu.memref_squeeze %dma_wait3A_61 : memref<1x32x1024xf32, #tpu.memory_space<hbm>> -> memref<32x1024xf32, #tpu.memory_space<hbm>>
    %dma_wait3A_63 = arith.constant 0 : i32
    %dma_wait3A_64 = tpu.memref_slice %arg7[%dma_wait3A_55, %add3A_37, %dma_wait3A_63] : memref<16x2048x1024xf32, #tpu.memory_space<hbm>> -> memref<1x32x1024xf32, #tpu.memory_space<hbm>>
    %dma_wait3A_65 = tpu.memref_squeeze %dma_wait3A_64 : memref<1x32x1024xf32, #tpu.memory_space<hbm>> -> memref<32x1024xf32, #tpu.memory_space<hbm>>
    %dma_wait3A_66 = arith.constant 0 : i32
    %dma_wait3A_67 = arith.constant 0 : i32
    %dma_wait3A_68 = tpu.memref_slice %arg12[%dma_wait3A_54, %dma_wait3A_66, %dma_wait3A_67] : memref<2x32x1024xf32, #tpu.memory_space<vmem>> -> memref<1x32x1024xf32, #tpu.memory_space<vmem>>
    %dma_wait3A_69 = tpu.memref_squeeze %dma_wait3A_68 : memref<1x32x1024xf32, #tpu.memory_space<vmem>> -> memref<32x1024xf32, #tpu.memory_space<vmem>>
    tpu.wait_dma2 semaphore(%arg16 : memref<!tpu.dma_semaphore, #tpu.memory_space<semaphore_mem>>) src(%dma_wait3A_69 : memref<32x1024xf32, #tpu.memory_space<vmem>>) dst(%dma_wait3A_65 : memref<32x1024xf32, #tpu.memory_space<hbm>>)
    return
  }
}

</mosaic_0001>

<sc_bundles>
// kernel: _run.3.cloned.1.call-start
scs
__scs_entry_jumppad:
0x0: {  	(pc) =	sbr.rel $0x88, $3  }
0x1: {  	(tag) =	ssettag $0x0;
	lr =	simm.s32 $0x1  }
0x2: {  	[smem:$0x3F9C] =	sst lr;
	_ =	strace $0xD0000000  }
0x3: {  	_ = 	snop  }
0x4: {  	_ = 	snop  }
0x5: {  	_ = 	snop  }
0x6: {  	_ = 	snop  }
0x7: {  	_ = 	snop  }
__scs_overlays_trampoline_lowered:
0x8: {  	[smem:$0x3FAB] =	sst s0  }
0x9: {  	[smem:$0x3FAC] =	sst s1  }
0xa: {  	[smem:$0x3FAD] =	sst s2  }
0xb: {  	[smem:$0x3FAE] =	sst s3  }
0xc: {  	[smem:$0x3FAF] =	sst s4  }
0xd: {  	[smem:$0x3FB0] =	sst s5  }
0xe: {  	[smem:$0x3FB1] =	sst s6  }
0xf: {  	[smem:$0x3FB2] =	sst s7  }
0x10: {  	[smem:$0x3FB3] =	sst s8  }
0x11: {  	[smem:$0x3FB4] =	sst s9;
	s0 =	simm.s32 @!p0 $0x0  }
0x12: {  	s1 =	sld [smem:$0x3F9A];
	s0 =	simm.s32 @p0 $0x1  }
0x13: {  	[smem:$0x3FB5] =	sst s0;
	s0 =	simm.s32 @!p1 $0x0  }
0x14: {  	s2 =	sld [smem:$0x3F99];
	s0 =	simm.s32 @p1 $0x1  }
0x15: {  	[smem:$0x3FB6] =	sst s0;
	s0 =	simm.s32 @!p2 $0x0  }
0x16: {  	s3 =	sld [smem:$0x3FDB];
	s0 =	simm.s32 @p2 $0x1  }
0x17: {  	s4 =	simm.s32 $0x1BF5;
	[smem:$0x3FB8] =	sst s0  }
0x18: {  	s0 =	sld [smem:$0x3F9B];
	_ =	swait.ge [sflag:s4], $0x0  }
0x19: {  	s7 =	sld [smem:$0x3F9C]  }
0x1a: {  	s8 =	sadd.s32 $0xFFFFE003, lr  }
0x1b: {  	s9 =	sadd.s32 $0xFFFFFEF7, lr;
	s5 =	simm.s32 $0xFFFFFFFF;
	p2 =	slt.u32 s8, $0xFFFFF086  }
0x1c: {  	p1 =	slt.u32 s9, $0xF7A;
	s5 =	simm.s32 @!p2 $0x0  }
0x1d: {  	s5 =	simm.s32 @p1 $0x1;
	p0 =	seq.s32 s7, s2  }
0x1e: {  	s7 =	smul.u32 @!p0 $0xF7A, s2;
	p2 =	seq.s32 @!p0 s5, $0x0  }
0x1f: {  	s9 =	smul.u32 $0xF7A, s1;
	s8 =	simm.s32 @!p0 $0x1BF5;
	p2 =	por !p2, p0  }
0x20: {  	[sflag:s8] =	ssyncset.s32 @!p0 $0xFFFFF086;
	s6 =	sadd.s32 @!p0 s3, s7;
	s7 =	simm.s32 @!p0 $0x108  }
0x21: {  	s3 =	sadd.s32 s3, s9;
	s6 =	sadd.s32 @!p0 $0x88, s6;
	s7 =	simm.s32 @p2 $0x1082  }
0x22: {  	[simem:s7], [sflag:s8] =	dma.local @!p0 [hbm:s6], $0xF7A  }
0x23: {  	s9 =	sor.u32 $0xD0000000, s2;
	s6 =	simm.s32 $0x108;
	_ =	swait.ge @!p0 [sflag:s8], $0x0  }
0x24: {  	s3 =	sadd.s32 $0x88, s3;
	s6 =	simm.s32 @!p1 $0x1082;
	[sflag:s4] =	ssyncset.s32 $0xFFFFF086  }
0x25: {  	[simem:s6], [sflag:s4] =	dma.local [hbm:s3], $0xF7A  }
0x26: {  	[smem:$0x3F9C] =	sst s1;
	(tag) =	ssettag s2;
	_ =	strace s9  }
0x27: {  	s1 =	sld [smem:$0x3FAC]  }
0x28: {  	s2 =	sld [smem:$0x3FAD]  }
0x29: {  	s4 =	sld [smem:$0x3FAF]  }
0x2a: {  	p0 =	seq.s32 s5, $0x0;
	s5 =	sld [smem:$0x3FB0]  }
0x2b: {  	s6 =	sld [smem:$0x3FB1]  }
0x2c: {  	s7 =	sld [smem:$0x3FB2]  }
0x2d: {  	s3 =	simm.s32 $0x108;
	s8 =	sld [smem:$0x3FB3]  }
0x2e: {  	s3 =	simm.s32 @!p0 $0x1082;
	s9 =	sld [smem:$0x3FB4]  }
0x2f: {  	lr =	sadd.s32 s0, s3;
	s0 =	sld [smem:$0x3FAB]  }
0x30: {  	s3 =	sld [smem:$0x3FAE]  }
0x31: {  	[smem:$0x3FB7] =	sst s10  }
0x32: {  	s10 =	sld [smem:$0x3FB5];
	_ =	sdelay $0x3  }
0x33: {  	p0 =	seq.s32 s10, $0x1;
	s10 =	sld [smem:$0x3FB7];
	_ =	sdelay $0x3  }
0x34: {  	[smem:$0x3FB7] =	sst s10  }
0x35: {  	s10 =	sld [smem:$0x3FB6];
	_ =	sdelay $0x3  }
0x36: {  	p1 =	seq.s32 s10, $0x1;
	s10 =	sld [smem:$0x3FB7];
	_ =	sdelay $0x3  }
0x37: {  	[smem:$0x3FB7] =	sst s10  }
0x38: {  	s10 =	sld [smem:$0x3FB8]  }
0x39: {  	_ = 	snop;
	(pc) =	sbr.ind lr, $3  }
0x3a: {  	_ = 	snop  }
0x3b: {  	_ = 	snop  }
0x3c: {  	p2 =	seq.s32 s10, $0x1;
	s10 =	sld [smem:$0x3FB7]  }
0x3d: {  	_ =	shalt  }
0x3e: {  	_ =	shalt  }
0x3f: {  	_ =	shalt  }
0x40: {  	_ =	shalt  }
0x41: {  	_ =	shalt  }
0x42: {  	_ =	shalt  }
0x43: {  	_ =	shalt  }
0x44: {  	_ =	shalt  }
0x45: {  	_ =	shalt  }
0x46: {  	_ =	shalt  }
0x47: {  	_ =	shalt  }
0x48: {  	_ =	shalt  }
0x49: {  	_ =	shalt  }
0x4a: {  	_ =	shalt  }
0x4b: {  	_ =	shalt  }
0x4c: {  	_ =	shalt  }
0x4d: {  	_ =	shalt  }
0x4e: {  	_ =	shalt  }
0x4f: {  	_ =	shalt  }
0x50: {  	_ =	shalt  }
0x51: {  	_ =	shalt  }
0x52: {  	_ =	shalt  }
0x53: {  	_ =	shalt  }
0x54: {  	_ =	shalt  }
0x55: {  	_ =	shalt  }
0x56: {  	_ =	shalt  }
0x57: {  	_ =	shalt  }
0x58: {  	_ =	shalt  }
0x59: {  	_ =	shalt  }
0x5a: {  	_ =	shalt  }
0x5b: {  	_ =	shalt  }
0x5c: {  	_ =	shalt  }
0x5d: {  	_ =	shalt  }
0x5e: {  	_ =	shalt  }
0x5f: {  	_ =	shalt  }
0x60: {  	_ =	shalt  }
0x61: {  	_ =	shalt  }
0x62: {  	_ =	shalt  }
0x63: {  	_ =	shalt  }
0x64: {  	_ =	shalt  }
0x65: {  	_ =	shalt  }
0x66: {  	_ =	shalt  }
0x67: {  	_ =	shalt  }
0x68: {  	_ =	shalt  }
0x69: {  	_ =	shalt  }
0x6a: {  	_ =	shalt  }
0x6b: {  	_ =	shalt  }
0x6c: {  	_ =	shalt  }
0x6d: {  	_ =	shalt  }
0x6e: {  	_ =	shalt  }
0x6f: {  	_ =	shalt  }
0x70: {  	_ =	shalt  }
0x71: {  	_ =	shalt  }
0x72: {  	_ =	shalt  }
0x73: {  	_ =	shalt  }
0x74: {  	_ =	shalt  }
0x75: {  	_ =	shalt  }
0x76: {  	_ =	shalt  }
0x77: {  	_ =	shalt  }
0x78: {  	_ =	shalt  }
0x79: {  	_ =	shalt  }
0x7a: {  	_ =	shalt  }
0x7b: {  	_ =	shalt  }
0x7c: {  	_ =	shalt  }
0x7d: {  	_ =	shalt  }
0x7e: {  	_ =	shalt  }
0x7f: {  	_ =	shalt  }
0x80: {  	_ =	shalt  }
0x81: {  	_ =	shalt  }
0x82: {  	_ =	shalt  }
0x83: {  	_ =	shalt  }
0x84: {  	_ =	shalt  }
0x85: {  	_ =	shalt  }
0x86: {  	_ =	shalt  }
0x87: {  	_ =	shalt  }
.Lfunc_end0:
.L_simem_size_0:
called_computation_lowered:
.L_overlay_start_0:
0x88: {  	s2 =	sld [smem:$0x3FD9]  }
0x89: {  	s3 =	sld [smem:$0x3FFE];
	_ =	sdelay $0x1  }
0x8a: {  	s1 =	srdreg.scid  }
0x8b: {  	s0 =	sand.u32 $0x1, s1  }
0x8c: {  	s18 =	sshll.u32 s0, $0xA;
	s2 =	sadd.s32 s3, s2  }
0x8d: {  	s2 =	sadd.s32 s2, s18  }
0x8e: {  	[smem:$0x3FC3] =	sst s2  }
0x8f: {  	_ = 	snop  }
0x90: {  	s2 =	sld [smem:$0x3FC9]  }
0x91: {  	s19 =	sld [smem:$0x3FC8]  }
0x92: {  	s4 =	sld [smem:$0x3FC7]  }
0x93: {  	s5 =	sld [smem:$0x3FC6]  }
0x94: {  	s6 =	sld [smem:$0x3FC5]  }
0x95: {  	s7 =	sld [smem:$0x3FD0];
	(tm) =	ssettm $0x1  }
0x96: {  	s8 =	sld [smem:$0x3FFB];
	_ =	sdelay $0x3  }
0x97: {  	_ =	strace s8  }
0x98: {  	s8 =	sld [smem:$0x3FFC];
	_ =	sdelay $0x3  }
0x99: {  	_ =	strace s8  }
0x9a: {  	s8 =	sld [smem:$0x3FFD];
	_ =	sdelay $0x3  }
0x9b: {  	_ =	strace s8  }
0x9c: {  	_ =	strace $0x8FFFFFFF  }
0x9d: {  	s20 =	sld [smem:$0x3FDB];
	_ =	sdelay $0x1  }
0x9e: {  	s9 =	simm.s32 $_scs_section_size  }
0x9f: {  	s10 =	simm.s32 $_size__tile_overlayer_lowered;
	s11 =	simm.s32 $_tile_overlayer_lowered  }
0xa0: {  	s23 =	simm.s32 $0x1BFF;
	s22 =	sshll.u32 s11, $0x1;
	s8 =	sadd.s32 s9, s20  }
0xa1: {  	s12 =	simm.s32 $0x0;
	s21 =	sshll.u32 s10, $0x1;
	s10 =	sadd.s32 s22, s8  }
0xa2: {  	[timem:s12], [sflag:s23] =	dma.local [hbm:s10], s21  }
0xa3: {  	_ =	swait.ge [sflag:s23], s21  }
0xa4: {  	s9 =	ssub.s32 $0x0, s21;
	[sflag:s23] =	ssyncset.done $0x0  }
0xa5: {  	[sflag:s23] =	ssyncadd.s32 s9;
	_ =	sdelay $0x1  }
0xa6: {  	s24 =	simm.s32 $0x1B8B  }
0xa7: {  	_ =	swait.ge [sflag:s24], $0x1  }
0xa8: {  	[sflag:s24] =	ssyncset.done $0x0  }
0xa9: {  	s25 =	simm.s32 $0x1B8E;
	[sflag:s24] =	ssyncadd.s32 $0xFFFFFFFF  }
0xaa: {  	s26 =	simm.s32 $execute0_lowered;
	[smem:$0x3FD2] =	sst s25  }
0xab: {  	s9 =	sshll.u32 s26, $0x1;
	_ =	strace $0x80000046;
	[dreg:$0x1] =	wrdreg $0xFFFFFFFF  }
0xac: {  	s28 =	simm.s32 $_size_execute0_lowered;
	s8 =	sadd.s32 s8, s9;
	[dreg:$0x0] =	wrdreg $0x0  }
0xad: {  	s9 =	sshll.u32 s28, $0x1;
	[dreg:$0x2] =	wrdreg s8  }
0xae: {  	[dreg:$0x3] =	wrdreg s9  }
0xaf: {  	[dreg:$0x4] =	wrdreg $0xC0  }
0xb0: {  	_ =	task [dreg:s12], $0x5FFFF  }
0xb1: {  	[dreg:$0x1] =	wrdreg $0xFFFFFFFF  }
0xb2: {  	[dreg:$0x0] =	wrdreg $0x60  }
0xb3: {  	[dreg:$0x2] =	wrdreg s2  }
0xb4: {  	[dreg:$0x3] =	wrdreg s19  }
0xb5: {  	[dreg:$0x4] =	wrdreg s4  }
0xb6: {  	[dreg:$0x5] =	wrdreg s5  }
0xb7: {  	[dreg:$0x6] =	wrdreg s6  }
0xb8: {  	[dreg:$0x7] =	wrdreg s7  }
0xb9: {  	[dreg:$0x8] =	wrdreg $0x9  }
0xba: {  	_ =	task.clear_ibuf [dreg:s12], $0x9FFFF;
	_ =	strace $0x90000046  }
0xbb: {  	s29 =	simm.s32 $0x9;
	_ =	strace $0x80000048  }
0xbc: {  	_ =	swait.ge [sflag:s29], $0x1  }
0xbd: {  	[sflag:s29] =	ssyncadd.s32 $0xFFFFFFFF  }
0xbe: {  	_ =	strace $0x90000048  }
0xbf: {  	_ =	sfence  }
0xc0: {  	s30 =	sld [smem:$0x0];
	_ =	sdelay $0x2  }
0xc1: {  	s31 =	sshll.u32 s1, $0xD;
	s1 =	sshrl.u32 s1, $0x2  }
0xc2: {  	s3 =	sand.u32 $0x4000, s31;
	s1 =	sadd.s32 s1, s30  }
0xc3: {  	s0 =	sor.u32 s3, s0;
	s1 =	sshll.u32 s1, $0x11  }
0xc4: {  	s0 =	sor.u32 s1, s0  }
0xc5: {  	s0 =	sadd.s32 $0x8F2B, s0  }
0xc6: {  	[sflag:s0] =	ssyncadd.remote.s32 $0x1  }
0xc7: {  	_ =	sfence.sel $0xFFFF  }
0xc8: {  	[dreg:$0x0] =	wrdreg $0xFFFFFFFF;
	(pc) =	sbr.abs _section_cstart, $3  }
0xc9: {  	[dreg:$0x1] =	wrdreg $0xFFFFFFFF  }
0xca: {  	_ =	task.clear_ibuf [dreg:s12], $0x2FFFF;
	_ =	strace $0x9FFFFFFF  }
0xcb: {  	(tm) =	ssettm $0x7FFFFFFF  }
tec
execute0_lowered:
.L_overlay_start_1:
0x0: {  	(tag) =	ssettag $0x1  }
0x1: {  	s0 =	rddreg [dreg:$0x0]  }
0x2: {  	s3 =	rddreg [dreg:$0x3]  }
0x3: {  	s1 =	rddreg [dreg:$0x4]  }
0x4: {  	s5 =	rddreg [dreg:$0x5]  }
0x5: {  	s2 =	srdreg.scid;
	s7 =	stileid.u32;
	s6 =	simm.s32 $0x0  }
0x6: {  	s31 =	simm.s32 $0x1A500;
	s16 =	simm.s32 $0x3;
	s14 =	simm.s32 $0x0  }
0x7: {  	s2 =	sand.u32 $0x1, s2;
	s7 =	sshll.u32 s7, $0x1;
	[smem:$0x7FF] =	sst s6  }
0x8: {  	s10 =	sadd.s32 $0x100, s3;
	s11 =	sadd.s32 $0x200, s3;
	s12 =	sadd.s32 $0x300, s3  }
0x9: {  	s4 =	ssub.s32 $0x2, s2;
	s2 =	sor.u32 s2, s7;
	_ =	strace $0x80000047  }
0xa: {  	s8 =	sshrl.u32 s4, $0x1;
	s7 =	sshll.u32 s2, $0x7;
	s9 =	sshll.u32 s2, $0x6  }
0xb: {  	s4 =	ssub.s32 s4, s8;
	s0 =	sadd.s32 s0, s7;
	s8 =	sshll.u32 s2, $0xD  }
.Ltmp0:
0xc: {  	s28 =	sor.u32 $0x20, s9;
	s2 =	simm.s32 $0x4;
	(pc) =	sbr.rel .LBB2_1-.Ltmp0, $4  }
0xd: {  	s7 =	simm.s32 $0x2;
	[dreg:$0x7] =	wrdreg s0;
	s26 =	sadd.s32 s1, s8  }
0xe: {  	v4 =	vlaneseq.u32;
	vm0 =	vmmov $0xffff;
	s13 =	sshll.u32 s28, $0x7;
	s30 =	smax.u32 s4, $0x1;
	[dreg:$0x8] =	wrdreg s26  }
0xf: {  	v2 =	vand.u32 $0x7, v4;
	v3 =	vshrl.u32 v4, $0x3;
	v4 =	vor.u32 $0x8, v4;
	s0 =	simm.s32 $0x1AD00;
	s29 =	sadd.s32 s1, s13;
	[dreg:$0xa] =	wrdreg s30  }
0x10: {  	v3 =	vmul.u32 $0x8, v3;
	v0 =	vmov s9;
	v1 =	vmov s28;
	s4 =	simm.s32 $0x1B500;
	s1 =	simm.s32 $0x1BD00;
	[dreg:$0x9] =	wrdreg s29  }
.LBB2_87:
0x11: {  	_ =	swait.ge [sflag:s2], $0x8000  }
0x12: {  	s14 =	rddreg [dreg:$0xb]  }
0x13: {  	s9 =	rddreg [dreg:$0xa];
	s14 =	sadd.s32 $0x1, s14  }
0x14: {  	p0 =	sne.s32 s14, s9  }
.Ltmp1:
0x15: {  	_ = 	snop;
	(pc) =	sbr.rel @!p0 .LBB2_88-.Ltmp1, $3  }
0x16: {  	_ =	sdelay $0x1  }
0x17: {  	[sflag:s2] =	ssyncset.done $0x0  }
0x18: {  	[sflag:s2] =	ssyncadd.s32 $0xFFFF8000  }
.LBB2_1:
0x19: {  	[dreg:$0xb] =	wrdreg s14  }
0x1a: {  	s9 =	rddreg [dreg:$0x2];
	s23 =	simm.s32 $0x400;
	s24 =	simm.s32 $0x5  }
0x1b: {  	[tilespmem:s23], [sflag:$0x5] =	stream.linear.gather [hbm4b:s9+s6], $0x100, $0x38;
	[tilespmem:$0x1C500] =	vst v63  }
0x1c: {  	_ =	swait.ge [sflag:s24], $0x100  }
0x1d: {  	[sflag:s24] =	ssyncset.done $0x0  }
0x1e: {  	s25 =	rddreg [dreg:$0x7];
	[sflag:s24] =	ssyncadd.s32 $0xFFFFFF00  }
0x1f: {  	[tilespmem:s6], [sflag:$0x5] =	stream.linear.gather [hbm4b:s25+s6], $0x400, $0x38;
	[tilespmem:$0x1C500] =	vst v63  }
0x20: {  	_ =	swait.ge [sflag:s24], $0x400  }
0x21: {  	[sflag:s24] =	ssyncset.done $0x0  }
0x22: {  	[sflag:s24] =	ssyncadd.s32 $0xFFFFFC00  }
0x23: {  	s15 =	simm.s32 $0x500;
	s26 =	rddreg [dreg:$0x1]  }
0x24: {  	[tilespmem:s15], [sflag:$0x5] =	stream.linear.gather [hbm4b:s26+s6], $0x4000, $0x38;
	[tilespmem:$0x1C500] =	vst v63  }
0x25: {  	_ =	swait.ge [sflag:s24], $0x4000  }
0x26: {  	[sflag:s24] =	ssyncset.done $0x0  }
0x27: {  	s29 =	simm.s32 $0x4500;
	s28 =	rddreg [dreg:$0x8];
	[sflag:s24] =	ssyncadd.s32 $0xFFFFC000  }
0x28: {  	[tilespmem:s29], [sflag:$0x5] =	stream.linear.gather [hbm4b:s28+s6], $0x8000, $0x38;
	[tilespmem:$0x1C500] =	vst v63  }
0x29: {  	_ =	swait.ge [sflag:s24], $0x8000  }
0x2a: {  	[sflag:s24] =	ssyncset.done $0x0  }
0x2b: {  	[sflag:s24] =	ssyncadd.s32 $0xFFFF8000  }
0x2c: {  	v5 =	vld [tilespmem:$0x0];
	_ =	sdelay $0x4  }
0x2d: {  	v6 =	vshll.u32 v5, $0x3  }
0x2e: {  	v5 =	vand.u32 $0x7, v5;
	v6 =	vand.u32 $0xFFFFFFC0, v6  }
0x2f: {  	v5 =	vor.u32 v5, v6  }
0x30: {  	v6 =	vperm.xlane v5, v2;
	_ =	sdelay $0x1  }
0x31: {  	v6 =	vadd.s32 v3, v6;
	_ =	sdelay $0x3  }
0x32: {  	s30 =	simm.s32 $0xC500  }
0x33: {  	[tilespmem:s30], [sflag:$0x1] =	stream.indirect_vreg.gather [hbm4b:s3+s6], $0x80, v6, vm0, $0xb8;
	[tilespmem:$0x1C500] =	vst v63  }
0x34: {  	s14 =	simm.s32 $0xCD00;
	v5 =	vperm.xlane v5, v4  }
0x35: {  	[tilespmem:s14], [sflag:$0x1] =	stream.indirect_vreg.gather [hbm4b:s10+s6], $0x80, v6, vm0, $0xb8;
	[tilespmem:$0x1C500] =	vst v63  }
0x36: {  	s15 =	simm.s32 $0xD500;
	v5 =	vadd.s32 v3, v5  }
0x37: {  	[tilespmem:s15], [sflag:$0x1] =	stream.indirect_vreg.gather [hbm4b:s11+s6], $0x80, v6, vm0, $0xb8;
	[tilespmem:$0x1C500] =	vst v63  }
0x38: {  	s17 =	simm.s32 $0xDD00  }
0x39: {  	[tilespmem:s17], [sflag:$0x1] =	stream.indirect_vreg.gather [hbm4b:s12+s6], $0x80, v6, vm0, $0xb8;
	[tilespmem:$0x1C500] =	vst v63  }
0x3a: {  	s18 =	simm.s32 $0xE500  }
0x3b: {  	[tilespmem:s18], [sflag:$0x1] =	stream.indirect_vreg.gather [hbm4b:s3+s6], $0x80, v5, vm0, $0xb8;
	[tilespmem:$0x1C500] =	vst v63  }
0x3c: {  	s19 =	simm.s32 $0xED00  }
0x3d: {  	[tilespmem:s19], [sflag:$0x1] =	stream.indirect_vreg.gather [hbm4b:s10+s6], $0x80, v5, vm0, $0xb8;
	[tilespmem:$0x1C500] =	vst v63  }
0x3e: {  	s20 =	simm.s32 $0xF500  }
0x3f: {  	[tilespmem:s20], [sflag:$0x1] =	stream.indirect_vreg.gather [hbm4b:s11+s6], $0x80, v5, vm0, $0xb8;
	[tilespmem:$0x1C500] =	vst v63  }
0x40: {  	s21 =	simm.s32 $0xFD00  }
0x41: {  	[tilespmem:s21], [sflag:$0x1] =	stream.indirect_vreg.gather [hbm4b:s12+s6], $0x80, v5, vm0, $0xb8;
	[tilespmem:$0x1C500] =	vst v63  }
0x42: {  	v5 =	vld [tilespmem:$0x10];
	_ =	sdelay $0x4  }
0x43: {  	v6 =	vshll.u32 v5, $0x3  }
0x44: {  	v5 =	vand.u32 $0x7, v5;
	v6 =	vand.u32 $0xFFFFFFC0, v6  }
0x45: {  	v5 =	vor.u32 v5, v6  }
0x46: {  	v6 =	vperm.xlane v5, v2;
	_ =	sdelay $0x1  }
0x47: {  	v6 =	vadd.s32 v3, v6;
	_ =	sdelay $0x3  }
0x48: {  	s22 =	simm.s32 $0x10500  }
0x49: {  	[tilespmem:s22], [sflag:$0x1] =	stream.indirect_vreg.gather [hbm4b:s3+s6], $0x80, v6, vm0, $0xb8;
	[tilespmem:$0x1C500] =	vst v63  }
0x4a: {  	s23 =	simm.s32 $0x10D00;
	v5 =	vperm.xlane v5, v4  }
0x4b: {  	[tilespmem:s23], [sflag:$0x1] =	stream.indirect_vreg.gather [hbm4b:s10+s6], $0x80, v6, vm0, $0xb8;
	[tilespmem:$0x1C500] =	vst v63  }
0x4c: {  	s24 =	simm.s32 $0x11500;
	v5 =	vadd.s32 v3, v5  }
0x4d: {  	[tilespmem:s24], [sflag:$0x1] =	stream.indirect_vreg.gather [hbm4b:s11+s6], $0x80, v6, vm0, $0xb8;
	[tilespmem:$0x1C500] =	vst v63  }
0x4e: {  	s25 =	simm.s32 $0x11D00  }
0x4f: {  	[tilespmem:s25], [sflag:$0x1] =	stream.indirect_vreg.gather [hbm4b:s12+s6], $0x80, v6, vm0, $0xb8;
	[tilespmem:$0x1C500] =	vst v63  }
0x50: {  	s26 =	simm.s32 $0x12500  }
0x51: {  	[tilespmem:s26], [sflag:$0x1] =	stream.indirect_vreg.gather [hbm4b:s3+s6], $0x80, v5, vm0, $0xb8;
	[tilespmem:$0x1C500] =	vst v63  }
0x52: {  	s28 =	simm.s32 $0x12D00  }
0x53: {  	[tilespmem:s28], [sflag:$0x1] =	stream.indirect_vreg.gather [hbm4b:s10+s6], $0x80, v5, vm0, $0xb8;
	[tilespmem:$0x1C500] =	vst v63  }
.Ltmp2:
0x54: {  	_ = 	snop;
	(pc) =	sbr.rel .LBB2_2-.Ltmp2, $4  }
0x55: {  	s29 =	simm.s32 $0x13500  }
0x56: {  	[tilespmem:s29], [sflag:$0x1] =	stream.indirect_vreg.gather [hbm4b:s11+s6], $0x80, v5, vm0, $0xb8;
	[tilespmem:$0x1C500] =	vst v63  }
0x57: {  	s30 =	simm.s32 $0x13D00;
	s14 =	simm.s32 $0x0  }
0x58: {  	[tilespmem:s30], [sflag:$0x1] =	stream.indirect_vreg.gather [hbm4b:s12+s6], $0x80, v5, vm0, $0xb8;
	[tilespmem:$0x1C500] =	vst v63  }
.LBB2_43:
0x59: {  	s14 =	sshll.u32 s14, $0x12  }
0x5a: {  	p0 =	sne.s32 s15, $0x0;
	s14 =	sor.u32 s8, s14  }
0x5b: {  	s15 =	simm.s32 @p0 $0x0;
	s17 =	simm.s32 @p0 $0x14500;
	s14 =	sadd.s32 s5, s14  }
0x5c: {  	[hbm4b:s14+s15] =	stream.linear.scatter @p0 [tilespmem:s17], [sflag:$0x4], $0x8000, $0x38;
	[tilespmem:$0x1C500] =	vst v63  }
0x5d: {  	s15 =	simm.s32 @!p0 $0x0;
	s17 =	simm.s32 @!p0 $0xC500  }
0x5e: {  	[hbm4b:s14+s15] =	stream.linear.scatter @!p0 [tilespmem:s17], [sflag:$0x3], $0x8000, $0x38;
	[tilespmem:$0x1C500] =	vst v63  }
0x5f: {  	p0 =	slt.u32 s9, $0x10  }
.Ltmp3:
0x60: {  	_ = 	snop;
	(pc) =	sbr.rel @!p0 .LBB2_44-.Ltmp3, $2  }
0x61: {  	_ =	sdelay $0x2  }
0x62: {  	s14 =	smov.u32 s9  }
.LBB2_2:
0x63: {  	s15 =	sand.u32 $0x1, s14  }
0x64: {  	p1 =	seq.s32 s15, $0x0  }
.Ltmp4:
0x65: {  	_ = 	snop;
	(pc) =	sbr.rel @p1 .LBB2_4-.Ltmp4, $1  }
0x66: {  	_ =	sdelay $0x3  }
.Ltmp5:
0x67: {  	(pc) =	sbr.rel .LBB2_5-.Ltmp5, $4  }
0x68: {  	_ = 	snop  }
0x69: {  	_ =	swait.ge [sflag:s7], $0x8000  }
0x6a: {  	[sflag:s7] =	ssyncset.done $0x0  }
0x6b: {  	[sflag:s7] =	ssyncadd.s32 $0xFFFF8000  }
.LBB2_4:
0x6c: {  	p0 =	seq.s32 s14, $0x0  }
.Ltmp6:
0x6d: {  	_ = 	snop;
	(pc) =	sbr.rel @p0 .LBB2_8-.Ltmp6, $4  }
0x6e: {  	s17 =	simm.s32 $0x1  }
0x6f: {  	_ =	swait.ge [sflag:s17], $0x8000  }
0x70: {  	[sflag:s17] =	ssyncset.done $0x0  }
0x71: {  	[sflag:s17] =	ssyncadd.s32 $0xFFFF8000  }
.LBB2_5:
.Ltmp7:
0x72: {  	(pc) =	sbr.rel @p1 .LBB2_7-.Ltmp7, $2  }
0x73: {  	_ =	sdelay $0x2  }
0x74: {  	s17 =	sadd.s32 $0x1, s14;
	p0 =	seq.s32 s14, $0xF  }
0x75: {  	_ =	swait.ge [sflag:s16], $0x8000  }
0x76: {  	s9 =	sshll.u32 @!p0 s17, $0x6;
	[sflag:s16] =	ssyncset.done $0x0  }
0x77: {  	s9 =	sand.u32 @!p0 $0x3FFFFFC0, s9;
	[sflag:s16] =	ssyncadd.s32 $0xFFFF8000  }
0x78: {  	v5 =	vld @!p0 [tilespmem:s9+$0x0];
	_ =	sdelay $0x4  }
0x79: {  	v6 =	vshll.u32 @!p0 v5, $0x3  }
0x7a: {  	v7 =	vlaneseq.u32 @!p0;
	v5 =	vand.u32 @!p0 $0x7, v5;
	v6 =	vand.u32 @!p0 $0xFFFFFFC0, v6  }
0x7b: {  	v8 =	vshrl.u32 @!p0 v7, $0x3;
	v5 =	vor.u32 @!p0 v5, v6;
	v6 =	vand.u32 @!p0 $0x7, v7  }
0x7c: {  	v8 =	vmul.u32 @!p0 $0x8, v8;
	v9 =	vperm.xlane @!p0 v5, v6;
	_ =	sdelay $0x1  }
0x7d: {  	v9 =	vadd.s32 @!p0 v8, v9;
	_ =	sdelay $0x3  }
0x7e: {  	vm1 =	vmmov @!p0 $0xffff;
	s18 =	simm.s32 @!p0 $0x0;
	s19 =	simm.s32 @!p0 $0xC500  }
0x7f: {  	v7 =	vor.u32 @!p0 $0x8, v7;
	[tilespmem:s19], [sflag:$0x1] =	stream.indirect_vreg.gather @!p0 [hbm4b:s3+s18], $0x80, v9, vm1, $0xb8;
	[tilespmem:$0x1C500] =	vst v63  }
0x80: {  	v5 =	vperm.xlane @!p0 v5, v7;
	s19 =	simm.s32 @!p0 $0xCD00  }
0x81: {  	[tilespmem:s19], [sflag:$0x1] =	stream.indirect_vreg.gather @!p0 [hbm4b:s10+s18], $0x80, v9, vm1, $0xb8;
	[tilespmem:$0x1C500] =	vst v63  }
0x82: {  	v5 =	vadd.s32 @!p0 v8, v5;
	s19 =	simm.s32 @!p0 $0xD500  }
0x83: {  	[tilespmem:s19], [sflag:$0x1] =	stream.indirect_vreg.gather @!p0 [hbm4b:s11+s18], $0x80, v9, vm1, $0xb8;
	[tilespmem:$0x1C500] =	vst v63  }
0x84: {  	s19 =	simm.s32 @!p0 $0xDD00  }
0x85: {  	[tilespmem:s19], [sflag:$0x1] =	stream.indirect_vreg.gather @!p0 [hbm4b:s12+s18], $0x80, v9, vm1, $0xb8;
	[tilespmem:$0x1C500] =	vst v63  }
0x86: {  	s19 =	simm.s32 @!p0 $0xE500  }
0x87: {  	[tilespmem:s19], [sflag:$0x1] =	stream.indirect_vreg.gather @!p0 [hbm4b:s3+s18], $0x80, v5, vm1, $0xb8;
	[tilespmem:$0x1C500] =	vst v63  }
0x88: {  	s19 =	simm.s32 @!p0 $0xED00  }
0x89: {  	[tilespmem:s19], [sflag:$0x1] =	stream.indirect_vreg.gather @!p0 [hbm4b:s10+s18], $0x80, v5, vm1, $0xb8;
	[tilespmem:$0x1C500] =	vst v63  }
0x8a: {  	s19 =	simm.s32 @!p0 $0xF500  }
0x8b: {  	[tilespmem:s19], [sflag:$0x1] =	stream.indirect_vreg.gather @!p0 [hbm4b:s11+s18], $0x80, v5, vm1, $0xb8;
	[tilespmem:$0x1C500] =	vst v63  }
0x8c: {  	s19 =	simm.s32 @!p0 $0xFD00  }
0x8d: {  	[tilespmem:s19], [sflag:$0x1] =	stream.indirect_vreg.gather @!p0 [hbm4b:s12+s18], $0x80, v5, vm1, $0xb8;
	[tilespmem:$0x1C500] =	vst v63  }
0x8e: {  	v5 =	vld @!p0 [tilespmem:s9+$0x10];
	_ =	sdelay $0x4  }
0x8f: {  	v9 =	vshll.u32 @!p0 v5, $0x3  }
0x90: {  	v5 =	vand.u32 @!p0 $0x7, v5;
	v9 =	vand.u32 @!p0 $0xFFFFFFC0, v9  }
0x91: {  	v5 =	vor.u32 @!p0 v5, v9  }
0x92: {  	v6 =	vperm.xlane @!p0 v5, v6;
	_ =	sdelay $0x1  }
0x93: {  	v6 =	vadd.s32 @!p0 v8, v6;
	_ =	sdelay $0x3  }
0x94: {  	s9 =	simm.s32 @!p0 $0x10500  }
0x95: {  	[tilespmem:s9], [sflag:$0x1] =	stream.indirect_vreg.gather @!p0 [hbm4b:s3+s18], $0x80, v6, vm1, $0xb8;
	[tilespmem:$0x1C500] =	vst v63  }
0x96: {  	v5 =	vperm.xlane @!p0 v5, v7;
	s9 =	simm.s32 @!p0 $0x10D00  }
0x97: {  	[tilespmem:s9], [sflag:$0x1] =	stream.indirect_vreg.gather @!p0 [hbm4b:s10+s18], $0x80, v6, vm1, $0xb8;
	[tilespmem:$0x1C500] =	vst v63  }
0x98: {  	v5 =	vadd.s32 @!p0 v8, v5;
	s9 =	simm.s32 @!p0 $0x11500  }
0x99: {  	[tilespmem:s9], [sflag:$0x1] =	stream.indirect_vreg.gather @!p0 [hbm4b:s11+s18], $0x80, v6, vm1, $0xb8;
	[tilespmem:$0x1C500] =	vst v63  }
0x9a: {  	s9 =	simm.s32 @!p0 $0x11D00  }
0x9b: {  	[tilespmem:s9], [sflag:$0x1] =	stream.indirect_vreg.gather @!p0 [hbm4b:s12+s18], $0x80, v6, vm1, $0xb8;
	[tilespmem:$0x1C500] =	vst v63  }
0x9c: {  	s9 =	simm.s32 @!p0 $0x12500  }
0x9d: {  	[tilespmem:s9], [sflag:$0x1] =	stream.indirect_vreg.gather @!p0 [hbm4b:s3+s18], $0x80, v5, vm1, $0xb8;
	[tilespmem:$0x1C500] =	vst v63  }
0x9e: {  	s9 =	simm.s32 @!p0 $0x12D00  }
0x9f: {  	[tilespmem:s9], [sflag:$0x1] =	stream.indirect_vreg.gather @!p0 [hbm4b:s10+s18], $0x80, v5, vm1, $0xb8;
	[tilespmem:$0x1C500] =	vst v63  }
.Ltmp8:
0xa0: {  	s9 =	simm.s32 @!p0 $0x13500;
	(pc) =	sbr.rel .LBB2_9-.Ltmp8, $4  }
0xa1: {  	[tilespmem:s9], [sflag:$0x1] =	stream.indirect_vreg.gather @!p0 [hbm4b:s11+s18], $0x80, v5, vm1, $0xb8;
	[tilespmem:$0x1C500] =	vst v63  }
0xa2: {  	s17 =	simm.s32 @p0 $0x10;
	s9 =	simm.s32 @!p0 $0x13D00  }
0xa3: {  	[tilespmem:s9], [sflag:$0x1] =	stream.indirect_vreg.gather @!p0 [hbm4b:s12+s18], $0x80, v5, vm1, $0xb8;
	[tilespmem:$0x1C500] =	vst v63  }
0xa4: {  	s9 =	smov.u32 s17  }
.LBB2_7:
.Ltmp9:
0xa5: {  	(pc) =	sbr.rel @p0 .LBB2_9-.Ltmp9, $4  }
0xa6: {  	_ = 	snop  }
0xa7: {  	_ =	swait.ge [sflag:s2], $0x8000  }
0xa8: {  	[sflag:s2] =	ssyncset.done $0x0  }
0xa9: {  	s9 =	simm.s32 $0x10;
	[sflag:s2] =	ssyncadd.s32 $0xFFFF8000  }
.LBB2_8:
0xaa: {  	s9 =	sshll.u32 s17, $0x6  }
0xab: {  	s9 =	sand.u32 $0x3FFFFFC0, s9  }
0xac: {  	v5 =	vld [tilespmem:s9+$0x0];
	_ =	sdelay $0x4  }
0xad: {  	v6 =	vshll.u32 v5, $0x3  }
0xae: {  	v5 =	vand.u32 $0x7, v5;
	v6 =	vand.u32 $0xFFFFFFC0, v6  }
0xaf: {  	v5 =	vor.u32 v5, v6  }
0xb0: {  	v6 =	vperm.xlane v5, v2;
	_ =	sdelay $0x1  }
0xb1: {  	v6 =	vadd.s32 v3, v6;
	_ =	sdelay $0x3  }
0xb2: {  	s18 =	simm.s32 $0x14500  }
0xb3: {  	[tilespmem:s18], [sflag:$0x2] =	stream.indirect_vreg.gather [hbm4b:s3+s6], $0x80, v6, vm0, $0xb8;
	[tilespmem:$0x1C500] =	vst v63  }
0xb4: {  	s19 =	simm.s32 $0x14D00;
	v5 =	vperm.xlane v5, v4  }
0xb5: {  	[tilespmem:s19], [sflag:$0x2] =	stream.indirect_vreg.gather [hbm4b:s10+s6], $0x80, v6, vm0, $0xb8;
	[tilespmem:$0x1C500] =	vst v63  }
0xb6: {  	s20 =	simm.s32 $0x15500;
	v5 =	vadd.s32 v3, v5  }
0xb7: {  	[tilespmem:s20], [sflag:$0x2] =	stream.indirect_vreg.gather [hbm4b:s11+s6], $0x80, v6, vm0, $0xb8;
	[tilespmem:$0x1C500] =	vst v63  }
0xb8: {  	s21 =	simm.s32 $0x15D00  }
0xb9: {  	[tilespmem:s21], [sflag:$0x2] =	stream.indirect_vreg.gather [hbm4b:s12+s6], $0x80, v6, vm0, $0xb8;
	[tilespmem:$0x1C500] =	vst v63  }
0xba: {  	s22 =	simm.s32 $0x16500  }
0xbb: {  	[tilespmem:s22], [sflag:$0x2] =	stream.indirect_vreg.gather [hbm4b:s3+s6], $0x80, v5, vm0, $0xb8;
	[tilespmem:$0x1C500] =	vst v63  }
0xbc: {  	s23 =	simm.s32 $0x16D00  }
0xbd: {  	[tilespmem:s23], [sflag:$0x2] =	stream.indirect_vreg.gather [hbm4b:s10+s6], $0x80, v5, vm0, $0xb8;
	[tilespmem:$0x1C500] =	vst v63  }
0xbe: {  	s24 =	simm.s32 $0x17500  }
0xbf: {  	[tilespmem:s24], [sflag:$0x2] =	stream.indirect_vreg.gather [hbm4b:s11+s6], $0x80, v5, vm0, $0xb8;
	[tilespmem:$0x1C500] =	vst v63  }
0xc0: {  	s25 =	simm.s32 $0x17D00  }
0xc1: {  	[tilespmem:s25], [sflag:$0x2] =	stream.indirect_vreg.gather [hbm4b:s12+s6], $0x80, v5, vm0, $0xb8;
	[tilespmem:$0x1C500] =	vst v63  }
0xc2: {  	v5 =	vld [tilespmem:s9+$0x10];
	_ =	sdelay $0x4  }
0xc3: {  	v6 =	vshll.u32 v5, $0x3  }
0xc4: {  	v5 =	vand.u32 $0x7, v5;
	v6 =	vand.u32 $0xFFFFFFC0, v6  }
0xc5: {  	v5 =	vor.u32 v5, v6  }
0xc6: {  	v6 =	vperm.xlane v5, v2;
	_ =	sdelay $0x1  }
0xc7: {  	v6 =	vadd.s32 v3, v6;
	_ =	sdelay $0x3  }
0xc8: {  	s26 =	simm.s32 $0x18500  }
0xc9: {  	[tilespmem:s26], [sflag:$0x2] =	stream.indirect_vreg.gather [hbm4b:s3+s6], $0x80, v6, vm0, $0xb8;
	[tilespmem:$0x1C500] =	vst v63  }
0xca: {  	s28 =	simm.s32 $0x18D00;
	v5 =	vperm.xlane v5, v4  }
0xcb: {  	[tilespmem:s28], [sflag:$0x2] =	stream.indirect_vreg.gather [hbm4b:s10+s6], $0x80, v6, vm0, $0xb8;
	[tilespmem:$0x1C500] =	vst v63  }
0xcc: {  	s29 =	simm.s32 $0x19500;
	v5 =	vadd.s32 v3, v5  }
0xcd: {  	[tilespmem:s29], [sflag:$0x2] =	stream.indirect_vreg.gather [hbm4b:s11+s6], $0x80, v6, vm0, $0xb8;
	[tilespmem:$0x1C500] =	vst v63  }
0xce: {  	s30 =	simm.s32 $0x19D00  }
0xcf: {  	[tilespmem:s30], [sflag:$0x2] =	stream.indirect_vreg.gather [hbm4b:s12+s6], $0x80, v6, vm0, $0xb8;
	[tilespmem:$0x1C500] =	vst v63  }
0xd0: {  	_ = 	snop  }
0xd1: {  	[tilespmem:s31], [sflag:$0x2] =	stream.indirect_vreg.gather [hbm4b:s3+s6], $0x80, v5, vm0, $0xb8;
	[tilespmem:$0x1C500] =	vst v63  }
0xd2: {  	_ = 	snop  }
0xd3: {  	[tilespmem:s0], [sflag:$0x2] =	stream.indirect_vreg.gather [hbm4b:s10+s6], $0x80, v5, vm0, $0xb8;
	[tilespmem:$0x1C500] =	vst v63  }
0xd4: {  	_ = 	snop  }
0xd5: {  	[tilespmem:s4], [sflag:$0x2] =	stream.indirect_vreg.gather [hbm4b:s11+s6], $0x80, v5, vm0, $0xb8;
	[tilespmem:$0x1C500] =	vst v63  }
0xd6: {  	s9 =	smov.u32 s17  }
0xd7: {  	[tilespmem:s1], [sflag:$0x2] =	stream.indirect_vreg.gather [hbm4b:s12+s6], $0x80, v5, vm0, $0xb8;
	[tilespmem:$0x1C500] =	vst v63  }
.LBB2_9:
0xd8: {  	s18 =	simm.s32 $0x0;
	s17 =	simm.s32 $0x0  }
0xd9: {  	s19 =	sand.u32 $0x6000, s17;
	s21 =	sand.u32 $0x380, s18  }
0xda: {  	s20 =	sor.u32 s21, s19  }
0xdb: {  	v5 =	vld [tilespmem:s20+$0x4500]  }
0xdc: {  	s30 =	sshll.u32 s15, $0xF  }
0xdd: {  	s17 =	sadd.s32 $0xC500, s30  }
0xde: {  	s19 =	sadd.s32 s19, s17  }
0xdf: {  	s19 =	sadd.s32 s21, s19  }
0xe0: {  	[tilespmem:s19+$0x0] =	vst.add.f32.msk $0xffff, v5  }
0xe1: {  	v5 =	vld [tilespmem:s20+$0x4510];
	_ =	sdelay $0x4  }
0xe2: {  	[tilespmem:s19+$0x10] =	vst.add.f32.msk $0xffff, v5  }
0xe3: {  	v5 =	vld [tilespmem:s20+$0x4520];
	_ =	sdelay $0x4  }
0xe4: {  	[tilespmem:s19+$0x20] =	vst.add.f32.msk $0xffff, v5  }
0xe5: {  	v5 =	vld [tilespmem:s20+$0x4530];
	_ =	sdelay $0x4  }
0xe6: {  	[tilespmem:s19+$0x30] =	vst.add.f32.msk $0xffff, v5  }
0xe7: {  	v5 =	vld [tilespmem:s20+$0x4540];
	_ =	sdelay $0x4  }
0xe8: {  	[tilespmem:s19+$0x40] =	vst.add.f32.msk $0xffff, v5  }
0xe9: {  	v5 =	vld [tilespmem:s20+$0x4550];
	_ =	sdelay $0x4  }
0xea: {  	[tilespmem:s19+$0x50] =	vst.add.f32.msk $0xffff, v5  }
0xeb: {  	v5 =	vld [tilespmem:s20+$0x4560];
	_ =	sdelay $0x4  }
0xec: {  	[tilespmem:s19+$0x60] =	vst.add.f32.msk $0xffff, v5  }
0xed: {  	v5 =	vld [tilespmem:s20+$0x4570];
	_ =	sdelay $0x4  }
0xee: {  	[tilespmem:s19+$0x70] =	vst.add.f32.msk $0xffff, v5  }
0xef: {  	v5 =	vld [tilespmem:s20+$0x4900];
	_ =	sdelay $0x4  }
0xf0: {  	[tilespmem:s19+$0x400] =	vst.add.f32.msk $0xffff, v5  }
0xf1: {  	v5 =	vld [tilespmem:s20+$0x4910];
	_ =	sdelay $0x4  }
0xf2: {  	[tilespmem:s19+$0x410] =	vst.add.f32.msk $0xffff, v5  }
0xf3: {  	v5 =	vld [tilespmem:s20+$0x4920];
	_ =	sdelay $0x4  }
0xf4: {  	[tilespmem:s19+$0x420] =	vst.add.f32.msk $0xffff, v5  }
0xf5: {  	v5 =	vld [tilespmem:s20+$0x4930];
	_ =	sdelay $0x4  }
0xf6: {  	[tilespmem:s19+$0x430] =	vst.add.f32.msk $0xffff, v5  }
0xf7: {  	v5 =	vld [tilespmem:s20+$0x4940];
	_ =	sdelay $0x4  }
0xf8: {  	[tilespmem:s19+$0x440] =	vst.add.f32.msk $0xffff, v5  }
0xf9: {  	v5 =	vld [tilespmem:s20+$0x4950];
	_ =	sdelay $0x4  }
0xfa: {  	[tilespmem:s19+$0x450] =	vst.add.f32.msk $0xffff, v5  }
0xfb: {  	v5 =	vld [tilespmem:s20+$0x4960];
	_ =	sdelay $0x4  }
0xfc: {  	[tilespmem:s19+$0x460] =	vst.add.f32.msk $0xffff, v5  }
0xfd: {  	v5 =	vld [tilespmem:s20+$0x4970];
	_ =	sdelay $0x4  }
0xfe: {  	[tilespmem:s19+$0x470] =	vst.add.f32.msk $0xffff, v5  }
0xff: {  	v5 =	vld [tilespmem:s20+$0x4D00];
	_ =	sdelay $0x4  }
0x100: {  	[tilespmem:s19+$0x800] =	vst.add.f32.msk $0xffff, v5  }
0x101: {  	v5 =	vld [tilespmem:s20+$0x4D10];
	_ =	sdelay $0x4  }
0x102: {  	[tilespmem:s19+$0x810] =	vst.add.f32.msk $0xffff, v5  }
0x103: {  	v5 =	vld [tilespmem:s20+$0x4D20];
	_ =	sdelay $0x4  }
0x104: {  	[tilespmem:s19+$0x820] =	vst.add.f32.msk $0xffff, v5  }
0x105: {  	v5 =	vld [tilespmem:s20+$0x4D30];
	_ =	sdelay $0x4  }
0x106: {  	[tilespmem:s19+$0x830] =	vst.add.f32.msk $0xffff, v5  }
0x107: {  	v5 =	vld [tilespmem:s20+$0x4D40];
	_ =	sdelay $0x4  }
0x108: {  	[tilespmem:s19+$0x840] =	vst.add.f32.msk $0xffff, v5  }
0x109: {  	v5 =	vld [tilespmem:s20+$0x4D50];
	_ =	sdelay $0x4  }
0x10a: {  	[tilespmem:s19+$0x850] =	vst.add.f32.msk $0xffff, v5  }
0x10b: {  	v5 =	vld [tilespmem:s20+$0x4D60];
	_ =	sdelay $0x4  }
0x10c: {  	[tilespmem:s19+$0x860] =	vst.add.f32.msk $0xffff, v5  }
0x10d: {  	v5 =	vld [tilespmem:s20+$0x4D70];
	_ =	sdelay $0x4  }
0x10e: {  	[tilespmem:s19+$0x870] =	vst.add.f32.msk $0xffff, v5  }
0x10f: {  	v5 =	vld [tilespmem:s20+$0x5100];
	_ =	sdelay $0x4  }
0x110: {  	[tilespmem:s19+$0xC00] =	vst.add.f32.msk $0xffff, v5  }
0x111: {  	v5 =	vld [tilespmem:s20+$0x5110];
	_ =	sdelay $0x4  }
0x112: {  	[tilespmem:s19+$0xC10] =	vst.add.f32.msk $0xffff, v5  }
0x113: {  	v5 =	vld [tilespmem:s20+$0x5120];
	_ =	sdelay $0x4  }
0x114: {  	[tilespmem:s19+$0xC20] =	vst.add.f32.msk $0xffff, v5  }
0x115: {  	v5 =	vld [tilespmem:s20+$0x5130];
	_ =	sdelay $0x4  }
0x116: {  	[tilespmem:s19+$0xC30] =	vst.add.f32.msk $0xffff, v5  }
0x117: {  	v5 =	vld [tilespmem:s20+$0x5140];
	_ =	sdelay $0x4  }
0x118: {  	[tilespmem:s19+$0xC40] =	vst.add.f32.msk $0xffff, v5  }
0x119: {  	v5 =	vld [tilespmem:s20+$0x5150];
	_ =	sdelay $0x4  }
0x11a: {  	[tilespmem:s19+$0xC50] =	vst.add.f32.msk $0xffff, v5  }
0x11b: {  	v5 =	vld [tilespmem:s20+$0x5160];
	_ =	sdelay $0x4  }
0x11c: {  	[tilespmem:s19+$0xC60] =	vst.add.f32.msk $0xffff, v5  }
0x11d: {  	v5 =	vld [tilespmem:s20+$0x5170];
	_ =	sdelay $0x4  }
0x11e: {  	[tilespmem:s19+$0xC70] =	vst.add.f32.msk $0xffff, v5  }
0x11f: {  	v5 =	vld [tilespmem:s20+$0x5500];
	_ =	sdelay $0x4  }
0x120: {  	[tilespmem:s19+$0x1000] =	vst.add.f32.msk $0xffff, v5  }
0x121: {  	v5 =	vld [tilespmem:s20+$0x5510];
	_ =	sdelay $0x4  }
0x122: {  	[tilespmem:s19+$0x1010] =	vst.add.f32.msk $0xffff, v5  }
0x123: {  	v5 =	vld [tilespmem:s20+$0x5520];
	_ =	sdelay $0x4  }
0x124: {  	[tilespmem:s19+$0x1020] =	vst.add.f32.msk $0xffff, v5  }
0x125: {  	v5 =	vld [tilespmem:s20+$0x5530];
	_ =	sdelay $0x4  }
0x126: {  	[tilespmem:s19+$0x1030] =	vst.add.f32.msk $0xffff, v5  }
0x127: {  	v5 =	vld [tilespmem:s20+$0x5540];
	_ =	sdelay $0x4  }
0x128: {  	[tilespmem:s19+$0x1040] =	vst.add.f32.msk $0xffff, v5  }
0x129: {  	v5 =	vld [tilespmem:s20+$0x5550];
	_ =	sdelay $0x4  }
0x12a: {  	[tilespmem:s19+$0x1050] =	vst.add.f32.msk $0xffff, v5  }
0x12b: {  	v5 =	vld [tilespmem:s20+$0x5560];
	_ =	sdelay $0x4  }
0x12c: {  	[tilespmem:s19+$0x1060] =	vst.add.f32.msk $0xffff, v5  }
0x12d: {  	v5 =	vld [tilespmem:s20+$0x5570];
	_ =	sdelay $0x4  }
0x12e: {  	[tilespmem:s19+$0x1070] =	vst.add.f32.msk $0xffff, v5  }
0x12f: {  	v5 =	vld [tilespmem:s20+$0x5900];
	_ =	sdelay $0x4  }
0x130: {  	[tilespmem:s19+$0x1400] =	vst.add.f32.msk $0xffff, v5  }
0x131: {  	v5 =	vld [tilespmem:s20+$0x5910];
	_ =	sdelay $0x4  }
0x132: {  	[tilespmem:s19+$0x1410] =	vst.add.f32.msk $0xffff, v5  }
0x133: {  	v5 =	vld [tilespmem:s20+$0x5920];
	_ =	sdelay $0x4  }
0x134: {  	[tilespmem:s19+$0x1420] =	vst.add.f32.msk $0xffff, v5  }
0x135: {  	v5 =	vld [tilespmem:s20+$0x5930];
	_ =	sdelay $0x4  }
0x136: {  	[tilespmem:s19+$0x1430] =	vst.add.f32.msk $0xffff, v5  }
0x137: {  	v5 =	vld [tilespmem:s20+$0x5940];
	_ =	sdelay $0x4  }
0x138: {  	[tilespmem:s19+$0x1440] =	vst.add.f32.msk $0xffff, v5  }
0x139: {  	v5 =	vld [tilespmem:s20+$0x5950];
	_ =	sdelay $0x4  }
0x13a: {  	[tilespmem:s19+$0x1450] =	vst.add.f32.msk $0xffff, v5  }
0x13b: {  	v5 =	vld [tilespmem:s20+$0x5960];
	_ =	sdelay $0x4  }
0x13c: {  	[tilespmem:s19+$0x1460] =	vst.add.f32.msk $0xffff, v5  }
0x13d: {  	v5 =	vld [tilespmem:s20+$0x5970];
	_ =	sdelay $0x4  }
0x13e: {  	[tilespmem:s19+$0x1470] =	vst.add.f32.msk $0xffff, v5  }
0x13f: {  	v5 =	vld [tilespmem:s20+$0x5D00];
	_ =	sdelay $0x4  }
0x140: {  	[tilespmem:s19+$0x1800] =	vst.add.f32.msk $0xffff, v5  }
0x141: {  	v5 =	vld [tilespmem:s20+$0x5D10];
	_ =	sdelay $0x4  }
0x142: {  	[tilespmem:s19+$0x1810] =	vst.add.f32.msk $0xffff, v5  }
0x143: {  	v5 =	vld [tilespmem:s20+$0x5D20];
	_ =	sdelay $0x4  }
0x144: {  	[tilespmem:s19+$0x1820] =	vst.add.f32.msk $0xffff, v5  }
0x145: {  	v5 =	vld [tilespmem:s20+$0x5D30];
	_ =	sdelay $0x4  }
0x146: {  	[tilespmem:s19+$0x1830] =	vst.add.f32.msk $0xffff, v5  }
0x147: {  	v5 =	vld [tilespmem:s20+$0x5D40];
	_ =	sdelay $0x4  }
0x148: {  	[tilespmem:s19+$0x1840] =	vst.add.f32.msk $0xffff, v5  }
0x149: {  	v5 =	vld [tilespmem:s20+$0x5D50];
	_ =	sdelay $0x4  }
0x14a: {  	[tilespmem:s19+$0x1850] =	vst.add.f32.msk $0xffff, v5  }
0x14b: {  	v5 =	vld [tilespmem:s20+$0x5D60];
	_ =	sdelay $0x4  }
0x14c: {  	[tilespmem:s19+$0x1860] =	vst.add.f32.msk $0xffff, v5  }
0x14d: {  	v5 =	vld [tilespmem:s20+$0x5D70];
	_ =	sdelay $0x1  }
0x14e: {  	s22 =	sand.u32 $0x7, s18  }
0x14f: {  	s20 =	sshll.u32 s22, $0x7  }
0x150: {  	s20 =	sadd.s32 $0x0, s20  }
0x151: {  	s23 =	sor.u32 $0x1C00, s20;
	[tilespmem:s19+$0x1870] =	vst.add.f32.msk $0xffff, v5  }
0x152: {  	v5 =	vld [tilespmem:s23+$0x4500];
	_ =	sdelay $0x4  }
0x153: {  	s24 =	sor.u32 $0x1C10, s20;
	[tilespmem:s19+$0x1C00] =	vst.add.f32.msk $0xffff, v5  }
0x154: {  	v5 =	vld [tilespmem:s24+$0x4500];
	_ =	sdelay $0x4  }
0x155: {  	s25 =	sor.u32 $0x1C20, s20;
	[tilespmem:s19+$0x1C10] =	vst.add.f32.msk $0xffff, v5  }
0x156: {  	v5 =	vld [tilespmem:s25+$0x4500];
	_ =	sdelay $0x4  }
0x157: {  	s26 =	sor.u32 $0x1C30, s20;
	[tilespmem:s19+$0x1C20] =	vst.add.f32.msk $0xffff, v5  }
0x158: {  	v5 =	vld [tilespmem:s26+$0x4500];
	_ =	sdelay $0x4  }
0x159: {  	s28 =	sor.u32 $0x1C40, s20;
	[tilespmem:s19+$0x1C30] =	vst.add.f32.msk $0xffff, v5  }
0x15a: {  	v5 =	vld [tilespmem:s28+$0x4500];
	_ =	sdelay $0x4  }
0x15b: {  	s29 =	sor.u32 $0x1C50, s20;
	[tilespmem:s19+$0x1C40] =	vst.add.f32.msk $0xffff, v5  }
0x15c: {  	v5 =	vld [tilespmem:s29+$0x4500];
	_ =	sdelay $0x4  }
0x15d: {  	s30 =	sor.u32 $0x1C60, s20;
	[tilespmem:s19+$0x1C50] =	vst.add.f32.msk $0xffff, v5  }
0x15e: {  	v5 =	vld [tilespmem:s30+$0x4500];
	_ =	sdelay $0x4  }
0x15f: {  	s20 =	sor.u32 $0x1C70, s20;
	[tilespmem:s19+$0x1C60] =	vst.add.f32.msk $0xffff, v5  }
0x160: {  	v5 =	vld [tilespmem:s20+$0x4500];
	_ =	sdelay $0x1  }
0x161: {  	s21 =	simm.s32 $0x80;
	s22 =	simm.s32 $0xFFFF8400  }
0x162: {  	s23 =	simm.s32 $0x100;
	s24 =	simm.s32 $0x400;
	s20 =	simm.s32 $0x0  }
.LBB2_10:
0x163: {  	p0 =	sne.s32 s23, $0xF80;
	s25 =	sand.u32 $0x6000, s24;
	s26 =	sand.u32 $0x380, s21  }
0x164: {  	s21 =	smov.u32 s23;
	s24 =	sor.u32 s26, s25;
	[tilespmem:s19+$0x1C70] =	vst.add.f32.msk $0xffff, v5  }
0x165: {  	v5 =	vld [tilespmem:s24+$0x4500];
	_ =	sdelay $0x2  }
0x166: {  	s19 =	sadd.s32 s25, s17  }
0x167: {  	s19 =	sadd.s32 s26, s19  }
0x168: {  	[tilespmem:s19+$0x0] =	vst.add.f32.msk $0xffff, v5  }
0x169: {  	v5 =	vld [tilespmem:s24+$0x4510];
	_ =	sdelay $0x4  }
0x16a: {  	[tilespmem:s19+$0x10] =	vst.add.f32.msk $0xffff, v5  }
0x16b: {  	v5 =	vld [tilespmem:s24+$0x4520];
	_ =	sdelay $0x4  }
0x16c: {  	[tilespmem:s19+$0x20] =	vst.add.f32.msk $0xffff, v5  }
0x16d: {  	v5 =	vld [tilespmem:s24+$0x4530];
	_ =	sdelay $0x4  }
0x16e: {  	[tilespmem:s19+$0x30] =	vst.add.f32.msk $0xffff, v5  }
0x16f: {  	v5 =	vld [tilespmem:s24+$0x4540];
	_ =	sdelay $0x4  }
0x170: {  	[tilespmem:s19+$0x40] =	vst.add.f32.msk $0xffff, v5  }
0x171: {  	v5 =	vld [tilespmem:s24+$0x4550];
	_ =	sdelay $0x4  }
0x172: {  	[tilespmem:s19+$0x50] =	vst.add.f32.msk $0xffff, v5  }
0x173: {  	v5 =	vld [tilespmem:s24+$0x4560];
	_ =	sdelay $0x4  }
0x174: {  	[tilespmem:s19+$0x60] =	vst.add.f32.msk $0xffff, v5  }
0x175: {  	v5 =	vld [tilespmem:s24+$0x4570];
	_ =	sdelay $0x4  }
0x176: {  	[tilespmem:s19+$0x70] =	vst.add.f32.msk $0xffff, v5  }
0x177: {  	v5 =	vld [tilespmem:s24+$0x4900];
	_ =	sdelay $0x4  }
0x178: {  	[tilespmem:s19+$0x400] =	vst.add.f32.msk $0xffff, v5  }
0x179: {  	v5 =	vld [tilespmem:s24+$0x4910];
	_ =	sdelay $0x4  }
0x17a: {  	[tilespmem:s19+$0x410] =	vst.add.f32.msk $0xffff, v5  }
0x17b: {  	v5 =	vld [tilespmem:s24+$0x4920];
	_ =	sdelay $0x4  }
0x17c: {  	[tilespmem:s19+$0x420] =	vst.add.f32.msk $0xffff, v5  }
0x17d: {  	v5 =	vld [tilespmem:s24+$0x4930];
	_ =	sdelay $0x4  }
0x17e: {  	[tilespmem:s19+$0x430] =	vst.add.f32.msk $0xffff, v5  }
0x17f: {  	v5 =	vld [tilespmem:s24+$0x4940];
	_ =	sdelay $0x4  }
0x180: {  	[tilespmem:s19+$0x440] =	vst.add.f32.msk $0xffff, v5  }
0x181: {  	v5 =	vld [tilespmem:s24+$0x4950];
	_ =	sdelay $0x4  }
0x182: {  	[tilespmem:s19+$0x450] =	vst.add.f32.msk $0xffff, v5  }
0x183: {  	v5 =	vld [tilespmem:s24+$0x4960];
	_ =	sdelay $0x4  }
0x184: {  	[tilespmem:s19+$0x460] =	vst.add.f32.msk $0xffff, v5  }
0x185: {  	v5 =	vld [tilespmem:s24+$0x4970];
	_ =	sdelay $0x4  }
0x186: {  	[tilespmem:s19+$0x470] =	vst.add.f32.msk $0xffff, v5  }
0x187: {  	v5 =	vld [tilespmem:s24+$0x4D00];
	_ =	sdelay $0x4  }
0x188: {  	[tilespmem:s19+$0x800] =	vst.add.f32.msk $0xffff, v5  }
0x189: {  	v5 =	vld [tilespmem:s24+$0x4D10];
	_ =	sdelay $0x4  }
0x18a: {  	[tilespmem:s19+$0x810] =	vst.add.f32.msk $0xffff, v5  }
0x18b: {  	v5 =	vld [tilespmem:s24+$0x4D20];
	_ =	sdelay $0x4  }
0x18c: {  	[tilespmem:s19+$0x820] =	vst.add.f32.msk $0xffff, v5  }
0x18d: {  	v5 =	vld [tilespmem:s24+$0x4D30];
	_ =	sdelay $0x4  }
0x18e: {  	[tilespmem:s19+$0x830] =	vst.add.f32.msk $0xffff, v5  }
0x18f: {  	v5 =	vld [tilespmem:s24+$0x4D40];
	_ =	sdelay $0x4  }
0x190: {  	[tilespmem:s19+$0x840] =	vst.add.f32.msk $0xffff, v5  }
0x191: {  	v5 =	vld [tilespmem:s24+$0x4D50];
	_ =	sdelay $0x4  }
0x192: {  	[tilespmem:s19+$0x850] =	vst.add.f32.msk $0xffff, v5  }
0x193: {  	v5 =	vld [tilespmem:s24+$0x4D60];
	_ =	sdelay $0x4  }
0x194: {  	[tilespmem:s19+$0x860] =	vst.add.f32.msk $0xffff, v5  }
0x195: {  	v5 =	vld [tilespmem:s24+$0x4D70];
	_ =	sdelay $0x4  }
0x196: {  	[tilespmem:s19+$0x870] =	vst.add.f32.msk $0xffff, v5  }
0x197: {  	v5 =	vld [tilespmem:s24+$0x5100];
	_ =	sdelay $0x4  }
0x198: {  	[tilespmem:s19+$0xC00] =	vst.add.f32.msk $0xffff, v5  }
0x199: {  	v5 =	vld [tilespmem:s24+$0x5110];
	_ =	sdelay $0x4  }
0x19a: {  	[tilespmem:s19+$0xC10] =	vst.add.f32.msk $0xffff, v5  }
0x19b: {  	v5 =	vld [tilespmem:s24+$0x5120];
	_ =	sdelay $0x4  }
0x19c: {  	[tilespmem:s19+$0xC20] =	vst.add.f32.msk $0xffff, v5  }
0x19d: {  	v5 =	vld [tilespmem:s24+$0x5130];
	_ =	sdelay $0x4  }
0x19e: {  	[tilespmem:s19+$0xC30] =	vst.add.f32.msk $0xffff, v5  }
0x19f: {  	v5 =	vld [tilespmem:s24+$0x5140];
	_ =	sdelay $0x4  }
0x1a0: {  	[tilespmem:s19+$0xC40] =	vst.add.f32.msk $0xffff, v5  }
0x1a1: {  	v5 =	vld [tilespmem:s24+$0x5150];
	_ =	sdelay $0x4  }
0x1a2: {  	[tilespmem:s19+$0xC50] =	vst.add.f32.msk $0xffff, v5  }
0x1a3: {  	v5 =	vld [tilespmem:s24+$0x5160];
	_ =	sdelay $0x4  }
0x1a4: {  	[tilespmem:s19+$0xC60] =	vst.add.f32.msk $0xffff, v5  }
0x1a5: {  	v5 =	vld [tilespmem:s24+$0x5170];
	_ =	sdelay $0x4  }
0x1a6: {  	[tilespmem:s19+$0xC70] =	vst.add.f32.msk $0xffff, v5  }
0x1a7: {  	v5 =	vld [tilespmem:s24+$0x5500];
	_ =	sdelay $0x4  }
0x1a8: {  	[tilespmem:s19+$0x1000] =	vst.add.f32.msk $0xffff, v5  }
0x1a9: {  	v5 =	vld [tilespmem:s24+$0x5510];
	_ =	sdelay $0x4  }
0x1aa: {  	[tilespmem:s19+$0x1010] =	vst.add.f32.msk $0xffff, v5  }
0x1ab: {  	v5 =	vld [tilespmem:s24+$0x5520];
	_ =	sdelay $0x4  }
0x1ac: {  	[tilespmem:s19+$0x1020] =	vst.add.f32.msk $0xffff, v5  }
0x1ad: {  	v5 =	vld [tilespmem:s24+$0x5530];
	_ =	sdelay $0x4  }
0x1ae: {  	[tilespmem:s19+$0x1030] =	vst.add.f32.msk $0xffff, v5  }
0x1af: {  	v5 =	vld [tilespmem:s24+$0x5540];
	_ =	sdelay $0x4  }
0x1b0: {  	[tilespmem:s19+$0x1040] =	vst.add.f32.msk $0xffff, v5  }
0x1b1: {  	v5 =	vld [tilespmem:s24+$0x5550];
	_ =	sdelay $0x4  }
0x1b2: {  	[tilespmem:s19+$0x1050] =	vst.add.f32.msk $0xffff, v5  }
0x1b3: {  	v5 =	vld [tilespmem:s24+$0x5560];
	_ =	sdelay $0x4  }
0x1b4: {  	[tilespmem:s19+$0x1060] =	vst.add.f32.msk $0xffff, v5  }
0x1b5: {  	v5 =	vld [tilespmem:s24+$0x5570];
	_ =	sdelay $0x4  }
0x1b6: {  	[tilespmem:s19+$0x1070] =	vst.add.f32.msk $0xffff, v5  }
0x1b7: {  	v5 =	vld [tilespmem:s24+$0x5900];
	_ =	sdelay $0x4  }
0x1b8: {  	[tilespmem:s19+$0x1400] =	vst.add.f32.msk $0xffff, v5  }
0x1b9: {  	v5 =	vld [tilespmem:s24+$0x5910];
	_ =	sdelay $0x4  }
0x1ba: {  	[tilespmem:s19+$0x1410] =	vst.add.f32.msk $0xffff, v5  }
0x1bb: {  	v5 =	vld [tilespmem:s24+$0x5920];
	_ =	sdelay $0x4  }
0x1bc: {  	[tilespmem:s19+$0x1420] =	vst.add.f32.msk $0xffff, v5  }
0x1bd: {  	v5 =	vld [tilespmem:s24+$0x5930];
	_ =	sdelay $0x4  }
0x1be: {  	[tilespmem:s19+$0x1430] =	vst.add.f32.msk $0xffff, v5  }
0x1bf: {  	v5 =	vld [tilespmem:s24+$0x5940];
	_ =	sdelay $0x4  }
0x1c0: {  	[tilespmem:s19+$0x1440] =	vst.add.f32.msk $0xffff, v5  }
0x1c1: {  	v5 =	vld [tilespmem:s24+$0x5950];
	_ =	sdelay $0x4  }
0x1c2: {  	[tilespmem:s19+$0x1450] =	vst.add.f32.msk $0xffff, v5  }
0x1c3: {  	v5 =	vld [tilespmem:s24+$0x5960];
	_ =	sdelay $0x4  }
0x1c4: {  	[tilespmem:s19+$0x1460] =	vst.add.f32.msk $0xffff, v5  }
0x1c5: {  	v5 =	vld [tilespmem:s24+$0x5970];
	_ =	sdelay $0x4  }
0x1c6: {  	[tilespmem:s19+$0x1470] =	vst.add.f32.msk $0xffff, v5  }
0x1c7: {  	v5 =	vld [tilespmem:s24+$0x5D00];
	_ =	sdelay $0x4  }
0x1c8: {  	[tilespmem:s19+$0x1800] =	vst.add.f32.msk $0xffff, v5  }
0x1c9: {  	v5 =	vld [tilespmem:s24+$0x5D10];
	_ =	sdelay $0x4  }
0x1ca: {  	[tilespmem:s19+$0x1810] =	vst.add.f32.msk $0xffff, v5  }
0x1cb: {  	v5 =	vld [tilespmem:s24+$0x5D20];
	_ =	sdelay $0x4  }
0x1cc: {  	[tilespmem:s19+$0x1820] =	vst.add.f32.msk $0xffff, v5  }
0x1cd: {  	v5 =	vld [tilespmem:s24+$0x5D30];
	_ =	sdelay $0x4  }
0x1ce: {  	[tilespmem:s19+$0x1830] =	vst.add.f32.msk $0xffff, v5  }
0x1cf: {  	v5 =	vld [tilespmem:s24+$0x5D40];
	_ =	sdelay $0x4  }
0x1d0: {  	[tilespmem:s19+$0x1840] =	vst.add.f32.msk $0xffff, v5  }
0x1d1: {  	v5 =	vld [tilespmem:s24+$0x5D50];
	_ =	sdelay $0x4  }
0x1d2: {  	[tilespmem:s19+$0x1850] =	vst.add.f32.msk $0xffff, v5  }
0x1d3: {  	v5 =	vld [tilespmem:s24+$0x5D60];
	_ =	sdelay $0x4  }
0x1d4: {  	[tilespmem:s19+$0x1860] =	vst.add.f32.msk $0xffff, v5  }
0x1d5: {  	v5 =	vld [tilespmem:s24+$0x5D70]  }
0x1d6: {  	s18 =	sadd.s32 $0x1, s18  }
0x1d7: {  	s24 =	sand.u32 $0x7, s18  }
0x1d8: {  	s20 =	sadd.s32 $0x400, s20;
	s24 =	sshll.u32 s24, $0x7  }
0x1d9: {  	s24 =	sadd.s32 s24, s20  }
0x1da: {  	s25 =	sor.u32 $0x1C00, s24;
	[tilespmem:s19+$0x1870] =	vst.add.f32.msk $0xffff, v5  }
0x1db: {  	v5 =	vld [tilespmem:s25+$0x4500];
	_ =	sdelay $0x4  }
0x1dc: {  	s25 =	sor.u32 $0x1C10, s24;
	[tilespmem:s19+$0x1C00] =	vst.add.f32.msk $0xffff, v5  }
0x1dd: {  	v5 =	vld [tilespmem:s25+$0x4500];
	_ =	sdelay $0x4  }
0x1de: {  	s25 =	sor.u32 $0x1C20, s24;
	[tilespmem:s19+$0x1C10] =	vst.add.f32.msk $0xffff, v5  }
0x1df: {  	v5 =	vld [tilespmem:s25+$0x4500];
	_ =	sdelay $0x4  }
0x1e0: {  	s25 =	sor.u32 $0x1C30, s24;
	[tilespmem:s19+$0x1C20] =	vst.add.f32.msk $0xffff, v5  }
0x1e1: {  	v5 =	vld [tilespmem:s25+$0x4500];
	_ =	sdelay $0x4  }
0x1e2: {  	s25 =	sor.u32 $0x1C40, s24;
	[tilespmem:s19+$0x1C30] =	vst.add.f32.msk $0xffff, v5  }
0x1e3: {  	v5 =	vld [tilespmem:s25+$0x4500];
	_ =	sdelay $0x4  }
0x1e4: {  	s25 =	sor.u32 $0x1C50, s24;
	[tilespmem:s19+$0x1C40] =	vst.add.f32.msk $0xffff, v5  }
0x1e5: {  	v5 =	vld [tilespmem:s25+$0x4500];
	_ =	sdelay $0x4  }
0x1e6: {  	s25 =	sor.u32 $0x1C60, s24;
	[tilespmem:s19+$0x1C50] =	vst.add.f32.msk $0xffff, v5  }
0x1e7: {  	v5 =	vld [tilespmem:s25+$0x4500];
	_ =	sdelay $0x4  }
.Ltmp10:
0x1e8: {  	s24 =	sor.u32 $0x1C70, s24;
	[tilespmem:s19+$0x1C60] =	vst.add.f32.msk $0xffff, v5;
	(pc) =	sbr.rel @p0 .LBB2_10-.Ltmp10, $3  }
0x1e9: {  	v5 =	vld [tilespmem:s24+$0x4500];
	_ =	sdelay $0x1  }
0x1ea: {  	s22 =	sadd.s32 $0x400, s22  }
0x1eb: {  	s23 =	sadd.s32 $0x80, s23;
	s24 =	sadd.s32 $0x8000, s22  }
0x1ec: {  	s22 =	sand.u32 $0x6000, s24;
	s23 =	sand.u32 $0x380, s21  }
0x1ed: {  	s21 =	sor.u32 s23, s22;
	[tilespmem:s19+$0x1C70] =	vst.add.f32.msk $0xffff, v5  }
0x1ee: {  	v5 =	vld [tilespmem:s21+$0x4500];
	_ =	sdelay $0x2  }
0x1ef: {  	s30 =	sadd.s32 s22, s17  }
0x1f0: {  	s19 =	sadd.s32 s23, s30  }
0x1f1: {  	[tilespmem:s19+$0x0] =	vst.add.f32.msk $0xffff, v5  }
0x1f2: {  	v5 =	vld [tilespmem:s21+$0x4510];
	_ =	sdelay $0x4  }
0x1f3: {  	[tilespmem:s19+$0x10] =	vst.add.f32.msk $0xffff, v5  }
0x1f4: {  	v5 =	vld [tilespmem:s21+$0x4520];
	_ =	sdelay $0x4  }
0x1f5: {  	[tilespmem:s19+$0x20] =	vst.add.f32.msk $0xffff, v5  }
0x1f6: {  	v5 =	vld [tilespmem:s21+$0x4530];
	_ =	sdelay $0x4  }
0x1f7: {  	[tilespmem:s19+$0x30] =	vst.add.f32.msk $0xffff, v5  }
0x1f8: {  	v5 =	vld [tilespmem:s21+$0x4540];
	_ =	sdelay $0x4  }
0x1f9: {  	[tilespmem:s19+$0x40] =	vst.add.f32.msk $0xffff, v5  }
0x1fa: {  	v5 =	vld [tilespmem:s21+$0x4550];
	_ =	sdelay $0x4  }
0x1fb: {  	[tilespmem:s19+$0x50] =	vst.add.f32.msk $0xffff, v5  }
0x1fc: {  	v5 =	vld [tilespmem:s21+$0x4560];
	_ =	sdelay $0x4  }
0x1fd: {  	[tilespmem:s19+$0x60] =	vst.add.f32.msk $0xffff, v5  }
0x1fe: {  	v5 =	vld [tilespmem:s21+$0x4570];
	_ =	sdelay $0x4  }
0x1ff: {  	[tilespmem:s19+$0x70] =	vst.add.f32.msk $0xffff, v5  }
0x200: {  	v5 =	vld [tilespmem:s21+$0x4900];
	_ =	sdelay $0x4  }
0x201: {  	[tilespmem:s19+$0x400] =	vst.add.f32.msk $0xffff, v5  }
0x202: {  	v5 =	vld [tilespmem:s21+$0x4910];
	_ =	sdelay $0x4  }
0x203: {  	[tilespmem:s19+$0x410] =	vst.add.f32.msk $0xffff, v5  }
0x204: {  	v5 =	vld [tilespmem:s21+$0x4920];
	_ =	sdelay $0x4  }
0x205: {  	[tilespmem:s19+$0x420] =	vst.add.f32.msk $0xffff, v5  }
0x206: {  	v5 =	vld [tilespmem:s21+$0x4930];
	_ =	sdelay $0x4  }
0x207: {  	[tilespmem:s19+$0x430] =	vst.add.f32.msk $0xffff, v5  }
0x208: {  	v5 =	vld [tilespmem:s21+$0x4940];
	_ =	sdelay $0x4  }
0x209: {  	[tilespmem:s19+$0x440] =	vst.add.f32.msk $0xffff, v5  }
0x20a: {  	v5 =	vld [tilespmem:s21+$0x4950];
	_ =	sdelay $0x4  }
0x20b: {  	[tilespmem:s19+$0x450] =	vst.add.f32.msk $0xffff, v5  }
0x20c: {  	v5 =	vld [tilespmem:s21+$0x4960];
	_ =	sdelay $0x4  }
0x20d: {  	[tilespmem:s19+$0x460] =	vst.add.f32.msk $0xffff, v5  }
0x20e: {  	v5 =	vld [tilespmem:s21+$0x4970];
	_ =	sdelay $0x4  }
0x20f: {  	[tilespmem:s19+$0x470] =	vst.add.f32.msk $0xffff, v5  }
0x210: {  	v5 =	vld [tilespmem:s21+$0x4D00];
	_ =	sdelay $0x4  }
0x211: {  	[tilespmem:s19+$0x800] =	vst.add.f32.msk $0xffff, v5  }
0x212: {  	v5 =	vld [tilespmem:s21+$0x4D10];
	_ =	sdelay $0x4  }
0x213: {  	[tilespmem:s19+$0x810] =	vst.add.f32.msk $0xffff, v5  }
0x214: {  	v5 =	vld [tilespmem:s21+$0x4D20];
	_ =	sdelay $0x4  }
0x215: {  	[tilespmem:s19+$0x820] =	vst.add.f32.msk $0xffff, v5  }
0x216: {  	v5 =	vld [tilespmem:s21+$0x4D30];
	_ =	sdelay $0x4  }
0x217: {  	[tilespmem:s19+$0x830] =	vst.add.f32.msk $0xffff, v5  }
0x218: {  	v5 =	vld [tilespmem:s21+$0x4D40];
	_ =	sdelay $0x4  }
0x219: {  	[tilespmem:s19+$0x840] =	vst.add.f32.msk $0xffff, v5  }
0x21a: {  	v5 =	vld [tilespmem:s21+$0x4D50];
	_ =	sdelay $0x4  }
0x21b: {  	[tilespmem:s19+$0x850] =	vst.add.f32.msk $0xffff, v5  }
0x21c: {  	v5 =	vld [tilespmem:s21+$0x4D60];
	_ =	sdelay $0x4  }
0x21d: {  	[tilespmem:s19+$0x860] =	vst.add.f32.msk $0xffff, v5  }
0x21e: {  	v5 =	vld [tilespmem:s21+$0x4D70];
	_ =	sdelay $0x4  }
0x21f: {  	[tilespmem:s19+$0x870] =	vst.add.f32.msk $0xffff, v5  }
0x220: {  	v5 =	vld [tilespmem:s21+$0x5100];
	_ =	sdelay $0x4  }
0x221: {  	[tilespmem:s19+$0xC00] =	vst.add.f32.msk $0xffff, v5  }
0x222: {  	v5 =	vld [tilespmem:s21+$0x5110];
	_ =	sdelay $0x4  }
0x223: {  	[tilespmem:s19+$0xC10] =	vst.add.f32.msk $0xffff, v5  }
0x224: {  	v5 =	vld [tilespmem:s21+$0x5120];
	_ =	sdelay $0x4  }
0x225: {  	[tilespmem:s19+$0xC20] =	vst.add.f32.msk $0xffff, v5  }
0x226: {  	v5 =	vld [tilespmem:s21+$0x5130];
	_ =	sdelay $0x4  }
0x227: {  	[tilespmem:s19+$0xC30] =	vst.add.f32.msk $0xffff, v5  }
0x228: {  	v5 =	vld [tilespmem:s21+$0x5140];
	_ =	sdelay $0x4  }
0x229: {  	[tilespmem:s19+$0xC40] =	vst.add.f32.msk $0xffff, v5  }
0x22a: {  	v5 =	vld [tilespmem:s21+$0x5150];
	_ =	sdelay $0x4  }
0x22b: {  	[tilespmem:s19+$0xC50] =	vst.add.f32.msk $0xffff, v5  }
0x22c: {  	v5 =	vld [tilespmem:s21+$0x5160];
	_ =	sdelay $0x4  }
0x22d: {  	[tilespmem:s19+$0xC60] =	vst.add.f32.msk $0xffff, v5  }
0x22e: {  	v5 =	vld [tilespmem:s21+$0x5170];
	_ =	sdelay $0x4  }
0x22f: {  	[tilespmem:s19+$0xC70] =	vst.add.f32.msk $0xffff, v5  }
0x230: {  	v5 =	vld [tilespmem:s21+$0x5500];
	_ =	sdelay $0x4  }
0x231: {  	[tilespmem:s19+$0x1000] =	vst.add.f32.msk $0xffff, v5  }
0x232: {  	v5 =	vld [tilespmem:s21+$0x5510];
	_ =	sdelay $0x4  }
0x233: {  	[tilespmem:s19+$0x1010] =	vst.add.f32.msk $0xffff, v5  }
0x234: {  	v5 =	vld [tilespmem:s21+$0x5520];
	_ =	sdelay $0x4  }
0x235: {  	[tilespmem:s19+$0x1020] =	vst.add.f32.msk $0xffff, v5  }
0x236: {  	v5 =	vld [tilespmem:s21+$0x5530];
	_ =	sdelay $0x4  }
0x237: {  	[tilespmem:s19+$0x1030] =	vst.add.f32.msk $0xffff, v5  }
0x238: {  	v5 =	vld [tilespmem:s21+$0x5540];
	_ =	sdelay $0x4  }
0x239: {  	[tilespmem:s19+$0x1040] =	vst.add.f32.msk $0xffff, v5  }
0x23a: {  	v5 =	vld [tilespmem:s21+$0x5550];
	_ =	sdelay $0x4  }
0x23b: {  	[tilespmem:s19+$0x1050] =	vst.add.f32.msk $0xffff, v5  }
0x23c: {  	v5 =	vld [tilespmem:s21+$0x5560];
	_ =	sdelay $0x4  }
0x23d: {  	[tilespmem:s19+$0x1060] =	vst.add.f32.msk $0xffff, v5  }
0x23e: {  	v5 =	vld [tilespmem:s21+$0x5570];
	_ =	sdelay $0x4  }
0x23f: {  	[tilespmem:s19+$0x1070] =	vst.add.f32.msk $0xffff, v5  }
0x240: {  	v5 =	vld [tilespmem:s21+$0x5900];
	_ =	sdelay $0x4  }
0x241: {  	[tilespmem:s19+$0x1400] =	vst.add.f32.msk $0xffff, v5  }
0x242: {  	v5 =	vld [tilespmem:s21+$0x5910];
	_ =	sdelay $0x4  }
0x243: {  	[tilespmem:s19+$0x1410] =	vst.add.f32.msk $0xffff, v5  }
0x244: {  	v5 =	vld [tilespmem:s21+$0x5920];
	_ =	sdelay $0x4  }
0x245: {  	[tilespmem:s19+$0x1420] =	vst.add.f32.msk $0xffff, v5  }
0x246: {  	v5 =	vld [tilespmem:s21+$0x5930];
	_ =	sdelay $0x4  }
0x247: {  	[tilespmem:s19+$0x1430] =	vst.add.f32.msk $0xffff, v5  }
0x248: {  	v5 =	vld [tilespmem:s21+$0x5940];
	_ =	sdelay $0x4  }
0x249: {  	[tilespmem:s19+$0x1440] =	vst.add.f32.msk $0xffff, v5  }
0x24a: {  	v5 =	vld [tilespmem:s21+$0x5950];
	_ =	sdelay $0x4  }
0x24b: {  	[tilespmem:s19+$0x1450] =	vst.add.f32.msk $0xffff, v5  }
0x24c: {  	v5 =	vld [tilespmem:s21+$0x5960];
	_ =	sdelay $0x4  }
0x24d: {  	[tilespmem:s19+$0x1460] =	vst.add.f32.msk $0xffff, v5  }
0x24e: {  	v5 =	vld [tilespmem:s21+$0x5970];
	_ =	sdelay $0x4  }
0x24f: {  	[tilespmem:s19+$0x1470] =	vst.add.f32.msk $0xffff, v5  }
0x250: {  	v5 =	vld [tilespmem:s21+$0x5D00];
	_ =	sdelay $0x4  }
0x251: {  	[tilespmem:s19+$0x1800] =	vst.add.f32.msk $0xffff, v5  }
0x252: {  	v5 =	vld [tilespmem:s21+$0x5D10];
	_ =	sdelay $0x4  }
0x253: {  	[tilespmem:s19+$0x1810] =	vst.add.f32.msk $0xffff, v5  }
0x254: {  	v5 =	vld [tilespmem:s21+$0x5D20];
	_ =	sdelay $0x4  }
0x255: {  	[tilespmem:s19+$0x1820] =	vst.add.f32.msk $0xffff, v5  }
0x256: {  	v5 =	vld [tilespmem:s21+$0x5D30];
	_ =	sdelay $0x4  }
0x257: {  	[tilespmem:s19+$0x1830] =	vst.add.f32.msk $0xffff, v5  }
0x258: {  	v5 =	vld [tilespmem:s21+$0x5D40];
	_ =	sdelay $0x4  }
0x259: {  	[tilespmem:s19+$0x1840] =	vst.add.f32.msk $0xffff, v5  }
0x25a: {  	v5 =	vld [tilespmem:s21+$0x5D50];
	_ =	sdelay $0x4  }
0x25b: {  	[tilespmem:s19+$0x1850] =	vst.add.f32.msk $0xffff, v5  }
0x25c: {  	v5 =	vld [tilespmem:s21+$0x5D60];
	_ =	sdelay $0x4  }
0x25d: {  	[tilespmem:s19+$0x1860] =	vst.add.f32.msk $0xffff, v5  }
0x25e: {  	v5 =	vld [tilespmem:s21+$0x5D70]  }
0x25f: {  	s18 =	sadd.s32 $0x1, s18  }
0x260: {  	s18 =	sand.u32 $0x7, s18  }
0x261: {  	s20 =	sadd.s32 $0x400, s20;
	s18 =	sshll.u32 s18, $0x7  }
0x262: {  	s18 =	sadd.s32 s18, s20  }
0x263: {  	s20 =	sor.u32 $0x1C00, s18;
	[tilespmem:s19+$0x1870] =	vst.add.f32.msk $0xffff, v5  }
0x264: {  	v5 =	vld [tilespmem:s20+$0x4500];
	_ =	sdelay $0x4  }
0x265: {  	s22 =	sor.u32 $0x1C10, s18;
	[tilespmem:s19+$0x1C00] =	vst.add.f32.msk $0xffff, v5  }
0x266: {  	v5 =	vld [tilespmem:s22+$0x4500];
	_ =	sdelay $0x4  }
0x267: {  	s23 =	sor.u32 $0x1C20, s18;
	[tilespmem:s19+$0x1C10] =	vst.add.f32.msk $0xffff, v5  }
0x268: {  	v5 =	vld [tilespmem:s23+$0x4500];
	_ =	sdelay $0x4  }
0x269: {  	s24 =	sor.u32 $0x1C30, s18;
	[tilespmem:s19+$0x1C20] =	vst.add.f32.msk $0xffff, v5  }
0x26a: {  	v5 =	vld [tilespmem:s24+$0x4500];
	_ =	sdelay $0x4  }
0x26b: {  	s25 =	sor.u32 $0x1C40, s18;
	[tilespmem:s19+$0x1C30] =	vst.add.f32.msk $0xffff, v5  }
0x26c: {  	v5 =	vld [tilespmem:s25+$0x4500];
	_ =	sdelay $0x4  }
0x26d: {  	s26 =	sor.u32 $0x1C50, s18;
	[tilespmem:s19+$0x1C40] =	vst.add.f32.msk $0xffff, v5  }
0x26e: {  	v5 =	vld [tilespmem:s26+$0x4500];
	_ =	sdelay $0x4  }
0x26f: {  	s28 =	sor.u32 $0x1C60, s18;
	[tilespmem:s19+$0x1C50] =	vst.add.f32.msk $0xffff, v5  }
0x270: {  	v5 =	vld [tilespmem:s28+$0x4500];
	_ =	sdelay $0x4  }
0x271: {  	s18 =	sor.u32 $0x1C70, s18;
	[tilespmem:s19+$0x1C60] =	vst.add.f32.msk $0xffff, v5  }
0x272: {  	v5 =	vld [tilespmem:s18+$0x4500];
	_ =	sdelay $0x3  }
0x273: {  	s29 =	sshll.u32 s14, $0x3  }
0x274: {  	s18 =	sand.u32 $0x3FFFFFF8, s29;
	[tilespmem:s19+$0x1C70] =	vst.add.f32.msk $0xffff, v5  }
0x275: {  	v5 =	vld [tilespmem:s18+$0x400];
	_ =	sdelay $0x4  }
0x276: {  	v5 =	vsub.s32 v5, v0  }
0x277: {  	(v2sf) =	vpush v5, $0x0;
	_ =	sdelay $0xe  }
0x278: {  	s19 =	spop (v2sf)  }
0x279: {  	p0 =	sgt.u32 s19, $0x1F  }
.Ltmp11:
0x27a: {  	_ = 	snop;
	(pc) =	sbr.rel @p0 .LBB2_15-.Ltmp11, $3  }
0x27b: {  	_ =	sdelay $0x1  }
0x27c: {  	s30 =	sshll.u32 s14, $0xA  }
0x27d: {  	s18 =	sand.u32 $0x3FFFFC00, s30  }
0x27e: {  	s20 =	sshll.u32 s19, $0xA  }
0x27f: {  	s30 =	sshll.u32 s19, $0x7;
	s23 =	simm.s32 $0x0;
	s19 =	sadd.s32 $0x500, s18  }
0x280: {  	s21 =	sand.u32 $0x6000, s20;
	s22 =	sand.u32 $0x380, s30;
	s25 =	sand.u32 $0x1C00, s23  }
0x281: {  	s29 =	sand.u32 $0x70, s23;
	s23 =	sand.u32 $0x380, s23;
	s20 =	sor.u32 s22, s21  }
0x282: {  	s23 =	sadd.s32 s23, s19;
	s20 =	sadd.s32 $0x4500, s20  }
0x283: {  	s23 =	sadd.s32 s29, s23;
	s24 =	sadd.s32 s25, s20  }
0x284: {  	v7 =	vld [tilespmem:s23+$0x0];
	s24 =	sadd.s32 s29, s24  }
0x285: {  	v6 =	vld [tilespmem:s24+$0x0];
	_ =	sdelay $0x2  }
0x286: {  	s26 =	simm.s32 $0x10;
	s21 =	sadd.s32 s21, s17  }
0x287: {  	s21 =	sadd.s32 s22, s21;
	s23 =	sand.u32 $0x70, s26;
	s24 =	simm.s32 $0x80  }
0x288: {  	s26 =	sand.u32 $0x380, s26;
	s30 =	sadd.s32 s25, s21;
	s22 =	sand.u32 $0x1C00, s24;
	v6 =	vadd.f32 v6, v7  }
0x289: {  	s25 =	simm.s32 $0x20;
	s29 =	sadd.s32 s29, s30;
	s28 =	sadd.s32 s22, s20  }
.LBB2_13:
0x28a: {  	p0 =	sne.s32 s25, $0x3F0;
	s26 =	sadd.s32 s26, s19;
	s28 =	sadd.s32 s23, s28;
	[tilespmem:s29+$0x0] =	vst v6  }
0x28b: {  	s29 =	smov.u32 s23;
	s26 =	sadd.s32 s23, s26;
	v6 =	vld [tilespmem:s28+$0x0]  }
0x28c: {  	v7 =	vld [tilespmem:s26+$0x0];
	_ =	sdelay $0x1  }
.Ltmp12:
0x28d: {  	(pc) =	sbr.rel @p0 .LBB2_13-.Ltmp12, $4  }
0x28e: {  	_ = 	snop  }
0x28f: {  	s24 =	sadd.s32 $0x80, s24;
	s23 =	sand.u32 $0x70, s25  }
0x290: {  	s30 =	sadd.s32 s22, s21;
	s22 =	sand.u32 $0x1C00, s24;
	s26 =	sand.u32 $0x380, s25;
	v6 =	vadd.f32 v6, v7  }
0x291: {  	s29 =	sadd.s32 s29, s30;
	s28 =	sadd.s32 s22, s20;
	s25 =	sadd.s32 $0x10, s25  }
0x292: {  	s19 =	sadd.s32 s26, s19;
	s20 =	sadd.s32 s23, s28;
	[tilespmem:s29+$0x0] =	vst v6  }
0x293: {  	s19 =	sadd.s32 s23, s19;
	v6 =	vld [tilespmem:s20+$0x0]  }
0x294: {  	v7 =	vld [tilespmem:s19+$0x0];
	_ =	sdelay $0x4  }
0x295: {  	s30 =	sadd.s32 s22, s21;
	v6 =	vadd.f32 v6, v7  }
0x296: {  	s19 =	sadd.s32 s23, s30  }
0x297: {  	[tilespmem:s19+$0x0] =	vst v6  }
.LBB2_15:
0x298: {  	(v2sf) =	vpush v5, $0x1;
	_ =	sdelay $0xe  }
0x299: {  	s19 =	spop (v2sf)  }
0x29a: {  	p0 =	sgt.u32 s19, $0x1F  }
.Ltmp13:
0x29b: {  	_ = 	snop;
	(pc) =	sbr.rel @p0 .LBB2_19-.Ltmp13, $1  }
0x29c: {  	_ =	sdelay $0x3  }
0x29d: {  	s20 =	sshll.u32 s19, $0xA  }
0x29e: {  	s30 =	sshll.u32 s19, $0x7;
	s23 =	simm.s32 $0x0;
	s19 =	sadd.s32 $0x500, s18  }
0x29f: {  	s21 =	sand.u32 $0x6000, s20;
	s22 =	sand.u32 $0x380, s30;
	s25 =	sand.u32 $0x1C00, s23  }
0x2a0: {  	s29 =	sand.u32 $0x70, s23;
	s23 =	sand.u32 $0x380, s23;
	s20 =	sor.u32 s22, s21  }
0x2a1: {  	s23 =	sadd.s32 s23, s19;
	s20 =	sadd.s32 $0x4500, s20  }
0x2a2: {  	s23 =	sadd.s32 s29, s23;
	s24 =	sadd.s32 s25, s20  }
0x2a3: {  	v7 =	vld [tilespmem:s23+$0x0];
	s24 =	sadd.s32 s29, s24  }
0x2a4: {  	v6 =	vld [tilespmem:s24+$0x0];
	_ =	sdelay $0x2  }
0x2a5: {  	s26 =	simm.s32 $0x10;
	s21 =	sadd.s32 s21, s17  }
0x2a6: {  	s21 =	sadd.s32 s22, s21;
	s23 =	sand.u32 $0x70, s26;
	s24 =	simm.s32 $0x80  }
0x2a7: {  	s26 =	sand.u32 $0x380, s26;
	s30 =	sadd.s32 s25, s21;
	s22 =	sand.u32 $0x1C00, s24;
	v6 =	vadd.f32 v6, v7  }
0x2a8: {  	s25 =	simm.s32 $0x20;
	s29 =	sadd.s32 s29, s30;
	s28 =	sadd.s32 s22, s20  }
.LBB2_17:
0x2a9: {  	p0 =	sne.s32 s25, $0x3F0;
	s26 =	sadd.s32 s26, s19;
	s28 =	sadd.s32 s23, s28;
	[tilespmem:s29+$0x0] =	vst v6  }
0x2aa: {  	s29 =	smov.u32 s23;
	s26 =	sadd.s32 s23, s26;
	v6 =	vld [tilespmem:s28+$0x0]  }
0x2ab: {  	v7 =	vld [tilespmem:s26+$0x0];
	_ =	sdelay $0x1  }
.Ltmp14:
0x2ac: {  	(pc) =	sbr.rel @p0 .LBB2_17-.Ltmp14, $4  }
0x2ad: {  	_ = 	snop  }
0x2ae: {  	s24 =	sadd.s32 $0x80, s24;
	s23 =	sand.u32 $0x70, s25  }
0x2af: {  	s30 =	sadd.s32 s22, s21;
	s22 =	sand.u32 $0x1C00, s24;
	s26 =	sand.u32 $0x380, s25;
	v6 =	vadd.f32 v6, v7  }
0x2b0: {  	s29 =	sadd.s32 s29, s30;
	s28 =	sadd.s32 s22, s20;
	s25 =	sadd.s32 $0x10, s25  }
0x2b1: {  	s19 =	sadd.s32 s26, s19;
	s20 =	sadd.s32 s23, s28;
	[tilespmem:s29+$0x0] =	vst v6  }
0x2b2: {  	s19 =	sadd.s32 s23, s19;
	v6 =	vld [tilespmem:s20+$0x0]  }
0x2b3: {  	v7 =	vld [tilespmem:s19+$0x0];
	_ =	sdelay $0x4  }
0x2b4: {  	s30 =	sadd.s32 s22, s21;
	v6 =	vadd.f32 v6, v7  }
0x2b5: {  	s19 =	sadd.s32 s23, s30  }
0x2b6: {  	[tilespmem:s19+$0x0] =	vst v6  }
.LBB2_19:
0x2b7: {  	(v2sf) =	vpush v5, $0x2;
	_ =	sdelay $0xe  }
0x2b8: {  	s19 =	spop (v2sf)  }
0x2b9: {  	p0 =	sgt.u32 s19, $0x1F  }
.Ltmp15:
0x2ba: {  	_ = 	snop;
	(pc) =	sbr.rel @p0 .LBB2_23-.Ltmp15, $1  }
0x2bb: {  	_ =	sdelay $0x3  }
0x2bc: {  	s20 =	sshll.u32 s19, $0xA  }
0x2bd: {  	s30 =	sshll.u32 s19, $0x7;
	s23 =	simm.s32 $0x0;
	s19 =	sadd.s32 $0x500, s18  }
0x2be: {  	s21 =	sand.u32 $0x6000, s20;
	s22 =	sand.u32 $0x380, s30;
	s25 =	sand.u32 $0x1C00, s23  }
0x2bf: {  	s29 =	sand.u32 $0x70, s23;
	s23 =	sand.u32 $0x380, s23;
	s20 =	sor.u32 s22, s21  }
0x2c0: {  	s23 =	sadd.s32 s23, s19;
	s20 =	sadd.s32 $0x4500, s20  }
0x2c1: {  	s23 =	sadd.s32 s29, s23;
	s24 =	sadd.s32 s25, s20  }
0x2c2: {  	v7 =	vld [tilespmem:s23+$0x0];
	s24 =	sadd.s32 s29, s24  }
0x2c3: {  	v6 =	vld [tilespmem:s24+$0x0];
	_ =	sdelay $0x2  }
0x2c4: {  	s26 =	simm.s32 $0x10;
	s21 =	sadd.s32 s21, s17  }
0x2c5: {  	s21 =	sadd.s32 s22, s21;
	s23 =	sand.u32 $0x70, s26;
	s24 =	simm.s32 $0x80  }
0x2c6: {  	s26 =	sand.u32 $0x380, s26;
	s30 =	sadd.s32 s25, s21;
	s22 =	sand.u32 $0x1C00, s24;
	v6 =	vadd.f32 v6, v7  }
0x2c7: {  	s25 =	simm.s32 $0x20;
	s29 =	sadd.s32 s29, s30;
	s28 =	sadd.s32 s22, s20  }
.LBB2_21:
0x2c8: {  	p0 =	sne.s32 s25, $0x3F0;
	s26 =	sadd.s32 s26, s19;
	s28 =	sadd.s32 s23, s28;
	[tilespmem:s29+$0x0] =	vst v6  }
0x2c9: {  	s29 =	smov.u32 s23;
	s26 =	sadd.s32 s23, s26;
	v6 =	vld [tilespmem:s28+$0x0]  }
0x2ca: {  	v7 =	vld [tilespmem:s26+$0x0];
	_ =	sdelay $0x1  }
.Ltmp16:
0x2cb: {  	(pc) =	sbr.rel @p0 .LBB2_21-.Ltmp16, $4  }
0x2cc: {  	_ = 	snop  }
0x2cd: {  	s24 =	sadd.s32 $0x80, s24;
	s23 =	sand.u32 $0x70, s25  }
0x2ce: {  	s30 =	sadd.s32 s22, s21;
	s22 =	sand.u32 $0x1C00, s24;
	s26 =	sand.u32 $0x380, s25;
	v6 =	vadd.f32 v6, v7  }
0x2cf: {  	s29 =	sadd.s32 s29, s30;
	s28 =	sadd.s32 s22, s20;
	s25 =	sadd.s32 $0x10, s25  }
0x2d0: {  	s19 =	sadd.s32 s26, s19;
	s20 =	sadd.s32 s23, s28;
	[tilespmem:s29+$0x0] =	vst v6  }
0x2d1: {  	s19 =	sadd.s32 s23, s19;
	v6 =	vld [tilespmem:s20+$0x0]  }
0x2d2: {  	v7 =	vld [tilespmem:s19+$0x0];
	_ =	sdelay $0x4  }
0x2d3: {  	s30 =	sadd.s32 s22, s21;
	v6 =	vadd.f32 v6, v7  }
0x2d4: {  	s19 =	sadd.s32 s23, s30  }
0x2d5: {  	[tilespmem:s19+$0x0] =	vst v6  }
.LBB2_23:
0x2d6: {  	(v2sf) =	vpush v5, $0x3;
	_ =	sdelay $0xe  }
0x2d7: {  	s19 =	spop (v2sf)  }
0x2d8: {  	p0 =	sgt.u32 s19, $0x1F  }
.Ltmp17:
0x2d9: {  	_ = 	snop;
	(pc) =	sbr.rel @p0 .LBB2_27-.Ltmp17, $1  }
0x2da: {  	_ =	sdelay $0x3  }
0x2db: {  	s20 =	sshll.u32 s19, $0xA  }
0x2dc: {  	s30 =	sshll.u32 s19, $0x7;
	s23 =	simm.s32 $0x0;
	s19 =	sadd.s32 $0x500, s18  }
0x2dd: {  	s21 =	sand.u32 $0x6000, s20;
	s22 =	sand.u32 $0x380, s30;
	s25 =	sand.u32 $0x1C00, s23  }
0x2de: {  	s29 =	sand.u32 $0x70, s23;
	s23 =	sand.u32 $0x380, s23;
	s20 =	sor.u32 s22, s21  }
0x2df: {  	s23 =	sadd.s32 s23, s19;
	s20 =	sadd.s32 $0x4500, s20  }
0x2e0: {  	s23 =	sadd.s32 s29, s23;
	s24 =	sadd.s32 s25, s20  }
0x2e1: {  	v7 =	vld [tilespmem:s23+$0x0];
	s24 =	sadd.s32 s29, s24  }
0x2e2: {  	v6 =	vld [tilespmem:s24+$0x0];
	_ =	sdelay $0x2  }
0x2e3: {  	s26 =	simm.s32 $0x10;
	s21 =	sadd.s32 s21, s17  }
0x2e4: {  	s21 =	sadd.s32 s22, s21;
	s23 =	sand.u32 $0x70, s26;
	s24 =	simm.s32 $0x80  }
0x2e5: {  	s26 =	sand.u32 $0x380, s26;
	s30 =	sadd.s32 s25, s21;
	s22 =	sand.u32 $0x1C00, s24;
	v6 =	vadd.f32 v6, v7  }
0x2e6: {  	s25 =	simm.s32 $0x20;
	s29 =	sadd.s32 s29, s30;
	s28 =	sadd.s32 s22, s20  }
.LBB2_25:
0x2e7: {  	p0 =	sne.s32 s25, $0x3F0;
	s26 =	sadd.s32 s26, s19;
	s28 =	sadd.s32 s23, s28;
	[tilespmem:s29+$0x0] =	vst v6  }
0x2e8: {  	s29 =	smov.u32 s23;
	s26 =	sadd.s32 s23, s26;
	v6 =	vld [tilespmem:s28+$0x0]  }
0x2e9: {  	v7 =	vld [tilespmem:s26+$0x0];
	_ =	sdelay $0x1  }
.Ltmp18:
0x2ea: {  	(pc) =	sbr.rel @p0 .LBB2_25-.Ltmp18, $4  }
0x2eb: {  	_ = 	snop  }
0x2ec: {  	s24 =	sadd.s32 $0x80, s24;
	s23 =	sand.u32 $0x70, s25  }
0x2ed: {  	s30 =	sadd.s32 s22, s21;
	s22 =	sand.u32 $0x1C00, s24;
	s26 =	sand.u32 $0x380, s25;
	v6 =	vadd.f32 v6, v7  }
0x2ee: {  	s29 =	sadd.s32 s29, s30;
	s28 =	sadd.s32 s22, s20;
	s25 =	sadd.s32 $0x10, s25  }
0x2ef: {  	s19 =	sadd.s32 s26, s19;
	s20 =	sadd.s32 s23, s28;
	[tilespmem:s29+$0x0] =	vst v6  }
0x2f0: {  	s19 =	sadd.s32 s23, s19;
	v6 =	vld [tilespmem:s20+$0x0]  }
0x2f1: {  	v7 =	vld [tilespmem:s19+$0x0];
	_ =	sdelay $0x4  }
0x2f2: {  	s30 =	sadd.s32 s22, s21;
	v6 =	vadd.f32 v6, v7  }
0x2f3: {  	s19 =	sadd.s32 s23, s30  }
0x2f4: {  	[tilespmem:s19+$0x0] =	vst v6  }
.LBB2_27:
0x2f5: {  	(v2sf) =	vpush v5, $0x4;
	_ =	sdelay $0xe  }
0x2f6: {  	s19 =	spop (v2sf)  }
0x2f7: {  	p0 =	sgt.u32 s19, $0x1F  }
.Ltmp19:
0x2f8: {  	_ = 	snop;
	(pc) =	sbr.rel @p0 .LBB2_31-.Ltmp19, $1  }
0x2f9: {  	_ =	sdelay $0x3  }
0x2fa: {  	s20 =	sshll.u32 s19, $0xA  }
0x2fb: {  	s30 =	sshll.u32 s19, $0x7;
	s23 =	simm.s32 $0x0;
	s19 =	sadd.s32 $0x500, s18  }
0x2fc: {  	s21 =	sand.u32 $0x6000, s20;
	s22 =	sand.u32 $0x380, s30;
	s25 =	sand.u32 $0x1C00, s23  }
0x2fd: {  	s29 =	sand.u32 $0x70, s23;
	s23 =	sand.u32 $0x380, s23;
	s20 =	sor.u32 s22, s21  }
0x2fe: {  	s23 =	sadd.s32 s23, s19;
	s20 =	sadd.s32 $0x4500, s20  }
0x2ff: {  	s23 =	sadd.s32 s29, s23;
	s24 =	sadd.s32 s25, s20  }
0x300: {  	v7 =	vld [tilespmem:s23+$0x0];
	s24 =	sadd.s32 s29, s24  }
0x301: {  	v6 =	vld [tilespmem:s24+$0x0];
	_ =	sdelay $0x2  }
0x302: {  	s26 =	simm.s32 $0x10;
	s21 =	sadd.s32 s21, s17  }
0x303: {  	s21 =	sadd.s32 s22, s21;
	s23 =	sand.u32 $0x70, s26;
	s24 =	simm.s32 $0x80  }
0x304: {  	s26 =	sand.u32 $0x380, s26;
	s30 =	sadd.s32 s25, s21;
	s22 =	sand.u32 $0x1C00, s24;
	v6 =	vadd.f32 v6, v7  }
0x305: {  	s25 =	simm.s32 $0x20;
	s29 =	sadd.s32 s29, s30;
	s28 =	sadd.s32 s22, s20  }
.LBB2_29:
0x306: {  	p0 =	sne.s32 s25, $0x3F0;
	s26 =	sadd.s32 s26, s19;
	s28 =	sadd.s32 s23, s28;
	[tilespmem:s29+$0x0] =	vst v6  }
0x307: {  	s29 =	smov.u32 s23;
	s26 =	sadd.s32 s23, s26;
	v6 =	vld [tilespmem:s28+$0x0]  }
0x308: {  	v7 =	vld [tilespmem:s26+$0x0];
	_ =	sdelay $0x1  }
.Ltmp20:
0x309: {  	(pc) =	sbr.rel @p0 .LBB2_29-.Ltmp20, $4  }
0x30a: {  	_ = 	snop  }
0x30b: {  	s24 =	sadd.s32 $0x80, s24;
	s23 =	sand.u32 $0x70, s25  }
0x30c: {  	s30 =	sadd.s32 s22, s21;
	s22 =	sand.u32 $0x1C00, s24;
	s26 =	sand.u32 $0x380, s25;
	v6 =	vadd.f32 v6, v7  }
0x30d: {  	s29 =	sadd.s32 s29, s30;
	s28 =	sadd.s32 s22, s20;
	s25 =	sadd.s32 $0x10, s25  }
0x30e: {  	s19 =	sadd.s32 s26, s19;
	s20 =	sadd.s32 s23, s28;
	[tilespmem:s29+$0x0] =	vst v6  }
0x30f: {  	s19 =	sadd.s32 s23, s19;
	v6 =	vld [tilespmem:s20+$0x0]  }
0x310: {  	v7 =	vld [tilespmem:s19+$0x0];
	_ =	sdelay $0x4  }
0x311: {  	s30 =	sadd.s32 s22, s21;
	v6 =	vadd.f32 v6, v7  }
0x312: {  	s19 =	sadd.s32 s23, s30  }
0x313: {  	[tilespmem:s19+$0x0] =	vst v6  }
.LBB2_31:
0x314: {  	(v2sf) =	vpush v5, $0x5;
	_ =	sdelay $0xe  }
0x315: {  	s19 =	spop (v2sf)  }
0x316: {  	p0 =	sgt.u32 s19, $0x1F  }
.Ltmp21:
0x317: {  	_ = 	snop;
	(pc) =	sbr.rel @p0 .LBB2_35-.Ltmp21, $1  }
0x318: {  	_ =	sdelay $0x3  }
0x319: {  	s20 =	sshll.u32 s19, $0xA  }
0x31a: {  	s30 =	sshll.u32 s19, $0x7;
	s23 =	simm.s32 $0x0;
	s19 =	sadd.s32 $0x500, s18  }
0x31b: {  	s21 =	sand.u32 $0x6000, s20;
	s22 =	sand.u32 $0x380, s30;
	s25 =	sand.u32 $0x1C00, s23  }
0x31c: {  	s29 =	sand.u32 $0x70, s23;
	s23 =	sand.u32 $0x380, s23;
	s20 =	sor.u32 s22, s21  }
0x31d: {  	s23 =	sadd.s32 s23, s19;
	s20 =	sadd.s32 $0x4500, s20  }
0x31e: {  	s23 =	sadd.s32 s29, s23;
	s24 =	sadd.s32 s25, s20  }
0x31f: {  	v7 =	vld [tilespmem:s23+$0x0];
	s24 =	sadd.s32 s29, s24  }
0x320: {  	v6 =	vld [tilespmem:s24+$0x0];
	_ =	sdelay $0x2  }
0x321: {  	s26 =	simm.s32 $0x10;
	s21 =	sadd.s32 s21, s17  }
0x322: {  	s21 =	sadd.s32 s22, s21;
	s23 =	sand.u32 $0x70, s26;
	s24 =	simm.s32 $0x80  }
0x323: {  	s26 =	sand.u32 $0x380, s26;
	s30 =	sadd.s32 s25, s21;
	s22 =	sand.u32 $0x1C00, s24;
	v6 =	vadd.f32 v6, v7  }
0x324: {  	s25 =	simm.s32 $0x20;
	s29 =	sadd.s32 s29, s30;
	s28 =	sadd.s32 s22, s20  }
.LBB2_33:
0x325: {  	p0 =	sne.s32 s25, $0x3F0;
	s26 =	sadd.s32 s26, s19;
	s28 =	sadd.s32 s23, s28;
	[tilespmem:s29+$0x0] =	vst v6  }
0x326: {  	s29 =	smov.u32 s23;
	s26 =	sadd.s32 s23, s26;
	v6 =	vld [tilespmem:s28+$0x0]  }
0x327: {  	v7 =	vld [tilespmem:s26+$0x0];
	_ =	sdelay $0x1  }
.Ltmp22:
0x328: {  	(pc) =	sbr.rel @p0 .LBB2_33-.Ltmp22, $4  }
0x329: {  	_ = 	snop  }
0x32a: {  	s24 =	sadd.s32 $0x80, s24;
	s23 =	sand.u32 $0x70, s25  }
0x32b: {  	s30 =	sadd.s32 s22, s21;
	s22 =	sand.u32 $0x1C00, s24;
	s26 =	sand.u32 $0x380, s25;
	v6 =	vadd.f32 v6, v7  }
0x32c: {  	s29 =	sadd.s32 s29, s30;
	s28 =	sadd.s32 s22, s20;
	s25 =	sadd.s32 $0x10, s25  }
0x32d: {  	s19 =	sadd.s32 s26, s19;
	s20 =	sadd.s32 s23, s28;
	[tilespmem:s29+$0x0] =	vst v6  }
0x32e: {  	s19 =	sadd.s32 s23, s19;
	v6 =	vld [tilespmem:s20+$0x0]  }
0x32f: {  	v7 =	vld [tilespmem:s19+$0x0];
	_ =	sdelay $0x4  }
0x330: {  	s30 =	sadd.s32 s22, s21;
	v6 =	vadd.f32 v6, v7  }
0x331: {  	s19 =	sadd.s32 s23, s30  }
0x332: {  	[tilespmem:s19+$0x0] =	vst v6  }
.LBB2_35:
0x333: {  	(v2sf) =	vpush v5, $0x6;
	_ =	sdelay $0xe  }
0x334: {  	s19 =	spop (v2sf)  }
0x335: {  	p0 =	sgt.u32 s19, $0x1F  }
.Ltmp23:
0x336: {  	_ = 	snop;
	(pc) =	sbr.rel @p0 .LBB2_39-.Ltmp23, $1  }
0x337: {  	_ =	sdelay $0x3  }
0x338: {  	s20 =	sshll.u32 s19, $0xA  }
0x339: {  	s30 =	sshll.u32 s19, $0x7;
	s23 =	simm.s32 $0x0;
	s19 =	sadd.s32 $0x500, s18  }
0x33a: {  	s21 =	sand.u32 $0x6000, s20;
	s22 =	sand.u32 $0x380, s30;
	s25 =	sand.u32 $0x1C00, s23  }
0x33b: {  	s29 =	sand.u32 $0x70, s23;
	s23 =	sand.u32 $0x380, s23;
	s20 =	sor.u32 s22, s21  }
0x33c: {  	s23 =	sadd.s32 s23, s19;
	s20 =	sadd.s32 $0x4500, s20  }
0x33d: {  	s23 =	sadd.s32 s29, s23;
	s24 =	sadd.s32 s25, s20  }
0x33e: {  	v7 =	vld [tilespmem:s23+$0x0];
	s24 =	sadd.s32 s29, s24  }
0x33f: {  	v6 =	vld [tilespmem:s24+$0x0];
	_ =	sdelay $0x2  }
0x340: {  	s26 =	simm.s32 $0x10;
	s21 =	sadd.s32 s21, s17  }
0x341: {  	s21 =	sadd.s32 s22, s21;
	s23 =	sand.u32 $0x70, s26;
	s24 =	simm.s32 $0x80  }
0x342: {  	s26 =	sand.u32 $0x380, s26;
	s30 =	sadd.s32 s25, s21;
	s22 =	sand.u32 $0x1C00, s24;
	v6 =	vadd.f32 v6, v7  }
0x343: {  	s25 =	simm.s32 $0x20;
	s29 =	sadd.s32 s29, s30;
	s28 =	sadd.s32 s22, s20  }
.LBB2_37:
0x344: {  	p0 =	sne.s32 s25, $0x3F0;
	s26 =	sadd.s32 s26, s19;
	s28 =	sadd.s32 s23, s28;
	[tilespmem:s29+$0x0] =	vst v6  }
0x345: {  	s29 =	smov.u32 s23;
	s26 =	sadd.s32 s23, s26;
	v6 =	vld [tilespmem:s28+$0x0]  }
0x346: {  	v7 =	vld [tilespmem:s26+$0x0];
	_ =	sdelay $0x1  }
.Ltmp24:
0x347: {  	(pc) =	sbr.rel @p0 .LBB2_37-.Ltmp24, $4  }
0x348: {  	_ = 	snop  }
0x349: {  	s24 =	sadd.s32 $0x80, s24;
	s23 =	sand.u32 $0x70, s25  }
0x34a: {  	s30 =	sadd.s32 s22, s21;
	s22 =	sand.u32 $0x1C00, s24;
	s26 =	sand.u32 $0x380, s25;
	v6 =	vadd.f32 v6, v7  }
0x34b: {  	s29 =	sadd.s32 s29, s30;
	s28 =	sadd.s32 s22, s20;
	s25 =	sadd.s32 $0x10, s25  }
0x34c: {  	s19 =	sadd.s32 s26, s19;
	s20 =	sadd.s32 s23, s28;
	[tilespmem:s29+$0x0] =	vst v6  }
0x34d: {  	s19 =	sadd.s32 s23, s19;
	v6 =	vld [tilespmem:s20+$0x0]  }
0x34e: {  	v7 =	vld [tilespmem:s19+$0x0];
	_ =	sdelay $0x4  }
0x34f: {  	s30 =	sadd.s32 s22, s21;
	v6 =	vadd.f32 v6, v7  }
0x350: {  	s19 =	sadd.s32 s23, s30  }
0x351: {  	[tilespmem:s19+$0x0] =	vst v6  }
.LBB2_39:
0x352: {  	(v2sf) =	vpush v5, $0x7;
	_ =	sdelay $0xe  }
0x353: {  	s19 =	spop (v2sf)  }
0x354: {  	p0 =	sgt.u32 s19, $0x1F  }
.Ltmp25:
0x355: {  	_ = 	snop;
	(pc) =	sbr.rel @p0 .LBB2_43-.Ltmp25, $1  }
0x356: {  	_ =	sdelay $0x3  }
0x357: {  	s20 =	sshll.u32 s19, $0xA  }
0x358: {  	s29 =	sshll.u32 s19, $0x7;
	s22 =	simm.s32 $0x0;
	s18 =	sadd.s32 $0x500, s18  }
0x359: {  	s20 =	sand.u32 $0x6000, s20;
	s21 =	sand.u32 $0x380, s29;
	s23 =	sand.u32 $0x1C00, s22  }
0x35a: {  	s26 =	sand.u32 $0x70, s22;
	s22 =	sand.u32 $0x380, s22;
	s19 =	sor.u32 s21, s20  }
0x35b: {  	s22 =	sadd.s32 s22, s18;
	s19 =	sadd.s32 $0x4500, s19  }
0x35c: {  	s22 =	sadd.s32 s26, s22;
	s24 =	sadd.s32 s23, s19  }
0x35d: {  	v6 =	vld [tilespmem:s22+$0x0];
	s24 =	sadd.s32 s26, s24  }
0x35e: {  	v5 =	vld [tilespmem:s24+$0x0];
	_ =	sdelay $0x2  }
0x35f: {  	s30 =	simm.s32 $0x10;
	s17 =	sadd.s32 s20, s17  }
0x360: {  	s17 =	sadd.s32 s21, s17;
	s21 =	sand.u32 $0x70, s30;
	s22 =	simm.s32 $0x80  }
0x361: {  	s28 =	sadd.s32 s23, s17;
	s23 =	simm.s32 $0x20;
	s20 =	sand.u32 $0x1C00, s22;
	v5 =	vadd.f32 v5, v6  }
0x362: {  	s26 =	sadd.s32 s26, s28;
	s24 =	sand.u32 $0x380, s30;
	s25 =	sadd.s32 s20, s19  }
.LBB2_41:
0x363: {  	p0 =	sne.s32 s23, $0x3F0;
	s24 =	sadd.s32 s24, s18;
	s25 =	sadd.s32 s21, s25;
	[tilespmem:s26+$0x0] =	vst v5  }
0x364: {  	s26 =	smov.u32 s21;
	s24 =	sadd.s32 s21, s24;
	v5 =	vld [tilespmem:s25+$0x0]  }
0x365: {  	v6 =	vld [tilespmem:s24+$0x0];
	_ =	sdelay $0x1  }
.Ltmp26:
0x366: {  	(pc) =	sbr.rel @p0 .LBB2_41-.Ltmp26, $4  }
0x367: {  	_ = 	snop  }
0x368: {  	s22 =	sadd.s32 $0x80, s22;
	s21 =	sand.u32 $0x70, s23  }
0x369: {  	s28 =	sadd.s32 s20, s17;
	s20 =	sand.u32 $0x1C00, s22;
	s24 =	sand.u32 $0x380, s23;
	v5 =	vadd.f32 v5, v6  }
0x36a: {  	s26 =	sadd.s32 s26, s28;
	s25 =	sadd.s32 s20, s19;
	s23 =	sadd.s32 $0x10, s23  }
0x36b: {  	s18 =	sadd.s32 s24, s18;
	s19 =	sadd.s32 s21, s25;
	[tilespmem:s26+$0x0] =	vst v5  }
0x36c: {  	s18 =	sadd.s32 s21, s18;
	v5 =	vld [tilespmem:s19+$0x0]  }
0x36d: {  	v6 =	vld [tilespmem:s18+$0x0];
	_ =	sdelay $0x2  }
.Ltmp27:
0x36e: {  	_ = 	snop;
	(pc) =	sbr.rel .LBB2_43-.Ltmp27, $4  }
0x36f: {  	_ = 	snop  }
0x370: {  	s17 =	sadd.s32 s20, s17;
	v5 =	vadd.f32 v5, v6  }
0x371: {  	s17 =	sadd.s32 s21, s17  }
0x372: {  	[tilespmem:s17+$0x0] =	vst v5  }
.LBB2_44:
0x373: {  	_ =	swait.ge [sflag:s2], $0x8000  }
0x374: {  	s14 =	simm.s32 $0x0;
	s15 =	simm.s32 $0x4500;
	[sflag:s2] =	ssyncset.done $0x0  }
0x375: {  	s28 =	simm.s32 $0x5;
	s9 =	rddreg [dreg:$0x9];
	[sflag:s2] =	ssyncadd.s32 $0xFFFF8000  }
0x376: {  	[tilespmem:s15], [sflag:$0x5] =	stream.linear.gather [hbm4b:s9+s14], $0x8000, $0x38;
	[tilespmem:$0x1C500] =	vst v63  }
0x377: {  	_ =	swait.ge [sflag:s28], $0x8000  }
0x378: {  	[sflag:s28] =	ssyncset.done $0x0  }
0x379: {  	[sflag:s28] =	ssyncadd.s32 $0xFFFF8000  }
0x37a: {  	v5 =	vld [tilespmem:$0x20];
	_ =	sdelay $0x4  }
0x37b: {  	v6 =	vshll.u32 v5, $0x3  }
0x37c: {  	v5 =	vand.u32 $0x7, v5;
	v6 =	vand.u32 $0xFFFFFFC0, v6  }
0x37d: {  	v5 =	vor.u32 v5, v6  }
0x37e: {  	v6 =	vperm.xlane v5, v2;
	_ =	sdelay $0x1  }
0x37f: {  	v6 =	vadd.s32 v3, v6;
	_ =	sdelay $0x3  }
0x380: {  	s29 =	simm.s32 $0xC500  }
0x381: {  	[tilespmem:s29], [sflag:$0x1] =	stream.indirect_vreg.gather [hbm4b:s3+s14], $0x80, v6, vm0, $0xb8;
	[tilespmem:$0x1C500] =	vst v63  }
0x382: {  	s30 =	simm.s32 $0xCD00;
	v5 =	vperm.xlane v5, v4  }
0x383: {  	[tilespmem:s30], [sflag:$0x1] =	stream.indirect_vreg.gather [hbm4b:s10+s14], $0x80, v6, vm0, $0xb8;
	[tilespmem:$0x1C500] =	vst v63  }
0x384: {  	s15 =	simm.s32 $0xD500;
	v5 =	vadd.s32 v3, v5  }
0x385: {  	[tilespmem:s15], [sflag:$0x1] =	stream.indirect_vreg.gather [hbm4b:s11+s14], $0x80, v6, vm0, $0xb8;
	[tilespmem:$0x1C500] =	vst v63  }
0x386: {  	s17 =	simm.s32 $0xDD00  }
0x387: {  	[tilespmem:s17], [sflag:$0x1] =	stream.indirect_vreg.gather [hbm4b:s12+s14], $0x80, v6, vm0, $0xb8;
	[tilespmem:$0x1C500] =	vst v63  }
0x388: {  	s18 =	simm.s32 $0xE500  }
0x389: {  	[tilespmem:s18], [sflag:$0x1] =	stream.indirect_vreg.gather [hbm4b:s3+s14], $0x80, v5, vm0, $0xb8;
	[tilespmem:$0x1C500] =	vst v63  }
0x38a: {  	s19 =	simm.s32 $0xED00  }
0x38b: {  	[tilespmem:s19], [sflag:$0x1] =	stream.indirect_vreg.gather [hbm4b:s10+s14], $0x80, v5, vm0, $0xb8;
	[tilespmem:$0x1C500] =	vst v63  }
0x38c: {  	s20 =	simm.s32 $0xF500  }
0x38d: {  	[tilespmem:s20], [sflag:$0x1] =	stream.indirect_vreg.gather [hbm4b:s11+s14], $0x80, v5, vm0, $0xb8;
	[tilespmem:$0x1C500] =	vst v63  }
0x38e: {  	s21 =	simm.s32 $0xFD00  }
0x38f: {  	[tilespmem:s21], [sflag:$0x1] =	stream.indirect_vreg.gather [hbm4b:s12+s14], $0x80, v5, vm0, $0xb8;
	[tilespmem:$0x1C500] =	vst v63  }
0x390: {  	v5 =	vld [tilespmem:$0x30];
	_ =	sdelay $0x4  }
0x391: {  	v6 =	vshll.u32 v5, $0x3  }
0x392: {  	v5 =	vand.u32 $0x7, v5;
	v6 =	vand.u32 $0xFFFFFFC0, v6  }
0x393: {  	v5 =	vor.u32 v5, v6  }
0x394: {  	v6 =	vperm.xlane v5, v2;
	_ =	sdelay $0x1  }
0x395: {  	v6 =	vadd.s32 v3, v6;
	_ =	sdelay $0x3  }
0x396: {  	s22 =	simm.s32 $0x10500  }
0x397: {  	[tilespmem:s22], [sflag:$0x1] =	stream.indirect_vreg.gather [hbm4b:s3+s14], $0x80, v6, vm0, $0xb8;
	[tilespmem:$0x1C500] =	vst v63  }
0x398: {  	s23 =	simm.s32 $0x10D00;
	v5 =	vperm.xlane v5, v4  }
0x399: {  	[tilespmem:s23], [sflag:$0x1] =	stream.indirect_vreg.gather [hbm4b:s10+s14], $0x80, v6, vm0, $0xb8;
	[tilespmem:$0x1C500] =	vst v63  }
0x39a: {  	s24 =	simm.s32 $0x11500;
	v5 =	vadd.s32 v3, v5  }
0x39b: {  	[tilespmem:s24], [sflag:$0x1] =	stream.indirect_vreg.gather [hbm4b:s11+s14], $0x80, v6, vm0, $0xb8;
	[tilespmem:$0x1C500] =	vst v63  }
0x39c: {  	s25 =	simm.s32 $0x11D00  }
0x39d: {  	[tilespmem:s25], [sflag:$0x1] =	stream.indirect_vreg.gather [hbm4b:s12+s14], $0x80, v6, vm0, $0xb8;
	[tilespmem:$0x1C500] =	vst v63  }
0x39e: {  	s26 =	simm.s32 $0x12500  }
0x39f: {  	[tilespmem:s26], [sflag:$0x1] =	stream.indirect_vreg.gather [hbm4b:s3+s14], $0x80, v5, vm0, $0xb8;
	[tilespmem:$0x1C500] =	vst v63  }
0x3a0: {  	s28 =	simm.s32 $0x12D00  }
0x3a1: {  	[tilespmem:s28], [sflag:$0x1] =	stream.indirect_vreg.gather [hbm4b:s10+s14], $0x80, v5, vm0, $0xb8;
	[tilespmem:$0x1C500] =	vst v63  }
.Ltmp28:
0x3a2: {  	_ = 	snop;
	(pc) =	sbr.rel .LBB2_45-.Ltmp28, $4  }
0x3a3: {  	s29 =	simm.s32 $0x13500  }
0x3a4: {  	[tilespmem:s29], [sflag:$0x1] =	stream.indirect_vreg.gather [hbm4b:s11+s14], $0x80, v5, vm0, $0xb8;
	[tilespmem:$0x1C500] =	vst v63  }
0x3a5: {  	s30 =	simm.s32 $0x13D00  }
0x3a6: {  	[tilespmem:s30], [sflag:$0x1] =	stream.indirect_vreg.gather [hbm4b:s12+s14], $0x80, v5, vm0, $0xb8;
	[tilespmem:$0x1C500] =	vst v63  }
.LBB2_86:
0x3a7: {  	s14 =	sshll.u32 s14, $0x12  }
0x3a8: {  	p0 =	sne.s32 s15, $0x0;
	s14 =	sor.u32 s13, s14  }
0x3a9: {  	s15 =	simm.s32 @p0 $0x0;
	s17 =	simm.s32 @p0 $0x14500;
	s14 =	sadd.s32 s5, s14  }
0x3aa: {  	[hbm4b:s14+s15] =	stream.linear.scatter @p0 [tilespmem:s17], [sflag:$0x4], $0x8000, $0x38;
	[tilespmem:$0x1C500] =	vst v63  }
0x3ab: {  	s15 =	simm.s32 @!p0 $0x0;
	s17 =	simm.s32 @!p0 $0xC500  }
0x3ac: {  	[hbm4b:s14+s15] =	stream.linear.scatter @!p0 [tilespmem:s17], [sflag:$0x3], $0x8000, $0x38;
	[tilespmem:$0x1C500] =	vst v63  }
0x3ad: {  	p0 =	slt.u32 s9, $0x10  }
.Ltmp29:
0x3ae: {  	_ = 	snop;
	(pc) =	sbr.rel @!p0 .LBB2_87-.Ltmp29, $2  }
0x3af: {  	_ =	sdelay $0x2  }
0x3b0: {  	s14 =	smov.u32 s9  }
.LBB2_45:
0x3b1: {  	s15 =	sand.u32 $0x1, s14  }
0x3b2: {  	p1 =	seq.s32 s15, $0x0  }
.Ltmp30:
0x3b3: {  	_ = 	snop;
	(pc) =	sbr.rel @p1 .LBB2_47-.Ltmp30, $1  }
0x3b4: {  	_ =	sdelay $0x3  }
.Ltmp31:
0x3b5: {  	(pc) =	sbr.rel .LBB2_48-.Ltmp31, $4  }
0x3b6: {  	_ = 	snop  }
0x3b7: {  	_ =	swait.ge [sflag:s7], $0x8000  }
0x3b8: {  	[sflag:s7] =	ssyncset.done $0x0  }
0x3b9: {  	[sflag:s7] =	ssyncadd.s32 $0xFFFF8000  }
.LBB2_47:
0x3ba: {  	p0 =	seq.s32 s14, $0x0  }
.Ltmp32:
0x3bb: {  	_ = 	snop;
	(pc) =	sbr.rel @p0 .LBB2_51-.Ltmp32, $4  }
0x3bc: {  	s17 =	simm.s32 $0x1  }
0x3bd: {  	_ =	swait.ge [sflag:s17], $0x8000  }
0x3be: {  	[sflag:s17] =	ssyncset.done $0x0  }
0x3bf: {  	[sflag:s17] =	ssyncadd.s32 $0xFFFF8000  }
.LBB2_48:
.Ltmp33:
0x3c0: {  	(pc) =	sbr.rel @p1 .LBB2_50-.Ltmp33, $2  }
0x3c1: {  	_ =	sdelay $0x2  }
0x3c2: {  	s17 =	sadd.s32 $0x1, s14;
	p0 =	seq.s32 s14, $0xF  }
0x3c3: {  	_ =	swait.ge [sflag:s16], $0x8000  }
0x3c4: {  	s9 =	sshll.u32 @!p0 s17, $0x6;
	[sflag:s16] =	ssyncset.done $0x0  }
0x3c5: {  	s9 =	sand.u32 @!p0 $0x3FFFFFC0, s9;
	[sflag:s16] =	ssyncadd.s32 $0xFFFF8000  }
0x3c6: {  	v5 =	vld @!p0 [tilespmem:s9+$0x20];
	_ =	sdelay $0x4  }
0x3c7: {  	v6 =	vshll.u32 @!p0 v5, $0x3  }
0x3c8: {  	v7 =	vlaneseq.u32 @!p0;
	v5 =	vand.u32 @!p0 $0x7, v5;
	v6 =	vand.u32 @!p0 $0xFFFFFFC0, v6  }
0x3c9: {  	v8 =	vshrl.u32 @!p0 v7, $0x3;
	v5 =	vor.u32 @!p0 v5, v6;
	v6 =	vand.u32 @!p0 $0x7, v7  }
0x3ca: {  	v8 =	vmul.u32 @!p0 $0x8, v8;
	v9 =	vperm.xlane @!p0 v5, v6;
	_ =	sdelay $0x1  }
0x3cb: {  	v9 =	vadd.s32 @!p0 v8, v9;
	_ =	sdelay $0x3  }
0x3cc: {  	vm1 =	vmmov @!p0 $0xffff;
	s18 =	simm.s32 @!p0 $0x0;
	s19 =	simm.s32 @!p0 $0xC500  }
0x3cd: {  	v7 =	vor.u32 @!p0 $0x8, v7;
	[tilespmem:s19], [sflag:$0x1] =	stream.indirect_vreg.gather @!p0 [hbm4b:s3+s18], $0x80, v9, vm1, $0xb8;
	[tilespmem:$0x1C500] =	vst v63  }
0x3ce: {  	v5 =	vperm.xlane @!p0 v5, v7;
	s19 =	simm.s32 @!p0 $0xCD00  }
0x3cf: {  	[tilespmem:s19], [sflag:$0x1] =	stream.indirect_vreg.gather @!p0 [hbm4b:s10+s18], $0x80, v9, vm1, $0xb8;
	[tilespmem:$0x1C500] =	vst v63  }
0x3d0: {  	v5 =	vadd.s32 @!p0 v8, v5;
	s19 =	simm.s32 @!p0 $0xD500  }
0x3d1: {  	[tilespmem:s19], [sflag:$0x1] =	stream.indirect_vreg.gather @!p0 [hbm4b:s11+s18], $0x80, v9, vm1, $0xb8;
	[tilespmem:$0x1C500] =	vst v63  }
0x3d2: {  	s19 =	simm.s32 @!p0 $0xDD00  }
0x3d3: {  	[tilespmem:s19], [sflag:$0x1] =	stream.indirect_vreg.gather @!p0 [hbm4b:s12+s18], $0x80, v9, vm1, $0xb8;
	[tilespmem:$0x1C500] =	vst v63  }
0x3d4: {  	s19 =	simm.s32 @!p0 $0xE500  }
0x3d5: {  	[tilespmem:s19], [sflag:$0x1] =	stream.indirect_vreg.gather @!p0 [hbm4b:s3+s18], $0x80, v5, vm1, $0xb8;
	[tilespmem:$0x1C500] =	vst v63  }
0x3d6: {  	s19 =	simm.s32 @!p0 $0xED00  }
0x3d7: {  	[tilespmem:s19], [sflag:$0x1] =	stream.indirect_vreg.gather @!p0 [hbm4b:s10+s18], $0x80, v5, vm1, $0xb8;
	[tilespmem:$0x1C500] =	vst v63  }
0x3d8: {  	s19 =	simm.s32 @!p0 $0xF500  }
0x3d9: {  	[tilespmem:s19], [sflag:$0x1] =	stream.indirect_vreg.gather @!p0 [hbm4b:s11+s18], $0x80, v5, vm1, $0xb8;
	[tilespmem:$0x1C500] =	vst v63  }
0x3da: {  	s19 =	simm.s32 @!p0 $0xFD00  }
0x3db: {  	[tilespmem:s19], [sflag:$0x1] =	stream.indirect_vreg.gather @!p0 [hbm4b:s12+s18], $0x80, v5, vm1, $0xb8;
	[tilespmem:$0x1C500] =	vst v63  }
0x3dc: {  	v5 =	vld @!p0 [tilespmem:s9+$0x30];
	_ =	sdelay $0x4  }
0x3dd: {  	v9 =	vshll.u32 @!p0 v5, $0x3  }
0x3de: {  	v5 =	vand.u32 @!p0 $0x7, v5;
	v9 =	vand.u32 @!p0 $0xFFFFFFC0, v9  }
0x3df: {  	v5 =	vor.u32 @!p0 v5, v9  }
0x3e0: {  	v6 =	vperm.xlane @!p0 v5, v6;
	_ =	sdelay $0x1  }
0x3e1: {  	v6 =	vadd.s32 @!p0 v8, v6;
	_ =	sdelay $0x3  }
0x3e2: {  	s9 =	simm.s32 @!p0 $0x10500  }
0x3e3: {  	[tilespmem:s9], [sflag:$0x1] =	stream.indirect_vreg.gather @!p0 [hbm4b:s3+s18], $0x80, v6, vm1, $0xb8;
	[tilespmem:$0x1C500] =	vst v63  }
0x3e4: {  	v5 =	vperm.xlane @!p0 v5, v7;
	s9 =	simm.s32 @!p0 $0x10D00  }
0x3e5: {  	[tilespmem:s9], [sflag:$0x1] =	stream.indirect_vreg.gather @!p0 [hbm4b:s10+s18], $0x80, v6, vm1, $0xb8;
	[tilespmem:$0x1C500] =	vst v63  }
0x3e6: {  	v5 =	vadd.s32 @!p0 v8, v5;
	s9 =	simm.s32 @!p0 $0x11500  }
0x3e7: {  	[tilespmem:s9], [sflag:$0x1] =	stream.indirect_vreg.gather @!p0 [hbm4b:s11+s18], $0x80, v6, vm1, $0xb8;
	[tilespmem:$0x1C500] =	vst v63  }
0x3e8: {  	s9 =	simm.s32 @!p0 $0x11D00  }
0x3e9: {  	[tilespmem:s9], [sflag:$0x1] =	stream.indirect_vreg.gather @!p0 [hbm4b:s12+s18], $0x80, v6, vm1, $0xb8;
	[tilespmem:$0x1C500] =	vst v63  }
0x3ea: {  	s9 =	simm.s32 @!p0 $0x12500  }
0x3eb: {  	[tilespmem:s9], [sflag:$0x1] =	stream.indirect_vreg.gather @!p0 [hbm4b:s3+s18], $0x80, v5, vm1, $0xb8;
	[tilespmem:$0x1C500] =	vst v63  }
0x3ec: {  	s9 =	simm.s32 @!p0 $0x12D00  }
0x3ed: {  	[tilespmem:s9], [sflag:$0x1] =	stream.indirect_vreg.gather @!p0 [hbm4b:s10+s18], $0x80, v5, vm1, $0xb8;
	[tilespmem:$0x1C500] =	vst v63  }
.Ltmp34:
0x3ee: {  	s9 =	simm.s32 @!p0 $0x13500;
	(pc) =	sbr.rel .LBB2_52-.Ltmp34, $4  }
0x3ef: {  	[tilespmem:s9], [sflag:$0x1] =	stream.indirect_vreg.gather @!p0 [hbm4b:s11+s18], $0x80, v5, vm1, $0xb8;
	[tilespmem:$0x1C500] =	vst v63  }
0x3f0: {  	s17 =	simm.s32 @p0 $0x10;
	s9 =	simm.s32 @!p0 $0x13D00  }
0x3f1: {  	[tilespmem:s9], [sflag:$0x1] =	stream.indirect_vreg.gather @!p0 [hbm4b:s12+s18], $0x80, v5, vm1, $0xb8;
	[tilespmem:$0x1C500] =	vst v63  }
0x3f2: {  	s9 =	smov.u32 s17  }
.LBB2_50:
.Ltmp35:
0x3f3: {  	(pc) =	sbr.rel @p0 .LBB2_52-.Ltmp35, $4  }
0x3f4: {  	_ = 	snop  }
0x3f5: {  	_ =	swait.ge [sflag:s2], $0x8000  }
0x3f6: {  	[sflag:s2] =	ssyncset.done $0x0  }
0x3f7: {  	s9 =	simm.s32 $0x10;
	[sflag:s2] =	ssyncadd.s32 $0xFFFF8000  }
.LBB2_51:
0x3f8: {  	s9 =	sshll.u32 s17, $0x6  }
0x3f9: {  	s9 =	sand.u32 $0x3FFFFFC0, s9  }
0x3fa: {  	v5 =	vld [tilespmem:s9+$0x20];
	_ =	sdelay $0x4  }
0x3fb: {  	v6 =	vshll.u32 v5, $0x3  }
0x3fc: {  	v5 =	vand.u32 $0x7, v5;
	v6 =	vand.u32 $0xFFFFFFC0, v6  }
0x3fd: {  	v5 =	vor.u32 v5, v6  }
0x3fe: {  	v6 =	vperm.xlane v5, v2;
	_ =	sdelay $0x1  }
0x3ff: {  	v6 =	vadd.s32 v3, v6;
	_ =	sdelay $0x3  }
0x400: {  	s18 =	simm.s32 $0x14500  }
0x401: {  	[tilespmem:s18], [sflag:$0x2] =	stream.indirect_vreg.gather [hbm4b:s3+s6], $0x80, v6, vm0, $0xb8;
	[tilespmem:$0x1C500] =	vst v63  }
0x402: {  	s19 =	simm.s32 $0x14D00;
	v5 =	vperm.xlane v5, v4  }
0x403: {  	[tilespmem:s19], [sflag:$0x2] =	stream.indirect_vreg.gather [hbm4b:s10+s6], $0x80, v6, vm0, $0xb8;
	[tilespmem:$0x1C500] =	vst v63  }
0x404: {  	s20 =	simm.s32 $0x15500;
	v5 =	vadd.s32 v3, v5  }
0x405: {  	[tilespmem:s20], [sflag:$0x2] =	stream.indirect_vreg.gather [hbm4b:s11+s6], $0x80, v6, vm0, $0xb8;
	[tilespmem:$0x1C500] =	vst v63  }
0x406: {  	s21 =	simm.s32 $0x15D00  }
0x407: {  	[tilespmem:s21], [sflag:$0x2] =	stream.indirect_vreg.gather [hbm4b:s12+s6], $0x80, v6, vm0, $0xb8;
	[tilespmem:$0x1C500] =	vst v63  }
0x408: {  	s22 =	simm.s32 $0x16500  }
0x409: {  	[tilespmem:s22], [sflag:$0x2] =	stream.indirect_vreg.gather [hbm4b:s3+s6], $0x80, v5, vm0, $0xb8;
	[tilespmem:$0x1C500] =	vst v63  }
0x40a: {  	s23 =	simm.s32 $0x16D00  }
0x40b: {  	[tilespmem:s23], [sflag:$0x2] =	stream.indirect_vreg.gather [hbm4b:s10+s6], $0x80, v5, vm0, $0xb8;
	[tilespmem:$0x1C500] =	vst v63  }
0x40c: {  	s24 =	simm.s32 $0x17500  }
0x40d: {  	[tilespmem:s24], [sflag:$0x2] =	stream.indirect_vreg.gather [hbm4b:s11+s6], $0x80, v5, vm0, $0xb8;
	[tilespmem:$0x1C500] =	vst v63  }
0x40e: {  	s25 =	simm.s32 $0x17D00  }
0x40f: {  	[tilespmem:s25], [sflag:$0x2] =	stream.indirect_vreg.gather [hbm4b:s12+s6], $0x80, v5, vm0, $0xb8;
	[tilespmem:$0x1C500] =	vst v63  }
0x410: {  	v5 =	vld [tilespmem:s9+$0x30];
	_ =	sdelay $0x4  }
0x411: {  	v6 =	vshll.u32 v5, $0x3  }
0x412: {  	v5 =	vand.u32 $0x7, v5;
	v6 =	vand.u32 $0xFFFFFFC0, v6  }
0x413: {  	v5 =	vor.u32 v5, v6  }
0x414: {  	v6 =	vperm.xlane v5, v2;
	_ =	sdelay $0x1  }
0x415: {  	v6 =	vadd.s32 v3, v6;
	_ =	sdelay $0x3  }
0x416: {  	s26 =	simm.s32 $0x18500  }
0x417: {  	[tilespmem:s26], [sflag:$0x2] =	stream.indirect_vreg.gather [hbm4b:s3+s6], $0x80, v6, vm0, $0xb8;
	[tilespmem:$0x1C500] =	vst v63  }
0x418: {  	s28 =	simm.s32 $0x18D00;
	v5 =	vperm.xlane v5, v4  }
0x419: {  	[tilespmem:s28], [sflag:$0x2] =	stream.indirect_vreg.gather [hbm4b:s10+s6], $0x80, v6, vm0, $0xb8;
	[tilespmem:$0x1C500] =	vst v63  }
0x41a: {  	s29 =	simm.s32 $0x19500;
	v5 =	vadd.s32 v3, v5  }
0x41b: {  	[tilespmem:s29], [sflag:$0x2] =	stream.indirect_vreg.gather [hbm4b:s11+s6], $0x80, v6, vm0, $0xb8;
	[tilespmem:$0x1C500] =	vst v63  }
0x41c: {  	s30 =	simm.s32 $0x19D00  }
0x41d: {  	[tilespmem:s30], [sflag:$0x2] =	stream.indirect_vreg.gather [hbm4b:s12+s6], $0x80, v6, vm0, $0xb8;
	[tilespmem:$0x1C500] =	vst v63  }
0x41e: {  	_ = 	snop  }
0x41f: {  	[tilespmem:s31], [sflag:$0x2] =	stream.indirect_vreg.gather [hbm4b:s3+s6], $0x80, v5, vm0, $0xb8;
	[tilespmem:$0x1C500] =	vst v63  }
0x420: {  	_ = 	snop  }
0x421: {  	[tilespmem:s0], [sflag:$0x2] =	stream.indirect_vreg.gather [hbm4b:s10+s6], $0x80, v5, vm0, $0xb8;
	[tilespmem:$0x1C500] =	vst v63  }
0x422: {  	_ = 	snop  }
0x423: {  	[tilespmem:s4], [sflag:$0x2] =	stream.indirect_vreg.gather [hbm4b:s11+s6], $0x80, v5, vm0, $0xb8;
	[tilespmem:$0x1C500] =	vst v63  }
0x424: {  	s9 =	smov.u32 s17  }
0x425: {  	[tilespmem:s1], [sflag:$0x2] =	stream.indirect_vreg.gather [hbm4b:s12+s6], $0x80, v5, vm0, $0xb8;
	[tilespmem:$0x1C500] =	vst v63  }
.LBB2_52:
0x426: {  	s18 =	simm.s32 $0x0;
	s17 =	simm.s32 $0x0  }
0x427: {  	s19 =	sand.u32 $0x6000, s17;
	s21 =	sand.u32 $0x380, s18  }
0x428: {  	s20 =	sor.u32 s21, s19  }
0x429: {  	v5 =	vld [tilespmem:s20+$0x4500]  }
0x42a: {  	s30 =	sshll.u32 s15, $0xF  }
0x42b: {  	s17 =	sadd.s32 $0xC500, s30  }
0x42c: {  	s19 =	sadd.s32 s19, s17  }
0x42d: {  	s19 =	sadd.s32 s21, s19  }
0x42e: {  	[tilespmem:s19+$0x0] =	vst.add.f32.msk $0xffff, v5  }
0x42f: {  	v5 =	vld [tilespmem:s20+$0x4510];
	_ =	sdelay $0x4  }
0x430: {  	[tilespmem:s19+$0x10] =	vst.add.f32.msk $0xffff, v5  }
0x431: {  	v5 =	vld [tilespmem:s20+$0x4520];
	_ =	sdelay $0x4  }
0x432: {  	[tilespmem:s19+$0x20] =	vst.add.f32.msk $0xffff, v5  }
0x433: {  	v5 =	vld [tilespmem:s20+$0x4530];
	_ =	sdelay $0x4  }
0x434: {  	[tilespmem:s19+$0x30] =	vst.add.f32.msk $0xffff, v5  }
0x435: {  	v5 =	vld [tilespmem:s20+$0x4540];
	_ =	sdelay $0x4  }
0x436: {  	[tilespmem:s19+$0x40] =	vst.add.f32.msk $0xffff, v5  }
0x437: {  	v5 =	vld [tilespmem:s20+$0x4550];
	_ =	sdelay $0x4  }
0x438: {  	[tilespmem:s19+$0x50] =	vst.add.f32.msk $0xffff, v5  }
0x439: {  	v5 =	vld [tilespmem:s20+$0x4560];
	_ =	sdelay $0x4  }
0x43a: {  	[tilespmem:s19+$0x60] =	vst.add.f32.msk $0xffff, v5  }
0x43b: {  	v5 =	vld [tilespmem:s20+$0x4570];
	_ =	sdelay $0x4  }
0x43c: {  	[tilespmem:s19+$0x70] =	vst.add.f32.msk $0xffff, v5  }
0x43d: {  	v5 =	vld [tilespmem:s20+$0x4900];
	_ =	sdelay $0x4  }
0x43e: {  	[tilespmem:s19+$0x400] =	vst.add.f32.msk $0xffff, v5  }
0x43f: {  	v5 =	vld [tilespmem:s20+$0x4910];
	_ =	sdelay $0x4  }
0x440: {  	[tilespmem:s19+$0x410] =	vst.add.f32.msk $0xffff, v5  }
0x441: {  	v5 =	vld [tilespmem:s20+$0x4920];
	_ =	sdelay $0x4  }
0x442: {  	[tilespmem:s19+$0x420] =	vst.add.f32.msk $0xffff, v5  }
0x443: {  	v5 =	vld [tilespmem:s20+$0x4930];
	_ =	sdelay $0x4  }
0x444: {  	[tilespmem:s19+$0x430] =	vst.add.f32.msk $0xffff, v5  }
0x445: {  	v5 =	vld [tilespmem:s20+$0x4940];
	_ =	sdelay $0x4  }
0x446: {  	[tilespmem:s19+$0x440] =	vst.add.f32.msk $0xffff, v5  }
0x447: {  	v5 =	vld [tilespmem:s20+$0x4950];
	_ =	sdelay $0x4  }
0x448: {  	[tilespmem:s19+$0x450] =	vst.add.f32.msk $0xffff, v5  }
0x449: {  	v5 =	vld [tilespmem:s20+$0x4960];
	_ =	sdelay $0x4  }
0x44a: {  	[tilespmem:s19+$0x460] =	vst.add.f32.msk $0xffff, v5  }
0x44b: {  	v5 =	vld [tilespmem:s20+$0x4970];
	_ =	sdelay $0x4  }
0x44c: {  	[tilespmem:s19+$0x470] =	vst.add.f32.msk $0xffff, v5  }
0x44d: {  	v5 =	vld [tilespmem:s20+$0x4D00];
	_ =	sdelay $0x4  }
0x44e: {  	[tilespmem:s19+$0x800] =	vst.add.f32.msk $0xffff, v5  }
0x44f: {  	v5 =	vld [tilespmem:s20+$0x4D10];
	_ =	sdelay $0x4  }
0x450: {  	[tilespmem:s19+$0x810] =	vst.add.f32.msk $0xffff, v5  }
0x451: {  	v5 =	vld [tilespmem:s20+$0x4D20];
	_ =	sdelay $0x4  }
0x452: {  	[tilespmem:s19+$0x820] =	vst.add.f32.msk $0xffff, v5  }
0x453: {  	v5 =	vld [tilespmem:s20+$0x4D30];
	_ =	sdelay $0x4  }
0x454: {  	[tilespmem:s19+$0x830] =	vst.add.f32.msk $0xffff, v5  }
0x455: {  	v5 =	vld [tilespmem:s20+$0x4D40];
	_ =	sdelay $0x4  }
0x456: {  	[tilespmem:s19+$0x840] =	vst.add.f32.msk $0xffff, v5  }
0x457: {  	v5 =	vld [tilespmem:s20+$0x4D50];
	_ =	sdelay $0x4  }
0x458: {  	[tilespmem:s19+$0x850] =	vst.add.f32.msk $0xffff, v5  }
0x459: {  	v5 =	vld [tilespmem:s20+$0x4D60];
	_ =	sdelay $0x4  }
0x45a: {  	[tilespmem:s19+$0x860] =	vst.add.f32.msk $0xffff, v5  }
0x45b: {  	v5 =	vld [tilespmem:s20+$0x4D70];
	_ =	sdelay $0x4  }
0x45c: {  	[tilespmem:s19+$0x870] =	vst.add.f32.msk $0xffff, v5  }
0x45d: {  	v5 =	vld [tilespmem:s20+$0x5100];
	_ =	sdelay $0x4  }
0x45e: {  	[tilespmem:s19+$0xC00] =	vst.add.f32.msk $0xffff, v5  }
0x45f: {  	v5 =	vld [tilespmem:s20+$0x5110];
	_ =	sdelay $0x4  }
0x460: {  	[tilespmem:s19+$0xC10] =	vst.add.f32.msk $0xffff, v5  }
0x461: {  	v5 =	vld [tilespmem:s20+$0x5120];
	_ =	sdelay $0x4  }
0x462: {  	[tilespmem:s19+$0xC20] =	vst.add.f32.msk $0xffff, v5  }
0x463: {  	v5 =	vld [tilespmem:s20+$0x5130];
	_ =	sdelay $0x4  }
0x464: {  	[tilespmem:s19+$0xC30] =	vst.add.f32.msk $0xffff, v5  }
0x465: {  	v5 =	vld [tilespmem:s20+$0x5140];
	_ =	sdelay $0x4  }
0x466: {  	[tilespmem:s19+$0xC40] =	vst.add.f32.msk $0xffff, v5  }
0x467: {  	v5 =	vld [tilespmem:s20+$0x5150];
	_ =	sdelay $0x4  }
0x468: {  	[tilespmem:s19+$0xC50] =	vst.add.f32.msk $0xffff, v5  }
0x469: {  	v5 =	vld [tilespmem:s20+$0x5160];
	_ =	sdelay $0x4  }
0x46a: {  	[tilespmem:s19+$0xC60] =	vst.add.f32.msk $0xffff, v5  }
0x46b: {  	v5 =	vld [tilespmem:s20+$0x5170];
	_ =	sdelay $0x4  }
0x46c: {  	[tilespmem:s19+$0xC70] =	vst.add.f32.msk $0xffff, v5  }
0x46d: {  	v5 =	vld [tilespmem:s20+$0x5500];
	_ =	sdelay $0x4  }
0x46e: {  	[tilespmem:s19+$0x1000] =	vst.add.f32.msk $0xffff, v5  }
0x46f: {  	v5 =	vld [tilespmem:s20+$0x5510];
	_ =	sdelay $0x4  }
0x470: {  	[tilespmem:s19+$0x1010] =	vst.add.f32.msk $0xffff, v5  }
0x471: {  	v5 =	vld [tilespmem:s20+$0x5520];
	_ =	sdelay $0x4  }
0x472: {  	[tilespmem:s19+$0x1020] =	vst.add.f32.msk $0xffff, v5  }
0x473: {  	v5 =	vld [tilespmem:s20+$0x5530];
	_ =	sdelay $0x4  }
0x474: {  	[tilespmem:s19+$0x1030] =	vst.add.f32.msk $0xffff, v5  }
0x475: {  	v5 =	vld [tilespmem:s20+$0x5540];
	_ =	sdelay $0x4  }
0x476: {  	[tilespmem:s19+$0x1040] =	vst.add.f32.msk $0xffff, v5  }
0x477: {  	v5 =	vld [tilespmem:s20+$0x5550];
	_ =	sdelay $0x4  }
0x478: {  	[tilespmem:s19+$0x1050] =	vst.add.f32.msk $0xffff, v5  }
0x479: {  	v5 =	vld [tilespmem:s20+$0x5560];
	_ =	sdelay $0x4  }
0x47a: {  	[tilespmem:s19+$0x1060] =	vst.add.f32.msk $0xffff, v5  }
0x47b: {  	v5 =	vld [tilespmem:s20+$0x5570];
	_ =	sdelay $0x4  }
0x47c: {  	[tilespmem:s19+$0x1070] =	vst.add.f32.msk $0xffff, v5  }
0x47d: {  	v5 =	vld [tilespmem:s20+$0x5900];
	_ =	sdelay $0x4  }
0x47e: {  	[tilespmem:s19+$0x1400] =	vst.add.f32.msk $0xffff, v5  }
0x47f: {  	v5 =	vld [tilespmem:s20+$0x5910];
	_ =	sdelay $0x4  }
0x480: {  	[tilespmem:s19+$0x1410] =	vst.add.f32.msk $0xffff, v5  }
0x481: {  	v5 =	vld [tilespmem:s20+$0x5920];
	_ =	sdelay $0x4  }
0x482: {  	[tilespmem:s19+$0x1420] =	vst.add.f32.msk $0xffff, v5  }
0x483: {  	v5 =	vld [tilespmem:s20+$0x5930];
	_ =	sdelay $0x4  }
0x484: {  	[tilespmem:s19+$0x1430] =	vst.add.f32.msk $0xffff, v5  }
0x485: {  	v5 =	vld [tilespmem:s20+$0x5940];
	_ =	sdelay $0x4  }
0x486: {  	[tilespmem:s19+$0x1440] =	vst.add.f32.msk $0xffff, v5  }
0x487: {  	v5 =	vld [tilespmem:s20+$0x5950];
	_ =	sdelay $0x4  }
0x488: {  	[tilespmem:s19+$0x1450] =	vst.add.f32.msk $0xffff, v5  }
0x489: {  	v5 =	vld [tilespmem:s20+$0x5960];
	_ =	sdelay $0x4  }
0x48a: {  	[tilespmem:s19+$0x1460] =	vst.add.f32.msk $0xffff, v5  }
0x48b: {  	v5 =	vld [tilespmem:s20+$0x5970];
	_ =	sdelay $0x4  }
0x48c: {  	[tilespmem:s19+$0x1470] =	vst.add.f32.msk $0xffff, v5  }
0x48d: {  	v5 =	vld [tilespmem:s20+$0x5D00];
	_ =	sdelay $0x4  }
0x48e: {  	[tilespmem:s19+$0x1800] =	vst.add.f32.msk $0xffff, v5  }
0x48f: {  	v5 =	vld [tilespmem:s20+$0x5D10];
	_ =	sdelay $0x4  }
0x490: {  	[tilespmem:s19+$0x1810] =	vst.add.f32.msk $0xffff, v5  }
0x491: {  	v5 =	vld [tilespmem:s20+$0x5D20];
	_ =	sdelay $0x4  }
0x492: {  	[tilespmem:s19+$0x1820] =	vst.add.f32.msk $0xffff, v5  }
0x493: {  	v5 =	vld [tilespmem:s20+$0x5D30];
	_ =	sdelay $0x4  }
0x494: {  	[tilespmem:s19+$0x1830] =	vst.add.f32.msk $0xffff, v5  }
0x495: {  	v5 =	vld [tilespmem:s20+$0x5D40];
	_ =	sdelay $0x4  }
0x496: {  	[tilespmem:s19+$0x1840] =	vst.add.f32.msk $0xffff, v5  }
0x497: {  	v5 =	vld [tilespmem:s20+$0x5D50];
	_ =	sdelay $0x4  }
0x498: {  	[tilespmem:s19+$0x1850] =	vst.add.f32.msk $0xffff, v5  }
0x499: {  	v5 =	vld [tilespmem:s20+$0x5D60];
	_ =	sdelay $0x4  }
0x49a: {  	[tilespmem:s19+$0x1860] =	vst.add.f32.msk $0xffff, v5  }
0x49b: {  	v5 =	vld [tilespmem:s20+$0x5D70];
	_ =	sdelay $0x1  }
0x49c: {  	s22 =	sand.u32 $0x7, s18  }
0x49d: {  	s20 =	sshll.u32 s22, $0x7  }
0x49e: {  	s20 =	sadd.s32 $0x0, s20  }
0x49f: {  	s23 =	sor.u32 $0x1C00, s20;
	[tilespmem:s19+$0x1870] =	vst.add.f32.msk $0xffff, v5  }
0x4a0: {  	v5 =	vld [tilespmem:s23+$0x4500];
	_ =	sdelay $0x4  }
0x4a1: {  	s24 =	sor.u32 $0x1C10, s20;
	[tilespmem:s19+$0x1C00] =	vst.add.f32.msk $0xffff, v5  }
0x4a2: {  	v5 =	vld [tilespmem:s24+$0x4500];
	_ =	sdelay $0x4  }
0x4a3: {  	s25 =	sor.u32 $0x1C20, s20;
	[tilespmem:s19+$0x1C10] =	vst.add.f32.msk $0xffff, v5  }
0x4a4: {  	v5 =	vld [tilespmem:s25+$0x4500];
	_ =	sdelay $0x4  }
0x4a5: {  	s26 =	sor.u32 $0x1C30, s20;
	[tilespmem:s19+$0x1C20] =	vst.add.f32.msk $0xffff, v5  }
0x4a6: {  	v5 =	vld [tilespmem:s26+$0x4500];
	_ =	sdelay $0x4  }
0x4a7: {  	s28 =	sor.u32 $0x1C40, s20;
	[tilespmem:s19+$0x1C30] =	vst.add.f32.msk $0xffff, v5  }
0x4a8: {  	v5 =	vld [tilespmem:s28+$0x4500];
	_ =	sdelay $0x4  }
0x4a9: {  	s29 =	sor.u32 $0x1C50, s20;
	[tilespmem:s19+$0x1C40] =	vst.add.f32.msk $0xffff, v5  }
0x4aa: {  	v5 =	vld [tilespmem:s29+$0x4500];
	_ =	sdelay $0x4  }
0x4ab: {  	s30 =	sor.u32 $0x1C60, s20;
	[tilespmem:s19+$0x1C50] =	vst.add.f32.msk $0xffff, v5  }
0x4ac: {  	v5 =	vld [tilespmem:s30+$0x4500];
	_ =	sdelay $0x4  }
0x4ad: {  	s20 =	sor.u32 $0x1C70, s20;
	[tilespmem:s19+$0x1C60] =	vst.add.f32.msk $0xffff, v5  }
0x4ae: {  	v5 =	vld [tilespmem:s20+$0x4500];
	_ =	sdelay $0x1  }
0x4af: {  	s21 =	simm.s32 $0x80;
	s22 =	simm.s32 $0xFFFF8400  }
0x4b0: {  	s23 =	simm.s32 $0x100;
	s24 =	simm.s32 $0x400;
	s20 =	simm.s32 $0x0  }
.LBB2_53:
0x4b1: {  	p0 =	sne.s32 s23, $0xF80;
	s25 =	sand.u32 $0x6000, s24;
	s26 =	sand.u32 $0x380, s21  }
0x4b2: {  	s21 =	smov.u32 s23;
	s24 =	sor.u32 s26, s25;
	[tilespmem:s19+$0x1C70] =	vst.add.f32.msk $0xffff, v5  }
0x4b3: {  	v5 =	vld [tilespmem:s24+$0x4500];
	_ =	sdelay $0x2  }
0x4b4: {  	s19 =	sadd.s32 s25, s17  }
0x4b5: {  	s19 =	sadd.s32 s26, s19  }
0x4b6: {  	[tilespmem:s19+$0x0] =	vst.add.f32.msk $0xffff, v5  }
0x4b7: {  	v5 =	vld [tilespmem:s24+$0x4510];
	_ =	sdelay $0x4  }
0x4b8: {  	[tilespmem:s19+$0x10] =	vst.add.f32.msk $0xffff, v5  }
0x4b9: {  	v5 =	vld [tilespmem:s24+$0x4520];
	_ =	sdelay $0x4  }
0x4ba: {  	[tilespmem:s19+$0x20] =	vst.add.f32.msk $0xffff, v5  }
0x4bb: {  	v5 =	vld [tilespmem:s24+$0x4530];
	_ =	sdelay $0x4  }
0x4bc: {  	[tilespmem:s19+$0x30] =	vst.add.f32.msk $0xffff, v5  }
0x4bd: {  	v5 =	vld [tilespmem:s24+$0x4540];
	_ =	sdelay $0x4  }
0x4be: {  	[tilespmem:s19+$0x40] =	vst.add.f32.msk $0xffff, v5  }
0x4bf: {  	v5 =	vld [tilespmem:s24+$0x4550];
	_ =	sdelay $0x4  }
0x4c0: {  	[tilespmem:s19+$0x50] =	vst.add.f32.msk $0xffff, v5  }
0x4c1: {  	v5 =	vld [tilespmem:s24+$0x4560];
	_ =	sdelay $0x4  }
0x4c2: {  	[tilespmem:s19+$0x60] =	vst.add.f32.msk $0xffff, v5  }
0x4c3: {  	v5 =	vld [tilespmem:s24+$0x4570];
	_ =	sdelay $0x4  }
0x4c4: {  	[tilespmem:s19+$0x70] =	vst.add.f32.msk $0xffff, v5  }
0x4c5: {  	v5 =	vld [tilespmem:s24+$0x4900];
	_ =	sdelay $0x4  }
0x4c6: {  	[tilespmem:s19+$0x400] =	vst.add.f32.msk $0xffff, v5  }
0x4c7: {  	v5 =	vld [tilespmem:s24+$0x4910];
	_ =	sdelay $0x4  }
0x4c8: {  	[tilespmem:s19+$0x410] =	vst.add.f32.msk $0xffff, v5  }
0x4c9: {  	v5 =	vld [tilespmem:s24+$0x4920];
	_ =	sdelay $0x4  }
0x4ca: {  	[tilespmem:s19+$0x420] =	vst.add.f32.msk $0xffff, v5  }
0x4cb: {  	v5 =	vld [tilespmem:s24+$0x4930];
	_ =	sdelay $0x4  }
0x4cc: {  	[tilespmem:s19+$0x430] =	vst.add.f32.msk $0xffff, v5  }
0x4cd: {  	v5 =	vld [tilespmem:s24+$0x4940];
	_ =	sdelay $0x4  }
0x4ce: {  	[tilespmem:s19+$0x440] =	vst.add.f32.msk $0xffff, v5  }
0x4cf: {  	v5 =	vld [tilespmem:s24+$0x4950];
	_ =	sdelay $0x4  }
0x4d0: {  	[tilespmem:s19+$0x450] =	vst.add.f32.msk $0xffff, v5  }
0x4d1: {  	v5 =	vld [tilespmem:s24+$0x4960];
	_ =	sdelay $0x4  }
0x4d2: {  	[tilespmem:s19+$0x460] =	vst.add.f32.msk $0xffff, v5  }
0x4d3: {  	v5 =	vld [tilespmem:s24+$0x4970];
	_ =	sdelay $0x4  }
0x4d4: {  	[tilespmem:s19+$0x470] =	vst.add.f32.msk $0xffff, v5  }
0x4d5: {  	v5 =	vld [tilespmem:s24+$0x4D00];
	_ =	sdelay $0x4  }
0x4d6: {  	[tilespmem:s19+$0x800] =	vst.add.f32.msk $0xffff, v5  }
0x4d7: {  	v5 =	vld [tilespmem:s24+$0x4D10];
	_ =	sdelay $0x4  }
0x4d8: {  	[tilespmem:s19+$0x810] =	vst.add.f32.msk $0xffff, v5  }
0x4d9: {  	v5 =	vld [tilespmem:s24+$0x4D20];
	_ =	sdelay $0x4  }
0x4da: {  	[tilespmem:s19+$0x820] =	vst.add.f32.msk $0xffff, v5  }
0x4db: {  	v5 =	vld [tilespmem:s24+$0x4D30];
	_ =	sdelay $0x4  }
0x4dc: {  	[tilespmem:s19+$0x830] =	vst.add.f32.msk $0xffff, v5  }
0x4dd: {  	v5 =	vld [tilespmem:s24+$0x4D40];
	_ =	sdelay $0x4  }
0x4de: {  	[tilespmem:s19+$0x840] =	vst.add.f32.msk $0xffff, v5  }
0x4df: {  	v5 =	vld [tilespmem:s24+$0x4D50];
	_ =	sdelay $0x4  }
0x4e0: {  	[tilespmem:s19+$0x850] =	vst.add.f32.msk $0xffff, v5  }
0x4e1: {  	v5 =	vld [tilespmem:s24+$0x4D60];
	_ =	sdelay $0x4  }
0x4e2: {  	[tilespmem:s19+$0x860] =	vst.add.f32.msk $0xffff, v5  }
0x4e3: {  	v5 =	vld [tilespmem:s24+$0x4D70];
	_ =	sdelay $0x4  }
0x4e4: {  	[tilespmem:s19+$0x870] =	vst.add.f32.msk $0xffff, v5  }
0x4e5: {  	v5 =	vld [tilespmem:s24+$0x5100];
	_ =	sdelay $0x4  }
0x4e6: {  	[tilespmem:s19+$0xC00] =	vst.add.f32.msk $0xffff, v5  }
0x4e7: {  	v5 =	vld [tilespmem:s24+$0x5110];
	_ =	sdelay $0x4  }
0x4e8: {  	[tilespmem:s19+$0xC10] =	vst.add.f32.msk $0xffff, v5  }
0x4e9: {  	v5 =	vld [tilespmem:s24+$0x5120];
	_ =	sdelay $0x4  }
0x4ea: {  	[tilespmem:s19+$0xC20] =	vst.add.f32.msk $0xffff, v5  }
0x4eb: {  	v5 =	vld [tilespmem:s24+$0x5130];
	_ =	sdelay $0x4  }
0x4ec: {  	[tilespmem:s19+$0xC30] =	vst.add.f32.msk $0xffff, v5  }
0x4ed: {  	v5 =	vld [tilespmem:s24+$0x5140];
	_ =	sdelay $0x4  }
0x4ee: {  	[tilespmem:s19+$0xC40] =	vst.add.f32.msk $0xffff, v5  }
0x4ef: {  	v5 =	vld [tilespmem:s24+$0x5150];
	_ =	sdelay $0x4  }
0x4f0: {  	[tilespmem:s19+$0xC50] =	vst.add.f32.msk $0xffff, v5  }
0x4f1: {  	v5 =	vld [tilespmem:s24+$0x5160];
	_ =	sdelay $0x4  }
0x4f2: {  	[tilespmem:s19+$0xC60] =	vst.add.f32.msk $0xffff, v5  }
0x4f3: {  	v5 =	vld [tilespmem:s24+$0x5170];
	_ =	sdelay $0x4  }
0x4f4: {  	[tilespmem:s19+$0xC70] =	vst.add.f32.msk $0xffff, v5  }
0x4f5: {  	v5 =	vld [tilespmem:s24+$0x5500];
	_ =	sdelay $0x4  }
0x4f6: {  	[tilespmem:s19+$0x1000] =	vst.add.f32.msk $0xffff, v5  }
0x4f7: {  	v5 =	vld [tilespmem:s24+$0x5510];
	_ =	sdelay $0x4  }
0x4f8: {  	[tilespmem:s19+$0x1010] =	vst.add.f32.msk $0xffff, v5  }
0x4f9: {  	v5 =	vld [tilespmem:s24+$0x5520];
	_ =	sdelay $0x4  }
0x4fa: {  	[tilespmem:s19+$0x1020] =	vst.add.f32.msk $0xffff, v5  }
0x4fb: {  	v5 =	vld [tilespmem:s24+$0x5530];
	_ =	sdelay $0x4  }
0x4fc: {  	[tilespmem:s19+$0x1030] =	vst.add.f32.msk $0xffff, v5  }
0x4fd: {  	v5 =	vld [tilespmem:s24+$0x5540];
	_ =	sdelay $0x4  }
0x4fe: {  	[tilespmem:s19+$0x1040] =	vst.add.f32.msk $0xffff, v5  }
0x4ff: {  	v5 =	vld [tilespmem:s24+$0x5550];
	_ =	sdelay $0x4  }
0x500: {  	[tilespmem:s19+$0x1050] =	vst.add.f32.msk $0xffff, v5  }
0x501: {  	v5 =	vld [tilespmem:s24+$0x5560];
	_ =	sdelay $0x4  }
0x502: {  	[tilespmem:s19+$0x1060] =	vst.add.f32.msk $0xffff, v5  }
0x503: {  	v5 =	vld [tilespmem:s24+$0x5570];
	_ =	sdelay $0x4  }
0x504: {  	[tilespmem:s19+$0x1070] =	vst.add.f32.msk $0xffff, v5  }
0x505: {  	v5 =	vld [tilespmem:s24+$0x5900];
	_ =	sdelay $0x4  }
0x506: {  	[tilespmem:s19+$0x1400] =	vst.add.f32.msk $0xffff, v5  }
0x507: {  	v5 =	vld [tilespmem:s24+$0x5910];
	_ =	sdelay $0x4  }
0x508: {  	[tilespmem:s19+$0x1410] =	vst.add.f32.msk $0xffff, v5  }
0x509: {  	v5 =	vld [tilespmem:s24+$0x5920];
	_ =	sdelay $0x4  }
0x50a: {  	[tilespmem:s19+$0x1420] =	vst.add.f32.msk $0xffff, v5  }
0x50b: {  	v5 =	vld [tilespmem:s24+$0x5930];
	_ =	sdelay $0x4  }
0x50c: {  	[tilespmem:s19+$0x1430] =	vst.add.f32.msk $0xffff, v5  }
0x50d: {  	v5 =	vld [tilespmem:s24+$0x5940];
	_ =	sdelay $0x4  }
0x50e: {  	[tilespmem:s19+$0x1440] =	vst.add.f32.msk $0xffff, v5  }
0x50f: {  	v5 =	vld [tilespmem:s24+$0x5950];
	_ =	sdelay $0x4  }
0x510: {  	[tilespmem:s19+$0x1450] =	vst.add.f32.msk $0xffff, v5  }
0x511: {  	v5 =	vld [tilespmem:s24+$0x5960];
	_ =	sdelay $0x4  }
0x512: {  	[tilespmem:s19+$0x1460] =	vst.add.f32.msk $0xffff, v5  }
0x513: {  	v5 =	vld [tilespmem:s24+$0x5970];
	_ =	sdelay $0x4  }
0x514: {  	[tilespmem:s19+$0x1470] =	vst.add.f32.msk $0xffff, v5  }
0x515: {  	v5 =	vld [tilespmem:s24+$0x5D00];
	_ =	sdelay $0x4  }
0x516: {  	[tilespmem:s19+$0x1800] =	vst.add.f32.msk $0xffff, v5  }
0x517: {  	v5 =	vld [tilespmem:s24+$0x5D10];
	_ =	sdelay $0x4  }
0x518: {  	[tilespmem:s19+$0x1810] =	vst.add.f32.msk $0xffff, v5  }
0x519: {  	v5 =	vld [tilespmem:s24+$0x5D20];
	_ =	sdelay $0x4  }
0x51a: {  	[tilespmem:s19+$0x1820] =	vst.add.f32.msk $0xffff, v5  }
0x51b: {  	v5 =	vld [tilespmem:s24+$0x5D30];
	_ =	sdelay $0x4  }
0x51c: {  	[tilespmem:s19+$0x1830] =	vst.add.f32.msk $0xffff, v5  }
0x51d: {  	v5 =	vld [tilespmem:s24+$0x5D40];
	_ =	sdelay $0x4  }
0x51e: {  	[tilespmem:s19+$0x1840] =	vst.add.f32.msk $0xffff, v5  }
0x51f: {  	v5 =	vld [tilespmem:s24+$0x5D50];
	_ =	sdelay $0x4  }
0x520: {  	[tilespmem:s19+$0x1850] =	vst.add.f32.msk $0xffff, v5  }
0x521: {  	v5 =	vld [tilespmem:s24+$0x5D60];
	_ =	sdelay $0x4  }
0x522: {  	[tilespmem:s19+$0x1860] =	vst.add.f32.msk $0xffff, v5  }
0x523: {  	v5 =	vld [tilespmem:s24+$0x5D70]  }
0x524: {  	s18 =	sadd.s32 $0x1, s18  }
0x525: {  	s24 =	sand.u32 $0x7, s18  }
0x526: {  	s20 =	sadd.s32 $0x400, s20;
	s24 =	sshll.u32 s24, $0x7  }
0x527: {  	s24 =	sadd.s32 s24, s20  }
0x528: {  	s25 =	sor.u32 $0x1C00, s24;
	[tilespmem:s19+$0x1870] =	vst.add.f32.msk $0xffff, v5  }
0x529: {  	v5 =	vld [tilespmem:s25+$0x4500];
	_ =	sdelay $0x4  }
0x52a: {  	s25 =	sor.u32 $0x1C10, s24;
	[tilespmem:s19+$0x1C00] =	vst.add.f32.msk $0xffff, v5  }
0x52b: {  	v5 =	vld [tilespmem:s25+$0x4500];
	_ =	sdelay $0x4  }
0x52c: {  	s25 =	sor.u32 $0x1C20, s24;
	[tilespmem:s19+$0x1C10] =	vst.add.f32.msk $0xffff, v5  }
0x52d: {  	v5 =	vld [tilespmem:s25+$0x4500];
	_ =	sdelay $0x4  }
0x52e: {  	s25 =	sor.u32 $0x1C30, s24;
	[tilespmem:s19+$0x1C20] =	vst.add.f32.msk $0xffff, v5  }
0x52f: {  	v5 =	vld [tilespmem:s25+$0x4500];
	_ =	sdelay $0x4  }
0x530: {  	s25 =	sor.u32 $0x1C40, s24;
	[tilespmem:s19+$0x1C30] =	vst.add.f32.msk $0xffff, v5  }
0x531: {  	v5 =	vld [tilespmem:s25+$0x4500];
	_ =	sdelay $0x4  }
0x532: {  	s25 =	sor.u32 $0x1C50, s24;
	[tilespmem:s19+$0x1C40] =	vst.add.f32.msk $0xffff, v5  }
0x533: {  	v5 =	vld [tilespmem:s25+$0x4500];
	_ =	sdelay $0x4  }
0x534: {  	s25 =	sor.u32 $0x1C60, s24;
	[tilespmem:s19+$0x1C50] =	vst.add.f32.msk $0xffff, v5  }
0x535: {  	v5 =	vld [tilespmem:s25+$0x4500];
	_ =	sdelay $0x4  }
.Ltmp36:
0x536: {  	s24 =	sor.u32 $0x1C70, s24;
	[tilespmem:s19+$0x1C60] =	vst.add.f32.msk $0xffff, v5;
	(pc) =	sbr.rel @p0 .LBB2_53-.Ltmp36, $3  }
0x537: {  	v5 =	vld [tilespmem:s24+$0x4500];
	_ =	sdelay $0x1  }
0x538: {  	s22 =	sadd.s32 $0x400, s22  }
0x539: {  	s23 =	sadd.s32 $0x80, s23;
	s24 =	sadd.s32 $0x8000, s22  }
0x53a: {  	s22 =	sand.u32 $0x6000, s24;
	s23 =	sand.u32 $0x380, s21  }
0x53b: {  	s21 =	sor.u32 s23, s22;
	[tilespmem:s19+$0x1C70] =	vst.add.f32.msk $0xffff, v5  }
0x53c: {  	v5 =	vld [tilespmem:s21+$0x4500];
	_ =	sdelay $0x2  }
0x53d: {  	s30 =	sadd.s32 s22, s17  }
0x53e: {  	s19 =	sadd.s32 s23, s30  }
0x53f: {  	[tilespmem:s19+$0x0] =	vst.add.f32.msk $0xffff, v5  }
0x540: {  	v5 =	vld [tilespmem:s21+$0x4510];
	_ =	sdelay $0x4  }
0x541: {  	[tilespmem:s19+$0x10] =	vst.add.f32.msk $0xffff, v5  }
0x542: {  	v5 =	vld [tilespmem:s21+$0x4520];
	_ =	sdelay $0x4  }
0x543: {  	[tilespmem:s19+$0x20] =	vst.add.f32.msk $0xffff, v5  }
0x544: {  	v5 =	vld [tilespmem:s21+$0x4530];
	_ =	sdelay $0x4  }
0x545: {  	[tilespmem:s19+$0x30] =	vst.add.f32.msk $0xffff, v5  }
0x546: {  	v5 =	vld [tilespmem:s21+$0x4540];
	_ =	sdelay $0x4  }
0x547: {  	[tilespmem:s19+$0x40] =	vst.add.f32.msk $0xffff, v5  }
0x548: {  	v5 =	vld [tilespmem:s21+$0x4550];
	_ =	sdelay $0x4  }
0x549: {  	[tilespmem:s19+$0x50] =	vst.add.f32.msk $0xffff, v5  }
0x54a: {  	v5 =	vld [tilespmem:s21+$0x4560];
	_ =	sdelay $0x4  }
0x54b: {  	[tilespmem:s19+$0x60] =	vst.add.f32.msk $0xffff, v5  }
0x54c: {  	v5 =	vld [tilespmem:s21+$0x4570];
	_ =	sdelay $0x4  }
0x54d: {  	[tilespmem:s19+$0x70] =	vst.add.f32.msk $0xffff, v5  }
0x54e: {  	v5 =	vld [tilespmem:s21+$0x4900];
	_ =	sdelay $0x4  }
0x54f: {  	[tilespmem:s19+$0x400] =	vst.add.f32.msk $0xffff, v5  }
0x550: {  	v5 =	vld [tilespmem:s21+$0x4910];
	_ =	sdelay $0x4  }
0x551: {  	[tilespmem:s19+$0x410] =	vst.add.f32.msk $0xffff, v5  }
0x552: {  	v5 =	vld [tilespmem:s21+$0x4920];
	_ =	sdelay $0x4  }
0x553: {  	[tilespmem:s19+$0x420] =	vst.add.f32.msk $0xffff, v5  }
0x554: {  	v5 =	vld [tilespmem:s21+$0x4930];
	_ =	sdelay $0x4  }
0x555: {  	[tilespmem:s19+$0x430] =	vst.add.f32.msk $0xffff, v5  }
0x556: {  	v5 =	vld [tilespmem:s21+$0x4940];
	_ =	sdelay $0x4  }
0x557: {  	[tilespmem:s19+$0x440] =	vst.add.f32.msk $0xffff, v5  }
0x558: {  	v5 =	vld [tilespmem:s21+$0x4950];
	_ =	sdelay $0x4  }
0x559: {  	[tilespmem:s19+$0x450] =	vst.add.f32.msk $0xffff, v5  }
0x55a: {  	v5 =	vld [tilespmem:s21+$0x4960];
	_ =	sdelay $0x4  }
0x55b: {  	[tilespmem:s19+$0x460] =	vst.add.f32.msk $0xffff, v5  }
0x55c: {  	v5 =	vld [tilespmem:s21+$0x4970];
	_ =	sdelay $0x4  }
0x55d: {  	[tilespmem:s19+$0x470] =	vst.add.f32.msk $0xffff, v5  }
0x55e: {  	v5 =	vld [tilespmem:s21+$0x4D00];
	_ =	sdelay $0x4  }
0x55f: {  	[tilespmem:s19+$0x800] =	vst.add.f32.msk $0xffff, v5  }
0x560: {  	v5 =	vld [tilespmem:s21+$0x4D10];
	_ =	sdelay $0x4  }
0x561: {  	[tilespmem:s19+$0x810] =	vst.add.f32.msk $0xffff, v5  }
0x562: {  	v5 =	vld [tilespmem:s21+$0x4D20];
	_ =	sdelay $0x4  }
0x563: {  	[tilespmem:s19+$0x820] =	vst.add.f32.msk $0xffff, v5  }
0x564: {  	v5 =	vld [tilespmem:s21+$0x4D30];
	_ =	sdelay $0x4  }
0x565: {  	[tilespmem:s19+$0x830] =	vst.add.f32.msk $0xffff, v5  }
0x566: {  	v5 =	vld [tilespmem:s21+$0x4D40];
	_ =	sdelay $0x4  }
0x567: {  	[tilespmem:s19+$0x840] =	vst.add.f32.msk $0xffff, v5  }
0x568: {  	v5 =	vld [tilespmem:s21+$0x4D50];
	_ =	sdelay $0x4  }
0x569: {  	[tilespmem:s19+$0x850] =	vst.add.f32.msk $0xffff, v5  }
0x56a: {  	v5 =	vld [tilespmem:s21+$0x4D60];
	_ =	sdelay $0x4  }
0x56b: {  	[tilespmem:s19+$0x860] =	vst.add.f32.msk $0xffff, v5  }
0x56c: {  	v5 =	vld [tilespmem:s21+$0x4D70];
	_ =	sdelay $0x4  }
0x56d: {  	[tilespmem:s19+$0x870] =	vst.add.f32.msk $0xffff, v5  }
0x56e: {  	v5 =	vld [tilespmem:s21+$0x5100];
	_ =	sdelay $0x4  }
0x56f: {  	[tilespmem:s19+$0xC00] =	vst.add.f32.msk $0xffff, v5  }
0x570: {  	v5 =	vld [tilespmem:s21+$0x5110];
	_ =	sdelay $0x4  }
0x571: {  	[tilespmem:s19+$0xC10] =	vst.add.f32.msk $0xffff, v5  }
0x572: {  	v5 =	vld [tilespmem:s21+$0x5120];
	_ =	sdelay $0x4  }
0x573: {  	[tilespmem:s19+$0xC20] =	vst.add.f32.msk $0xffff, v5  }
0x574: {  	v5 =	vld [tilespmem:s21+$0x5130];
	_ =	sdelay $0x4  }
0x575: {  	[tilespmem:s19+$0xC30] =	vst.add.f32.msk $0xffff, v5  }
0x576: {  	v5 =	vld [tilespmem:s21+$0x5140];
	_ =	sdelay $0x4  }
0x577: {  	[tilespmem:s19+$0xC40] =	vst.add.f32.msk $0xffff, v5  }
0x578: {  	v5 =	vld [tilespmem:s21+$0x5150];
	_ =	sdelay $0x4  }
0x579: {  	[tilespmem:s19+$0xC50] =	vst.add.f32.msk $0xffff, v5  }
0x57a: {  	v5 =	vld [tilespmem:s21+$0x5160];
	_ =	sdelay $0x4  }
0x57b: {  	[tilespmem:s19+$0xC60] =	vst.add.f32.msk $0xffff, v5  }
0x57c: {  	v5 =	vld [tilespmem:s21+$0x5170];
	_ =	sdelay $0x4  }
0x57d: {  	[tilespmem:s19+$0xC70] =	vst.add.f32.msk $0xffff, v5  }
0x57e: {  	v5 =	vld [tilespmem:s21+$0x5500];
	_ =	sdelay $0x4  }
0x57f: {  	[tilespmem:s19+$0x1000] =	vst.add.f32.msk $0xffff, v5  }
0x580: {  	v5 =	vld [tilespmem:s21+$0x5510];
	_ =	sdelay $0x4  }
0x581: {  	[tilespmem:s19+$0x1010] =	vst.add.f32.msk $0xffff, v5  }
0x582: {  	v5 =	vld [tilespmem:s21+$0x5520];
	_ =	sdelay $0x4  }
0x583: {  	[tilespmem:s19+$0x1020] =	vst.add.f32.msk $0xffff, v5  }
0x584: {  	v5 =	vld [tilespmem:s21+$0x5530];
	_ =	sdelay $0x4  }
0x585: {  	[tilespmem:s19+$0x1030] =	vst.add.f32.msk $0xffff, v5  }
0x586: {  	v5 =	vld [tilespmem:s21+$0x5540];
	_ =	sdelay $0x4  }
0x587: {  	[tilespmem:s19+$0x1040] =	vst.add.f32.msk $0xffff, v5  }
0x588: {  	v5 =	vld [tilespmem:s21+$0x5550];
	_ =	sdelay $0x4  }
0x589: {  	[tilespmem:s19+$0x1050] =	vst.add.f32.msk $0xffff, v5  }
0x58a: {  	v5 =	vld [tilespmem:s21+$0x5560];
	_ =	sdelay $0x4  }
0x58b: {  	[tilespmem:s19+$0x1060] =	vst.add.f32.msk $0xffff, v5  }
0x58c: {  	v5 =	vld [tilespmem:s21+$0x5570];
	_ =	sdelay $0x4  }
0x58d: {  	[tilespmem:s19+$0x1070] =	vst.add.f32.msk $0xffff, v5  }
0x58e: {  	v5 =	vld [tilespmem:s21+$0x5900];
	_ =	sdelay $0x4  }
0x58f: {  	[tilespmem:s19+$0x1400] =	vst.add.f32.msk $0xffff, v5  }
0x590: {  	v5 =	vld [tilespmem:s21+$0x5910];
	_ =	sdelay $0x4  }
0x591: {  	[tilespmem:s19+$0x1410] =	vst.add.f32.msk $0xffff, v5  }
0x592: {  	v5 =	vld [tilespmem:s21+$0x5920];
	_ =	sdelay $0x4  }
0x593: {  	[tilespmem:s19+$0x1420] =	vst.add.f32.msk $0xffff, v5  }
0x594: {  	v5 =	vld [tilespmem:s21+$0x5930];
	_ =	sdelay $0x4  }
0x595: {  	[tilespmem:s19+$0x1430] =	vst.add.f32.msk $0xffff, v5  }
0x596: {  	v5 =	vld [tilespmem:s21+$0x5940];
	_ =	sdelay $0x4  }
0x597: {  	[tilespmem:s19+$0x1440] =	vst.add.f32.msk $0xffff, v5  }
0x598: {  	v5 =	vld [tilespmem:s21+$0x5950];
	_ =	sdelay $0x4  }
0x599: {  	[tilespmem:s19+$0x1450] =	vst.add.f32.msk $0xffff, v5  }
0x59a: {  	v5 =	vld [tilespmem:s21+$0x5960];
	_ =	sdelay $0x4  }
0x59b: {  	[tilespmem:s19+$0x1460] =	vst.add.f32.msk $0xffff, v5  }
0x59c: {  	v5 =	vld [tilespmem:s21+$0x5970];
	_ =	sdelay $0x4  }
0x59d: {  	[tilespmem:s19+$0x1470] =	vst.add.f32.msk $0xffff, v5  }
0x59e: {  	v5 =	vld [tilespmem:s21+$0x5D00];
	_ =	sdelay $0x4  }
0x59f: {  	[tilespmem:s19+$0x1800] =	vst.add.f32.msk $0xffff, v5  }
0x5a0: {  	v5 =	vld [tilespmem:s21+$0x5D10];
	_ =	sdelay $0x4  }
0x5a1: {  	[tilespmem:s19+$0x1810] =	vst.add.f32.msk $0xffff, v5  }
0x5a2: {  	v5 =	vld [tilespmem:s21+$0x5D20];
	_ =	sdelay $0x4  }
0x5a3: {  	[tilespmem:s19+$0x1820] =	vst.add.f32.msk $0xffff, v5  }
0x5a4: {  	v5 =	vld [tilespmem:s21+$0x5D30];
	_ =	sdelay $0x4  }
0x5a5: {  	[tilespmem:s19+$0x1830] =	vst.add.f32.msk $0xffff, v5  }
0x5a6: {  	v5 =	vld [tilespmem:s21+$0x5D40];
	_ =	sdelay $0x4  }
0x5a7: {  	[tilespmem:s19+$0x1840] =	vst.add.f32.msk $0xffff, v5  }
0x5a8: {  	v5 =	vld [tilespmem:s21+$0x5D50];
	_ =	sdelay $0x4  }
0x5a9: {  	[tilespmem:s19+$0x1850] =	vst.add.f32.msk $0xffff, v5  }
0x5aa: {  	v5 =	vld [tilespmem:s21+$0x5D60];
	_ =	sdelay $0x4  }
0x5ab: {  	[tilespmem:s19+$0x1860] =	vst.add.f32.msk $0xffff, v5  }
0x5ac: {  	v5 =	vld [tilespmem:s21+$0x5D70]  }
0x5ad: {  	s18 =	sadd.s32 $0x1, s18  }
0x5ae: {  	s18 =	sand.u32 $0x7, s18  }
0x5af: {  	s20 =	sadd.s32 $0x400, s20;
	s18 =	sshll.u32 s18, $0x7  }
0x5b0: {  	s18 =	sadd.s32 s18, s20  }
0x5b1: {  	s20 =	sor.u32 $0x1C00, s18;
	[tilespmem:s19+$0x1870] =	vst.add.f32.msk $0xffff, v5  }
0x5b2: {  	v5 =	vld [tilespmem:s20+$0x4500];
	_ =	sdelay $0x4  }
0x5b3: {  	s22 =	sor.u32 $0x1C10, s18;
	[tilespmem:s19+$0x1C00] =	vst.add.f32.msk $0xffff, v5  }
0x5b4: {  	v5 =	vld [tilespmem:s22+$0x4500];
	_ =	sdelay $0x4  }
0x5b5: {  	s23 =	sor.u32 $0x1C20, s18;
	[tilespmem:s19+$0x1C10] =	vst.add.f32.msk $0xffff, v5  }
0x5b6: {  	v5 =	vld [tilespmem:s23+$0x4500];
	_ =	sdelay $0x4  }
0x5b7: {  	s24 =	sor.u32 $0x1C30, s18;
	[tilespmem:s19+$0x1C20] =	vst.add.f32.msk $0xffff, v5  }
0x5b8: {  	v5 =	vld [tilespmem:s24+$0x4500];
	_ =	sdelay $0x4  }
0x5b9: {  	s25 =	sor.u32 $0x1C40, s18;
	[tilespmem:s19+$0x1C30] =	vst.add.f32.msk $0xffff, v5  }
0x5ba: {  	v5 =	vld [tilespmem:s25+$0x4500];
	_ =	sdelay $0x4  }
0x5bb: {  	s26 =	sor.u32 $0x1C50, s18;
	[tilespmem:s19+$0x1C40] =	vst.add.f32.msk $0xffff, v5  }
0x5bc: {  	v5 =	vld [tilespmem:s26+$0x4500];
	_ =	sdelay $0x4  }
0x5bd: {  	s28 =	sor.u32 $0x1C60, s18;
	[tilespmem:s19+$0x1C50] =	vst.add.f32.msk $0xffff, v5  }
0x5be: {  	v5 =	vld [tilespmem:s28+$0x4500];
	_ =	sdelay $0x4  }
0x5bf: {  	s18 =	sor.u32 $0x1C70, s18;
	[tilespmem:s19+$0x1C60] =	vst.add.f32.msk $0xffff, v5  }
0x5c0: {  	v5 =	vld [tilespmem:s18+$0x4500];
	_ =	sdelay $0x3  }
0x5c1: {  	s29 =	sshll.u32 s14, $0x3  }
0x5c2: {  	s18 =	sand.u32 $0x3FFFFFF8, s29;
	[tilespmem:s19+$0x1C70] =	vst.add.f32.msk $0xffff, v5  }
0x5c3: {  	v5 =	vld [tilespmem:s18+$0x400];
	_ =	sdelay $0x4  }
0x5c4: {  	v5 =	vsub.s32 v5, v1  }
0x5c5: {  	(v2sf) =	vpush v5, $0x0;
	_ =	sdelay $0xe  }
0x5c6: {  	s19 =	spop (v2sf)  }
0x5c7: {  	p0 =	sgt.u32 s19, $0x1F  }
.Ltmp37:
0x5c8: {  	_ = 	snop;
	(pc) =	sbr.rel @p0 .LBB2_58-.Ltmp37, $3  }
0x5c9: {  	_ =	sdelay $0x1  }
0x5ca: {  	s30 =	sshll.u32 s14, $0xA  }
0x5cb: {  	s18 =	sand.u32 $0x3FFFFC00, s30  }
0x5cc: {  	s20 =	sshll.u32 s19, $0xA  }
0x5cd: {  	s30 =	sshll.u32 s19, $0x7;
	s23 =	simm.s32 $0x0;
	s19 =	sadd.s32 $0x500, s18  }
0x5ce: {  	s21 =	sand.u32 $0x6000, s20;
	s22 =	sand.u32 $0x380, s30;
	s25 =	sand.u32 $0x1C00, s23  }
0x5cf: {  	s29 =	sand.u32 $0x70, s23;
	s23 =	sand.u32 $0x380, s23;
	s20 =	sor.u32 s22, s21  }
0x5d0: {  	s23 =	sadd.s32 s23, s19;
	s20 =	sadd.s32 $0x4500, s20  }
0x5d1: {  	s23 =	sadd.s32 s29, s23;
	s24 =	sadd.s32 s25, s20  }
0x5d2: {  	v7 =	vld [tilespmem:s23+$0x0];
	s24 =	sadd.s32 s29, s24  }
0x5d3: {  	v6 =	vld [tilespmem:s24+$0x0];
	_ =	sdelay $0x2  }
0x5d4: {  	s26 =	simm.s32 $0x10;
	s21 =	sadd.s32 s21, s17  }
0x5d5: {  	s21 =	sadd.s32 s22, s21;
	s23 =	sand.u32 $0x70, s26;
	s24 =	simm.s32 $0x80  }
0x5d6: {  	s26 =	sand.u32 $0x380, s26;
	s30 =	sadd.s32 s25, s21;
	s22 =	sand.u32 $0x1C00, s24;
	v6 =	vadd.f32 v6, v7  }
0x5d7: {  	s25 =	simm.s32 $0x20;
	s29 =	sadd.s32 s29, s30;
	s28 =	sadd.s32 s22, s20  }
.LBB2_56:
0x5d8: {  	p0 =	sne.s32 s25, $0x3F0;
	s26 =	sadd.s32 s26, s19;
	s28 =	sadd.s32 s23, s28;
	[tilespmem:s29+$0x0] =	vst v6  }
0x5d9: {  	s29 =	smov.u32 s23;
	s26 =	sadd.s32 s23, s26;
	v6 =	vld [tilespmem:s28+$0x0]  }
0x5da: {  	v7 =	vld [tilespmem:s26+$0x0];
	_ =	sdelay $0x1  }
.Ltmp38:
0x5db: {  	(pc) =	sbr.rel @p0 .LBB2_56-.Ltmp38, $4  }
0x5dc: {  	_ = 	snop  }
0x5dd: {  	s24 =	sadd.s32 $0x80, s24;
	s23 =	sand.u32 $0x70, s25  }
0x5de: {  	s30 =	sadd.s32 s22, s21;
	s22 =	sand.u32 $0x1C00, s24;
	s26 =	sand.u32 $0x380, s25;
	v6 =	vadd.f32 v6, v7  }
0x5df: {  	s29 =	sadd.s32 s29, s30;
	s28 =	sadd.s32 s22, s20;
	s25 =	sadd.s32 $0x10, s25  }
0x5e0: {  	s19 =	sadd.s32 s26, s19;
	s20 =	sadd.s32 s23, s28;
	[tilespmem:s29+$0x0] =	vst v6  }
0x5e1: {  	s19 =	sadd.s32 s23, s19;
	v6 =	vld [tilespmem:s20+$0x0]  }
0x5e2: {  	v7 =	vld [tilespmem:s19+$0x0];
	_ =	sdelay $0x4  }
0x5e3: {  	s30 =	sadd.s32 s22, s21;
	v6 =	vadd.f32 v6, v7  }
0x5e4: {  	s19 =	sadd.s32 s23, s30  }
0x5e5: {  	[tilespmem:s19+$0x0] =	vst v6  }
.LBB2_58:
0x5e6: {  	(v2sf) =	vpush v5, $0x1;
	_ =	sdelay $0xe  }
0x5e7: {  	s19 =	spop (v2sf)  }
0x5e8: {  	p0 =	sgt.u32 s19, $0x1F  }
.Ltmp39:
0x5e9: {  	_ = 	snop;
	(pc) =	sbr.rel @p0 .LBB2_62-.Ltmp39, $1  }
0x5ea: {  	_ =	sdelay $0x3  }
0x5eb: {  	s20 =	sshll.u32 s19, $0xA  }
0x5ec: {  	s30 =	sshll.u32 s19, $0x7;
	s23 =	simm.s32 $0x0;
	s19 =	sadd.s32 $0x500, s18  }
0x5ed: {  	s21 =	sand.u32 $0x6000, s20;
	s22 =	sand.u32 $0x380, s30;
	s25 =	sand.u32 $0x1C00, s23  }
0x5ee: {  	s29 =	sand.u32 $0x70, s23;
	s23 =	sand.u32 $0x380, s23;
	s20 =	sor.u32 s22, s21  }
0x5ef: {  	s23 =	sadd.s32 s23, s19;
	s20 =	sadd.s32 $0x4500, s20  }
0x5f0: {  	s23 =	sadd.s32 s29, s23;
	s24 =	sadd.s32 s25, s20  }
0x5f1: {  	v7 =	vld [tilespmem:s23+$0x0];
	s24 =	sadd.s32 s29, s24  }
0x5f2: {  	v6 =	vld [tilespmem:s24+$0x0];
	_ =	sdelay $0x2  }
0x5f3: {  	s26 =	simm.s32 $0x10;
	s21 =	sadd.s32 s21, s17  }
0x5f4: {  	s21 =	sadd.s32 s22, s21;
	s23 =	sand.u32 $0x70, s26;
	s24 =	simm.s32 $0x80  }
0x5f5: {  	s26 =	sand.u32 $0x380, s26;
	s30 =	sadd.s32 s25, s21;
	s22 =	sand.u32 $0x1C00, s24;
	v6 =	vadd.f32 v6, v7  }
0x5f6: {  	s25 =	simm.s32 $0x20;
	s29 =	sadd.s32 s29, s30;
	s28 =	sadd.s32 s22, s20  }
.LBB2_60:
0x5f7: {  	p0 =	sne.s32 s25, $0x3F0;
	s26 =	sadd.s32 s26, s19;
	s28 =	sadd.s32 s23, s28;
	[tilespmem:s29+$0x0] =	vst v6  }
0x5f8: {  	s29 =	smov.u32 s23;
	s26 =	sadd.s32 s23, s26;
	v6 =	vld [tilespmem:s28+$0x0]  }
0x5f9: {  	v7 =	vld [tilespmem:s26+$0x0];
	_ =	sdelay $0x1  }
.Ltmp40:
0x5fa: {  	(pc) =	sbr.rel @p0 .LBB2_60-.Ltmp40, $4  }
0x5fb: {  	_ = 	snop  }
0x5fc: {  	s24 =	sadd.s32 $0x80, s24;
	s23 =	sand.u32 $0x70, s25  }
0x5fd: {  	s30 =	sadd.s32 s22, s21;
	s22 =	sand.u32 $0x1C00, s24;
	s26 =	sand.u32 $0x380, s25;
	v6 =	vadd.f32 v6, v7  }
0x5fe: {  	s29 =	sadd.s32 s29, s30;
	s28 =	sadd.s32 s22, s20;
	s25 =	sadd.s32 $0x10, s25  }
0x5ff: {  	s19 =	sadd.s32 s26, s19;
	s20 =	sadd.s32 s23, s28;
	[tilespmem:s29+$0x0] =	vst v6  }
0x600: {  	s19 =	sadd.s32 s23, s19;
	v6 =	vld [tilespmem:s20+$0x0]  }
0x601: {  	v7 =	vld [tilespmem:s19+$0x0];
	_ =	sdelay $0x4  }
0x602: {  	s30 =	sadd.s32 s22, s21;
	v6 =	vadd.f32 v6, v7  }
0x603: {  	s19 =	sadd.s32 s23, s30  }
0x604: {  	[tilespmem:s19+$0x0] =	vst v6  }
.LBB2_62:
0x605: {  	(v2sf) =	vpush v5, $0x2;
	_ =	sdelay $0xe  }
0x606: {  	s19 =	spop (v2sf)  }
0x607: {  	p0 =	sgt.u32 s19, $0x1F  }
.Ltmp41:
0x608: {  	_ = 	snop;
	(pc) =	sbr.rel @p0 .LBB2_66-.Ltmp41, $1  }
0x609: {  	_ =	sdelay $0x3  }
0x60a: {  	s20 =	sshll.u32 s19, $0xA  }
0x60b: {  	s30 =	sshll.u32 s19, $0x7;
	s23 =	simm.s32 $0x0;
	s19 =	sadd.s32 $0x500, s18  }
0x60c: {  	s21 =	sand.u32 $0x6000, s20;
	s22 =	sand.u32 $0x380, s30;
	s25 =	sand.u32 $0x1C00, s23  }
0x60d: {  	s29 =	sand.u32 $0x70, s23;
	s23 =	sand.u32 $0x380, s23;
	s20 =	sor.u32 s22, s21  }
0x60e: {  	s23 =	sadd.s32 s23, s19;
	s20 =	sadd.s32 $0x4500, s20  }
0x60f: {  	s23 =	sadd.s32 s29, s23;
	s24 =	sadd.s32 s25, s20  }
0x610: {  	v7 =	vld [tilespmem:s23+$0x0];
	s24 =	sadd.s32 s29, s24  }
0x611: {  	v6 =	vld [tilespmem:s24+$0x0];
	_ =	sdelay $0x2  }
0x612: {  	s26 =	simm.s32 $0x10;
	s21 =	sadd.s32 s21, s17  }
0x613: {  	s21 =	sadd.s32 s22, s21;
	s23 =	sand.u32 $0x70, s26;
	s24 =	simm.s32 $0x80  }
0x614: {  	s26 =	sand.u32 $0x380, s26;
	s30 =	sadd.s32 s25, s21;
	s22 =	sand.u32 $0x1C00, s24;
	v6 =	vadd.f32 v6, v7  }
0x615: {  	s25 =	simm.s32 $0x20;
	s29 =	sadd.s32 s29, s30;
	s28 =	sadd.s32 s22, s20  }
.LBB2_64:
0x616: {  	p0 =	sne.s32 s25, $0x3F0;
	s26 =	sadd.s32 s26, s19;
	s28 =	sadd.s32 s23, s28;
	[tilespmem:s29+$0x0] =	vst v6  }
0x617: {  	s29 =	smov.u32 s23;
	s26 =	sadd.s32 s23, s26;
	v6 =	vld [tilespmem:s28+$0x0]  }
0x618: {  	v7 =	vld [tilespmem:s26+$0x0];
	_ =	sdelay $0x1  }
.Ltmp42:
0x619: {  	(pc) =	sbr.rel @p0 .LBB2_64-.Ltmp42, $4  }
0x61a: {  	_ = 	snop  }
0x61b: {  	s24 =	sadd.s32 $0x80, s24;
	s23 =	sand.u32 $0x70, s25  }
0x61c: {  	s30 =	sadd.s32 s22, s21;
	s22 =	sand.u32 $0x1C00, s24;
	s26 =	sand.u32 $0x380, s25;
	v6 =	vadd.f32 v6, v7  }
0x61d: {  	s29 =	sadd.s32 s29, s30;
	s28 =	sadd.s32 s22, s20;
	s25 =	sadd.s32 $0x10, s25  }
0x61e: {  	s19 =	sadd.s32 s26, s19;
	s20 =	sadd.s32 s23, s28;
	[tilespmem:s29+$0x0] =	vst v6  }
0x61f: {  	s19 =	sadd.s32 s23, s19;
	v6 =	vld [tilespmem:s20+$0x0]  }
0x620: {  	v7 =	vld [tilespmem:s19+$0x0];
	_ =	sdelay $0x4  }
0x621: {  	s30 =	sadd.s32 s22, s21;
	v6 =	vadd.f32 v6, v7  }
0x622: {  	s19 =	sadd.s32 s23, s30  }
0x623: {  	[tilespmem:s19+$0x0] =	vst v6  }
.LBB2_66:
0x624: {  	(v2sf) =	vpush v5, $0x3;
	_ =	sdelay $0xe  }
0x625: {  	s19 =	spop (v2sf)  }
0x626: {  	p0 =	sgt.u32 s19, $0x1F  }
.Ltmp43:
0x627: {  	_ = 	snop;
	(pc) =	sbr.rel @p0 .LBB2_70-.Ltmp43, $1  }
0x628: {  	_ =	sdelay $0x3  }
0x629: {  	s20 =	sshll.u32 s19, $0xA  }
0x62a: {  	s30 =	sshll.u32 s19, $0x7;
	s23 =	simm.s32 $0x0;
	s19 =	sadd.s32 $0x500, s18  }
0x62b: {  	s21 =	sand.u32 $0x6000, s20;
	s22 =	sand.u32 $0x380, s30;
	s25 =	sand.u32 $0x1C00, s23  }
0x62c: {  	s29 =	sand.u32 $0x70, s23;
	s23 =	sand.u32 $0x380, s23;
	s20 =	sor.u32 s22, s21  }
0x62d: {  	s23 =	sadd.s32 s23, s19;
	s20 =	sadd.s32 $0x4500, s20  }
0x62e: {  	s23 =	sadd.s32 s29, s23;
	s24 =	sadd.s32 s25, s20  }
0x62f: {  	v7 =	vld [tilespmem:s23+$0x0];
	s24 =	sadd.s32 s29, s24  }
0x630: {  	v6 =	vld [tilespmem:s24+$0x0];
	_ =	sdelay $0x2  }
0x631: {  	s26 =	simm.s32 $0x10;
	s21 =	sadd.s32 s21, s17  }
0x632: {  	s21 =	sadd.s32 s22, s21;
	s23 =	sand.u32 $0x70, s26;
	s24 =	simm.s32 $0x80  }
0x633: {  	s26 =	sand.u32 $0x380, s26;
	s30 =	sadd.s32 s25, s21;
	s22 =	sand.u32 $0x1C00, s24;
	v6 =	vadd.f32 v6, v7  }
0x634: {  	s25 =	simm.s32 $0x20;
	s29 =	sadd.s32 s29, s30;
	s28 =	sadd.s32 s22, s20  }
.LBB2_68:
0x635: {  	p0 =	sne.s32 s25, $0x3F0;
	s26 =	sadd.s32 s26, s19;
	s28 =	sadd.s32 s23, s28;
	[tilespmem:s29+$0x0] =	vst v6  }
0x636: {  	s29 =	smov.u32 s23;
	s26 =	sadd.s32 s23, s26;
	v6 =	vld [tilespmem:s28+$0x0]  }
0x637: {  	v7 =	vld [tilespmem:s26+$0x0];
	_ =	sdelay $0x1  }
.Ltmp44:
0x638: {  	(pc) =	sbr.rel @p0 .LBB2_68-.Ltmp44, $4  }
0x639: {  	_ = 	snop  }
0x63a: {  	s24 =	sadd.s32 $0x80, s24;
	s23 =	sand.u32 $0x70, s25  }
0x63b: {  	s30 =	sadd.s32 s22, s21;
	s22 =	sand.u32 $0x1C00, s24;
	s26 =	sand.u32 $0x380, s25;
	v6 =	vadd.f32 v6, v7  }
0x63c: {  	s29 =	sadd.s32 s29, s30;
	s28 =	sadd.s32 s22, s20;
	s25 =	sadd.s32 $0x10, s25  }
0x63d: {  	s19 =	sadd.s32 s26, s19;
	s20 =	sadd.s32 s23, s28;
	[tilespmem:s29+$0x0] =	vst v6  }
0x63e: {  	s19 =	sadd.s32 s23, s19;
	v6 =	vld [tilespmem:s20+$0x0]  }
0x63f: {  	v7 =	vld [tilespmem:s19+$0x0];
	_ =	sdelay $0x4  }
0x640: {  	s30 =	sadd.s32 s22, s21;
	v6 =	vadd.f32 v6, v7  }
0x641: {  	s19 =	sadd.s32 s23, s30  }
0x642: {  	[tilespmem:s19+$0x0] =	vst v6  }
.LBB2_70:
0x643: {  	(v2sf) =	vpush v5, $0x4;
	_ =	sdelay $0xe  }
0x644: {  	s19 =	spop (v2sf)  }
0x645: {  	p0 =	sgt.u32 s19, $0x1F  }
.Ltmp45:
0x646: {  	_ = 	snop;
	(pc) =	sbr.rel @p0 .LBB2_74-.Ltmp45, $1  }
0x647: {  	_ =	sdelay $0x3  }
0x648: {  	s20 =	sshll.u32 s19, $0xA  }
0x649: {  	s30 =	sshll.u32 s19, $0x7;
	s23 =	simm.s32 $0x0;
	s19 =	sadd.s32 $0x500, s18  }
0x64a: {  	s21 =	sand.u32 $0x6000, s20;
	s22 =	sand.u32 $0x380, s30;
	s25 =	sand.u32 $0x1C00, s23  }
0x64b: {  	s29 =	sand.u32 $0x70, s23;
	s23 =	sand.u32 $0x380, s23;
	s20 =	sor.u32 s22, s21  }
0x64c: {  	s23 =	sadd.s32 s23, s19;
	s20 =	sadd.s32 $0x4500, s20  }
0x64d: {  	s23 =	sadd.s32 s29, s23;
	s24 =	sadd.s32 s25, s20  }
0x64e: {  	v7 =	vld [tilespmem:s23+$0x0];
	s24 =	sadd.s32 s29, s24  }
0x64f: {  	v6 =	vld [tilespmem:s24+$0x0];
	_ =	sdelay $0x2  }
0x650: {  	s26 =	simm.s32 $0x10;
	s21 =	sadd.s32 s21, s17  }
0x651: {  	s21 =	sadd.s32 s22, s21;
	s23 =	sand.u32 $0x70, s26;
	s24 =	simm.s32 $0x80  }
0x652: {  	s26 =	sand.u32 $0x380, s26;
	s30 =	sadd.s32 s25, s21;
	s22 =	sand.u32 $0x1C00, s24;
	v6 =	vadd.f32 v6, v7  }
0x653: {  	s25 =	simm.s32 $0x20;
	s29 =	sadd.s32 s29, s30;
	s28 =	sadd.s32 s22, s20  }
.LBB2_72:
0x654: {  	p0 =	sne.s32 s25, $0x3F0;
	s26 =	sadd.s32 s26, s19;
	s28 =	sadd.s32 s23, s28;
	[tilespmem:s29+$0x0] =	vst v6  }
0x655: {  	s29 =	smov.u32 s23;
	s26 =	sadd.s32 s23, s26;
	v6 =	vld [tilespmem:s28+$0x0]  }
0x656: {  	v7 =	vld [tilespmem:s26+$0x0];
	_ =	sdelay $0x1  }
.Ltmp46:
0x657: {  	(pc) =	sbr.rel @p0 .LBB2_72-.Ltmp46, $4  }
0x658: {  	_ = 	snop  }
0x659: {  	s24 =	sadd.s32 $0x80, s24;
	s23 =	sand.u32 $0x70, s25  }
0x65a: {  	s30 =	sadd.s32 s22, s21;
	s22 =	sand.u32 $0x1C00, s24;
	s26 =	sand.u32 $0x380, s25;
	v6 =	vadd.f32 v6, v7  }
0x65b: {  	s29 =	sadd.s32 s29, s30;
	s28 =	sadd.s32 s22, s20;
	s25 =	sadd.s32 $0x10, s25  }
0x65c: {  	s19 =	sadd.s32 s26, s19;
	s20 =	sadd.s32 s23, s28;
	[tilespmem:s29+$0x0] =	vst v6  }
0x65d: {  	s19 =	sadd.s32 s23, s19;
	v6 =	vld [tilespmem:s20+$0x0]  }
0x65e: {  	v7 =	vld [tilespmem:s19+$0x0];
	_ =	sdelay $0x4  }
0x65f: {  	s30 =	sadd.s32 s22, s21;
	v6 =	vadd.f32 v6, v7  }
0x660: {  	s19 =	sadd.s32 s23, s30  }
0x661: {  	[tilespmem:s19+$0x0] =	vst v6  }
.LBB2_74:
0x662: {  	(v2sf) =	vpush v5, $0x5;
	_ =	sdelay $0xe  }
0x663: {  	s19 =	spop (v2sf)  }
0x664: {  	p0 =	sgt.u32 s19, $0x1F  }
.Ltmp47:
0x665: {  	_ = 	snop;
	(pc) =	sbr.rel @p0 .LBB2_78-.Ltmp47, $1  }
0x666: {  	_ =	sdelay $0x3  }
0x667: {  	s20 =	sshll.u32 s19, $0xA  }
0x668: {  	s30 =	sshll.u32 s19, $0x7;
	s23 =	simm.s32 $0x0;
	s19 =	sadd.s32 $0x500, s18  }
0x669: {  	s21 =	sand.u32 $0x6000, s20;
	s22 =	sand.u32 $0x380, s30;
	s25 =	sand.u32 $0x1C00, s23  }
0x66a: {  	s29 =	sand.u32 $0x70, s23;
	s23 =	sand.u32 $0x380, s23;
	s20 =	sor.u32 s22, s21  }
0x66b: {  	s23 =	sadd.s32 s23, s19;
	s20 =	sadd.s32 $0x4500, s20  }
0x66c: {  	s23 =	sadd.s32 s29, s23;
	s24 =	sadd.s32 s25, s20  }
0x66d: {  	v7 =	vld [tilespmem:s23+$0x0];
	s24 =	sadd.s32 s29, s24  }
0x66e: {  	v6 =	vld [tilespmem:s24+$0x0];
	_ =	sdelay $0x2  }
0x66f: {  	s26 =	simm.s32 $0x10;
	s21 =	sadd.s32 s21, s17  }
0x670: {  	s21 =	sadd.s32 s22, s21;
	s23 =	sand.u32 $0x70, s26;
	s24 =	simm.s32 $0x80  }
0x671: {  	s26 =	sand.u32 $0x380, s26;
	s30 =	sadd.s32 s25, s21;
	s22 =	sand.u32 $0x1C00, s24;
	v6 =	vadd.f32 v6, v7  }
0x672: {  	s25 =	simm.s32 $0x20;
	s29 =	sadd.s32 s29, s30;
	s28 =	sadd.s32 s22, s20  }
.LBB2_76:
0x673: {  	p0 =	sne.s32 s25, $0x3F0;
	s26 =	sadd.s32 s26, s19;
	s28 =	sadd.s32 s23, s28;
	[tilespmem:s29+$0x0] =	vst v6  }
0x674: {  	s29 =	smov.u32 s23;
	s26 =	sadd.s32 s23, s26;
	v6 =	vld [tilespmem:s28+$0x0]  }
0x675: {  	v7 =	vld [tilespmem:s26+$0x0];
	_ =	sdelay $0x1  }
.Ltmp48:
0x676: {  	(pc) =	sbr.rel @p0 .LBB2_76-.Ltmp48, $4  }
0x677: {  	_ = 	snop  }
0x678: {  	s24 =	sadd.s32 $0x80, s24;
	s23 =	sand.u32 $0x70, s25  }
0x679: {  	s30 =	sadd.s32 s22, s21;
	s22 =	sand.u32 $0x1C00, s24;
	s26 =	sand.u32 $0x380, s25;
	v6 =	vadd.f32 v6, v7  }
0x67a: {  	s29 =	sadd.s32 s29, s30;
	s28 =	sadd.s32 s22, s20;
	s25 =	sadd.s32 $0x10, s25  }
0x67b: {  	s19 =	sadd.s32 s26, s19;
	s20 =	sadd.s32 s23, s28;
	[tilespmem:s29+$0x0] =	vst v6  }
0x67c: {  	s19 =	sadd.s32 s23, s19;
	v6 =	vld [tilespmem:s20+$0x0]  }
0x67d: {  	v7 =	vld [tilespmem:s19+$0x0];
	_ =	sdelay $0x4  }
0x67e: {  	s30 =	sadd.s32 s22, s21;
	v6 =	vadd.f32 v6, v7  }
0x67f: {  	s19 =	sadd.s32 s23, s30  }
0x680: {  	[tilespmem:s19+$0x0] =	vst v6  }
.LBB2_78:
0x681: {  	(v2sf) =	vpush v5, $0x6;
	_ =	sdelay $0xe  }
0x682: {  	s19 =	spop (v2sf)  }
0x683: {  	p0 =	sgt.u32 s19, $0x1F  }
.Ltmp49:
0x684: {  	_ = 	snop;
	(pc) =	sbr.rel @p0 .LBB2_82-.Ltmp49, $1  }
0x685: {  	_ =	sdelay $0x3  }
0x686: {  	s20 =	sshll.u32 s19, $0xA  }
0x687: {  	s30 =	sshll.u32 s19, $0x7;
	s23 =	simm.s32 $0x0;
	s19 =	sadd.s32 $0x500, s18  }
0x688: {  	s21 =	sand.u32 $0x6000, s20;
	s22 =	sand.u32 $0x380, s30;
	s25 =	sand.u32 $0x1C00, s23  }
0x689: {  	s29 =	sand.u32 $0x70, s23;
	s23 =	sand.u32 $0x380, s23;
	s20 =	sor.u32 s22, s21  }
0x68a: {  	s23 =	sadd.s32 s23, s19;
	s20 =	sadd.s32 $0x4500, s20  }
0x68b: {  	s23 =	sadd.s32 s29, s23;
	s24 =	sadd.s32 s25, s20  }
0x68c: {  	v7 =	vld [tilespmem:s23+$0x0];
	s24 =	sadd.s32 s29, s24  }
0x68d: {  	v6 =	vld [tilespmem:s24+$0x0];
	_ =	sdelay $0x2  }
0x68e: {  	s26 =	simm.s32 $0x10;
	s21 =	sadd.s32 s21, s17  }
0x68f: {  	s21 =	sadd.s32 s22, s21;
	s23 =	sand.u32 $0x70, s26;
	s24 =	simm.s32 $0x80  }
0x690: {  	s26 =	sand.u32 $0x380, s26;
	s30 =	sadd.s32 s25, s21;
	s22 =	sand.u32 $0x1C00, s24;
	v6 =	vadd.f32 v6, v7  }
0x691: {  	s25 =	simm.s32 $0x20;
	s29 =	sadd.s32 s29, s30;
	s28 =	sadd.s32 s22, s20  }
.LBB2_80:
0x692: {  	p0 =	sne.s32 s25, $0x3F0;
	s26 =	sadd.s32 s26, s19;
	s28 =	sadd.s32 s23, s28;
	[tilespmem:s29+$0x0] =	vst v6  }
0x693: {  	s29 =	smov.u32 s23;
	s26 =	sadd.s32 s23, s26;
	v6 =	vld [tilespmem:s28+$0x0]  }
0x694: {  	v7 =	vld [tilespmem:s26+$0x0];
	_ =	sdelay $0x1  }
.Ltmp50:
0x695: {  	(pc) =	sbr.rel @p0 .LBB2_80-.Ltmp50, $4  }
0x696: {  	_ = 	snop  }
0x697: {  	s24 =	sadd.s32 $0x80, s24;
	s23 =	sand.u32 $0x70, s25  }
0x698: {  	s30 =	sadd.s32 s22, s21;
	s22 =	sand.u32 $0x1C00, s24;
	s26 =	sand.u32 $0x380, s25;
	v6 =	vadd.f32 v6, v7  }
0x699: {  	s29 =	sadd.s32 s29, s30;
	s28 =	sadd.s32 s22, s20;
	s25 =	sadd.s32 $0x10, s25  }
0x69a: {  	s19 =	sadd.s32 s26, s19;
	s20 =	sadd.s32 s23, s28;
	[tilespmem:s29+$0x0] =	vst v6  }
0x69b: {  	s19 =	sadd.s32 s23, s19;
	v6 =	vld [tilespmem:s20+$0x0]  }
0x69c: {  	v7 =	vld [tilespmem:s19+$0x0];
	_ =	sdelay $0x4  }
0x69d: {  	s30 =	sadd.s32 s22, s21;
	v6 =	vadd.f32 v6, v7  }
0x69e: {  	s19 =	sadd.s32 s23, s30  }
0x69f: {  	[tilespmem:s19+$0x0] =	vst v6  }
.LBB2_82:
0x6a0: {  	(v2sf) =	vpush v5, $0x7;
	_ =	sdelay $0xe  }
0x6a1: {  	s19 =	spop (v2sf)  }
0x6a2: {  	p0 =	sgt.u32 s19, $0x1F  }
.Ltmp51:
0x6a3: {  	_ = 	snop;
	(pc) =	sbr.rel @p0 .LBB2_86-.Ltmp51, $1  }
0x6a4: {  	_ =	sdelay $0x3  }
0x6a5: {  	s20 =	sshll.u32 s19, $0xA  }
0x6a6: {  	s29 =	sshll.u32 s19, $0x7;
	s22 =	simm.s32 $0x0;
	s18 =	sadd.s32 $0x500, s18  }
0x6a7: {  	s20 =	sand.u32 $0x6000, s20;
	s21 =	sand.u32 $0x380, s29;
	s23 =	sand.u32 $0x1C00, s22  }
0x6a8: {  	s26 =	sand.u32 $0x70, s22;
	s22 =	sand.u32 $0x380, s22;
	s19 =	sor.u32 s21, s20  }
0x6a9: {  	s22 =	sadd.s32 s22, s18;
	s19 =	sadd.s32 $0x4500, s19  }
0x6aa: {  	s22 =	sadd.s32 s26, s22;
	s24 =	sadd.s32 s23, s19  }
0x6ab: {  	v6 =	vld [tilespmem:s22+$0x0];
	s24 =	sadd.s32 s26, s24  }
0x6ac: {  	v5 =	vld [tilespmem:s24+$0x0];
	_ =	sdelay $0x2  }
0x6ad: {  	s30 =	simm.s32 $0x10;
	s17 =	sadd.s32 s20, s17  }
0x6ae: {  	s17 =	sadd.s32 s21, s17;
	s21 =	sand.u32 $0x70, s30;
	s22 =	simm.s32 $0x80  }
0x6af: {  	s28 =	sadd.s32 s23, s17;
	s23 =	simm.s32 $0x20;
	s20 =	sand.u32 $0x1C00, s22;
	v5 =	vadd.f32 v5, v6  }
0x6b0: {  	s26 =	sadd.s32 s26, s28;
	s24 =	sand.u32 $0x380, s30;
	s25 =	sadd.s32 s20, s19  }
.LBB2_84:
0x6b1: {  	p0 =	sne.s32 s23, $0x3F0;
	s24 =	sadd.s32 s24, s18;
	s25 =	sadd.s32 s21, s25;
	[tilespmem:s26+$0x0] =	vst v5  }
0x6b2: {  	s26 =	smov.u32 s21;
	s24 =	sadd.s32 s21, s24;
	v5 =	vld [tilespmem:s25+$0x0]  }
0x6b3: {  	v6 =	vld [tilespmem:s24+$0x0];
	_ =	sdelay $0x1  }
.Ltmp52:
0x6b4: {  	(pc) =	sbr.rel @p0 .LBB2_84-.Ltmp52, $4  }
0x6b5: {  	_ = 	snop  }
0x6b6: {  	s22 =	sadd.s32 $0x80, s22;
	s21 =	sand.u32 $0x70, s23  }
0x6b7: {  	s28 =	sadd.s32 s20, s17;
	s20 =	sand.u32 $0x1C00, s22;
	s24 =	sand.u32 $0x380, s23;
	v5 =	vadd.f32 v5, v6  }
0x6b8: {  	s26 =	sadd.s32 s26, s28;
	s25 =	sadd.s32 s20, s19;
	s23 =	sadd.s32 $0x10, s23  }
0x6b9: {  	s18 =	sadd.s32 s24, s18;
	s19 =	sadd.s32 s21, s25;
	[tilespmem:s26+$0x0] =	vst v5  }
0x6ba: {  	s18 =	sadd.s32 s21, s18;
	v5 =	vld [tilespmem:s19+$0x0]  }
0x6bb: {  	v6 =	vld [tilespmem:s18+$0x0];
	_ =	sdelay $0x2  }
.Ltmp53:
0x6bc: {  	_ = 	snop;
	(pc) =	sbr.rel .LBB2_86-.Ltmp53, $4  }
0x6bd: {  	_ = 	snop  }
0x6be: {  	s17 =	sadd.s32 s20, s17;
	v5 =	vadd.f32 v5, v6  }
0x6bf: {  	s17 =	sadd.s32 s21, s17  }
0x6c0: {  	[tilespmem:s17+$0x0] =	vst v5  }
.LBB2_88:
0x6c1: {  	_ =	sfence.sel $0x180000  }
0x6c2: {  	[bflag:$0x0] =	sbarrier.arrive $0xFFFF  }
0x6c3: {  	_ =	strace $0x90000047  }
0x6c4: {  	s0 =	stileid.u32;
	[bflag:$0x2] =	sbarrier.arrive $0xFFFF  }
0x6c5: {  	p0 =	sne.s32 s0, $0x0;
	s0 =	rddreg [dreg:$0x6]  }
0x6c6: {  	s0 =	sadd.s32 @!p0 $0x100000, s0  }
0x6c7: {  	[sflag:s0] =	ssyncadd.tile.s32 @!p0 $0x1;
	_ =	shalt  }
.Lfunc_end2:
_tile_overlayer_lowered:
.L_overlay_start_2:
0x6c8: {  	(tag) =	ssettag $0x2  }
0x6c9: {  	s0 =	rddreg [dreg:$0x0];
	s2 =	stileid.u32  }
0x6ca: {  	s1 =	rddreg [dreg:$0x1];
	p0 =	sne.s32 s2, $0x0  }
0x6cb: {  	s3 =	rddreg [dreg:$0x2];
	[bflag:$0x3] =	sbarrier.arrive $0xFFFF;
	s2 =	simm.s32 @!p0 $0x1C05  }
0x6cc: {  	[timem:s3], [sflag:s2] =	dma.local @!p0 [hbm:s0], s1  }
0x6cd: {  	s0 =	simm.s32 @!p0 $0x5  }
0x6ce: {  	_ =	swait.ge @!p0 [sflag:s0], s1  }
0x6cf: {  	s1 =	ssub.s32 @!p0 $0x0, s1;
	[sflag:s0] =	ssyncset.done @!p0 $0x0  }
0x6d0: {  	[sflag:s0] =	ssyncadd.s32 @!p0 s1  }
0x6d1: {  	[bflag:$0x3] =	sbarrier.arrive $0xFFFF  }
0x6d2: {  	_ =	shalt  }

</sc_bundles>
